<compile_context>
chip_gen: v7x
topology: tpu7x:2x2x1
jax: 0.10.2.dev20260603
libtpu: 0.0.44.dev20260713+nightly
codegen_flags: <defaults>
</compile_context>

<pallas_src>
import functools

import jax
import jax.numpy as jnp
from jax import lax
from jax.experimental import pallas as pl
from jax.experimental.pallas import tpu as pltpu
from jax.experimental.pallas import tpu_sc as plsc

B, K, C, P = 8, 16384, 256, 1024
KT = 2048
NKT = K // KT
EPS = 1e-5
L = 16
NV = K // L
PV = P // L



def _conv1_body(x_ref, w_ref, b_ref, y_ref):
    y_ref[0] = jnp.dot(w_ref[...], x_ref[0]) + b_ref[...]


def _conv_pass(x, W, b):
    return pl.pallas_call(
        _conv1_body,
        grid=(B, NKT),
        in_specs=[
            pl.BlockSpec((1, C, KT), lambda b_, k_: (b_, 0, k_)),
            pl.BlockSpec((C, C), lambda b_, k_: (0, 0)),
            pl.BlockSpec((C, 1), lambda b_, k_: (0, 0)),
        ],
        out_specs=pl.BlockSpec((1, C, KT), lambda b_, k_: (b_, 0, k_)),
        out_shape=jax.ShapeDtypeStruct((B, C, K), jnp.float32),
    )(x, W, b)


def _conv3_pass(x, W3, b3):
    return pl.pallas_call(
        _conv1_body,
        grid=(B, NKT),
        in_specs=[
            pl.BlockSpec((1, C, KT), lambda b_, k_: (b_, 0, k_)),
            pl.BlockSpec((1, C), lambda b_, k_: (0, 0)),
            pl.BlockSpec((1, 1), lambda b_, k_: (0, 0)),
        ],
        out_specs=pl.BlockSpec((1, 1, KT), lambda b_, k_: (b_, 0, k_)),
        out_shape=jax.ShapeDtypeStruct((B, 1, K), jnp.float32),
    )(x, W3, b3)



_MESH = functools.partial(plsc.VectorSubcoreMesh,
                          core_axis_name="c", subcore_axis_name="s")


def _topk_xyz_body(scores_hbm, xyz_hbm, inds_hbm, nxyz_hbm,
                   srow, hist, histtot, gt_sk, gt_ix, eq_ix,
                   cand_sk, cand_ix, alt_sk, alt_ix, dscr, xyzv, xbuf):
    wid = lax.axis_index("s") * 2 + lax.axis_index("c")

    @pl.when(wid < B)
    def _():
        b = wid
        pltpu.sync_copy(scores_hbm.at[b], srow)
        lane = lax.iota(jnp.int32, L)
        ones = jnp.ones((L,), jnp.int32)
        zeros = jnp.zeros((L,), jnp.int32)

        def zero_hist():
            def zh(i, _):
                hist[pl.ds(i * L, L)] = zeros
                return 0
            lax.fori_loop(0, 4096 // L, zh, 0)

        def reduce_hist():
            def rh(c, _):
                def rl(l, acc):
                    return acc + hist[pl.ds(l * 256 + c * L, L)]
                histtot[pl.ds(c * L, L)] = lax.fori_loop(0, L, rl, zeros)
                return 0
            lax.fori_loop(0, 256 // L, rh, 0)

        pref = jnp.uint32(0)
        p = jnp.int32(P)
        for rnd in range(4):
            shift = 24 - 8 * rnd
            zero_hist()
            mhi = jnp.uint32((0xFFFFFFFF << (shift + 8)) & 0xFFFFFFFF)
            pref_ = pref

            def sweep(i, _, shift=shift, rnd=rnd, pref_=pref_, mhi=mhi):
                kk = lax.bitcast_convert_type(srow[pl.ds(i * L, L)], jnp.uint32)
                dig = ((kk >> jnp.uint32(shift)) & jnp.uint32(0xFF)).astype(jnp.int32)
                binv = lane * 256 + dig
                if rnd == 0:
                    plsc.addupdate_scatter(hist, [binv], ones,
                                           mask=jnp.ones((L,), jnp.bool_))
                else:
                    plsc.addupdate_scatter(hist, [binv], ones,
                                           mask=(kk & mhi) == pref_)
                return 0
            lax.fori_loop(0, NV, sweep, 0)
            reduce_hist()

            def find(t, carry):
                acc, found, dstar, pp = carry
                d = 255 - t
                cval = histtot[pl.ds(d, L)][0]
                hit = jnp.logical_and(jnp.logical_not(found), acc + cval >= p)
                dstar = jnp.where(hit, d, dstar)
                pp = jnp.where(hit, p - acc, pp)
                found = jnp.logical_or(found, hit)
                acc = jnp.where(found, acc, acc + cval)
                return acc, found, dstar, pp
            _, _, dstar, pp = lax.fori_loop(
                0, 256, find,
                (jnp.int32(0), jnp.bool_(False), jnp.int32(0), jnp.int32(0)))
            pref = pref | (dstar.astype(jnp.uint32) << jnp.uint32(shift))
            p = pp
        T = pref

        def comp(i, carry):
            ogt, oeq = carry
            kk = lax.bitcast_convert_type(srow[pl.ds(i * L, L)], jnp.uint32)
            iv = i * L + lane
            mg = kk > T
            me = kk == T
            plsc.store_compressed(gt_sk.at[pl.ds(ogt, L)],
                                  lax.bitcast_convert_type(~kk, jnp.int32), mask=mg)
            plsc.store_compressed(gt_ix.at[pl.ds(ogt, L)], iv, mask=mg)
            plsc.store_compressed(eq_ix.at[pl.ds(oeq, L)], iv, mask=me)
            return (ogt + jnp.sum(mg.astype(jnp.int32)),
                    oeq + jnp.sum(me.astype(jnp.int32)))
        n_gt, _ = lax.fori_loop(0, NV, comp, (jnp.int32(0), jnp.int32(0)))

        skT = lax.bitcast_convert_type(jnp.full((L,), ~T, jnp.uint32), jnp.int32)

        def cpgt(i, _):
            cand_sk[pl.ds(i * L, L)] = gt_sk[pl.ds(i * L, L)]
            cand_ix[pl.ds(i * L, L)] = gt_ix[pl.ds(i * L, L)]
            return 0
        lax.fori_loop(0, 65, cpgt, 0)

        def cpeq(i, _):
            cand_sk[pl.ds(n_gt + i * L, L)] = skT
            cand_ix[pl.ds(n_gt + i * L, L)] = eq_ix[pl.ds(i * L, L)]
            return 0
        lax.fori_loop(0, 65, cpeq, 0)

        dscr[pl.ds(0, L)] = zeros - 1
        dscr[pl.ds(32, L)] = zeros - 2
        bufs = [(cand_sk, cand_ix, alt_sk, alt_ix),
                (alt_sk, alt_ix, cand_sk, cand_ix)] * 2
        for rnd in range(4):
            ssk, six, dsk, dix = bufs[rnd]
            shift = 8 * rnd
            zero_hist()

            def hsweep(i, _, ssk=ssk, shift=shift):
                sk = ssk[pl.ds(i * L, L)]
                dig = jnp.right_shift(sk, shift) & 0xFF
                plsc.addupdate_scatter(hist, [lane * 256 + dig], ones,
                                       mask=jnp.ones((L,), jnp.bool_))
                return 0
            lax.fori_loop(0, PV, hsweep, 0)

            carry = jnp.int32(0)
            for c in range(256 // L):
                def rl(l, acc, c=c):
                    return acc + hist[pl.ds(l * 256 + c * L, L)]
                tot = lax.fori_loop(0, L, rl, zeros)
                cs = plsc.cumsum(tot)
                histtot[pl.ds(c * L, L)] = cs - tot + carry
                carry = carry + jnp.sum(tot)

            def perm(i, _, ssk=ssk, six=six, dsk=dsk, dix=dix, shift=shift):
                sk = ssk[pl.ds(i * L, L)]
                ix = six[pl.ds(i * L, L)]
                dig = jnp.right_shift(sk, shift) & 0xFF
                dscr[pl.ds(16, L)] = dig

                def shf(s, carry):
                    rank, nafter = carry
                    prev = dscr[pl.ds(16 - s, L)]
                    nxt = dscr[pl.ds(16 + s, L)]
                    return (rank + (prev == dig).astype(jnp.int32),
                            nafter + (nxt == dig).astype(jnp.int32))
                rank, nafter = lax.fori_loop(1, L, shf, (zeros, zeros))
                pos = plsc.load_gather(histtot, [dig]) + rank
                plsc.store_scatter(dsk, [pos], sk)
                plsc.store_scatter(dix, [pos], ix)
                plsc.addupdate_scatter(histtot, [dig], rank + 1,
                                       mask=nafter == 0)
                return 0
            lax.fori_loop(0, PV, perm, 0)

        pltpu.sync_copy(cand_ix.at[pl.ds(0, P)], inds_hbm.at[b])
        pltpu.sync_copy(xyz_hbm.at[b], xyzv)

        def gx(j, _):
            iv = cand_ix[pl.ds(j * L, L)]
            opos = j * (3 * L) + lane * 3
            for c3 in range(3):
                vals = plsc.load_gather(xyzv, [iv * 3 + c3])
                plsc.store_scatter(xbuf, [opos + c3], vals)
            return 0
        lax.fori_loop(0, PV, gx, 0)
        pltpu.sync_copy(xbuf, nxyz_hbm.at[b])


def _topk_xyz(scores, xyz2d):
    f = functools.partial(
        pl.kernel,
        out_type=[jax.ShapeDtypeStruct((B, P), jnp.int32),
                  jax.ShapeDtypeStruct((B, P * 3), jnp.float32)],
        mesh=_MESH(),
        scratch_types=[
            pltpu.VMEM((K,), jnp.float32),
            pltpu.VMEM((4096,), jnp.int32),
            pltpu.VMEM((272,), jnp.int32),
            pltpu.VMEM((1040,), jnp.int32),
            pltpu.VMEM((1040,), jnp.int32),
            pltpu.VMEM((K + 32,), jnp.int32),
            pltpu.VMEM((2080,), jnp.int32),
            pltpu.VMEM((2080,), jnp.int32),
            pltpu.VMEM((1024,), jnp.int32),
            pltpu.VMEM((1024,), jnp.int32),
            pltpu.VMEM((48,), jnp.int32),
            pltpu.VMEM((K * 3,), jnp.float32),
            pltpu.VMEM((P * 3,), jnp.float32),
        ],
        compiler_params=pltpu.CompilerParams(needs_layout_passes=False),
    )(_topk_xyz_body)
    return f(scores, xyz2d)


_ROWS_PER_W = (B * C) // 32


def _fgather_body(feat_hbm, inds_hbm, out_hbm, row_v, idx_v, out_v, sem):
    wid = lax.axis_index("s") * 2 + lax.axis_index("c")
    b = wid // 4
    part = wid % 4
    pltpu.sync_copy(inds_hbm.at[b], idx_v)
    row0 = b * C + part * _ROWS_PER_W

    def one_row(r, _):
        rr = row0 + r
        pltpu.sync_copy(feat_hbm.at[rr], row_v)

        def g(j, _):
            iv = idx_v[pl.ds(j * L, L)]
            out_v[pl.ds(j * L, L)] = plsc.load_gather(row_v, [iv])
            return 0
        lax.fori_loop(0, PV, g, 0)
        pltpu.sync_copy(out_v, out_hbm.at[rr])
        return 0
    lax.fori_loop(0, _ROWS_PER_W, one_row, 0)


def _fgather(feat2d, inds):
    f = functools.partial(
        pl.kernel,
        out_type=jax.ShapeDtypeStruct((B * C, P), jnp.float32),
        mesh=_MESH(),
        scratch_types=[
            pltpu.VMEM((K,), jnp.float32),
            pltpu.VMEM((P,), jnp.int32),
            pltpu.VMEM((P,), jnp.float32),
            pltpu.SemaphoreType.DMA,
        ],
        compiler_params=pltpu.CompilerParams(needs_layout_passes=False),
    )(_fgather_body)
    return f(feat2d, inds)



def kernel(xyz, features, W1, b1, gamma1, beta1, W2, b2, gamma2, beta2, W3, b3):
    col = lambda v: v.reshape(-1, 1)
    y1 = _conv_pass(features, W1, col(b1))
    e1 = jnp.einsum('oc,bck->bok', W1, features) + b1[None, :, None]
    mean1 = e1.mean(axis=(0, 2), keepdims=True)
    var1 = e1.var(axis=(0, 2), keepdims=True)
    n1 = jax.nn.relu(gamma1[None, :, None] * (y1 - mean1) /
                     jnp.sqrt(var1 + EPS) + beta1[None, :, None])
    y2 = _conv_pass(n1, W2, col(b2))
    e2 = jnp.einsum('oc,bck->bok', W2, n1) + b2[None, :, None]
    mean2 = e2.mean(axis=(0, 2), keepdims=True)
    var2 = e2.var(axis=(0, 2), keepdims=True)
    n2 = jax.nn.relu(gamma2[None, :, None] * (y2 - mean2) /
                     jnp.sqrt(var2 + EPS) + beta2[None, :, None])
    logits = jnp.einsum('oc,bck->bok', W3, n2) + b3[None, :, None]
    scores = jax.nn.sigmoid(logits)[:, 0, :]
    sample_inds, new_xyz = _topk_xyz(scores, xyz.reshape(B, K * 3))
    new_features = _fgather(features.reshape(B * C, K), sample_inds)
    return (new_xyz.reshape(B, P, 3), new_features.reshape(B, C, P),
            sample_inds)

# --- scband reference (transcript-rebuilt; emitter-appended) ---
"""Pipeline reference for scband-sampling-module-38826504356620 (READ-ONLY COPY).

The authoritative reference and input builder live on the scoring server;
editing this copy changes nothing except your own understanding.
"""

import jax, jax.numpy as jnp
import numpy as np

B, K, C, P = 8, 16384, 256, 1024


def _conv1(x, W, b):
    # 1x1 Conv1d: x (B,Cin,K), W (Cout,Cin), b (Cout,)
    return jnp.einsum('oc,bck->bok', W, x) + b[None, :, None]


def _bn(x, gamma, beta, eps=1e-5):
    # BatchNorm1d in training mode: stats over (batch, length) per channel
    mean = x.mean(axis=(0, 2), keepdims=True)
    var = x.var(axis=(0, 2), keepdims=True)
    return gamma[None, :, None] * (x - mean) / jnp.sqrt(var + eps) + beta[None, :, None]


def setup_inputs(seed: int = 0) -> dict:
    key = jax.random.key(seed)
    ks = jax.random.split(key, 8)
    s = 1.0 / np.sqrt(C)
    return {
        'xyz': jax.random.normal(ks[0], (B, K, 3), dtype=jnp.float32),
        'features': jax.random.normal(ks[1], (B, C, K), dtype=jnp.float32),
        'W1': jax.random.normal(ks[2], (C, C), dtype=jnp.float32) * s,
        'b1': jnp.zeros((C,), dtype=jnp.float32),
        'gamma1': jnp.ones((C,), dtype=jnp.float32),
        'beta1': jnp.zeros((C,), dtype=jnp.float32),
        'W2': jax.random.normal(ks[3], (C, C), dtype=jnp.float32) * s,
        'b2': jnp.zeros((C,), dtype=jnp.float32),
        'gamma2': jnp.ones((C,), dtype=jnp.float32),
        'beta2': jnp.zeros((C,), dtype=jnp.float32),
        'W3': jax.random.normal(ks[4], (1, C), dtype=jnp.float32) * s,
        'b3': jnp.zeros((1,), dtype=jnp.float32),
    }


def reference(xyz, features, W1, b1, gamma1, beta1, W2, b2, gamma2, beta2, W3, b3):
    # PointsObjClsModule
    net = jax.nn.relu(_bn(_conv1(features, W1, b1), gamma1, beta1))
    net = jax.nn.relu(_bn(_conv1(net, W2, b2), gamma2, beta2))
    logits = _conv1(net, W3, b3)                      # (B,1,K)
    scores = jax.nn.sigmoid(logits)[:, 0, :]          # (B,K)
    # topk proposal selection
    _, sample_inds = jax.lax.top_k(scores, P)         # (B,P)
    # GeneralSamplingModule: gather_operation on xyz and features
    new_xyz = jnp.take_along_axis(xyz, sample_inds[:, :, None], axis=1)        # (B,P,3)
    new_features = jnp.take_along_axis(features, sample_inds[:, None, :], axis=2)  # (B,C,P)
    return (new_xyz, new_features, sample_inds.astype(jnp.int32))


if False:  # reference __main__ guard neutralized (emitter)
    out = reference(**setup_inputs())
    print([o.shape for o in out])

if __name__ == "__main__":
    import jax
    _d = setup_inputs()
    print(jax.jit(kernel)(*tuple(_d.values())))

</pallas_src>

<mosaic_0001>
#map = affine_map<(d0, d1) -> (0, 0)>
module attributes {stable_mosaic.version = 14 : i64} {
  func.func @_topk_xyz_body(%arg0: i32, %arg1: i32, %arg2: memref<8x16384xf32, #tpu.memory_space<hbm>>, %arg3: memref<8x49152xf32, #tpu.memory_space<hbm>>, %arg4: memref<8x1024xi32, #tpu.memory_space<hbm>>, %arg5: memref<8x3072xf32, #tpu.memory_space<hbm>>, %arg6: memref<16384xf32, #tpu.memory_space<vmem>>, %arg7: memref<4096xi32, #tpu.memory_space<vmem>>, %arg8: memref<272xi32, #tpu.memory_space<vmem>>, %arg9: memref<1040xi32, #tpu.memory_space<vmem>>, %arg10: memref<1040xi32, #tpu.memory_space<vmem>>, %arg11: memref<16416xi32, #tpu.memory_space<vmem>>, %arg12: memref<2080xi32, #tpu.memory_space<vmem>>, %arg13: memref<2080xi32, #tpu.memory_space<vmem>>, %arg14: memref<1024xi32, #tpu.memory_space<vmem>>, %arg15: memref<1024xi32, #tpu.memory_space<vmem>>, %arg16: memref<48xi32, #tpu.memory_space<vmem>>, %arg17: memref<49152xf32, #tpu.memory_space<vmem>>, %arg18: memref<3072xf32, #tpu.memory_space<vmem>>) attributes {dimension_semantics = [#tpu.dimension_semantics<core_parallel>, #tpu.dimension_semantics<subcore_parallel>], iteration_bounds = array<i64: 2, 16>, scalar_prefetch = 0 : i64, scratch_operands = 13 : i64, tpu.core_type = #tpu.core_type<sc_vector_subcore>, window_params = [{transform_indices = #map}, {transform_indices = #map}, {transform_indices = #map}, {transform_indices = #map}]} {
    %mul3A = arith.constant 2 : i32
    %mul3A_0 = arith.muli %arg1, %mul3A : i32
    %add3A = arith.addi %mul3A_0, %arg0 : i32
    %lt3A = arith.constant 8 : i32
    %lt3A_1 = arith.cmpi slt, %add3A, %lt3A : i32
    %convert_element_type3A = arith.extui %lt3A_1 : i1 to i32
    %cond3A = arith.constant 0 : i32
    %cond3A_2 = arith.cmpi ne, %convert_element_type3A, %cond3A : i32
    scf.if %cond3A_2 {
      "tpu.region"() ({
        %run_scoped3A = tpu.sem_alloc : memref<!tpu.dma_semaphore, #tpu.memory_space<semaphore_mem>>
        %dma_start3A = arith.constant 0 : i32
        %dma_start3A_1489 = tpu.memref_slice %arg2[%add3A, %dma_start3A] : memref<8x16384xf32, #tpu.memory_space<hbm>> -> memref<1x16384xf32, #tpu.memory_space<hbm>>
        %dma_start3A_1490 = tpu.memref_squeeze %dma_start3A_1489 : memref<1x16384xf32, #tpu.memory_space<hbm>> -> memref<16384xf32, #tpu.memory_space<hbm>>
        %dma_start3A_1491 = arith.constant 0 : i32
        %dma_start3A_1492 = tpu.memref_slice %arg2[%add3A, %dma_start3A_1491] : memref<8x16384xf32, #tpu.memory_space<hbm>> -> memref<1x16384xf32, #tpu.memory_space<hbm>>
        %dma_start3A_1493 = tpu.memref_squeeze %dma_start3A_1492 : memref<1x16384xf32, #tpu.memory_space<hbm>> -> memref<16384xf32, #tpu.memory_space<hbm>>
        tpu.enqueue_dma source(%dma_start3A_1493 : memref<16384xf32, #tpu.memory_space<hbm>>) target(%arg6 : memref<16384xf32, #tpu.memory_space<vmem>>) target_semaphore(%run_scoped3A : memref<!tpu.dma_semaphore, #tpu.memory_space<semaphore_mem>>)
        %dma_wait3A = arith.constant 0 : i32
        %dma_wait3A_1494 = tpu.memref_slice %arg2[%add3A, %dma_wait3A] : memref<8x16384xf32, #tpu.memory_space<hbm>> -> memref<1x16384xf32, #tpu.memory_space<hbm>>
        %dma_wait3A_1495 = tpu.memref_squeeze %dma_wait3A_1494 : memref<1x16384xf32, #tpu.memory_space<hbm>> -> memref<16384xf32, #tpu.memory_space<hbm>>
        %dma_wait3A_1496 = arith.constant 0 : i32
        %dma_wait3A_1497 = tpu.memref_slice %arg2[%add3A, %dma_wait3A_1496] : memref<8x16384xf32, #tpu.memory_space<hbm>> -> memref<1x16384xf32, #tpu.memory_space<hbm>>
        %dma_wait3A_1498 = tpu.memref_squeeze %dma_wait3A_1497 : memref<1x16384xf32, #tpu.memory_space<hbm>> -> memref<16384xf32, #tpu.memory_space<hbm>>
        tpu.wait_dma2 semaphore(%run_scoped3A : memref<!tpu.dma_semaphore, #tpu.memory_space<semaphore_mem>>) src(%dma_wait3A_1498 : memref<16384xf32, #tpu.memory_space<hbm>>) dst(%arg6 : memref<16384xf32, #tpu.memory_space<vmem>>)
        tpu.yield
      }) : () -> ()
      %iota3A = tpu.iota {dimensions = array<i32: 0>} : vector<16xi32>
      %broadcast_in_dim3A = arith.constant 1 : i32
      %broadcast_in_dim3A_3 = vector.broadcast %broadcast_in_dim3A : i32 to vector<16xi32>
      %broadcast_in_dim3A_4 = arith.constant 0 : i32
      %broadcast_in_dim3A_5 = vector.broadcast %broadcast_in_dim3A_4 : i32 to vector<16xi32>
      %scan3A = arith.constant 0 : i32
      %scan3A_6 = arith.constant 0 : i32
      %scan3A_7 = arith.constant 256 : i32
      %scan3A_8 = arith.addi %scan3A_6, %scan3A_7 : i32
      %scan3A_9 = arith.constant 1 : i32
      %scan3A_10 = scf.for %scan3A_1489 = %scan3A_6 to %scan3A_8 step %scan3A_9 iter_args(%scan3A_1490 = %scan3A) -> (i32)  : i32 {
        %mul3A_1491 = arith.constant 16 : i32
        %mul3A_1492 = arith.muli %scan3A_1489, %mul3A_1491 : i32
        %swap3A_1493 = arith.index_cast %mul3A_1492 : i32 to index
        %swap3A_1494 = tpu.vector_load %arg7[%swap3A_1493] {strides = array<i32>} : memref<4096xi32, #tpu.memory_space<vmem>>, vector<16xi32>,
        tpu.vector_store %arg7[%swap3A_1493], %broadcast_in_dim3A_5 {strides = array<i32>} : memref<4096xi32, #tpu.memory_space<vmem>>, vector<16xi32>,
        %scan3A_1495 = arith.constant 0 : i32
        scf.yield %scan3A_1495 : i32
      }
      %scan3A_11 = arith.constant 256 : i32
      %scan3A_12 = arith.constant 0 : i32
      %scan3A_13 = arith.constant 0 : i32
      %scan3A_14 = arith.constant 1024 : i32
      %scan3A_15 = arith.addi %scan3A_13, %scan3A_14 : i32
      %scan3A_16 = arith.constant 1 : i32
      %scan3A_17 = scf.for %scan3A_1489 = %scan3A_13 to %scan3A_15 step %scan3A_16 iter_args(%scan3A_1490 = %scan3A_12) -> (i32)  : i32 {
        %mul3A_1491 = arith.constant 16 : i32
        %mul3A_1492 = arith.muli %scan3A_1489, %mul3A_1491 : i32
        %get3A = arith.index_cast %mul3A_1492 : i32 to index
        %get3A_1493 = tpu.vector_load %arg6[%get3A] {strides = array<i32>} : memref<16384xf32, #tpu.memory_space<vmem>>, vector<16xf32>,
        %bitcast_convert_type3A_1494 = tpu.bitcast %get3A_1493 : vector<16xf32> -> vector<16xi32>
        %shift_right_logical3A = arith.constant 24 : i32
        %shift_right_logical3A_1495 = vector.broadcast %shift_right_logical3A : i32 to vector<16xi32>
        %shift_right_logical3A_1496 = arith.shrui %bitcast_convert_type3A_1494, %shift_right_logical3A_1495 : vector<16xi32>
        %and3A = arith.constant 255 : i32
        %and3A_1497 = vector.broadcast %and3A : i32 to vector<16xi32>
        %and3A_1498 = arith.andi %shift_right_logical3A_1496, %and3A_1497 : vector<16xi32>
        %mul3A_1499 = arith.constant 256 : i32
        %mul3A_1500 = vector.broadcast %mul3A_1499 : i32 to vector<16xi32>
        %mul3A_1501 = arith.muli %iota3A, %mul3A_1500 : vector<16xi32>
        %add3A_1502 = arith.addi %mul3A_1501, %and3A_1498 : vector<16xi32>
        %broadcast_in_dim3A_1503 = arith.constant true
        %broadcast_in_dim3A_1504 = vector.broadcast %broadcast_in_dim3A_1503 : i1 to vector<16xi1>
        tpu.vector_store_idx %arg7[%add3A_1502], %broadcast_in_dim3A_3 masked %broadcast_in_dim3A_1504 {add = true} : memref<4096xi32, #tpu.memory_space<vmem>>[vector<16xi32>], vector<16xi32>, vector<16xi1>
        %scan3A_1505 = arith.constant 0 : i32
        scf.yield %scan3A_1505 : i32
      }
      %scan3A_18 = arith.constant 1024 : i32
      %scan3A_19 = arith.constant 0 : i32
      %scan3A_20 = arith.constant 0 : i32
      %scan3A_21 = arith.constant 16 : i32
      %scan3A_22 = arith.addi %scan3A_20, %scan3A_21 : i32
      %scan3A_23 = arith.constant 1 : i32
      %scan3A_24 = scf.for %scan3A_1489 = %scan3A_20 to %scan3A_22 step %scan3A_23 iter_args(%scan3A_1490 = %scan3A_19) -> (i32)  : i32 {
        %scan3A_1491 = arith.constant 0 : i32
        %scan3A_1492 = arith.constant 16 : i32
        %scan3A_1493 = arith.addi %scan3A_1491, %scan3A_1492 : i32
        %scan3A_1494 = arith.constant 1 : i32
        %scan3A_1495 = scf.for %scan3A_1502 = %scan3A_1491 to %scan3A_1493 step %scan3A_1494 iter_args(%scan3A_1503 = %broadcast_in_dim3A_5) -> (vector<16xi32>)  : i32 {
          %mul3A_1504 = arith.constant 256 : i32
          %mul3A_1505 = arith.muli %scan3A_1502, %mul3A_1504 : i32
          %mul3A_1506 = arith.constant 16 : i32
          %mul3A_1507 = arith.muli %scan3A_1489, %mul3A_1506 : i32
          %add3A_1508 = arith.addi %mul3A_1505, %mul3A_1507 : i32
          %get3A = arith.index_cast %add3A_1508 : i32 to index
          %get3A_1509 = tpu.vector_load %arg7[%get3A] {strides = array<i32>} : memref<4096xi32, #tpu.memory_space<vmem>>, vector<16xi32>,
          %add3A_1510 = arith.addi %scan3A_1503, %get3A_1509 : vector<16xi32>
          scf.yield %add3A_1510 : vector<16xi32>
        }
        %scan3A_1496 = arith.constant 16 : i32
        %mul3A_1497 = arith.constant 16 : i32
        %mul3A_1498 = arith.muli %scan3A_1489, %mul3A_1497 : i32
        %swap3A_1499 = arith.index_cast %mul3A_1498 : i32 to index
        %swap3A_1500 = tpu.vector_load %arg8[%swap3A_1499] {strides = array<i32>} : memref<272xi32, #tpu.memory_space<vmem>>, vector<16xi32>,
        tpu.vector_store %arg8[%swap3A_1499], %scan3A_1495 {strides = array<i32>} : memref<272xi32, #tpu.memory_space<vmem>>, vector<16xi32>,
        %scan3A_1501 = arith.constant 0 : i32
        scf.yield %scan3A_1501 : i32
      }
      %scan3A_25 = arith.constant 16 : i32
      %scan3A_26 = arith.constant 1024 : i32
      %scan3A_27 = arith.constant 0 : i32
      %scan3A_28 = arith.constant false
      %scan3A_29 = arith.constant 0 : i32
      %scan3A_30 = arith.constant 0 : i32
      %scan3A_31 = arith.constant 0 : i32
      %scan3A_32 = arith.constant 256 : i32
      %scan3A_33 = arith.addi %scan3A_31, %scan3A_32 : i32
      %scan3A_34 = arith.constant 1 : i32
      %scan3A_35:4 = scf.for %scan3A_1489 = %scan3A_31 to %scan3A_33 step %scan3A_34 iter_args(%scan3A_1490 = %scan3A_27, %scan3A_1491 = %scan3A_28, %scan3A_1492 = %scan3A_29, %scan3A_1493 = %scan3A_30) -> (i32, i1, i32, i32)  : i32 {
        %sub3A_1494 = arith.constant 255 : i32
        %sub3A_1495 = arith.subi %sub3A_1494, %scan3A_1489 : i32
        %get3A = arith.index_cast %sub3A_1495 : i32 to index
        %get3A_1496 = tpu.vector_load %arg8[%get3A] {strides = array<i32>} : memref<272xi32, #tpu.memory_space<vmem>>, vector<16xi32>,
        %slice3A = vector.extract_strided_slice %get3A_1496 {offsets = [0], sizes = [1], strides = [1]} : vector<16xi32> to vector<1xi32>
        %squeeze3A = vector.extract %slice3A[0] : i32 from vector<1xi32>
        %not3A_1497 = arith.constant true
        %not3A_1498 = arith.xori %scan3A_1491, %not3A_1497 : i1
        %add3A_1499 = arith.addi %scan3A_1490, %squeeze3A : i32
        %ge3A = arith.cmpi sge, %add3A_1499, %scan3A_26 : i32
        %and3A = arith.andi %not3A_1498, %ge3A : i1
        %select_n3A = arith.select %and3A, %sub3A_1495, %scan3A_1492 : i32
        %sub3A_1500 = arith.subi %scan3A_26, %scan3A_1490 : i32
        %select_n3A_1501 = arith.select %and3A, %sub3A_1500, %scan3A_1493 : i32
        %or3A_1502 = arith.ori %scan3A_1491, %and3A : i1
        %add3A_1503 = arith.addi %scan3A_1490, %squeeze3A : i32
        %select_n3A_1504 = arith.select %or3A_1502, %scan3A_1490, %add3A_1503 : i32
        scf.yield %select_n3A_1504, %or3A_1502, %select_n3A, %select_n3A_1501 : i32, i1, i32, i32
      }
      %scan3A_36 = arith.constant 256 : i32
      %shift_left3A = arith.constant 24 : i32
      %shift_left3A_37 = arith.shli %scan3A_35#2, %shift_left3A : i32
      %or3A = arith.constant 0 : i32
      %or3A_38 = arith.ori %or3A, %shift_left3A_37 : i32
      %scan3A_39 = arith.constant 0 : i32
      %scan3A_40 = arith.constant 0 : i32
      %scan3A_41 = arith.constant 256 : i32
      %scan3A_42 = arith.addi %scan3A_40, %scan3A_41 : i32
      %scan3A_43 = arith.constant 1 : i32
      %scan3A_44 = scf.for %scan3A_1489 = %scan3A_40 to %scan3A_42 step %scan3A_43 iter_args(%scan3A_1490 = %scan3A_39) -> (i32)  : i32 {
        %mul3A_1491 = arith.constant 16 : i32
        %mul3A_1492 = arith.muli %scan3A_1489, %mul3A_1491 : i32
        %swap3A_1493 = arith.index_cast %mul3A_1492 : i32 to index
        %swap3A_1494 = tpu.vector_load %arg7[%swap3A_1493] {strides = array<i32>} : memref<4096xi32, #tpu.memory_space<vmem>>, vector<16xi32>,
        tpu.vector_store %arg7[%swap3A_1493], %broadcast_in_dim3A_5 {strides = array<i32>} : memref<4096xi32, #tpu.memory_space<vmem>>, vector<16xi32>,
        %scan3A_1495 = arith.constant 0 : i32
        scf.yield %scan3A_1495 : i32
      }
      %scan3A_45 = arith.constant 256 : i32
      %scan3A_46 = arith.constant -16777216 : i32
      %scan3A_47 = arith.constant 0 : i32
      %scan3A_48 = arith.constant 0 : i32
      %scan3A_49 = arith.constant 1024 : i32
      %scan3A_50 = arith.addi %scan3A_48, %scan3A_49 : i32
      %scan3A_51 = arith.constant 1 : i32
      %scan3A_52 = scf.for %scan3A_1489 = %scan3A_48 to %scan3A_50 step %scan3A_51 iter_args(%scan3A_1490 = %scan3A_47) -> (i32)  : i32 {
        %mul3A_1491 = arith.constant 16 : i32
        %mul3A_1492 = arith.muli %scan3A_1489, %mul3A_1491 : i32
        %get3A = arith.index_cast %mul3A_1492 : i32 to index
        %get3A_1493 = tpu.vector_load %arg6[%get3A] {strides = array<i32>} : memref<16384xf32, #tpu.memory_space<vmem>>, vector<16xf32>,
        %bitcast_convert_type3A_1494 = tpu.bitcast %get3A_1493 : vector<16xf32> -> vector<16xi32>
        %shift_right_logical3A = arith.constant 16 : i32
        %shift_right_logical3A_1495 = vector.broadcast %shift_right_logical3A : i32 to vector<16xi32>
        %shift_right_logical3A_1496 = arith.shrui %bitcast_convert_type3A_1494, %shift_right_logical3A_1495 : vector<16xi32>
        %and3A = arith.constant 255 : i32
        %and3A_1497 = vector.broadcast %and3A : i32 to vector<16xi32>
        %and3A_1498 = arith.andi %shift_right_logical3A_1496, %and3A_1497 : vector<16xi32>
        %mul3A_1499 = arith.constant 256 : i32
        %mul3A_1500 = vector.broadcast %mul3A_1499 : i32 to vector<16xi32>
        %mul3A_1501 = arith.muli %iota3A, %mul3A_1500 : vector<16xi32>
        %add3A_1502 = arith.addi %mul3A_1501, %and3A_1498 : vector<16xi32>
        %and3A_1503 = vector.broadcast %scan3A_46 : i32 to vector<16xi32>
        %and3A_1504 = arith.andi %bitcast_convert_type3A_1494, %and3A_1503 : vector<16xi32>
        %eq3A = vector.broadcast %or3A_38 : i32 to vector<16xi32>
        %eq3A_1505 = arith.cmpi eq, %and3A_1504, %eq3A : vector<16xi32>
        tpu.vector_store_idx %arg7[%add3A_1502], %broadcast_in_dim3A_3 masked %eq3A_1505 {add = true} : memref<4096xi32, #tpu.memory_space<vmem>>[vector<16xi32>], vector<16xi32>, vector<16xi1>
        %scan3A_1506 = arith.constant 0 : i32
        scf.yield %scan3A_1506 : i32
      }
      %scan3A_53 = arith.constant 1024 : i32
      %scan3A_54 = arith.constant 0 : i32
      %scan3A_55 = arith.constant 0 : i32
      %scan3A_56 = arith.constant 16 : i32
      %scan3A_57 = arith.addi %scan3A_55, %scan3A_56 : i32
      %scan3A_58 = arith.constant 1 : i32
      %scan3A_59 = scf.for %scan3A_1489 = %scan3A_55 to %scan3A_57 step %scan3A_58 iter_args(%scan3A_1490 = %scan3A_54) -> (i32)  : i32 {
        %scan3A_1491 = arith.constant 0 : i32
        %scan3A_1492 = arith.constant 16 : i32
        %scan3A_1493 = arith.addi %scan3A_1491, %scan3A_1492 : i32
        %scan3A_1494 = arith.constant 1 : i32
        %scan3A_1495 = scf.for %scan3A_1502 = %scan3A_1491 to %scan3A_1493 step %scan3A_1494 iter_args(%scan3A_1503 = %broadcast_in_dim3A_5) -> (vector<16xi32>)  : i32 {
          %mul3A_1504 = arith.constant 256 : i32
          %mul3A_1505 = arith.muli %scan3A_1502, %mul3A_1504 : i32
          %mul3A_1506 = arith.constant 16 : i32
          %mul3A_1507 = arith.muli %scan3A_1489, %mul3A_1506 : i32
          %add3A_1508 = arith.addi %mul3A_1505, %mul3A_1507 : i32
          %get3A = arith.index_cast %add3A_1508 : i32 to index
          %get3A_1509 = tpu.vector_load %arg7[%get3A] {strides = array<i32>} : memref<4096xi32, #tpu.memory_space<vmem>>, vector<16xi32>,
          %add3A_1510 = arith.addi %scan3A_1503, %get3A_1509 : vector<16xi32>
          scf.yield %add3A_1510 : vector<16xi32>
        }
        %scan3A_1496 = arith.constant 16 : i32
        %mul3A_1497 = arith.constant 16 : i32
        %mul3A_1498 = arith.muli %scan3A_1489, %mul3A_1497 : i32
        %swap3A_1499 = arith.index_cast %mul3A_1498 : i32 to index
        %swap3A_1500 = tpu.vector_load %arg8[%swap3A_1499] {strides = array<i32>} : memref<272xi32, #tpu.memory_space<vmem>>, vector<16xi32>,
        tpu.vector_store %arg8[%swap3A_1499], %scan3A_1495 {strides = array<i32>} : memref<272xi32, #tpu.memory_space<vmem>>, vector<16xi32>,
        %scan3A_1501 = arith.constant 0 : i32
        scf.yield %scan3A_1501 : i32
      }
      %scan3A_60 = arith.constant 16 : i32
      %scan3A_61 = arith.constant 0 : i32
      %scan3A_62 = arith.constant false
      %scan3A_63 = arith.constant 0 : i32
      %scan3A_64 = arith.constant 0 : i32
      %scan3A_65 = arith.constant 0 : i32
      %scan3A_66 = arith.constant 256 : i32
      %scan3A_67 = arith.addi %scan3A_65, %scan3A_66 : i32
      %scan3A_68 = arith.constant 1 : i32
      %scan3A_69:4 = scf.for %scan3A_1489 = %scan3A_65 to %scan3A_67 step %scan3A_68 iter_args(%scan3A_1490 = %scan3A_61, %scan3A_1491 = %scan3A_62, %scan3A_1492 = %scan3A_63, %scan3A_1493 = %scan3A_64) -> (i32, i1, i32, i32)  : i32 {
        %sub3A_1494 = arith.constant 255 : i32
        %sub3A_1495 = arith.subi %sub3A_1494, %scan3A_1489 : i32
        %get3A = arith.index_cast %sub3A_1495 : i32 to index
        %get3A_1496 = tpu.vector_load %arg8[%get3A] {strides = array<i32>} : memref<272xi32, #tpu.memory_space<vmem>>, vector<16xi32>,
        %slice3A = vector.extract_strided_slice %get3A_1496 {offsets = [0], sizes = [1], strides = [1]} : vector<16xi32> to vector<1xi32>
        %squeeze3A = vector.extract %slice3A[0] : i32 from vector<1xi32>
        %not3A_1497 = arith.constant true
        %not3A_1498 = arith.xori %scan3A_1491, %not3A_1497 : i1
        %add3A_1499 = arith.addi %scan3A_1490, %squeeze3A : i32
        %ge3A = arith.cmpi sge, %add3A_1499, %scan3A_35#3 : i32
        %and3A = arith.andi %not3A_1498, %ge3A : i1
        %select_n3A = arith.select %and3A, %sub3A_1495, %scan3A_1492 : i32
        %sub3A_1500 = arith.subi %scan3A_35#3, %scan3A_1490 : i32
        %select_n3A_1501 = arith.select %and3A, %sub3A_1500, %scan3A_1493 : i32
        %or3A_1502 = arith.ori %scan3A_1491, %and3A : i1
        %add3A_1503 = arith.addi %scan3A_1490, %squeeze3A : i32
        %select_n3A_1504 = arith.select %or3A_1502, %scan3A_1490, %add3A_1503 : i32
        scf.yield %select_n3A_1504, %or3A_1502, %select_n3A, %select_n3A_1501 : i32, i1, i32, i32
      }
      %scan3A_70 = arith.constant 256 : i32
      %shift_left3A_71 = arith.constant 16 : i32
      %shift_left3A_72 = arith.shli %scan3A_69#2, %shift_left3A_71 : i32
      %or3A_73 = arith.ori %or3A_38, %shift_left3A_72 : i32
      %scan3A_74 = arith.constant 0 : i32
      %scan3A_75 = arith.constant 0 : i32
      %scan3A_76 = arith.constant 256 : i32
      %scan3A_77 = arith.addi %scan3A_75, %scan3A_76 : i32
      %scan3A_78 = arith.constant 1 : i32
      %scan3A_79 = scf.for %scan3A_1489 = %scan3A_75 to %scan3A_77 step %scan3A_78 iter_args(%scan3A_1490 = %scan3A_74) -> (i32)  : i32 {
        %mul3A_1491 = arith.constant 16 : i32
        %mul3A_1492 = arith.muli %scan3A_1489, %mul3A_1491 : i32
        %swap3A_1493 = arith.index_cast %mul3A_1492 : i32 to index
        %swap3A_1494 = tpu.vector_load %arg7[%swap3A_1493] {strides = array<i32>} : memref<4096xi32, #tpu.memory_space<vmem>>, vector<16xi32>,
        tpu.vector_store %arg7[%swap3A_1493], %broadcast_in_dim3A_5 {strides = array<i32>} : memref<4096xi32, #tpu.memory_space<vmem>>, vector<16xi32>,
        %scan3A_1495 = arith.constant 0 : i32
        scf.yield %scan3A_1495 : i32
      }
      %scan3A_80 = arith.constant 256 : i32
      %scan3A_81 = arith.constant -65536 : i32
      %scan3A_82 = arith.constant 0 : i32
      %scan3A_83 = arith.constant 0 : i32
      %scan3A_84 = arith.constant 1024 : i32
      %scan3A_85 = arith.addi %scan3A_83, %scan3A_84 : i32
      %scan3A_86 = arith.constant 1 : i32
      %scan3A_87 = scf.for %scan3A_1489 = %scan3A_83 to %scan3A_85 step %scan3A_86 iter_args(%scan3A_1490 = %scan3A_82) -> (i32)  : i32 {
        %mul3A_1491 = arith.constant 16 : i32
        %mul3A_1492 = arith.muli %scan3A_1489, %mul3A_1491 : i32
        %get3A = arith.index_cast %mul3A_1492 : i32 to index
        %get3A_1493 = tpu.vector_load %arg6[%get3A] {strides = array<i32>} : memref<16384xf32, #tpu.memory_space<vmem>>, vector<16xf32>,
        %bitcast_convert_type3A_1494 = tpu.bitcast %get3A_1493 : vector<16xf32> -> vector<16xi32>
        %shift_right_logical3A = arith.constant 8 : i32
        %shift_right_logical3A_1495 = vector.broadcast %shift_right_logical3A : i32 to vector<16xi32>
        %shift_right_logical3A_1496 = arith.shrui %bitcast_convert_type3A_1494, %shift_right_logical3A_1495 : vector<16xi32>
        %and3A = arith.constant 255 : i32
        %and3A_1497 = vector.broadcast %and3A : i32 to vector<16xi32>
        %and3A_1498 = arith.andi %shift_right_logical3A_1496, %and3A_1497 : vector<16xi32>
        %mul3A_1499 = arith.constant 256 : i32
        %mul3A_1500 = vector.broadcast %mul3A_1499 : i32 to vector<16xi32>
        %mul3A_1501 = arith.muli %iota3A, %mul3A_1500 : vector<16xi32>
        %add3A_1502 = arith.addi %mul3A_1501, %and3A_1498 : vector<16xi32>
        %and3A_1503 = vector.broadcast %scan3A_81 : i32 to vector<16xi32>
        %and3A_1504 = arith.andi %bitcast_convert_type3A_1494, %and3A_1503 : vector<16xi32>
        %eq3A = vector.broadcast %or3A_73 : i32 to vector<16xi32>
        %eq3A_1505 = arith.cmpi eq, %and3A_1504, %eq3A : vector<16xi32>
        tpu.vector_store_idx %arg7[%add3A_1502], %broadcast_in_dim3A_3 masked %eq3A_1505 {add = true} : memref<4096xi32, #tpu.memory_space<vmem>>[vector<16xi32>], vector<16xi32>, vector<16xi1>
        %scan3A_1506 = arith.constant 0 : i32
        scf.yield %scan3A_1506 : i32
      }
      %scan3A_88 = arith.constant 1024 : i32
      %scan3A_89 = arith.constant 0 : i32
      %scan3A_90 = arith.constant 0 : i32
      %scan3A_91 = arith.constant 16 : i32
      %scan3A_92 = arith.addi %scan3A_90, %scan3A_91 : i32
      %scan3A_93 = arith.constant 1 : i32
      %scan3A_94 = scf.for %scan3A_1489 = %scan3A_90 to %scan3A_92 step %scan3A_93 iter_args(%scan3A_1490 = %scan3A_89) -> (i32)  : i32 {
        %scan3A_1491 = arith.constant 0 : i32
        %scan3A_1492 = arith.constant 16 : i32
        %scan3A_1493 = arith.addi %scan3A_1491, %scan3A_1492 : i32
        %scan3A_1494 = arith.constant 1 : i32
        %scan3A_1495 = scf.for %scan3A_1502 = %scan3A_1491 to %scan3A_1493 step %scan3A_1494 iter_args(%scan3A_1503 = %broadcast_in_dim3A_5) -> (vector<16xi32>)  : i32 {
          %mul3A_1504 = arith.constant 256 : i32
          %mul3A_1505 = arith.muli %scan3A_1502, %mul3A_1504 : i32
          %mul3A_1506 = arith.constant 16 : i32
          %mul3A_1507 = arith.muli %scan3A_1489, %mul3A_1506 : i32
          %add3A_1508 = arith.addi %mul3A_1505, %mul3A_1507 : i32
          %get3A = arith.index_cast %add3A_1508 : i32 to index
          %get3A_1509 = tpu.vector_load %arg7[%get3A] {strides = array<i32>} : memref<4096xi32, #tpu.memory_space<vmem>>, vector<16xi32>,
          %add3A_1510 = arith.addi %scan3A_1503, %get3A_1509 : vector<16xi32>
          scf.yield %add3A_1510 : vector<16xi32>
        }
        %scan3A_1496 = arith.constant 16 : i32
        %mul3A_1497 = arith.constant 16 : i32
        %mul3A_1498 = arith.muli %scan3A_1489, %mul3A_1497 : i32
        %swap3A_1499 = arith.index_cast %mul3A_1498 : i32 to index
        %swap3A_1500 = tpu.vector_load %arg8[%swap3A_1499] {strides = array<i32>} : memref<272xi32, #tpu.memory_space<vmem>>, vector<16xi32>,
        tpu.vector_store %arg8[%swap3A_1499], %scan3A_1495 {strides = array<i32>} : memref<272xi32, #tpu.memory_space<vmem>>, vector<16xi32>,
        %scan3A_1501 = arith.constant 0 : i32
        scf.yield %scan3A_1501 : i32
      }
      %scan3A_95 = arith.constant 16 : i32
      %scan3A_96 = arith.constant 0 : i32
      %scan3A_97 = arith.constant false
      %scan3A_98 = arith.constant 0 : i32
      %scan3A_99 = arith.constant 0 : i32
      %scan3A_100 = arith.constant 0 : i32
      %scan3A_101 = arith.constant 256 : i32
      %scan3A_102 = arith.addi %scan3A_100, %scan3A_101 : i32
      %scan3A_103 = arith.constant 1 : i32
      %scan3A_104:4 = scf.for %scan3A_1489 = %scan3A_100 to %scan3A_102 step %scan3A_103 iter_args(%scan3A_1490 = %scan3A_96, %scan3A_1491 = %scan3A_97, %scan3A_1492 = %scan3A_98, %scan3A_1493 = %scan3A_99) -> (i32, i1, i32, i32)  : i32 {
        %sub3A_1494 = arith.constant 255 : i32
        %sub3A_1495 = arith.subi %sub3A_1494, %scan3A_1489 : i32
        %get3A = arith.index_cast %sub3A_1495 : i32 to index
        %get3A_1496 = tpu.vector_load %arg8[%get3A] {strides = array<i32>} : memref<272xi32, #tpu.memory_space<vmem>>, vector<16xi32>,
        %slice3A = vector.extract_strided_slice %get3A_1496 {offsets = [0], sizes = [1], strides = [1]} : vector<16xi32> to vector<1xi32>
        %squeeze3A = vector.extract %slice3A[0] : i32 from vector<1xi32>
        %not3A_1497 = arith.constant true
        %not3A_1498 = arith.xori %scan3A_1491, %not3A_1497 : i1
        %add3A_1499 = arith.addi %scan3A_1490, %squeeze3A : i32
        %ge3A = arith.cmpi sge, %add3A_1499, %scan3A_69#3 : i32
        %and3A = arith.andi %not3A_1498, %ge3A : i1
        %select_n3A = arith.select %and3A, %sub3A_1495, %scan3A_1492 : i32
        %sub3A_1500 = arith.subi %scan3A_69#3, %scan3A_1490 : i32
        %select_n3A_1501 = arith.select %and3A, %sub3A_1500, %scan3A_1493 : i32
        %or3A_1502 = arith.ori %scan3A_1491, %and3A : i1
        %add3A_1503 = arith.addi %scan3A_1490, %squeeze3A : i32
        %select_n3A_1504 = arith.select %or3A_1502, %scan3A_1490, %add3A_1503 : i32
        scf.yield %select_n3A_1504, %or3A_1502, %select_n3A, %select_n3A_1501 : i32, i1, i32, i32
      }
      %scan3A_105 = arith.constant 256 : i32
      %shift_left3A_106 = arith.constant 8 : i32
      %shift_left3A_107 = arith.shli %scan3A_104#2, %shift_left3A_106 : i32
      %or3A_108 = arith.ori %or3A_73, %shift_left3A_107 : i32
      %scan3A_109 = arith.constant 0 : i32
      %scan3A_110 = arith.constant 0 : i32
      %scan3A_111 = arith.constant 256 : i32
      %scan3A_112 = arith.addi %scan3A_110, %scan3A_111 : i32
      %scan3A_113 = arith.constant 1 : i32
      %scan3A_114 = scf.for %scan3A_1489 = %scan3A_110 to %scan3A_112 step %scan3A_113 iter_args(%scan3A_1490 = %scan3A_109) -> (i32)  : i32 {
        %mul3A_1491 = arith.constant 16 : i32
        %mul3A_1492 = arith.muli %scan3A_1489, %mul3A_1491 : i32
        %swap3A_1493 = arith.index_cast %mul3A_1492 : i32 to index
        %swap3A_1494 = tpu.vector_load %arg7[%swap3A_1493] {strides = array<i32>} : memref<4096xi32, #tpu.memory_space<vmem>>, vector<16xi32>,
        tpu.vector_store %arg7[%swap3A_1493], %broadcast_in_dim3A_5 {strides = array<i32>} : memref<4096xi32, #tpu.memory_space<vmem>>, vector<16xi32>,
        %scan3A_1495 = arith.constant 0 : i32
        scf.yield %scan3A_1495 : i32
      }
      %scan3A_115 = arith.constant 256 : i32
      %scan3A_116 = arith.constant -256 : i32
      %scan3A_117 = arith.constant 0 : i32
      %scan3A_118 = arith.constant 0 : i32
      %scan3A_119 = arith.constant 1024 : i32
      %scan3A_120 = arith.addi %scan3A_118, %scan3A_119 : i32
      %scan3A_121 = arith.constant 1 : i32
      %scan3A_122 = scf.for %scan3A_1489 = %scan3A_118 to %scan3A_120 step %scan3A_121 iter_args(%scan3A_1490 = %scan3A_117) -> (i32)  : i32 {
        %mul3A_1491 = arith.constant 16 : i32
        %mul3A_1492 = arith.muli %scan3A_1489, %mul3A_1491 : i32
        %get3A = arith.index_cast %mul3A_1492 : i32 to index
        %get3A_1493 = tpu.vector_load %arg6[%get3A] {strides = array<i32>} : memref<16384xf32, #tpu.memory_space<vmem>>, vector<16xf32>,
        %bitcast_convert_type3A_1494 = tpu.bitcast %get3A_1493 : vector<16xf32> -> vector<16xi32>
        %shift_right_logical3A = arith.constant 0 : i32
        %shift_right_logical3A_1495 = vector.broadcast %shift_right_logical3A : i32 to vector<16xi32>
        %shift_right_logical3A_1496 = arith.shrui %bitcast_convert_type3A_1494, %shift_right_logical3A_1495 : vector<16xi32>
        %and3A = arith.constant 255 : i32
        %and3A_1497 = vector.broadcast %and3A : i32 to vector<16xi32>
        %and3A_1498 = arith.andi %shift_right_logical3A_1496, %and3A_1497 : vector<16xi32>
        %mul3A_1499 = arith.constant 256 : i32
        %mul3A_1500 = vector.broadcast %mul3A_1499 : i32 to vector<16xi32>
        %mul3A_1501 = arith.muli %iota3A, %mul3A_1500 : vector<16xi32>
        %add3A_1502 = arith.addi %mul3A_1501, %and3A_1498 : vector<16xi32>
        %and3A_1503 = vector.broadcast %scan3A_116 : i32 to vector<16xi32>
        %and3A_1504 = arith.andi %bitcast_convert_type3A_1494, %and3A_1503 : vector<16xi32>
        %eq3A = vector.broadcast %or3A_108 : i32 to vector<16xi32>
        %eq3A_1505 = arith.cmpi eq, %and3A_1504, %eq3A : vector<16xi32>
        tpu.vector_store_idx %arg7[%add3A_1502], %broadcast_in_dim3A_3 masked %eq3A_1505 {add = true} : memref<4096xi32, #tpu.memory_space<vmem>>[vector<16xi32>], vector<16xi32>, vector<16xi1>
        %scan3A_1506 = arith.constant 0 : i32
        scf.yield %scan3A_1506 : i32
      }
      %scan3A_123 = arith.constant 1024 : i32
      %scan3A_124 = arith.constant 0 : i32
      %scan3A_125 = arith.constant 0 : i32
      %scan3A_126 = arith.constant 16 : i32
      %scan3A_127 = arith.addi %scan3A_125, %scan3A_126 : i32
      %scan3A_128 = arith.constant 1 : i32
      %scan3A_129 = scf.for %scan3A_1489 = %scan3A_125 to %scan3A_127 step %scan3A_128 iter_args(%scan3A_1490 = %scan3A_124) -> (i32)  : i32 {
        %scan3A_1491 = arith.constant 0 : i32
        %scan3A_1492 = arith.constant 16 : i32
        %scan3A_1493 = arith.addi %scan3A_1491, %scan3A_1492 : i32
        %scan3A_1494 = arith.constant 1 : i32
        %scan3A_1495 = scf.for %scan3A_1502 = %scan3A_1491 to %scan3A_1493 step %scan3A_1494 iter_args(%scan3A_1503 = %broadcast_in_dim3A_5) -> (vector<16xi32>)  : i32 {
          %mul3A_1504 = arith.constant 256 : i32
          %mul3A_1505 = arith.muli %scan3A_1502, %mul3A_1504 : i32
          %mul3A_1506 = arith.constant 16 : i32
          %mul3A_1507 = arith.muli %scan3A_1489, %mul3A_1506 : i32
          %add3A_1508 = arith.addi %mul3A_1505, %mul3A_1507 : i32
          %get3A = arith.index_cast %add3A_1508 : i32 to index
          %get3A_1509 = tpu.vector_load %arg7[%get3A] {strides = array<i32>} : memref<4096xi32, #tpu.memory_space<vmem>>, vector<16xi32>,
          %add3A_1510 = arith.addi %scan3A_1503, %get3A_1509 : vector<16xi32>
          scf.yield %add3A_1510 : vector<16xi32>
        }
        %scan3A_1496 = arith.constant 16 : i32
        %mul3A_1497 = arith.constant 16 : i32
        %mul3A_1498 = arith.muli %scan3A_1489, %mul3A_1497 : i32
        %swap3A_1499 = arith.index_cast %mul3A_1498 : i32 to index
        %swap3A_1500 = tpu.vector_load %arg8[%swap3A_1499] {strides = array<i32>} : memref<272xi32, #tpu.memory_space<vmem>>, vector<16xi32>,
        tpu.vector_store %arg8[%swap3A_1499], %scan3A_1495 {strides = array<i32>} : memref<272xi32, #tpu.memory_space<vmem>>, vector<16xi32>,
        %scan3A_1501 = arith.constant 0 : i32
        scf.yield %scan3A_1501 : i32
      }
      %scan3A_130 = arith.constant 16 : i32
      %scan3A_131 = arith.constant 0 : i32
      %scan3A_132 = arith.constant false
      %scan3A_133 = arith.constant 0 : i32
      %scan3A_134 = arith.constant 0 : i32
      %scan3A_135 = arith.constant 0 : i32
      %scan3A_136 = arith.constant 256 : i32
      %scan3A_137 = arith.addi %scan3A_135, %scan3A_136 : i32
      %scan3A_138 = arith.constant 1 : i32
      %scan3A_139:4 = scf.for %scan3A_1489 = %scan3A_135 to %scan3A_137 step %scan3A_138 iter_args(%scan3A_1490 = %scan3A_131, %scan3A_1491 = %scan3A_132, %scan3A_1492 = %scan3A_133, %scan3A_1493 = %scan3A_134) -> (i32, i1, i32, i32)  : i32 {
        %sub3A_1494 = arith.constant 255 : i32
        %sub3A_1495 = arith.subi %sub3A_1494, %scan3A_1489 : i32
        %get3A = arith.index_cast %sub3A_1495 : i32 to index
        %get3A_1496 = tpu.vector_load %arg8[%get3A] {strides = array<i32>} : memref<272xi32, #tpu.memory_space<vmem>>, vector<16xi32>,
        %slice3A = vector.extract_strided_slice %get3A_1496 {offsets = [0], sizes = [1], strides = [1]} : vector<16xi32> to vector<1xi32>
        %squeeze3A = vector.extract %slice3A[0] : i32 from vector<1xi32>
        %not3A_1497 = arith.constant true
        %not3A_1498 = arith.xori %scan3A_1491, %not3A_1497 : i1
        %add3A_1499 = arith.addi %scan3A_1490, %squeeze3A : i32
        %ge3A = arith.cmpi sge, %add3A_1499, %scan3A_104#3 : i32
        %and3A = arith.andi %not3A_1498, %ge3A : i1
        %select_n3A = arith.select %and3A, %sub3A_1495, %scan3A_1492 : i32
        %sub3A_1500 = arith.subi %scan3A_104#3, %scan3A_1490 : i32
        %select_n3A_1501 = arith.select %and3A, %sub3A_1500, %scan3A_1493 : i32
        %or3A_1502 = arith.ori %scan3A_1491, %and3A : i1
        %add3A_1503 = arith.addi %scan3A_1490, %squeeze3A : i32
        %select_n3A_1504 = arith.select %or3A_1502, %scan3A_1490, %add3A_1503 : i32
        scf.yield %select_n3A_1504, %or3A_1502, %select_n3A, %select_n3A_1501 : i32, i1, i32, i32
      }
      %scan3A_140 = arith.constant 256 : i32
      %shift_left3A_141 = arith.constant 0 : i32
      %shift_left3A_142 = arith.shli %scan3A_139#2, %shift_left3A_141 : i32
      %or3A_143 = arith.ori %or3A_108, %shift_left3A_142 : i32
      %scan3A_144 = arith.constant 0 : i32
      %scan3A_145 = arith.constant 0 : i32
      %scan3A_146 = arith.constant 0 : i32
      %scan3A_147 = arith.constant 1024 : i32
      %scan3A_148 = arith.addi %scan3A_146, %scan3A_147 : i32
      %scan3A_149 = arith.constant 1 : i32
      %scan3A_150:2 = scf.for %scan3A_1489 = %scan3A_146 to %scan3A_148 step %scan3A_149 iter_args(%scan3A_1490 = %scan3A_144, %scan3A_1491 = %scan3A_145) -> (i32, i32)  : i32 {
        %mul3A_1492 = arith.constant 16 : i32
        %mul3A_1493 = arith.muli %scan3A_1489, %mul3A_1492 : i32
        %get3A = arith.index_cast %mul3A_1493 : i32 to index
        %get3A_1494 = tpu.vector_load %arg6[%get3A] {strides = array<i32>} : memref<16384xf32, #tpu.memory_space<vmem>>, vector<16xf32>,
        %bitcast_convert_type3A_1495 = tpu.bitcast %get3A_1494 : vector<16xf32> -> vector<16xi32>
        %mul3A_1496 = arith.constant 16 : i32
        %mul3A_1497 = arith.muli %scan3A_1489, %mul3A_1496 : i32
        %add3A_1498 = vector.broadcast %mul3A_1497 : i32 to vector<16xi32>
        %add3A_1499 = arith.addi %add3A_1498, %iota3A : vector<16xi32>
        %gt3A = vector.broadcast %or3A_143 : i32 to vector<16xi32>
        %gt3A_1500 = arith.cmpi ugt, %bitcast_convert_type3A_1495, %gt3A : vector<16xi32>
        %eq3A = vector.broadcast %or3A_143 : i32 to vector<16xi32>
        %eq3A_1501 = arith.cmpi eq, %bitcast_convert_type3A_1495, %eq3A : vector<16xi32>
        %not3A_1502 = arith.constant dense<-1> : vector<16xi32>
        %not3A_1503 = arith.xori %bitcast_convert_type3A_1495, %not3A_1502 : vector<16xi32>
        %bitcast_convert_type3A_1504 = tpu.bitcast %not3A_1503 : vector<16xi32> -> vector<16xi32>
        %swap3A_1505 = arith.index_cast %scan3A_1490 : i32 to index
        %swap3A_1506 = tpu.vector_load %arg9[%swap3A_1505] masked %gt3A_1500 {strides = array<i32>} : memref<1040xi32, #tpu.memory_space<vmem>>, vector<16xi32>, vector<16xi1>
        tpu.vector_store %arg9[%swap3A_1505], %bitcast_convert_type3A_1504 masked %gt3A_1500 {strides = array<i32>} : memref<1040xi32, #tpu.memory_space<vmem>>, vector<16xi32>, vector<16xi1>
        %swap3A_1507 = arith.index_cast %scan3A_1490 : i32 to index
        %swap3A_1508 = tpu.vector_load %arg10[%swap3A_1507] masked %gt3A_1500 {strides = array<i32>} : memref<1040xi32, #tpu.memory_space<vmem>>, vector<16xi32>, vector<16xi1>
        tpu.vector_store %arg10[%swap3A_1507], %add3A_1499 masked %gt3A_1500 {strides = array<i32>} : memref<1040xi32, #tpu.memory_space<vmem>>, vector<16xi32>, vector<16xi1>
        %swap3A_1509 = arith.index_cast %scan3A_1491 : i32 to index
        %swap3A_1510 = tpu.vector_load %arg11[%swap3A_1509] masked %eq3A_1501 {strides = array<i32>} : memref<16416xi32, #tpu.memory_space<vmem>>, vector<16xi32>, vector<16xi1>
        tpu.vector_store %arg11[%swap3A_1509], %add3A_1499 masked %eq3A_1501 {strides = array<i32>} : memref<16416xi32, #tpu.memory_space<vmem>>, vector<16xi32>, vector<16xi1>
        %convert_element_type3A_1511 = arith.extui %gt3A_1500 : vector<16xi1> to vector<16xi32>
        %reduce_sum3A_1512 = arith.constant true
        %reduce_sum3A_1513 = vector.broadcast %reduce_sum3A_1512 : i1 to vector<16xi1>
        %reduce_sum3A_1514 = tpu.scan <sum>, %convert_element_type3A_1511 masked %reduce_sum3A_1513 : vector<16xi32>, vector<16xi1> -> vector<16xi32>
        %reduce_sum3A_1515 = vector.extract %reduce_sum3A_1514[15] : i32 from vector<16xi32>
        %add3A_1516 = arith.addi %scan3A_1490, %reduce_sum3A_1515 : i32
        %convert_element_type3A_1517 = arith.extui %eq3A_1501 : vector<16xi1> to vector<16xi32>
        %reduce_sum3A_1518 = arith.constant true
        %reduce_sum3A_1519 = vector.broadcast %reduce_sum3A_1518 : i1 to vector<16xi1>
        %reduce_sum3A_1520 = tpu.scan <sum>, %convert_element_type3A_1517 masked %reduce_sum3A_1519 : vector<16xi32>, vector<16xi1> -> vector<16xi32>
        %reduce_sum3A_1521 = vector.extract %reduce_sum3A_1520[15] : i32 from vector<16xi32>
        %add3A_1522 = arith.addi %scan3A_1491, %reduce_sum3A_1521 : i32
        scf.yield %add3A_1516, %add3A_1522 : i32, i32
      }
      %scan3A_151 = arith.constant 1024 : i32
      %not3A = arith.constant -1 : i32
      %not3A_152 = arith.xori %or3A_143, %not3A : i32
      %broadcast_in_dim3A_153 = vector.broadcast %not3A_152 : i32 to vector<16xi32>
      %bitcast_convert_type3A = tpu.bitcast %broadcast_in_dim3A_153 : vector<16xi32> -> vector<16xi32>
      %scan3A_154 = arith.constant 0 : i32
      %scan3A_155 = arith.constant 0 : i32
      %scan3A_156 = arith.constant 65 : i32
      %scan3A_157 = arith.addi %scan3A_155, %scan3A_156 : i32
      %scan3A_158 = arith.constant 1 : i32
      %scan3A_159 = scf.for %scan3A_1489 = %scan3A_155 to %scan3A_157 step %scan3A_158 iter_args(%scan3A_1490 = %scan3A_154) -> (i32)  : i32 {
        %mul3A_1491 = arith.constant 16 : i32
        %mul3A_1492 = arith.muli %scan3A_1489, %mul3A_1491 : i32
        %get3A = arith.index_cast %mul3A_1492 : i32 to index
        %get3A_1493 = tpu.vector_load %arg9[%get3A] {strides = array<i32>} : memref<1040xi32, #tpu.memory_space<vmem>>, vector<16xi32>,
        %mul3A_1494 = arith.constant 16 : i32
        %mul3A_1495 = arith.muli %scan3A_1489, %mul3A_1494 : i32
        %swap3A_1496 = arith.index_cast %mul3A_1495 : i32 to index
        %swap3A_1497 = tpu.vector_load %arg12[%swap3A_1496] {strides = array<i32>} : memref<2080xi32, #tpu.memory_space<vmem>>, vector<16xi32>,
        tpu.vector_store %arg12[%swap3A_1496], %get3A_1493 {strides = array<i32>} : memref<2080xi32, #tpu.memory_space<vmem>>, vector<16xi32>,
        %mul3A_1498 = arith.constant 16 : i32
        %mul3A_1499 = arith.muli %scan3A_1489, %mul3A_1498 : i32
        %get3A_1500 = arith.index_cast %mul3A_1499 : i32 to index
        %get3A_1501 = tpu.vector_load %arg10[%get3A_1500] {strides = array<i32>} : memref<1040xi32, #tpu.memory_space<vmem>>, vector<16xi32>,
        %mul3A_1502 = arith.constant 16 : i32
        %mul3A_1503 = arith.muli %scan3A_1489, %mul3A_1502 : i32
        %swap3A_1504 = arith.index_cast %mul3A_1503 : i32 to index
        %swap3A_1505 = tpu.vector_load %arg13[%swap3A_1504] {strides = array<i32>} : memref<2080xi32, #tpu.memory_space<vmem>>, vector<16xi32>,
        tpu.vector_store %arg13[%swap3A_1504], %get3A_1501 {strides = array<i32>} : memref<2080xi32, #tpu.memory_space<vmem>>, vector<16xi32>,
        %scan3A_1506 = arith.constant 0 : i32
        scf.yield %scan3A_1506 : i32
      }
      %scan3A_160 = arith.constant 65 : i32
      %scan3A_161 = arith.constant 0 : i32
      %scan3A_162 = arith.constant 0 : i32
      %scan3A_163 = arith.constant 65 : i32
      %scan3A_164 = arith.addi %scan3A_162, %scan3A_163 : i32
      %scan3A_165 = arith.constant 1 : i32
      %scan3A_166 = scf.for %scan3A_1489 = %scan3A_162 to %scan3A_164 step %scan3A_165 iter_args(%scan3A_1490 = %scan3A_161) -> (i32)  : i32 {
        %mul3A_1491 = arith.constant 16 : i32
        %mul3A_1492 = arith.muli %scan3A_1489, %mul3A_1491 : i32
        %add3A_1493 = arith.addi %scan3A_150#0, %mul3A_1492 : i32
        %swap3A_1494 = arith.index_cast %add3A_1493 : i32 to index
        %swap3A_1495 = tpu.vector_load %arg12[%swap3A_1494] {strides = array<i32>} : memref<2080xi32, #tpu.memory_space<vmem>>, vector<16xi32>,
        tpu.vector_store %arg12[%swap3A_1494], %bitcast_convert_type3A {strides = array<i32>} : memref<2080xi32, #tpu.memory_space<vmem>>, vector<16xi32>,
        %mul3A_1496 = arith.constant 16 : i32
        %mul3A_1497 = arith.muli %scan3A_1489, %mul3A_1496 : i32
        %get3A = arith.index_cast %mul3A_1497 : i32 to index
        %get3A_1498 = tpu.vector_load %arg11[%get3A] {strides = array<i32>} : memref<16416xi32, #tpu.memory_space<vmem>>, vector<16xi32>,
        %mul3A_1499 = arith.constant 16 : i32
        %mul3A_1500 = arith.muli %scan3A_1489, %mul3A_1499 : i32
        %add3A_1501 = arith.addi %scan3A_150#0, %mul3A_1500 : i32
        %swap3A_1502 = arith.index_cast %add3A_1501 : i32 to index
        %swap3A_1503 = tpu.vector_load %arg13[%swap3A_1502] {strides = array<i32>} : memref<2080xi32, #tpu.memory_space<vmem>>, vector<16xi32>,
        tpu.vector_store %arg13[%swap3A_1502], %get3A_1498 {strides = array<i32>} : memref<2080xi32, #tpu.memory_space<vmem>>, vector<16xi32>,
        %scan3A_1504 = arith.constant 0 : i32
        scf.yield %scan3A_1504 : i32
      }
      %scan3A_167 = arith.constant 65 : i32
      %sub3A = arith.constant 1 : i32
      %sub3A_168 = vector.broadcast %sub3A : i32 to vector<16xi32>
      %sub3A_169 = arith.subi %broadcast_in_dim3A_5, %sub3A_168 : vector<16xi32>
      %swap3A = arith.constant 0 : index
      %swap3A_170 = tpu.vector_load %arg16[%swap3A] {strides = array<i32>} : memref<48xi32, #tpu.memory_space<vmem>>, vector<16xi32>,
      tpu.vector_store %arg16[%swap3A], %sub3A_169 {strides = array<i32>} : memref<48xi32, #tpu.memory_space<vmem>>, vector<16xi32>,
      %sub3A_171 = arith.constant 2 : i32
      %sub3A_172 = vector.broadcast %sub3A_171 : i32 to vector<16xi32>
      %sub3A_173 = arith.subi %broadcast_in_dim3A_5, %sub3A_172 : vector<16xi32>
      %swap3A_174 = arith.constant 32 : index
      %swap3A_175 = tpu.vector_load %arg16[%swap3A_174] {strides = array<i32>} : memref<48xi32, #tpu.memory_space<vmem>>, vector<16xi32>,
      tpu.vector_store %arg16[%swap3A_174], %sub3A_173 {strides = array<i32>} : memref<48xi32, #tpu.memory_space<vmem>>, vector<16xi32>,
      %scan3A_176 = arith.constant 0 : i32
      %scan3A_177 = arith.constant 0 : i32
      %scan3A_178 = arith.constant 256 : i32
      %scan3A_179 = arith.addi %scan3A_177, %scan3A_178 : i32
      %scan3A_180 = arith.constant 1 : i32
      %scan3A_181 = scf.for %scan3A_1489 = %scan3A_177 to %scan3A_179 step %scan3A_180 iter_args(%scan3A_1490 = %scan3A_176) -> (i32)  : i32 {
        %mul3A_1491 = arith.constant 16 : i32
        %mul3A_1492 = arith.muli %scan3A_1489, %mul3A_1491 : i32
        %swap3A_1493 = arith.index_cast %mul3A_1492 : i32 to index
        %swap3A_1494 = tpu.vector_load %arg7[%swap3A_1493] {strides = array<i32>} : memref<4096xi32, #tpu.memory_space<vmem>>, vector<16xi32>,
        tpu.vector_store %arg7[%swap3A_1493], %broadcast_in_dim3A_5 {strides = array<i32>} : memref<4096xi32, #tpu.memory_space<vmem>>, vector<16xi32>,
        %scan3A_1495 = arith.constant 0 : i32
        scf.yield %scan3A_1495 : i32
      }
      %scan3A_182 = arith.constant 256 : i32
      %scan3A_183 = arith.constant 0 : i32
      %scan3A_184 = arith.constant 0 : i32
      %scan3A_185 = arith.constant 64 : i32
      %scan3A_186 = arith.addi %scan3A_184, %scan3A_185 : i32
      %scan3A_187 = arith.constant 1 : i32
      %scan3A_188 = scf.for %scan3A_1489 = %scan3A_184 to %scan3A_186 step %scan3A_187 iter_args(%scan3A_1490 = %scan3A_183) -> (i32)  : i32 {
        %mul3A_1491 = arith.constant 16 : i32
        %mul3A_1492 = arith.muli %scan3A_1489, %mul3A_1491 : i32
        %get3A = arith.index_cast %mul3A_1492 : i32 to index
        %get3A_1493 = tpu.vector_load %arg12[%get3A] {strides = array<i32>} : memref<2080xi32, #tpu.memory_space<vmem>>, vector<16xi32>,
        %shift_right_arithmetic3A = arith.constant 0 : i32
        %shift_right_arithmetic3A_1494 = vector.broadcast %shift_right_arithmetic3A : i32 to vector<16xi32>
        %shift_right_arithmetic3A_1495 = arith.shrsi %get3A_1493, %shift_right_arithmetic3A_1494 : vector<16xi32>
        %and3A = arith.constant 255 : i32
        %and3A_1496 = vector.broadcast %and3A : i32 to vector<16xi32>
        %and3A_1497 = arith.andi %shift_right_arithmetic3A_1495, %and3A_1496 : vector<16xi32>
        %mul3A_1498 = arith.constant 256 : i32
        %mul3A_1499 = vector.broadcast %mul3A_1498 : i32 to vector<16xi32>
        %mul3A_1500 = arith.muli %iota3A, %mul3A_1499 : vector<16xi32>
        %add3A_1501 = arith.addi %mul3A_1500, %and3A_1497 : vector<16xi32>
        %broadcast_in_dim3A_1502 = arith.constant true
        %broadcast_in_dim3A_1503 = vector.broadcast %broadcast_in_dim3A_1502 : i1 to vector<16xi1>
        tpu.vector_store_idx %arg7[%add3A_1501], %broadcast_in_dim3A_3 masked %broadcast_in_dim3A_1503 {add = true} : memref<4096xi32, #tpu.memory_space<vmem>>[vector<16xi32>], vector<16xi32>, vector<16xi1>
        %scan3A_1504 = arith.constant 0 : i32
        scf.yield %scan3A_1504 : i32
      }
      %scan3A_189 = arith.constant 64 : i32
      %scan3A_190 = arith.constant 0 : i32
      %scan3A_191 = arith.constant 16 : i32
      %scan3A_192 = arith.addi %scan3A_190, %scan3A_191 : i32
      %scan3A_193 = arith.constant 1 : i32
      %scan3A_194 = scf.for %scan3A_1489 = %scan3A_190 to %scan3A_192 step %scan3A_193 iter_args(%scan3A_1490 = %broadcast_in_dim3A_5) -> (vector<16xi32>)  : i32 {
        %mul3A_1491 = arith.constant 256 : i32
        %mul3A_1492 = arith.muli %scan3A_1489, %mul3A_1491 : i32
        %add3A_1493 = arith.constant 0 : i32
        %add3A_1494 = arith.addi %mul3A_1492, %add3A_1493 : i32
        %get3A = arith.index_cast %add3A_1494 : i32 to index
        %get3A_1495 = tpu.vector_load %arg7[%get3A] {strides = array<i32>} : memref<4096xi32, #tpu.memory_space<vmem>>, vector<16xi32>,
        %add3A_1496 = arith.addi %scan3A_1490, %get3A_1495 : vector<16xi32>
        scf.yield %add3A_1496 : vector<16xi32>
      }
      %scan3A_195 = arith.constant 16 : i32
      %broadcast_in_dim3A_196 = arith.constant true
      %broadcast_in_dim3A_197 = vector.broadcast %broadcast_in_dim3A_196 : i1 to vector<16xi1>
      %masked_cumsum3A = tpu.scan <sum>, %scan3A_194 masked %broadcast_in_dim3A_197 : vector<16xi32>, vector<16xi1> -> vector<16xi32>
      %sub3A_198 = arith.subi %masked_cumsum3A, %scan3A_194 : vector<16xi32>
      %add3A_199 = arith.constant 0 : i32
      %add3A_200 = vector.broadcast %add3A_199 : i32 to vector<16xi32>
      %add3A_201 = arith.addi %sub3A_198, %add3A_200 : vector<16xi32>
      %swap3A_202 = arith.constant 0 : index
      %swap3A_203 = tpu.vector_load %arg8[%swap3A_202] {strides = array<i32>} : memref<272xi32, #tpu.memory_space<vmem>>, vector<16xi32>,
      tpu.vector_store %arg8[%swap3A_202], %add3A_201 {strides = array<i32>} : memref<272xi32, #tpu.memory_space<vmem>>, vector<16xi32>,
      %reduce_sum3A = arith.constant true
      %reduce_sum3A_204 = vector.broadcast %reduce_sum3A : i1 to vector<16xi1>
      %reduce_sum3A_205 = tpu.scan <sum>, %scan3A_194 masked %reduce_sum3A_204 : vector<16xi32>, vector<16xi1> -> vector<16xi32>
      %reduce_sum3A_206 = vector.extract %reduce_sum3A_205[15] : i32 from vector<16xi32>
      %add3A_207 = arith.constant 0 : i32
      %add3A_208 = arith.addi %add3A_207, %reduce_sum3A_206 : i32
      %scan3A_209 = arith.constant 0 : i32
      %scan3A_210 = arith.constant 16 : i32
      %scan3A_211 = arith.addi %scan3A_209, %scan3A_210 : i32
      %scan3A_212 = arith.constant 1 : i32
      %scan3A_213 = scf.for %scan3A_1489 = %scan3A_209 to %scan3A_211 step %scan3A_212 iter_args(%scan3A_1490 = %broadcast_in_dim3A_5) -> (vector<16xi32>)  : i32 {
        %mul3A_1491 = arith.constant 256 : i32
        %mul3A_1492 = arith.muli %scan3A_1489, %mul3A_1491 : i32
        %add3A_1493 = arith.constant 16 : i32
        %add3A_1494 = arith.addi %mul3A_1492, %add3A_1493 : i32
        %get3A = arith.index_cast %add3A_1494 : i32 to index
        %get3A_1495 = tpu.vector_load %arg7[%get3A] {strides = array<i32>} : memref<4096xi32, #tpu.memory_space<vmem>>, vector<16xi32>,
        %add3A_1496 = arith.addi %scan3A_1490, %get3A_1495 : vector<16xi32>
        scf.yield %add3A_1496 : vector<16xi32>
      }
      %scan3A_214 = arith.constant 16 : i32
      %broadcast_in_dim3A_215 = arith.constant true
      %broadcast_in_dim3A_216 = vector.broadcast %broadcast_in_dim3A_215 : i1 to vector<16xi1>
      %masked_cumsum3A_217 = tpu.scan <sum>, %scan3A_213 masked %broadcast_in_dim3A_216 : vector<16xi32>, vector<16xi1> -> vector<16xi32>
      %sub3A_218 = arith.subi %masked_cumsum3A_217, %scan3A_213 : vector<16xi32>
      %add3A_219 = vector.broadcast %add3A_208 : i32 to vector<16xi32>
      %add3A_220 = arith.addi %sub3A_218, %add3A_219 : vector<16xi32>
      %swap3A_221 = arith.constant 16 : index
      %swap3A_222 = tpu.vector_load %arg8[%swap3A_221] {strides = array<i32>} : memref<272xi32, #tpu.memory_space<vmem>>, vector<16xi32>,
      tpu.vector_store %arg8[%swap3A_221], %add3A_220 {strides = array<i32>} : memref<272xi32, #tpu.memory_space<vmem>>, vector<16xi32>,
      %reduce_sum3A_223 = arith.constant true
      %reduce_sum3A_224 = vector.broadcast %reduce_sum3A_223 : i1 to vector<16xi1>
      %reduce_sum3A_225 = tpu.scan <sum>, %scan3A_213 masked %reduce_sum3A_224 : vector<16xi32>, vector<16xi1> -> vector<16xi32>
      %reduce_sum3A_226 = vector.extract %reduce_sum3A_225[15] : i32 from vector<16xi32>
      %add3A_227 = arith.addi %add3A_208, %reduce_sum3A_226 : i32
      %scan3A_228 = arith.constant 0 : i32
      %scan3A_229 = arith.constant 16 : i32
      %scan3A_230 = arith.addi %scan3A_228, %scan3A_229 : i32
      %scan3A_231 = arith.constant 1 : i32
      %scan3A_232 = scf.for %scan3A_1489 = %scan3A_228 to %scan3A_230 step %scan3A_231 iter_args(%scan3A_1490 = %broadcast_in_dim3A_5) -> (vector<16xi32>)  : i32 {
        %mul3A_1491 = arith.constant 256 : i32
        %mul3A_1492 = arith.muli %scan3A_1489, %mul3A_1491 : i32
        %add3A_1493 = arith.constant 32 : i32
        %add3A_1494 = arith.addi %mul3A_1492, %add3A_1493 : i32
        %get3A = arith.index_cast %add3A_1494 : i32 to index
        %get3A_1495 = tpu.vector_load %arg7[%get3A] {strides = array<i32>} : memref<4096xi32, #tpu.memory_space<vmem>>, vector<16xi32>,
        %add3A_1496 = arith.addi %scan3A_1490, %get3A_1495 : vector<16xi32>
        scf.yield %add3A_1496 : vector<16xi32>
      }
      %scan3A_233 = arith.constant 16 : i32
      %broadcast_in_dim3A_234 = arith.constant true
      %broadcast_in_dim3A_235 = vector.broadcast %broadcast_in_dim3A_234 : i1 to vector<16xi1>
      %masked_cumsum3A_236 = tpu.scan <sum>, %scan3A_232 masked %broadcast_in_dim3A_235 : vector<16xi32>, vector<16xi1> -> vector<16xi32>
      %sub3A_237 = arith.subi %masked_cumsum3A_236, %scan3A_232 : vector<16xi32>
      %add3A_238 = vector.broadcast %add3A_227 : i32 to vector<16xi32>
      %add3A_239 = arith.addi %sub3A_237, %add3A_238 : vector<16xi32>
      %swap3A_240 = arith.constant 32 : index
      %swap3A_241 = tpu.vector_load %arg8[%swap3A_240] {strides = array<i32>} : memref<272xi32, #tpu.memory_space<vmem>>, vector<16xi32>,
      tpu.vector_store %arg8[%swap3A_240], %add3A_239 {strides = array<i32>} : memref<272xi32, #tpu.memory_space<vmem>>, vector<16xi32>,
      %reduce_sum3A_242 = arith.constant true
      %reduce_sum3A_243 = vector.broadcast %reduce_sum3A_242 : i1 to vector<16xi1>
      %reduce_sum3A_244 = tpu.scan <sum>, %scan3A_232 masked %reduce_sum3A_243 : vector<16xi32>, vector<16xi1> -> vector<16xi32>
      %reduce_sum3A_245 = vector.extract %reduce_sum3A_244[15] : i32 from vector<16xi32>
      %add3A_246 = arith.addi %add3A_227, %reduce_sum3A_245 : i32
      %scan3A_247 = arith.constant 0 : i32
      %scan3A_248 = arith.constant 16 : i32
      %scan3A_249 = arith.addi %scan3A_247, %scan3A_248 : i32
      %scan3A_250 = arith.constant 1 : i32
      %scan3A_251 = scf.for %scan3A_1489 = %scan3A_247 to %scan3A_249 step %scan3A_250 iter_args(%scan3A_1490 = %broadcast_in_dim3A_5) -> (vector<16xi32>)  : i32 {
        %mul3A_1491 = arith.constant 256 : i32
        %mul3A_1492 = arith.muli %scan3A_1489, %mul3A_1491 : i32
        %add3A_1493 = arith.constant 48 : i32
        %add3A_1494 = arith.addi %mul3A_1492, %add3A_1493 : i32
        %get3A = arith.index_cast %add3A_1494 : i32 to index
        %get3A_1495 = tpu.vector_load %arg7[%get3A] {strides = array<i32>} : memref<4096xi32, #tpu.memory_space<vmem>>, vector<16xi32>,
        %add3A_1496 = arith.addi %scan3A_1490, %get3A_1495 : vector<16xi32>
        scf.yield %add3A_1496 : vector<16xi32>
      }
      %scan3A_252 = arith.constant 16 : i32
      %broadcast_in_dim3A_253 = arith.constant true
      %broadcast_in_dim3A_254 = vector.broadcast %broadcast_in_dim3A_253 : i1 to vector<16xi1>
      %masked_cumsum3A_255 = tpu.scan <sum>, %scan3A_251 masked %broadcast_in_dim3A_254 : vector<16xi32>, vector<16xi1> -> vector<16xi32>
      %sub3A_256 = arith.subi %masked_cumsum3A_255, %scan3A_251 : vector<16xi32>
      %add3A_257 = vector.broadcast %add3A_246 : i32 to vector<16xi32>
      %add3A_258 = arith.addi %sub3A_256, %add3A_257 : vector<16xi32>
      %swap3A_259 = arith.constant 48 : index
      %swap3A_260 = tpu.vector_load %arg8[%swap3A_259] {strides = array<i32>} : memref<272xi32, #tpu.memory_space<vmem>>, vector<16xi32>,
      tpu.vector_store %arg8[%swap3A_259], %add3A_258 {strides = array<i32>} : memref<272xi32, #tpu.memory_space<vmem>>, vector<16xi32>,
      %reduce_sum3A_261 = arith.constant true
      %reduce_sum3A_262 = vector.broadcast %reduce_sum3A_261 : i1 to vector<16xi1>
      %reduce_sum3A_263 = tpu.scan <sum>, %scan3A_251 masked %reduce_sum3A_262 : vector<16xi32>, vector<16xi1> -> vector<16xi32>
      %reduce_sum3A_264 = vector.extract %reduce_sum3A_263[15] : i32 from vector<16xi32>
      %add3A_265 = arith.addi %add3A_246, %reduce_sum3A_264 : i32
      %scan3A_266 = arith.constant 0 : i32
      %scan3A_267 = arith.constant 16 : i32
      %scan3A_268 = arith.addi %scan3A_266, %scan3A_267 : i32
      %scan3A_269 = arith.constant 1 : i32
      %scan3A_270 = scf.for %scan3A_1489 = %scan3A_266 to %scan3A_268 step %scan3A_269 iter_args(%scan3A_1490 = %broadcast_in_dim3A_5) -> (vector<16xi32>)  : i32 {
        %mul3A_1491 = arith.constant 256 : i32
        %mul3A_1492 = arith.muli %scan3A_1489, %mul3A_1491 : i32
        %add3A_1493 = arith.constant 64 : i32
        %add3A_1494 = arith.addi %mul3A_1492, %add3A_1493 : i32
        %get3A = arith.index_cast %add3A_1494 : i32 to index
        %get3A_1495 = tpu.vector_load %arg7[%get3A] {strides = array<i32>} : memref<4096xi32, #tpu.memory_space<vmem>>, vector<16xi32>,
        %add3A_1496 = arith.addi %scan3A_1490, %get3A_1495 : vector<16xi32>
        scf.yield %add3A_1496 : vector<16xi32>
      }
      %scan3A_271 = arith.constant 16 : i32
      %broadcast_in_dim3A_272 = arith.constant true
      %broadcast_in_dim3A_273 = vector.broadcast %broadcast_in_dim3A_272 : i1 to vector<16xi1>
      %masked_cumsum3A_274 = tpu.scan <sum>, %scan3A_270 masked %broadcast_in_dim3A_273 : vector<16xi32>, vector<16xi1> -> vector<16xi32>
      %sub3A_275 = arith.subi %masked_cumsum3A_274, %scan3A_270 : vector<16xi32>
      %add3A_276 = vector.broadcast %add3A_265 : i32 to vector<16xi32>
      %add3A_277 = arith.addi %sub3A_275, %add3A_276 : vector<16xi32>
      %swap3A_278 = arith.constant 64 : index
      %swap3A_279 = tpu.vector_load %arg8[%swap3A_278] {strides = array<i32>} : memref<272xi32, #tpu.memory_space<vmem>>, vector<16xi32>,
      tpu.vector_store %arg8[%swap3A_278], %add3A_277 {strides = array<i32>} : memref<272xi32, #tpu.memory_space<vmem>>, vector<16xi32>,
      %reduce_sum3A_280 = arith.constant true
      %reduce_sum3A_281 = vector.broadcast %reduce_sum3A_280 : i1 to vector<16xi1>
      %reduce_sum3A_282 = tpu.scan <sum>, %scan3A_270 masked %reduce_sum3A_281 : vector<16xi32>, vector<16xi1> -> vector<16xi32>
      %reduce_sum3A_283 = vector.extract %reduce_sum3A_282[15] : i32 from vector<16xi32>
      %add3A_284 = arith.addi %add3A_265, %reduce_sum3A_283 : i32
      %scan3A_285 = arith.constant 0 : i32
      %scan3A_286 = arith.constant 16 : i32
      %scan3A_287 = arith.addi %scan3A_285, %scan3A_286 : i32
      %scan3A_288 = arith.constant 1 : i32
      %scan3A_289 = scf.for %scan3A_1489 = %scan3A_285 to %scan3A_287 step %scan3A_288 iter_args(%scan3A_1490 = %broadcast_in_dim3A_5) -> (vector<16xi32>)  : i32 {
        %mul3A_1491 = arith.constant 256 : i32
        %mul3A_1492 = arith.muli %scan3A_1489, %mul3A_1491 : i32
        %add3A_1493 = arith.constant 80 : i32
        %add3A_1494 = arith.addi %mul3A_1492, %add3A_1493 : i32
        %get3A = arith.index_cast %add3A_1494 : i32 to index
        %get3A_1495 = tpu.vector_load %arg7[%get3A] {strides = array<i32>} : memref<4096xi32, #tpu.memory_space<vmem>>, vector<16xi32>,
        %add3A_1496 = arith.addi %scan3A_1490, %get3A_1495 : vector<16xi32>
        scf.yield %add3A_1496 : vector<16xi32>
      }
      %scan3A_290 = arith.constant 16 : i32
      %broadcast_in_dim3A_291 = arith.constant true
      %broadcast_in_dim3A_292 = vector.broadcast %broadcast_in_dim3A_291 : i1 to vector<16xi1>
      %masked_cumsum3A_293 = tpu.scan <sum>, %scan3A_289 masked %broadcast_in_dim3A_292 : vector<16xi32>, vector<16xi1> -> vector<16xi32>
      %sub3A_294 = arith.subi %masked_cumsum3A_293, %scan3A_289 : vector<16xi32>
      %add3A_295 = vector.broadcast %add3A_284 : i32 to vector<16xi32>
      %add3A_296 = arith.addi %sub3A_294, %add3A_295 : vector<16xi32>
      %swap3A_297 = arith.constant 80 : index
      %swap3A_298 = tpu.vector_load %arg8[%swap3A_297] {strides = array<i32>} : memref<272xi32, #tpu.memory_space<vmem>>, vector<16xi32>,
      tpu.vector_store %arg8[%swap3A_297], %add3A_296 {strides = array<i32>} : memref<272xi32, #tpu.memory_space<vmem>>, vector<16xi32>,
      %reduce_sum3A_299 = arith.constant true
      %reduce_sum3A_300 = vector.broadcast %reduce_sum3A_299 : i1 to vector<16xi1>
      %reduce_sum3A_301 = tpu.scan <sum>, %scan3A_289 masked %reduce_sum3A_300 : vector<16xi32>, vector<16xi1> -> vector<16xi32>
      %reduce_sum3A_302 = vector.extract %reduce_sum3A_301[15] : i32 from vector<16xi32>
      %add3A_303 = arith.addi %add3A_284, %reduce_sum3A_302 : i32
      %scan3A_304 = arith.constant 0 : i32
      %scan3A_305 = arith.constant 16 : i32
      %scan3A_306 = arith.addi %scan3A_304, %scan3A_305 : i32
      %scan3A_307 = arith.constant 1 : i32
      %scan3A_308 = scf.for %scan3A_1489 = %scan3A_304 to %scan3A_306 step %scan3A_307 iter_args(%scan3A_1490 = %broadcast_in_dim3A_5) -> (vector<16xi32>)  : i32 {
        %mul3A_1491 = arith.constant 256 : i32
        %mul3A_1492 = arith.muli %scan3A_1489, %mul3A_1491 : i32
        %add3A_1493 = arith.constant 96 : i32
        %add3A_1494 = arith.addi %mul3A_1492, %add3A_1493 : i32
        %get3A = arith.index_cast %add3A_1494 : i32 to index
        %get3A_1495 = tpu.vector_load %arg7[%get3A] {strides = array<i32>} : memref<4096xi32, #tpu.memory_space<vmem>>, vector<16xi32>,
        %add3A_1496 = arith.addi %scan3A_1490, %get3A_1495 : vector<16xi32>
        scf.yield %add3A_1496 : vector<16xi32>
      }
      %scan3A_309 = arith.constant 16 : i32
      %broadcast_in_dim3A_310 = arith.constant true
      %broadcast_in_dim3A_311 = vector.broadcast %broadcast_in_dim3A_310 : i1 to vector<16xi1>
      %masked_cumsum3A_312 = tpu.scan <sum>, %scan3A_308 masked %broadcast_in_dim3A_311 : vector<16xi32>, vector<16xi1> -> vector<16xi32>
      %sub3A_313 = arith.subi %masked_cumsum3A_312, %scan3A_308 : vector<16xi32>
      %add3A_314 = vector.broadcast %add3A_303 : i32 to vector<16xi32>
      %add3A_315 = arith.addi %sub3A_313, %add3A_314 : vector<16xi32>
      %swap3A_316 = arith.constant 96 : index
      %swap3A_317 = tpu.vector_load %arg8[%swap3A_316] {strides = array<i32>} : memref<272xi32, #tpu.memory_space<vmem>>, vector<16xi32>,
      tpu.vector_store %arg8[%swap3A_316], %add3A_315 {strides = array<i32>} : memref<272xi32, #tpu.memory_space<vmem>>, vector<16xi32>,
      %reduce_sum3A_318 = arith.constant true
      %reduce_sum3A_319 = vector.broadcast %reduce_sum3A_318 : i1 to vector<16xi1>
      %reduce_sum3A_320 = tpu.scan <sum>, %scan3A_308 masked %reduce_sum3A_319 : vector<16xi32>, vector<16xi1> -> vector<16xi32>
      %reduce_sum3A_321 = vector.extract %reduce_sum3A_320[15] : i32 from vector<16xi32>
      %add3A_322 = arith.addi %add3A_303, %reduce_sum3A_321 : i32
      %scan3A_323 = arith.constant 0 : i32
      %scan3A_324 = arith.constant 16 : i32
      %scan3A_325 = arith.addi %scan3A_323, %scan3A_324 : i32
      %scan3A_326 = arith.constant 1 : i32
      %scan3A_327 = scf.for %scan3A_1489 = %scan3A_323 to %scan3A_325 step %scan3A_326 iter_args(%scan3A_1490 = %broadcast_in_dim3A_5) -> (vector<16xi32>)  : i32 {
        %mul3A_1491 = arith.constant 256 : i32
        %mul3A_1492 = arith.muli %scan3A_1489, %mul3A_1491 : i32
        %add3A_1493 = arith.constant 112 : i32
        %add3A_1494 = arith.addi %mul3A_1492, %add3A_1493 : i32
        %get3A = arith.index_cast %add3A_1494 : i32 to index
        %get3A_1495 = tpu.vector_load %arg7[%get3A] {strides = array<i32>} : memref<4096xi32, #tpu.memory_space<vmem>>, vector<16xi32>,
        %add3A_1496 = arith.addi %scan3A_1490, %get3A_1495 : vector<16xi32>
        scf.yield %add3A_1496 : vector<16xi32>
      }
      %scan3A_328 = arith.constant 16 : i32
      %broadcast_in_dim3A_329 = arith.constant true
      %broadcast_in_dim3A_330 = vector.broadcast %broadcast_in_dim3A_329 : i1 to vector<16xi1>
      %masked_cumsum3A_331 = tpu.scan <sum>, %scan3A_327 masked %broadcast_in_dim3A_330 : vector<16xi32>, vector<16xi1> -> vector<16xi32>
      %sub3A_332 = arith.subi %masked_cumsum3A_331, %scan3A_327 : vector<16xi32>
      %add3A_333 = vector.broadcast %add3A_322 : i32 to vector<16xi32>
      %add3A_334 = arith.addi %sub3A_332, %add3A_333 : vector<16xi32>
      %swap3A_335 = arith.constant 112 : index
      %swap3A_336 = tpu.vector_load %arg8[%swap3A_335] {strides = array<i32>} : memref<272xi32, #tpu.memory_space<vmem>>, vector<16xi32>,
      tpu.vector_store %arg8[%swap3A_335], %add3A_334 {strides = array<i32>} : memref<272xi32, #tpu.memory_space<vmem>>, vector<16xi32>,
      %reduce_sum3A_337 = arith.constant true
      %reduce_sum3A_338 = vector.broadcast %reduce_sum3A_337 : i1 to vector<16xi1>
      %reduce_sum3A_339 = tpu.scan <sum>, %scan3A_327 masked %reduce_sum3A_338 : vector<16xi32>, vector<16xi1> -> vector<16xi32>
      %reduce_sum3A_340 = vector.extract %reduce_sum3A_339[15] : i32 from vector<16xi32>
      %add3A_341 = arith.addi %add3A_322, %reduce_sum3A_340 : i32
      %scan3A_342 = arith.constant 0 : i32
      %scan3A_343 = arith.constant 16 : i32
      %scan3A_344 = arith.addi %scan3A_342, %scan3A_343 : i32
      %scan3A_345 = arith.constant 1 : i32
      %scan3A_346 = scf.for %scan3A_1489 = %scan3A_342 to %scan3A_344 step %scan3A_345 iter_args(%scan3A_1490 = %broadcast_in_dim3A_5) -> (vector<16xi32>)  : i32 {
        %mul3A_1491 = arith.constant 256 : i32
        %mul3A_1492 = arith.muli %scan3A_1489, %mul3A_1491 : i32
        %add3A_1493 = arith.constant 128 : i32
        %add3A_1494 = arith.addi %mul3A_1492, %add3A_1493 : i32
        %get3A = arith.index_cast %add3A_1494 : i32 to index
        %get3A_1495 = tpu.vector_load %arg7[%get3A] {strides = array<i32>} : memref<4096xi32, #tpu.memory_space<vmem>>, vector<16xi32>,
        %add3A_1496 = arith.addi %scan3A_1490, %get3A_1495 : vector<16xi32>
        scf.yield %add3A_1496 : vector<16xi32>
      }
      %scan3A_347 = arith.constant 16 : i32
      %broadcast_in_dim3A_348 = arith.constant true
      %broadcast_in_dim3A_349 = vector.broadcast %broadcast_in_dim3A_348 : i1 to vector<16xi1>
      %masked_cumsum3A_350 = tpu.scan <sum>, %scan3A_346 masked %broadcast_in_dim3A_349 : vector<16xi32>, vector<16xi1> -> vector<16xi32>
      %sub3A_351 = arith.subi %masked_cumsum3A_350, %scan3A_346 : vector<16xi32>
      %add3A_352 = vector.broadcast %add3A_341 : i32 to vector<16xi32>
      %add3A_353 = arith.addi %sub3A_351, %add3A_352 : vector<16xi32>
      %swap3A_354 = arith.constant 128 : index
      %swap3A_355 = tpu.vector_load %arg8[%swap3A_354] {strides = array<i32>} : memref<272xi32, #tpu.memory_space<vmem>>, vector<16xi32>,
      tpu.vector_store %arg8[%swap3A_354], %add3A_353 {strides = array<i32>} : memref<272xi32, #tpu.memory_space<vmem>>, vector<16xi32>,
      %reduce_sum3A_356 = arith.constant true
      %reduce_sum3A_357 = vector.broadcast %reduce_sum3A_356 : i1 to vector<16xi1>
      %reduce_sum3A_358 = tpu.scan <sum>, %scan3A_346 masked %reduce_sum3A_357 : vector<16xi32>, vector<16xi1> -> vector<16xi32>
      %reduce_sum3A_359 = vector.extract %reduce_sum3A_358[15] : i32 from vector<16xi32>
      %add3A_360 = arith.addi %add3A_341, %reduce_sum3A_359 : i32
      %scan3A_361 = arith.constant 0 : i32
      %scan3A_362 = arith.constant 16 : i32
      %scan3A_363 = arith.addi %scan3A_361, %scan3A_362 : i32
      %scan3A_364 = arith.constant 1 : i32
      %scan3A_365 = scf.for %scan3A_1489 = %scan3A_361 to %scan3A_363 step %scan3A_364 iter_args(%scan3A_1490 = %broadcast_in_dim3A_5) -> (vector<16xi32>)  : i32 {
        %mul3A_1491 = arith.constant 256 : i32
        %mul3A_1492 = arith.muli %scan3A_1489, %mul3A_1491 : i32
        %add3A_1493 = arith.constant 144 : i32
        %add3A_1494 = arith.addi %mul3A_1492, %add3A_1493 : i32
        %get3A = arith.index_cast %add3A_1494 : i32 to index
        %get3A_1495 = tpu.vector_load %arg7[%get3A] {strides = array<i32>} : memref<4096xi32, #tpu.memory_space<vmem>>, vector<16xi32>,
        %add3A_1496 = arith.addi %scan3A_1490, %get3A_1495 : vector<16xi32>
        scf.yield %add3A_1496 : vector<16xi32>
      }
      %scan3A_366 = arith.constant 16 : i32
      %broadcast_in_dim3A_367 = arith.constant true
      %broadcast_in_dim3A_368 = vector.broadcast %broadcast_in_dim3A_367 : i1 to vector<16xi1>
      %masked_cumsum3A_369 = tpu.scan <sum>, %scan3A_365 masked %broadcast_in_dim3A_368 : vector<16xi32>, vector<16xi1> -> vector<16xi32>
      %sub3A_370 = arith.subi %masked_cumsum3A_369, %scan3A_365 : vector<16xi32>
      %add3A_371 = vector.broadcast %add3A_360 : i32 to vector<16xi32>
      %add3A_372 = arith.addi %sub3A_370, %add3A_371 : vector<16xi32>
      %swap3A_373 = arith.constant 144 : index
      %swap3A_374 = tpu.vector_load %arg8[%swap3A_373] {strides = array<i32>} : memref<272xi32, #tpu.memory_space<vmem>>, vector<16xi32>,
      tpu.vector_store %arg8[%swap3A_373], %add3A_372 {strides = array<i32>} : memref<272xi32, #tpu.memory_space<vmem>>, vector<16xi32>,
      %reduce_sum3A_375 = arith.constant true
      %reduce_sum3A_376 = vector.broadcast %reduce_sum3A_375 : i1 to vector<16xi1>
      %reduce_sum3A_377 = tpu.scan <sum>, %scan3A_365 masked %reduce_sum3A_376 : vector<16xi32>, vector<16xi1> -> vector<16xi32>
      %reduce_sum3A_378 = vector.extract %reduce_sum3A_377[15] : i32 from vector<16xi32>
      %add3A_379 = arith.addi %add3A_360, %reduce_sum3A_378 : i32
      %scan3A_380 = arith.constant 0 : i32
      %scan3A_381 = arith.constant 16 : i32
      %scan3A_382 = arith.addi %scan3A_380, %scan3A_381 : i32
      %scan3A_383 = arith.constant 1 : i32
      %scan3A_384 = scf.for %scan3A_1489 = %scan3A_380 to %scan3A_382 step %scan3A_383 iter_args(%scan3A_1490 = %broadcast_in_dim3A_5) -> (vector<16xi32>)  : i32 {
        %mul3A_1491 = arith.constant 256 : i32
        %mul3A_1492 = arith.muli %scan3A_1489, %mul3A_1491 : i32
        %add3A_1493 = arith.constant 160 : i32
        %add3A_1494 = arith.addi %mul3A_1492, %add3A_1493 : i32
        %get3A = arith.index_cast %add3A_1494 : i32 to index
        %get3A_1495 = tpu.vector_load %arg7[%get3A] {strides = array<i32>} : memref<4096xi32, #tpu.memory_space<vmem>>, vector<16xi32>,
        %add3A_1496 = arith.addi %scan3A_1490, %get3A_1495 : vector<16xi32>
        scf.yield %add3A_1496 : vector<16xi32>
      }
      %scan3A_385 = arith.constant 16 : i32
      %broadcast_in_dim3A_386 = arith.constant true
      %broadcast_in_dim3A_387 = vector.broadcast %broadcast_in_dim3A_386 : i1 to vector<16xi1>
      %masked_cumsum3A_388 = tpu.scan <sum>, %scan3A_384 masked %broadcast_in_dim3A_387 : vector<16xi32>, vector<16xi1> -> vector<16xi32>
      %sub3A_389 = arith.subi %masked_cumsum3A_388, %scan3A_384 : vector<16xi32>
      %add3A_390 = vector.broadcast %add3A_379 : i32 to vector<16xi32>
      %add3A_391 = arith.addi %sub3A_389, %add3A_390 : vector<16xi32>
      %swap3A_392 = arith.constant 160 : index
      %swap3A_393 = tpu.vector_load %arg8[%swap3A_392] {strides = array<i32>} : memref<272xi32, #tpu.memory_space<vmem>>, vector<16xi32>,
      tpu.vector_store %arg8[%swap3A_392], %add3A_391 {strides = array<i32>} : memref<272xi32, #tpu.memory_space<vmem>>, vector<16xi32>,
      %reduce_sum3A_394 = arith.constant true
      %reduce_sum3A_395 = vector.broadcast %reduce_sum3A_394 : i1 to vector<16xi1>
      %reduce_sum3A_396 = tpu.scan <sum>, %scan3A_384 masked %reduce_sum3A_395 : vector<16xi32>, vector<16xi1> -> vector<16xi32>
      %reduce_sum3A_397 = vector.extract %reduce_sum3A_396[15] : i32 from vector<16xi32>
      %add3A_398 = arith.addi %add3A_379, %reduce_sum3A_397 : i32
      %scan3A_399 = arith.constant 0 : i32
      %scan3A_400 = arith.constant 16 : i32
      %scan3A_401 = arith.addi %scan3A_399, %scan3A_400 : i32
      %scan3A_402 = arith.constant 1 : i32
      %scan3A_403 = scf.for %scan3A_1489 = %scan3A_399 to %scan3A_401 step %scan3A_402 iter_args(%scan3A_1490 = %broadcast_in_dim3A_5) -> (vector<16xi32>)  : i32 {
        %mul3A_1491 = arith.constant 256 : i32
        %mul3A_1492 = arith.muli %scan3A_1489, %mul3A_1491 : i32
        %add3A_1493 = arith.constant 176 : i32
        %add3A_1494 = arith.addi %mul3A_1492, %add3A_1493 : i32
        %get3A = arith.index_cast %add3A_1494 : i32 to index
        %get3A_1495 = tpu.vector_load %arg7[%get3A] {strides = array<i32>} : memref<4096xi32, #tpu.memory_space<vmem>>, vector<16xi32>,
        %add3A_1496 = arith.addi %scan3A_1490, %get3A_1495 : vector<16xi32>
        scf.yield %add3A_1496 : vector<16xi32>
      }
      %scan3A_404 = arith.constant 16 : i32
      %broadcast_in_dim3A_405 = arith.constant true
      %broadcast_in_dim3A_406 = vector.broadcast %broadcast_in_dim3A_405 : i1 to vector<16xi1>
      %masked_cumsum3A_407 = tpu.scan <sum>, %scan3A_403 masked %broadcast_in_dim3A_406 : vector<16xi32>, vector<16xi1> -> vector<16xi32>
      %sub3A_408 = arith.subi %masked_cumsum3A_407, %scan3A_403 : vector<16xi32>
      %add3A_409 = vector.broadcast %add3A_398 : i32 to vector<16xi32>
      %add3A_410 = arith.addi %sub3A_408, %add3A_409 : vector<16xi32>
      %swap3A_411 = arith.constant 176 : index
      %swap3A_412 = tpu.vector_load %arg8[%swap3A_411] {strides = array<i32>} : memref<272xi32, #tpu.memory_space<vmem>>, vector<16xi32>,
      tpu.vector_store %arg8[%swap3A_411], %add3A_410 {strides = array<i32>} : memref<272xi32, #tpu.memory_space<vmem>>, vector<16xi32>,
      %reduce_sum3A_413 = arith.constant true
      %reduce_sum3A_414 = vector.broadcast %reduce_sum3A_413 : i1 to vector<16xi1>
      %reduce_sum3A_415 = tpu.scan <sum>, %scan3A_403 masked %reduce_sum3A_414 : vector<16xi32>, vector<16xi1> -> vector<16xi32>
      %reduce_sum3A_416 = vector.extract %reduce_sum3A_415[15] : i32 from vector<16xi32>
      %add3A_417 = arith.addi %add3A_398, %reduce_sum3A_416 : i32
      %scan3A_418 = arith.constant 0 : i32
      %scan3A_419 = arith.constant 16 : i32
      %scan3A_420 = arith.addi %scan3A_418, %scan3A_419 : i32
      %scan3A_421 = arith.constant 1 : i32
      %scan3A_422 = scf.for %scan3A_1489 = %scan3A_418 to %scan3A_420 step %scan3A_421 iter_args(%scan3A_1490 = %broadcast_in_dim3A_5) -> (vector<16xi32>)  : i32 {
        %mul3A_1491 = arith.constant 256 : i32
        %mul3A_1492 = arith.muli %scan3A_1489, %mul3A_1491 : i32
        %add3A_1493 = arith.constant 192 : i32
        %add3A_1494 = arith.addi %mul3A_1492, %add3A_1493 : i32
        %get3A = arith.index_cast %add3A_1494 : i32 to index
        %get3A_1495 = tpu.vector_load %arg7[%get3A] {strides = array<i32>} : memref<4096xi32, #tpu.memory_space<vmem>>, vector<16xi32>,
        %add3A_1496 = arith.addi %scan3A_1490, %get3A_1495 : vector<16xi32>
        scf.yield %add3A_1496 : vector<16xi32>
      }
      %scan3A_423 = arith.constant 16 : i32
      %broadcast_in_dim3A_424 = arith.constant true
      %broadcast_in_dim3A_425 = vector.broadcast %broadcast_in_dim3A_424 : i1 to vector<16xi1>
      %masked_cumsum3A_426 = tpu.scan <sum>, %scan3A_422 masked %broadcast_in_dim3A_425 : vector<16xi32>, vector<16xi1> -> vector<16xi32>
      %sub3A_427 = arith.subi %masked_cumsum3A_426, %scan3A_422 : vector<16xi32>
      %add3A_428 = vector.broadcast %add3A_417 : i32 to vector<16xi32>
      %add3A_429 = arith.addi %sub3A_427, %add3A_428 : vector<16xi32>
      %swap3A_430 = arith.constant 192 : index
      %swap3A_431 = tpu.vector_load %arg8[%swap3A_430] {strides = array<i32>} : memref<272xi32, #tpu.memory_space<vmem>>, vector<16xi32>,
      tpu.vector_store %arg8[%swap3A_430], %add3A_429 {strides = array<i32>} : memref<272xi32, #tpu.memory_space<vmem>>, vector<16xi32>,
      %reduce_sum3A_432 = arith.constant true
      %reduce_sum3A_433 = vector.broadcast %reduce_sum3A_432 : i1 to vector<16xi1>
      %reduce_sum3A_434 = tpu.scan <sum>, %scan3A_422 masked %reduce_sum3A_433 : vector<16xi32>, vector<16xi1> -> vector<16xi32>
      %reduce_sum3A_435 = vector.extract %reduce_sum3A_434[15] : i32 from vector<16xi32>
      %add3A_436 = arith.addi %add3A_417, %reduce_sum3A_435 : i32
      %scan3A_437 = arith.constant 0 : i32
      %scan3A_438 = arith.constant 16 : i32
      %scan3A_439 = arith.addi %scan3A_437, %scan3A_438 : i32
      %scan3A_440 = arith.constant 1 : i32
      %scan3A_441 = scf.for %scan3A_1489 = %scan3A_437 to %scan3A_439 step %scan3A_440 iter_args(%scan3A_1490 = %broadcast_in_dim3A_5) -> (vector<16xi32>)  : i32 {
        %mul3A_1491 = arith.constant 256 : i32
        %mul3A_1492 = arith.muli %scan3A_1489, %mul3A_1491 : i32
        %add3A_1493 = arith.constant 208 : i32
        %add3A_1494 = arith.addi %mul3A_1492, %add3A_1493 : i32
        %get3A = arith.index_cast %add3A_1494 : i32 to index
        %get3A_1495 = tpu.vector_load %arg7[%get3A] {strides = array<i32>} : memref<4096xi32, #tpu.memory_space<vmem>>, vector<16xi32>,
        %add3A_1496 = arith.addi %scan3A_1490, %get3A_1495 : vector<16xi32>
        scf.yield %add3A_1496 : vector<16xi32>
      }
      %scan3A_442 = arith.constant 16 : i32
      %broadcast_in_dim3A_443 = arith.constant true
      %broadcast_in_dim3A_444 = vector.broadcast %broadcast_in_dim3A_443 : i1 to vector<16xi1>
      %masked_cumsum3A_445 = tpu.scan <sum>, %scan3A_441 masked %broadcast_in_dim3A_444 : vector<16xi32>, vector<16xi1> -> vector<16xi32>
      %sub3A_446 = arith.subi %masked_cumsum3A_445, %scan3A_441 : vector<16xi32>
      %add3A_447 = vector.broadcast %add3A_436 : i32 to vector<16xi32>
      %add3A_448 = arith.addi %sub3A_446, %add3A_447 : vector<16xi32>
      %swap3A_449 = arith.constant 208 : index
      %swap3A_450 = tpu.vector_load %arg8[%swap3A_449] {strides = array<i32>} : memref<272xi32, #tpu.memory_space<vmem>>, vector<16xi32>,
      tpu.vector_store %arg8[%swap3A_449], %add3A_448 {strides = array<i32>} : memref<272xi32, #tpu.memory_space<vmem>>, vector<16xi32>,
      %reduce_sum3A_451 = arith.constant true
      %reduce_sum3A_452 = vector.broadcast %reduce_sum3A_451 : i1 to vector<16xi1>
      %reduce_sum3A_453 = tpu.scan <sum>, %scan3A_441 masked %reduce_sum3A_452 : vector<16xi32>, vector<16xi1> -> vector<16xi32>
      %reduce_sum3A_454 = vector.extract %reduce_sum3A_453[15] : i32 from vector<16xi32>
      %add3A_455 = arith.addi %add3A_436, %reduce_sum3A_454 : i32
      %scan3A_456 = arith.constant 0 : i32
      %scan3A_457 = arith.constant 16 : i32
      %scan3A_458 = arith.addi %scan3A_456, %scan3A_457 : i32
      %scan3A_459 = arith.constant 1 : i32
      %scan3A_460 = scf.for %scan3A_1489 = %scan3A_456 to %scan3A_458 step %scan3A_459 iter_args(%scan3A_1490 = %broadcast_in_dim3A_5) -> (vector<16xi32>)  : i32 {
        %mul3A_1491 = arith.constant 256 : i32
        %mul3A_1492 = arith.muli %scan3A_1489, %mul3A_1491 : i32
        %add3A_1493 = arith.constant 224 : i32
        %add3A_1494 = arith.addi %mul3A_1492, %add3A_1493 : i32
        %get3A = arith.index_cast %add3A_1494 : i32 to index
        %get3A_1495 = tpu.vector_load %arg7[%get3A] {strides = array<i32>} : memref<4096xi32, #tpu.memory_space<vmem>>, vector<16xi32>,
        %add3A_1496 = arith.addi %scan3A_1490, %get3A_1495 : vector<16xi32>
        scf.yield %add3A_1496 : vector<16xi32>
      }
      %scan3A_461 = arith.constant 16 : i32
      %broadcast_in_dim3A_462 = arith.constant true
      %broadcast_in_dim3A_463 = vector.broadcast %broadcast_in_dim3A_462 : i1 to vector<16xi1>
      %masked_cumsum3A_464 = tpu.scan <sum>, %scan3A_460 masked %broadcast_in_dim3A_463 : vector<16xi32>, vector<16xi1> -> vector<16xi32>
      %sub3A_465 = arith.subi %masked_cumsum3A_464, %scan3A_460 : vector<16xi32>
      %add3A_466 = vector.broadcast %add3A_455 : i32 to vector<16xi32>
      %add3A_467 = arith.addi %sub3A_465, %add3A_466 : vector<16xi32>
      %swap3A_468 = arith.constant 224 : index
      %swap3A_469 = tpu.vector_load %arg8[%swap3A_468] {strides = array<i32>} : memref<272xi32, #tpu.memory_space<vmem>>, vector<16xi32>,
      tpu.vector_store %arg8[%swap3A_468], %add3A_467 {strides = array<i32>} : memref<272xi32, #tpu.memory_space<vmem>>, vector<16xi32>,
      %reduce_sum3A_470 = arith.constant true
      %reduce_sum3A_471 = vector.broadcast %reduce_sum3A_470 : i1 to vector<16xi1>
      %reduce_sum3A_472 = tpu.scan <sum>, %scan3A_460 masked %reduce_sum3A_471 : vector<16xi32>, vector<16xi1> -> vector<16xi32>
      %reduce_sum3A_473 = vector.extract %reduce_sum3A_472[15] : i32 from vector<16xi32>
      %add3A_474 = arith.addi %add3A_455, %reduce_sum3A_473 : i32
      %scan3A_475 = arith.constant 0 : i32
      %scan3A_476 = arith.constant 16 : i32
      %scan3A_477 = arith.addi %scan3A_475, %scan3A_476 : i32
      %scan3A_478 = arith.constant 1 : i32
      %scan3A_479 = scf.for %scan3A_1489 = %scan3A_475 to %scan3A_477 step %scan3A_478 iter_args(%scan3A_1490 = %broadcast_in_dim3A_5) -> (vector<16xi32>)  : i32 {
        %mul3A_1491 = arith.constant 256 : i32
        %mul3A_1492 = arith.muli %scan3A_1489, %mul3A_1491 : i32
        %add3A_1493 = arith.constant 240 : i32
        %add3A_1494 = arith.addi %mul3A_1492, %add3A_1493 : i32
        %get3A = arith.index_cast %add3A_1494 : i32 to index
        %get3A_1495 = tpu.vector_load %arg7[%get3A] {strides = array<i32>} : memref<4096xi32, #tpu.memory_space<vmem>>, vector<16xi32>,
        %add3A_1496 = arith.addi %scan3A_1490, %get3A_1495 : vector<16xi32>
        scf.yield %add3A_1496 : vector<16xi32>
      }
      %scan3A_480 = arith.constant 16 : i32
      %broadcast_in_dim3A_481 = arith.constant true
      %broadcast_in_dim3A_482 = vector.broadcast %broadcast_in_dim3A_481 : i1 to vector<16xi1>
      %masked_cumsum3A_483 = tpu.scan <sum>, %scan3A_479 masked %broadcast_in_dim3A_482 : vector<16xi32>, vector<16xi1> -> vector<16xi32>
      %sub3A_484 = arith.subi %masked_cumsum3A_483, %scan3A_479 : vector<16xi32>
      %add3A_485 = vector.broadcast %add3A_474 : i32 to vector<16xi32>
      %add3A_486 = arith.addi %sub3A_484, %add3A_485 : vector<16xi32>
      %swap3A_487 = arith.constant 240 : index
      %swap3A_488 = tpu.vector_load %arg8[%swap3A_487] {strides = array<i32>} : memref<272xi32, #tpu.memory_space<vmem>>, vector<16xi32>,
      tpu.vector_store %arg8[%swap3A_487], %add3A_486 {strides = array<i32>} : memref<272xi32, #tpu.memory_space<vmem>>, vector<16xi32>,
      %reduce_sum3A_489 = arith.constant true
      %reduce_sum3A_490 = vector.broadcast %reduce_sum3A_489 : i1 to vector<16xi1>
      %reduce_sum3A_491 = tpu.scan <sum>, %scan3A_479 masked %reduce_sum3A_490 : vector<16xi32>, vector<16xi1> -> vector<16xi32>
      %reduce_sum3A_492 = vector.extract %reduce_sum3A_491[15] : i32 from vector<16xi32>
      %add3A_493 = arith.addi %add3A_474, %reduce_sum3A_492 : i32
      %scan3A_494 = arith.constant 0 : i32
      %scan3A_495 = arith.constant 0 : i32
      %scan3A_496 = arith.constant 64 : i32
      %scan3A_497 = arith.addi %scan3A_495, %scan3A_496 : i32
      %scan3A_498 = arith.constant 1 : i32
      %scan3A_499 = scf.for %scan3A_1489 = %scan3A_495 to %scan3A_497 step %scan3A_498 iter_args(%scan3A_1490 = %scan3A_494) -> (i32)  : i32 {
        %mul3A_1491 = arith.constant 16 : i32
        %mul3A_1492 = arith.muli %scan3A_1489, %mul3A_1491 : i32
        %get3A = arith.index_cast %mul3A_1492 : i32 to index
        %get3A_1493 = tpu.vector_load %arg12[%get3A] {strides = array<i32>} : memref<2080xi32, #tpu.memory_space<vmem>>, vector<16xi32>,
        %mul3A_1494 = arith.constant 16 : i32
        %mul3A_1495 = arith.muli %scan3A_1489, %mul3A_1494 : i32
        %get3A_1496 = arith.index_cast %mul3A_1495 : i32 to index
        %get3A_1497 = tpu.vector_load %arg13[%get3A_1496] {strides = array<i32>} : memref<2080xi32, #tpu.memory_space<vmem>>, vector<16xi32>,
        %shift_right_arithmetic3A = arith.constant 0 : i32
        %shift_right_arithmetic3A_1498 = vector.broadcast %shift_right_arithmetic3A : i32 to vector<16xi32>
        %shift_right_arithmetic3A_1499 = arith.shrsi %get3A_1493, %shift_right_arithmetic3A_1498 : vector<16xi32>
        %and3A = arith.constant 255 : i32
        %and3A_1500 = vector.broadcast %and3A : i32 to vector<16xi32>
        %and3A_1501 = arith.andi %shift_right_arithmetic3A_1499, %and3A_1500 : vector<16xi32>
        %swap3A_1502 = arith.constant 16 : index
        %swap3A_1503 = tpu.vector_load %arg16[%swap3A_1502] {strides = array<i32>} : memref<48xi32, #tpu.memory_space<vmem>>, vector<16xi32>,
        tpu.vector_store %arg16[%swap3A_1502], %and3A_1501 {strides = array<i32>} : memref<48xi32, #tpu.memory_space<vmem>>, vector<16xi32>,
        %scan3A_1504 = arith.constant 1 : i32
        %scan3A_1505 = arith.constant 15 : i32
        %scan3A_1506 = arith.addi %scan3A_1504, %scan3A_1505 : i32
        %scan3A_1507 = arith.constant 1 : i32
        %scan3A_1508:2 = scf.for %scan3A_1517 = %scan3A_1504 to %scan3A_1506 step %scan3A_1507 iter_args(%scan3A_1518 = %broadcast_in_dim3A_5, %scan3A_1519 = %broadcast_in_dim3A_5) -> (vector<16xi32>, vector<16xi32>)  : i32 {
          %sub3A_1520 = arith.constant 16 : i32
          %sub3A_1521 = arith.subi %sub3A_1520, %scan3A_1517 : i32
          %get3A_1522 = arith.index_cast %sub3A_1521 : i32 to index
          %get3A_1523 = tpu.vector_load %arg16[%get3A_1522] {strides = array<i32>} : memref<48xi32, #tpu.memory_space<vmem>>, vector<16xi32>,
          %add3A_1524 = arith.constant 16 : i32
          %add3A_1525 = arith.addi %add3A_1524, %scan3A_1517 : i32
          %get3A_1526 = arith.index_cast %add3A_1525 : i32 to index
          %get3A_1527 = tpu.vector_load %arg16[%get3A_1526] {strides = array<i32>} : memref<48xi32, #tpu.memory_space<vmem>>, vector<16xi32>,
          %eq3A_1528 = arith.cmpi eq, %get3A_1523, %and3A_1501 : vector<16xi32>
          %convert_element_type3A_1529 = arith.extui %eq3A_1528 : vector<16xi1> to vector<16xi32>
          %add3A_1530 = arith.addi %scan3A_1518, %convert_element_type3A_1529 : vector<16xi32>
          %eq3A_1531 = arith.cmpi eq, %get3A_1527, %and3A_1501 : vector<16xi32>
          %convert_element_type3A_1532 = arith.extui %eq3A_1531 : vector<16xi1> to vector<16xi32>
          %add3A_1533 = arith.addi %scan3A_1519, %convert_element_type3A_1532 : vector<16xi32>
          scf.yield %add3A_1530, %add3A_1533 : vector<16xi32>, vector<16xi32>
        }
        %scan3A_1509 = arith.constant 15 : i32
        %gather3A = tpu.vector_load_idx %arg8[%and3A_1501] : memref<272xi32, #tpu.memory_space<vmem>>[vector<16xi32>], vector<16xi32>,
        %add3A_1510 = arith.addi %gather3A, %scan3A_1508#0 : vector<16xi32>
        tpu.vector_store_idx %arg14[%add3A_1510], %get3A_1493 : memref<1024xi32, #tpu.memory_space<vmem>>[vector<16xi32>], vector<16xi32>,
        tpu.vector_store_idx %arg15[%add3A_1510], %get3A_1497 : memref<1024xi32, #tpu.memory_space<vmem>>[vector<16xi32>], vector<16xi32>,
        %add3A_1511 = arith.constant 1 : i32
        %add3A_1512 = vector.broadcast %add3A_1511 : i32 to vector<16xi32>
        %add3A_1513 = arith.addi %scan3A_1508#0, %add3A_1512 : vector<16xi32>
        %eq3A = arith.constant 0 : i32
        %eq3A_1514 = vector.broadcast %eq3A : i32 to vector<16xi32>
        %eq3A_1515 = arith.cmpi eq, %scan3A_1508#1, %eq3A_1514 : vector<16xi32>
        tpu.vector_store_idx %arg8[%and3A_1501], %add3A_1513 masked %eq3A_1515 {add = true} : memref<272xi32, #tpu.memory_space<vmem>>[vector<16xi32>], vector<16xi32>, vector<16xi1>
        %scan3A_1516 = arith.constant 0 : i32
        scf.yield %scan3A_1516 : i32
      }
      %scan3A_500 = arith.constant 64 : i32
      %scan3A_501 = arith.constant 0 : i32
      %scan3A_502 = arith.constant 0 : i32
      %scan3A_503 = arith.constant 256 : i32
      %scan3A_504 = arith.addi %scan3A_502, %scan3A_503 : i32
      %scan3A_505 = arith.constant 1 : i32
      %scan3A_506 = scf.for %scan3A_1489 = %scan3A_502 to %scan3A_504 step %scan3A_505 iter_args(%scan3A_1490 = %scan3A_501) -> (i32)  : i32 {
        %mul3A_1491 = arith.constant 16 : i32
        %mul3A_1492 = arith.muli %scan3A_1489, %mul3A_1491 : i32
        %swap3A_1493 = arith.index_cast %mul3A_1492 : i32 to index
        %swap3A_1494 = tpu.vector_load %arg7[%swap3A_1493] {strides = array<i32>} : memref<4096xi32, #tpu.memory_space<vmem>>, vector<16xi32>,
        tpu.vector_store %arg7[%swap3A_1493], %broadcast_in_dim3A_5 {strides = array<i32>} : memref<4096xi32, #tpu.memory_space<vmem>>, vector<16xi32>,
        %scan3A_1495 = arith.constant 0 : i32
        scf.yield %scan3A_1495 : i32
      }
      %scan3A_507 = arith.constant 256 : i32
      %scan3A_508 = arith.constant 0 : i32
      %scan3A_509 = arith.constant 0 : i32
      %scan3A_510 = arith.constant 64 : i32
      %scan3A_511 = arith.addi %scan3A_509, %scan3A_510 : i32
      %scan3A_512 = arith.constant 1 : i32
      %scan3A_513 = scf.for %scan3A_1489 = %scan3A_509 to %scan3A_511 step %scan3A_512 iter_args(%scan3A_1490 = %scan3A_508) -> (i32)  : i32 {
        %mul3A_1491 = arith.constant 16 : i32
        %mul3A_1492 = arith.muli %scan3A_1489, %mul3A_1491 : i32
        %get3A = arith.index_cast %mul3A_1492 : i32 to index
        %get3A_1493 = tpu.vector_load %arg14[%get3A] {strides = array<i32>} : memref<1024xi32, #tpu.memory_space<vmem>>, vector<16xi32>,
        %shift_right_arithmetic3A = arith.constant 8 : i32
        %shift_right_arithmetic3A_1494 = vector.broadcast %shift_right_arithmetic3A : i32 to vector<16xi32>
        %shift_right_arithmetic3A_1495 = arith.shrsi %get3A_1493, %shift_right_arithmetic3A_1494 : vector<16xi32>
        %and3A = arith.constant 255 : i32
        %and3A_1496 = vector.broadcast %and3A : i32 to vector<16xi32>
        %and3A_1497 = arith.andi %shift_right_arithmetic3A_1495, %and3A_1496 : vector<16xi32>
        %mul3A_1498 = arith.constant 256 : i32
        %mul3A_1499 = vector.broadcast %mul3A_1498 : i32 to vector<16xi32>
        %mul3A_1500 = arith.muli %iota3A, %mul3A_1499 : vector<16xi32>
        %add3A_1501 = arith.addi %mul3A_1500, %and3A_1497 : vector<16xi32>
        %broadcast_in_dim3A_1502 = arith.constant true
        %broadcast_in_dim3A_1503 = vector.broadcast %broadcast_in_dim3A_1502 : i1 to vector<16xi1>
        tpu.vector_store_idx %arg7[%add3A_1501], %broadcast_in_dim3A_3 masked %broadcast_in_dim3A_1503 {add = true} : memref<4096xi32, #tpu.memory_space<vmem>>[vector<16xi32>], vector<16xi32>, vector<16xi1>
        %scan3A_1504 = arith.constant 0 : i32
        scf.yield %scan3A_1504 : i32
      }
      %scan3A_514 = arith.constant 64 : i32
      %scan3A_515 = arith.constant 0 : i32
      %scan3A_516 = arith.constant 16 : i32
      %scan3A_517 = arith.addi %scan3A_515, %scan3A_516 : i32
      %scan3A_518 = arith.constant 1 : i32
      %scan3A_519 = scf.for %scan3A_1489 = %scan3A_515 to %scan3A_517 step %scan3A_518 iter_args(%scan3A_1490 = %broadcast_in_dim3A_5) -> (vector<16xi32>)  : i32 {
        %mul3A_1491 = arith.constant 256 : i32
        %mul3A_1492 = arith.muli %scan3A_1489, %mul3A_1491 : i32
        %add3A_1493 = arith.constant 0 : i32
        %add3A_1494 = arith.addi %mul3A_1492, %add3A_1493 : i32
        %get3A = arith.index_cast %add3A_1494 : i32 to index
        %get3A_1495 = tpu.vector_load %arg7[%get3A] {strides = array<i32>} : memref<4096xi32, #tpu.memory_space<vmem>>, vector<16xi32>,
        %add3A_1496 = arith.addi %scan3A_1490, %get3A_1495 : vector<16xi32>
        scf.yield %add3A_1496 : vector<16xi32>
      }
      %scan3A_520 = arith.constant 16 : i32
      %broadcast_in_dim3A_521 = arith.constant true
      %broadcast_in_dim3A_522 = vector.broadcast %broadcast_in_dim3A_521 : i1 to vector<16xi1>
      %masked_cumsum3A_523 = tpu.scan <sum>, %scan3A_519 masked %broadcast_in_dim3A_522 : vector<16xi32>, vector<16xi1> -> vector<16xi32>
      %sub3A_524 = arith.subi %masked_cumsum3A_523, %scan3A_519 : vector<16xi32>
      %add3A_525 = arith.constant 0 : i32
      %add3A_526 = vector.broadcast %add3A_525 : i32 to vector<16xi32>
      %add3A_527 = arith.addi %sub3A_524, %add3A_526 : vector<16xi32>
      %swap3A_528 = arith.constant 0 : index
      %swap3A_529 = tpu.vector_load %arg8[%swap3A_528] {strides = array<i32>} : memref<272xi32, #tpu.memory_space<vmem>>, vector<16xi32>,
      tpu.vector_store %arg8[%swap3A_528], %add3A_527 {strides = array<i32>} : memref<272xi32, #tpu.memory_space<vmem>>, vector<16xi32>,
      %reduce_sum3A_530 = arith.constant true
      %reduce_sum3A_531 = vector.broadcast %reduce_sum3A_530 : i1 to vector<16xi1>
      %reduce_sum3A_532 = tpu.scan <sum>, %scan3A_519 masked %reduce_sum3A_531 : vector<16xi32>, vector<16xi1> -> vector<16xi32>
      %reduce_sum3A_533 = vector.extract %reduce_sum3A_532[15] : i32 from vector<16xi32>
      %add3A_534 = arith.constant 0 : i32
      %add3A_535 = arith.addi %add3A_534, %reduce_sum3A_533 : i32
      %scan3A_536 = arith.constant 0 : i32
      %scan3A_537 = arith.constant 16 : i32
      %scan3A_538 = arith.addi %scan3A_536, %scan3A_537 : i32
      %scan3A_539 = arith.constant 1 : i32
      %scan3A_540 = scf.for %scan3A_1489 = %scan3A_536 to %scan3A_538 step %scan3A_539 iter_args(%scan3A_1490 = %broadcast_in_dim3A_5) -> (vector<16xi32>)  : i32 {
        %mul3A_1491 = arith.constant 256 : i32
        %mul3A_1492 = arith.muli %scan3A_1489, %mul3A_1491 : i32
        %add3A_1493 = arith.constant 16 : i32
        %add3A_1494 = arith.addi %mul3A_1492, %add3A_1493 : i32
        %get3A = arith.index_cast %add3A_1494 : i32 to index
        %get3A_1495 = tpu.vector_load %arg7[%get3A] {strides = array<i32>} : memref<4096xi32, #tpu.memory_space<vmem>>, vector<16xi32>,
        %add3A_1496 = arith.addi %scan3A_1490, %get3A_1495 : vector<16xi32>
        scf.yield %add3A_1496 : vector<16xi32>
      }
      %scan3A_541 = arith.constant 16 : i32
      %broadcast_in_dim3A_542 = arith.constant true
      %broadcast_in_dim3A_543 = vector.broadcast %broadcast_in_dim3A_542 : i1 to vector<16xi1>
      %masked_cumsum3A_544 = tpu.scan <sum>, %scan3A_540 masked %broadcast_in_dim3A_543 : vector<16xi32>, vector<16xi1> -> vector<16xi32>
      %sub3A_545 = arith.subi %masked_cumsum3A_544, %scan3A_540 : vector<16xi32>
      %add3A_546 = vector.broadcast %add3A_535 : i32 to vector<16xi32>
      %add3A_547 = arith.addi %sub3A_545, %add3A_546 : vector<16xi32>
      %swap3A_548 = arith.constant 16 : index
      %swap3A_549 = tpu.vector_load %arg8[%swap3A_548] {strides = array<i32>} : memref<272xi32, #tpu.memory_space<vmem>>, vector<16xi32>,
      tpu.vector_store %arg8[%swap3A_548], %add3A_547 {strides = array<i32>} : memref<272xi32, #tpu.memory_space<vmem>>, vector<16xi32>,
      %reduce_sum3A_550 = arith.constant true
      %reduce_sum3A_551 = vector.broadcast %reduce_sum3A_550 : i1 to vector<16xi1>
      %reduce_sum3A_552 = tpu.scan <sum>, %scan3A_540 masked %reduce_sum3A_551 : vector<16xi32>, vector<16xi1> -> vector<16xi32>
      %reduce_sum3A_553 = vector.extract %reduce_sum3A_552[15] : i32 from vector<16xi32>
      %add3A_554 = arith.addi %add3A_535, %reduce_sum3A_553 : i32
      %scan3A_555 = arith.constant 0 : i32
      %scan3A_556 = arith.constant 16 : i32
      %scan3A_557 = arith.addi %scan3A_555, %scan3A_556 : i32
      %scan3A_558 = arith.constant 1 : i32
      %scan3A_559 = scf.for %scan3A_1489 = %scan3A_555 to %scan3A_557 step %scan3A_558 iter_args(%scan3A_1490 = %broadcast_in_dim3A_5) -> (vector<16xi32>)  : i32 {
        %mul3A_1491 = arith.constant 256 : i32
        %mul3A_1492 = arith.muli %scan3A_1489, %mul3A_1491 : i32
        %add3A_1493 = arith.constant 32 : i32
        %add3A_1494 = arith.addi %mul3A_1492, %add3A_1493 : i32
        %get3A = arith.index_cast %add3A_1494 : i32 to index
        %get3A_1495 = tpu.vector_load %arg7[%get3A] {strides = array<i32>} : memref<4096xi32, #tpu.memory_space<vmem>>, vector<16xi32>,
        %add3A_1496 = arith.addi %scan3A_1490, %get3A_1495 : vector<16xi32>
        scf.yield %add3A_1496 : vector<16xi32>
      }
      %scan3A_560 = arith.constant 16 : i32
      %broadcast_in_dim3A_561 = arith.constant true
      %broadcast_in_dim3A_562 = vector.broadcast %broadcast_in_dim3A_561 : i1 to vector<16xi1>
      %masked_cumsum3A_563 = tpu.scan <sum>, %scan3A_559 masked %broadcast_in_dim3A_562 : vector<16xi32>, vector<16xi1> -> vector<16xi32>
      %sub3A_564 = arith.subi %masked_cumsum3A_563, %scan3A_559 : vector<16xi32>
      %add3A_565 = vector.broadcast %add3A_554 : i32 to vector<16xi32>
      %add3A_566 = arith.addi %sub3A_564, %add3A_565 : vector<16xi32>
      %swap3A_567 = arith.constant 32 : index
      %swap3A_568 = tpu.vector_load %arg8[%swap3A_567] {strides = array<i32>} : memref<272xi32, #tpu.memory_space<vmem>>, vector<16xi32>,
      tpu.vector_store %arg8[%swap3A_567], %add3A_566 {strides = array<i32>} : memref<272xi32, #tpu.memory_space<vmem>>, vector<16xi32>,
      %reduce_sum3A_569 = arith.constant true
      %reduce_sum3A_570 = vector.broadcast %reduce_sum3A_569 : i1 to vector<16xi1>
      %reduce_sum3A_571 = tpu.scan <sum>, %scan3A_559 masked %reduce_sum3A_570 : vector<16xi32>, vector<16xi1> -> vector<16xi32>
      %reduce_sum3A_572 = vector.extract %reduce_sum3A_571[15] : i32 from vector<16xi32>
      %add3A_573 = arith.addi %add3A_554, %reduce_sum3A_572 : i32
      %scan3A_574 = arith.constant 0 : i32
      %scan3A_575 = arith.constant 16 : i32
      %scan3A_576 = arith.addi %scan3A_574, %scan3A_575 : i32
      %scan3A_577 = arith.constant 1 : i32
      %scan3A_578 = scf.for %scan3A_1489 = %scan3A_574 to %scan3A_576 step %scan3A_577 iter_args(%scan3A_1490 = %broadcast_in_dim3A_5) -> (vector<16xi32>)  : i32 {
        %mul3A_1491 = arith.constant 256 : i32
        %mul3A_1492 = arith.muli %scan3A_1489, %mul3A_1491 : i32
        %add3A_1493 = arith.constant 48 : i32
        %add3A_1494 = arith.addi %mul3A_1492, %add3A_1493 : i32
        %get3A = arith.index_cast %add3A_1494 : i32 to index
        %get3A_1495 = tpu.vector_load %arg7[%get3A] {strides = array<i32>} : memref<4096xi32, #tpu.memory_space<vmem>>, vector<16xi32>,
        %add3A_1496 = arith.addi %scan3A_1490, %get3A_1495 : vector<16xi32>
        scf.yield %add3A_1496 : vector<16xi32>
      }
      %scan3A_579 = arith.constant 16 : i32
      %broadcast_in_dim3A_580 = arith.constant true
      %broadcast_in_dim3A_581 = vector.broadcast %broadcast_in_dim3A_580 : i1 to vector<16xi1>
      %masked_cumsum3A_582 = tpu.scan <sum>, %scan3A_578 masked %broadcast_in_dim3A_581 : vector<16xi32>, vector<16xi1> -> vector<16xi32>
      %sub3A_583 = arith.subi %masked_cumsum3A_582, %scan3A_578 : vector<16xi32>
      %add3A_584 = vector.broadcast %add3A_573 : i32 to vector<16xi32>
      %add3A_585 = arith.addi %sub3A_583, %add3A_584 : vector<16xi32>
      %swap3A_586 = arith.constant 48 : index
      %swap3A_587 = tpu.vector_load %arg8[%swap3A_586] {strides = array<i32>} : memref<272xi32, #tpu.memory_space<vmem>>, vector<16xi32>,
      tpu.vector_store %arg8[%swap3A_586], %add3A_585 {strides = array<i32>} : memref<272xi32, #tpu.memory_space<vmem>>, vector<16xi32>,
      %reduce_sum3A_588 = arith.constant true
      %reduce_sum3A_589 = vector.broadcast %reduce_sum3A_588 : i1 to vector<16xi1>
      %reduce_sum3A_590 = tpu.scan <sum>, %scan3A_578 masked %reduce_sum3A_589 : vector<16xi32>, vector<16xi1> -> vector<16xi32>
      %reduce_sum3A_591 = vector.extract %reduce_sum3A_590[15] : i32 from vector<16xi32>
      %add3A_592 = arith.addi %add3A_573, %reduce_sum3A_591 : i32
      %scan3A_593 = arith.constant 0 : i32
      %scan3A_594 = arith.constant 16 : i32
      %scan3A_595 = arith.addi %scan3A_593, %scan3A_594 : i32
      %scan3A_596 = arith.constant 1 : i32
      %scan3A_597 = scf.for %scan3A_1489 = %scan3A_593 to %scan3A_595 step %scan3A_596 iter_args(%scan3A_1490 = %broadcast_in_dim3A_5) -> (vector<16xi32>)  : i32 {
        %mul3A_1491 = arith.constant 256 : i32
        %mul3A_1492 = arith.muli %scan3A_1489, %mul3A_1491 : i32
        %add3A_1493 = arith.constant 64 : i32
        %add3A_1494 = arith.addi %mul3A_1492, %add3A_1493 : i32
        %get3A = arith.index_cast %add3A_1494 : i32 to index
        %get3A_1495 = tpu.vector_load %arg7[%get3A] {strides = array<i32>} : memref<4096xi32, #tpu.memory_space<vmem>>, vector<16xi32>,
        %add3A_1496 = arith.addi %scan3A_1490, %get3A_1495 : vector<16xi32>
        scf.yield %add3A_1496 : vector<16xi32>
      }
      %scan3A_598 = arith.constant 16 : i32
      %broadcast_in_dim3A_599 = arith.constant true
      %broadcast_in_dim3A_600 = vector.broadcast %broadcast_in_dim3A_599 : i1 to vector<16xi1>
      %masked_cumsum3A_601 = tpu.scan <sum>, %scan3A_597 masked %broadcast_in_dim3A_600 : vector<16xi32>, vector<16xi1> -> vector<16xi32>
      %sub3A_602 = arith.subi %masked_cumsum3A_601, %scan3A_597 : vector<16xi32>
      %add3A_603 = vector.broadcast %add3A_592 : i32 to vector<16xi32>
      %add3A_604 = arith.addi %sub3A_602, %add3A_603 : vector<16xi32>
      %swap3A_605 = arith.constant 64 : index
      %swap3A_606 = tpu.vector_load %arg8[%swap3A_605] {strides = array<i32>} : memref<272xi32, #tpu.memory_space<vmem>>, vector<16xi32>,
      tpu.vector_store %arg8[%swap3A_605], %add3A_604 {strides = array<i32>} : memref<272xi32, #tpu.memory_space<vmem>>, vector<16xi32>,
      %reduce_sum3A_607 = arith.constant true
      %reduce_sum3A_608 = vector.broadcast %reduce_sum3A_607 : i1 to vector<16xi1>
      %reduce_sum3A_609 = tpu.scan <sum>, %scan3A_597 masked %reduce_sum3A_608 : vector<16xi32>, vector<16xi1> -> vector<16xi32>
      %reduce_sum3A_610 = vector.extract %reduce_sum3A_609[15] : i32 from vector<16xi32>
      %add3A_611 = arith.addi %add3A_592, %reduce_sum3A_610 : i32
      %scan3A_612 = arith.constant 0 : i32
      %scan3A_613 = arith.constant 16 : i32
      %scan3A_614 = arith.addi %scan3A_612, %scan3A_613 : i32
      %scan3A_615 = arith.constant 1 : i32
      %scan3A_616 = scf.for %scan3A_1489 = %scan3A_612 to %scan3A_614 step %scan3A_615 iter_args(%scan3A_1490 = %broadcast_in_dim3A_5) -> (vector<16xi32>)  : i32 {
        %mul3A_1491 = arith.constant 256 : i32
        %mul3A_1492 = arith.muli %scan3A_1489, %mul3A_1491 : i32
        %add3A_1493 = arith.constant 80 : i32
        %add3A_1494 = arith.addi %mul3A_1492, %add3A_1493 : i32
        %get3A = arith.index_cast %add3A_1494 : i32 to index
        %get3A_1495 = tpu.vector_load %arg7[%get3A] {strides = array<i32>} : memref<4096xi32, #tpu.memory_space<vmem>>, vector<16xi32>,
        %add3A_1496 = arith.addi %scan3A_1490, %get3A_1495 : vector<16xi32>
        scf.yield %add3A_1496 : vector<16xi32>
      }
      %scan3A_617 = arith.constant 16 : i32
      %broadcast_in_dim3A_618 = arith.constant true
      %broadcast_in_dim3A_619 = vector.broadcast %broadcast_in_dim3A_618 : i1 to vector<16xi1>
      %masked_cumsum3A_620 = tpu.scan <sum>, %scan3A_616 masked %broadcast_in_dim3A_619 : vector<16xi32>, vector<16xi1> -> vector<16xi32>
      %sub3A_621 = arith.subi %masked_cumsum3A_620, %scan3A_616 : vector<16xi32>
      %add3A_622 = vector.broadcast %add3A_611 : i32 to vector<16xi32>
      %add3A_623 = arith.addi %sub3A_621, %add3A_622 : vector<16xi32>
      %swap3A_624 = arith.constant 80 : index
      %swap3A_625 = tpu.vector_load %arg8[%swap3A_624] {strides = array<i32>} : memref<272xi32, #tpu.memory_space<vmem>>, vector<16xi32>,
      tpu.vector_store %arg8[%swap3A_624], %add3A_623 {strides = array<i32>} : memref<272xi32, #tpu.memory_space<vmem>>, vector<16xi32>,
      %reduce_sum3A_626 = arith.constant true
      %reduce_sum3A_627 = vector.broadcast %reduce_sum3A_626 : i1 to vector<16xi1>
      %reduce_sum3A_628 = tpu.scan <sum>, %scan3A_616 masked %reduce_sum3A_627 : vector<16xi32>, vector<16xi1> -> vector<16xi32>
      %reduce_sum3A_629 = vector.extract %reduce_sum3A_628[15] : i32 from vector<16xi32>
      %add3A_630 = arith.addi %add3A_611, %reduce_sum3A_629 : i32
      %scan3A_631 = arith.constant 0 : i32
      %scan3A_632 = arith.constant 16 : i32
      %scan3A_633 = arith.addi %scan3A_631, %scan3A_632 : i32
      %scan3A_634 = arith.constant 1 : i32
      %scan3A_635 = scf.for %scan3A_1489 = %scan3A_631 to %scan3A_633 step %scan3A_634 iter_args(%scan3A_1490 = %broadcast_in_dim3A_5) -> (vector<16xi32>)  : i32 {
        %mul3A_1491 = arith.constant 256 : i32
        %mul3A_1492 = arith.muli %scan3A_1489, %mul3A_1491 : i32
        %add3A_1493 = arith.constant 96 : i32
        %add3A_1494 = arith.addi %mul3A_1492, %add3A_1493 : i32
        %get3A = arith.index_cast %add3A_1494 : i32 to index
        %get3A_1495 = tpu.vector_load %arg7[%get3A] {strides = array<i32>} : memref<4096xi32, #tpu.memory_space<vmem>>, vector<16xi32>,
        %add3A_1496 = arith.addi %scan3A_1490, %get3A_1495 : vector<16xi32>
        scf.yield %add3A_1496 : vector<16xi32>
      }
      %scan3A_636 = arith.constant 16 : i32
      %broadcast_in_dim3A_637 = arith.constant true
      %broadcast_in_dim3A_638 = vector.broadcast %broadcast_in_dim3A_637 : i1 to vector<16xi1>
      %masked_cumsum3A_639 = tpu.scan <sum>, %scan3A_635 masked %broadcast_in_dim3A_638 : vector<16xi32>, vector<16xi1> -> vector<16xi32>
      %sub3A_640 = arith.subi %masked_cumsum3A_639, %scan3A_635 : vector<16xi32>
      %add3A_641 = vector.broadcast %add3A_630 : i32 to vector<16xi32>
      %add3A_642 = arith.addi %sub3A_640, %add3A_641 : vector<16xi32>
      %swap3A_643 = arith.constant 96 : index
      %swap3A_644 = tpu.vector_load %arg8[%swap3A_643] {strides = array<i32>} : memref<272xi32, #tpu.memory_space<vmem>>, vector<16xi32>,
      tpu.vector_store %arg8[%swap3A_643], %add3A_642 {strides = array<i32>} : memref<272xi32, #tpu.memory_space<vmem>>, vector<16xi32>,
      %reduce_sum3A_645 = arith.constant true
      %reduce_sum3A_646 = vector.broadcast %reduce_sum3A_645 : i1 to vector<16xi1>
      %reduce_sum3A_647 = tpu.scan <sum>, %scan3A_635 masked %reduce_sum3A_646 : vector<16xi32>, vector<16xi1> -> vector<16xi32>
      %reduce_sum3A_648 = vector.extract %reduce_sum3A_647[15] : i32 from vector<16xi32>
      %add3A_649 = arith.addi %add3A_630, %reduce_sum3A_648 : i32
      %scan3A_650 = arith.constant 0 : i32
      %scan3A_651 = arith.constant 16 : i32
      %scan3A_652 = arith.addi %scan3A_650, %scan3A_651 : i32
      %scan3A_653 = arith.constant 1 : i32
      %scan3A_654 = scf.for %scan3A_1489 = %scan3A_650 to %scan3A_652 step %scan3A_653 iter_args(%scan3A_1490 = %broadcast_in_dim3A_5) -> (vector<16xi32>)  : i32 {
        %mul3A_1491 = arith.constant 256 : i32
        %mul3A_1492 = arith.muli %scan3A_1489, %mul3A_1491 : i32
        %add3A_1493 = arith.constant 112 : i32
        %add3A_1494 = arith.addi %mul3A_1492, %add3A_1493 : i32
        %get3A = arith.index_cast %add3A_1494 : i32 to index
        %get3A_1495 = tpu.vector_load %arg7[%get3A] {strides = array<i32>} : memref<4096xi32, #tpu.memory_space<vmem>>, vector<16xi32>,
        %add3A_1496 = arith.addi %scan3A_1490, %get3A_1495 : vector<16xi32>
        scf.yield %add3A_1496 : vector<16xi32>
      }
      %scan3A_655 = arith.constant 16 : i32
      %broadcast_in_dim3A_656 = arith.constant true
      %broadcast_in_dim3A_657 = vector.broadcast %broadcast_in_dim3A_656 : i1 to vector<16xi1>
      %masked_cumsum3A_658 = tpu.scan <sum>, %scan3A_654 masked %broadcast_in_dim3A_657 : vector<16xi32>, vector<16xi1> -> vector<16xi32>
      %sub3A_659 = arith.subi %masked_cumsum3A_658, %scan3A_654 : vector<16xi32>
      %add3A_660 = vector.broadcast %add3A_649 : i32 to vector<16xi32>
      %add3A_661 = arith.addi %sub3A_659, %add3A_660 : vector<16xi32>
      %swap3A_662 = arith.constant 112 : index
      %swap3A_663 = tpu.vector_load %arg8[%swap3A_662] {strides = array<i32>} : memref<272xi32, #tpu.memory_space<vmem>>, vector<16xi32>,
      tpu.vector_store %arg8[%swap3A_662], %add3A_661 {strides = array<i32>} : memref<272xi32, #tpu.memory_space<vmem>>, vector<16xi32>,
      %reduce_sum3A_664 = arith.constant true
      %reduce_sum3A_665 = vector.broadcast %reduce_sum3A_664 : i1 to vector<16xi1>
      %reduce_sum3A_666 = tpu.scan <sum>, %scan3A_654 masked %reduce_sum3A_665 : vector<16xi32>, vector<16xi1> -> vector<16xi32>
      %reduce_sum3A_667 = vector.extract %reduce_sum3A_666[15] : i32 from vector<16xi32>
      %add3A_668 = arith.addi %add3A_649, %reduce_sum3A_667 : i32
      %scan3A_669 = arith.constant 0 : i32
      %scan3A_670 = arith.constant 16 : i32
      %scan3A_671 = arith.addi %scan3A_669, %scan3A_670 : i32
      %scan3A_672 = arith.constant 1 : i32
      %scan3A_673 = scf.for %scan3A_1489 = %scan3A_669 to %scan3A_671 step %scan3A_672 iter_args(%scan3A_1490 = %broadcast_in_dim3A_5) -> (vector<16xi32>)  : i32 {
        %mul3A_1491 = arith.constant 256 : i32
        %mul3A_1492 = arith.muli %scan3A_1489, %mul3A_1491 : i32
        %add3A_1493 = arith.constant 128 : i32
        %add3A_1494 = arith.addi %mul3A_1492, %add3A_1493 : i32
        %get3A = arith.index_cast %add3A_1494 : i32 to index
        %get3A_1495 = tpu.vector_load %arg7[%get3A] {strides = array<i32>} : memref<4096xi32, #tpu.memory_space<vmem>>, vector<16xi32>,
        %add3A_1496 = arith.addi %scan3A_1490, %get3A_1495 : vector<16xi32>
        scf.yield %add3A_1496 : vector<16xi32>
      }
      %scan3A_674 = arith.constant 16 : i32
      %broadcast_in_dim3A_675 = arith.constant true
      %broadcast_in_dim3A_676 = vector.broadcast %broadcast_in_dim3A_675 : i1 to vector<16xi1>
      %masked_cumsum3A_677 = tpu.scan <sum>, %scan3A_673 masked %broadcast_in_dim3A_676 : vector<16xi32>, vector<16xi1> -> vector<16xi32>
      %sub3A_678 = arith.subi %masked_cumsum3A_677, %scan3A_673 : vector<16xi32>
      %add3A_679 = vector.broadcast %add3A_668 : i32 to vector<16xi32>
      %add3A_680 = arith.addi %sub3A_678, %add3A_679 : vector<16xi32>
      %swap3A_681 = arith.constant 128 : index
      %swap3A_682 = tpu.vector_load %arg8[%swap3A_681] {strides = array<i32>} : memref<272xi32, #tpu.memory_space<vmem>>, vector<16xi32>,
      tpu.vector_store %arg8[%swap3A_681], %add3A_680 {strides = array<i32>} : memref<272xi32, #tpu.memory_space<vmem>>, vector<16xi32>,
      %reduce_sum3A_683 = arith.constant true
      %reduce_sum3A_684 = vector.broadcast %reduce_sum3A_683 : i1 to vector<16xi1>
      %reduce_sum3A_685 = tpu.scan <sum>, %scan3A_673 masked %reduce_sum3A_684 : vector<16xi32>, vector<16xi1> -> vector<16xi32>
      %reduce_sum3A_686 = vector.extract %reduce_sum3A_685[15] : i32 from vector<16xi32>
      %add3A_687 = arith.addi %add3A_668, %reduce_sum3A_686 : i32
      %scan3A_688 = arith.constant 0 : i32
      %scan3A_689 = arith.constant 16 : i32
      %scan3A_690 = arith.addi %scan3A_688, %scan3A_689 : i32
      %scan3A_691 = arith.constant 1 : i32
      %scan3A_692 = scf.for %scan3A_1489 = %scan3A_688 to %scan3A_690 step %scan3A_691 iter_args(%scan3A_1490 = %broadcast_in_dim3A_5) -> (vector<16xi32>)  : i32 {
        %mul3A_1491 = arith.constant 256 : i32
        %mul3A_1492 = arith.muli %scan3A_1489, %mul3A_1491 : i32
        %add3A_1493 = arith.constant 144 : i32
        %add3A_1494 = arith.addi %mul3A_1492, %add3A_1493 : i32
        %get3A = arith.index_cast %add3A_1494 : i32 to index
        %get3A_1495 = tpu.vector_load %arg7[%get3A] {strides = array<i32>} : memref<4096xi32, #tpu.memory_space<vmem>>, vector<16xi32>,
        %add3A_1496 = arith.addi %scan3A_1490, %get3A_1495 : vector<16xi32>
        scf.yield %add3A_1496 : vector<16xi32>
      }
      %scan3A_693 = arith.constant 16 : i32
      %broadcast_in_dim3A_694 = arith.constant true
      %broadcast_in_dim3A_695 = vector.broadcast %broadcast_in_dim3A_694 : i1 to vector<16xi1>
      %masked_cumsum3A_696 = tpu.scan <sum>, %scan3A_692 masked %broadcast_in_dim3A_695 : vector<16xi32>, vector<16xi1> -> vector<16xi32>
      %sub3A_697 = arith.subi %masked_cumsum3A_696, %scan3A_692 : vector<16xi32>
      %add3A_698 = vector.broadcast %add3A_687 : i32 to vector<16xi32>
      %add3A_699 = arith.addi %sub3A_697, %add3A_698 : vector<16xi32>
      %swap3A_700 = arith.constant 144 : index
      %swap3A_701 = tpu.vector_load %arg8[%swap3A_700] {strides = array<i32>} : memref<272xi32, #tpu.memory_space<vmem>>, vector<16xi32>,
      tpu.vector_store %arg8[%swap3A_700], %add3A_699 {strides = array<i32>} : memref<272xi32, #tpu.memory_space<vmem>>, vector<16xi32>,
      %reduce_sum3A_702 = arith.constant true
      %reduce_sum3A_703 = vector.broadcast %reduce_sum3A_702 : i1 to vector<16xi1>
      %reduce_sum3A_704 = tpu.scan <sum>, %scan3A_692 masked %reduce_sum3A_703 : vector<16xi32>, vector<16xi1> -> vector<16xi32>
      %reduce_sum3A_705 = vector.extract %reduce_sum3A_704[15] : i32 from vector<16xi32>
      %add3A_706 = arith.addi %add3A_687, %reduce_sum3A_705 : i32
      %scan3A_707 = arith.constant 0 : i32
      %scan3A_708 = arith.constant 16 : i32
      %scan3A_709 = arith.addi %scan3A_707, %scan3A_708 : i32
      %scan3A_710 = arith.constant 1 : i32
      %scan3A_711 = scf.for %scan3A_1489 = %scan3A_707 to %scan3A_709 step %scan3A_710 iter_args(%scan3A_1490 = %broadcast_in_dim3A_5) -> (vector<16xi32>)  : i32 {
        %mul3A_1491 = arith.constant 256 : i32
        %mul3A_1492 = arith.muli %scan3A_1489, %mul3A_1491 : i32
        %add3A_1493 = arith.constant 160 : i32
        %add3A_1494 = arith.addi %mul3A_1492, %add3A_1493 : i32
        %get3A = arith.index_cast %add3A_1494 : i32 to index
        %get3A_1495 = tpu.vector_load %arg7[%get3A] {strides = array<i32>} : memref<4096xi32, #tpu.memory_space<vmem>>, vector<16xi32>,
        %add3A_1496 = arith.addi %scan3A_1490, %get3A_1495 : vector<16xi32>
        scf.yield %add3A_1496 : vector<16xi32>
      }
      %scan3A_712 = arith.constant 16 : i32
      %broadcast_in_dim3A_713 = arith.constant true
      %broadcast_in_dim3A_714 = vector.broadcast %broadcast_in_dim3A_713 : i1 to vector<16xi1>
      %masked_cumsum3A_715 = tpu.scan <sum>, %scan3A_711 masked %broadcast_in_dim3A_714 : vector<16xi32>, vector<16xi1> -> vector<16xi32>
      %sub3A_716 = arith.subi %masked_cumsum3A_715, %scan3A_711 : vector<16xi32>
      %add3A_717 = vector.broadcast %add3A_706 : i32 to vector<16xi32>
      %add3A_718 = arith.addi %sub3A_716, %add3A_717 : vector<16xi32>
      %swap3A_719 = arith.constant 160 : index
      %swap3A_720 = tpu.vector_load %arg8[%swap3A_719] {strides = array<i32>} : memref<272xi32, #tpu.memory_space<vmem>>, vector<16xi32>,
      tpu.vector_store %arg8[%swap3A_719], %add3A_718 {strides = array<i32>} : memref<272xi32, #tpu.memory_space<vmem>>, vector<16xi32>,
      %reduce_sum3A_721 = arith.constant true
      %reduce_sum3A_722 = vector.broadcast %reduce_sum3A_721 : i1 to vector<16xi1>
      %reduce_sum3A_723 = tpu.scan <sum>, %scan3A_711 masked %reduce_sum3A_722 : vector<16xi32>, vector<16xi1> -> vector<16xi32>
      %reduce_sum3A_724 = vector.extract %reduce_sum3A_723[15] : i32 from vector<16xi32>
      %add3A_725 = arith.addi %add3A_706, %reduce_sum3A_724 : i32
      %scan3A_726 = arith.constant 0 : i32
      %scan3A_727 = arith.constant 16 : i32
      %scan3A_728 = arith.addi %scan3A_726, %scan3A_727 : i32
      %scan3A_729 = arith.constant 1 : i32
      %scan3A_730 = scf.for %scan3A_1489 = %scan3A_726 to %scan3A_728 step %scan3A_729 iter_args(%scan3A_1490 = %broadcast_in_dim3A_5) -> (vector<16xi32>)  : i32 {
        %mul3A_1491 = arith.constant 256 : i32
        %mul3A_1492 = arith.muli %scan3A_1489, %mul3A_1491 : i32
        %add3A_1493 = arith.constant 176 : i32
        %add3A_1494 = arith.addi %mul3A_1492, %add3A_1493 : i32
        %get3A = arith.index_cast %add3A_1494 : i32 to index
        %get3A_1495 = tpu.vector_load %arg7[%get3A] {strides = array<i32>} : memref<4096xi32, #tpu.memory_space<vmem>>, vector<16xi32>,
        %add3A_1496 = arith.addi %scan3A_1490, %get3A_1495 : vector<16xi32>
        scf.yield %add3A_1496 : vector<16xi32>
      }
      %scan3A_731 = arith.constant 16 : i32
      %broadcast_in_dim3A_732 = arith.constant true
      %broadcast_in_dim3A_733 = vector.broadcast %broadcast_in_dim3A_732 : i1 to vector<16xi1>
      %masked_cumsum3A_734 = tpu.scan <sum>, %scan3A_730 masked %broadcast_in_dim3A_733 : vector<16xi32>, vector<16xi1> -> vector<16xi32>
      %sub3A_735 = arith.subi %masked_cumsum3A_734, %scan3A_730 : vector<16xi32>
      %add3A_736 = vector.broadcast %add3A_725 : i32 to vector<16xi32>
      %add3A_737 = arith.addi %sub3A_735, %add3A_736 : vector<16xi32>
      %swap3A_738 = arith.constant 176 : index
      %swap3A_739 = tpu.vector_load %arg8[%swap3A_738] {strides = array<i32>} : memref<272xi32, #tpu.memory_space<vmem>>, vector<16xi32>,
      tpu.vector_store %arg8[%swap3A_738], %add3A_737 {strides = array<i32>} : memref<272xi32, #tpu.memory_space<vmem>>, vector<16xi32>,
      %reduce_sum3A_740 = arith.constant true
      %reduce_sum3A_741 = vector.broadcast %reduce_sum3A_740 : i1 to vector<16xi1>
      %reduce_sum3A_742 = tpu.scan <sum>, %scan3A_730 masked %reduce_sum3A_741 : vector<16xi32>, vector<16xi1> -> vector<16xi32>
      %reduce_sum3A_743 = vector.extract %reduce_sum3A_742[15] : i32 from vector<16xi32>
      %add3A_744 = arith.addi %add3A_725, %reduce_sum3A_743 : i32
      %scan3A_745 = arith.constant 0 : i32
      %scan3A_746 = arith.constant 16 : i32
      %scan3A_747 = arith.addi %scan3A_745, %scan3A_746 : i32
      %scan3A_748 = arith.constant 1 : i32
      %scan3A_749 = scf.for %scan3A_1489 = %scan3A_745 to %scan3A_747 step %scan3A_748 iter_args(%scan3A_1490 = %broadcast_in_dim3A_5) -> (vector<16xi32>)  : i32 {
        %mul3A_1491 = arith.constant 256 : i32
        %mul3A_1492 = arith.muli %scan3A_1489, %mul3A_1491 : i32
        %add3A_1493 = arith.constant 192 : i32
        %add3A_1494 = arith.addi %mul3A_1492, %add3A_1493 : i32
        %get3A = arith.index_cast %add3A_1494 : i32 to index
        %get3A_1495 = tpu.vector_load %arg7[%get3A] {strides = array<i32>} : memref<4096xi32, #tpu.memory_space<vmem>>, vector<16xi32>,
        %add3A_1496 = arith.addi %scan3A_1490, %get3A_1495 : vector<16xi32>
        scf.yield %add3A_1496 : vector<16xi32>
      }
      %scan3A_750 = arith.constant 16 : i32
      %broadcast_in_dim3A_751 = arith.constant true
      %broadcast_in_dim3A_752 = vector.broadcast %broadcast_in_dim3A_751 : i1 to vector<16xi1>
      %masked_cumsum3A_753 = tpu.scan <sum>, %scan3A_749 masked %broadcast_in_dim3A_752 : vector<16xi32>, vector<16xi1> -> vector<16xi32>
      %sub3A_754 = arith.subi %masked_cumsum3A_753, %scan3A_749 : vector<16xi32>
      %add3A_755 = vector.broadcast %add3A_744 : i32 to vector<16xi32>
      %add3A_756 = arith.addi %sub3A_754, %add3A_755 : vector<16xi32>
      %swap3A_757 = arith.constant 192 : index
      %swap3A_758 = tpu.vector_load %arg8[%swap3A_757] {strides = array<i32>} : memref<272xi32, #tpu.memory_space<vmem>>, vector<16xi32>,
      tpu.vector_store %arg8[%swap3A_757], %add3A_756 {strides = array<i32>} : memref<272xi32, #tpu.memory_space<vmem>>, vector<16xi32>,
      %reduce_sum3A_759 = arith.constant true
      %reduce_sum3A_760 = vector.broadcast %reduce_sum3A_759 : i1 to vector<16xi1>
      %reduce_sum3A_761 = tpu.scan <sum>, %scan3A_749 masked %reduce_sum3A_760 : vector<16xi32>, vector<16xi1> -> vector<16xi32>
      %reduce_sum3A_762 = vector.extract %reduce_sum3A_761[15] : i32 from vector<16xi32>
      %add3A_763 = arith.addi %add3A_744, %reduce_sum3A_762 : i32
      %scan3A_764 = arith.constant 0 : i32
      %scan3A_765 = arith.constant 16 : i32
      %scan3A_766 = arith.addi %scan3A_764, %scan3A_765 : i32
      %scan3A_767 = arith.constant 1 : i32
      %scan3A_768 = scf.for %scan3A_1489 = %scan3A_764 to %scan3A_766 step %scan3A_767 iter_args(%scan3A_1490 = %broadcast_in_dim3A_5) -> (vector<16xi32>)  : i32 {
        %mul3A_1491 = arith.constant 256 : i32
        %mul3A_1492 = arith.muli %scan3A_1489, %mul3A_1491 : i32
        %add3A_1493 = arith.constant 208 : i32
        %add3A_1494 = arith.addi %mul3A_1492, %add3A_1493 : i32
        %get3A = arith.index_cast %add3A_1494 : i32 to index
        %get3A_1495 = tpu.vector_load %arg7[%get3A] {strides = array<i32>} : memref<4096xi32, #tpu.memory_space<vmem>>, vector<16xi32>,
        %add3A_1496 = arith.addi %scan3A_1490, %get3A_1495 : vector<16xi32>
        scf.yield %add3A_1496 : vector<16xi32>
      }
      %scan3A_769 = arith.constant 16 : i32
      %broadcast_in_dim3A_770 = arith.constant true
      %broadcast_in_dim3A_771 = vector.broadcast %broadcast_in_dim3A_770 : i1 to vector<16xi1>
      %masked_cumsum3A_772 = tpu.scan <sum>, %scan3A_768 masked %broadcast_in_dim3A_771 : vector<16xi32>, vector<16xi1> -> vector<16xi32>
      %sub3A_773 = arith.subi %masked_cumsum3A_772, %scan3A_768 : vector<16xi32>
      %add3A_774 = vector.broadcast %add3A_763 : i32 to vector<16xi32>
      %add3A_775 = arith.addi %sub3A_773, %add3A_774 : vector<16xi32>
      %swap3A_776 = arith.constant 208 : index
      %swap3A_777 = tpu.vector_load %arg8[%swap3A_776] {strides = array<i32>} : memref<272xi32, #tpu.memory_space<vmem>>, vector<16xi32>,
      tpu.vector_store %arg8[%swap3A_776], %add3A_775 {strides = array<i32>} : memref<272xi32, #tpu.memory_space<vmem>>, vector<16xi32>,
      %reduce_sum3A_778 = arith.constant true
      %reduce_sum3A_779 = vector.broadcast %reduce_sum3A_778 : i1 to vector<16xi1>
      %reduce_sum3A_780 = tpu.scan <sum>, %scan3A_768 masked %reduce_sum3A_779 : vector<16xi32>, vector<16xi1> -> vector<16xi32>
      %reduce_sum3A_781 = vector.extract %reduce_sum3A_780[15] : i32 from vector<16xi32>
      %add3A_782 = arith.addi %add3A_763, %reduce_sum3A_781 : i32
      %scan3A_783 = arith.constant 0 : i32
      %scan3A_784 = arith.constant 16 : i32
      %scan3A_785 = arith.addi %scan3A_783, %scan3A_784 : i32
      %scan3A_786 = arith.constant 1 : i32
      %scan3A_787 = scf.for %scan3A_1489 = %scan3A_783 to %scan3A_785 step %scan3A_786 iter_args(%scan3A_1490 = %broadcast_in_dim3A_5) -> (vector<16xi32>)  : i32 {
        %mul3A_1491 = arith.constant 256 : i32
        %mul3A_1492 = arith.muli %scan3A_1489, %mul3A_1491 : i32
        %add3A_1493 = arith.constant 224 : i32
        %add3A_1494 = arith.addi %mul3A_1492, %add3A_1493 : i32
        %get3A = arith.index_cast %add3A_1494 : i32 to index
        %get3A_1495 = tpu.vector_load %arg7[%get3A] {strides = array<i32>} : memref<4096xi32, #tpu.memory_space<vmem>>, vector<16xi32>,
        %add3A_1496 = arith.addi %scan3A_1490, %get3A_1495 : vector<16xi32>
        scf.yield %add3A_1496 : vector<16xi32>
      }
      %scan3A_788 = arith.constant 16 : i32
      %broadcast_in_dim3A_789 = arith.constant true
      %broadcast_in_dim3A_790 = vector.broadcast %broadcast_in_dim3A_789 : i1 to vector<16xi1>
      %masked_cumsum3A_791 = tpu.scan <sum>, %scan3A_787 masked %broadcast_in_dim3A_790 : vector<16xi32>, vector<16xi1> -> vector<16xi32>
      %sub3A_792 = arith.subi %masked_cumsum3A_791, %scan3A_787 : vector<16xi32>
      %add3A_793 = vector.broadcast %add3A_782 : i32 to vector<16xi32>
      %add3A_794 = arith.addi %sub3A_792, %add3A_793 : vector<16xi32>
      %swap3A_795 = arith.constant 224 : index
      %swap3A_796 = tpu.vector_load %arg8[%swap3A_795] {strides = array<i32>} : memref<272xi32, #tpu.memory_space<vmem>>, vector<16xi32>,
      tpu.vector_store %arg8[%swap3A_795], %add3A_794 {strides = array<i32>} : memref<272xi32, #tpu.memory_space<vmem>>, vector<16xi32>,
      %reduce_sum3A_797 = arith.constant true
      %reduce_sum3A_798 = vector.broadcast %reduce_sum3A_797 : i1 to vector<16xi1>
      %reduce_sum3A_799 = tpu.scan <sum>, %scan3A_787 masked %reduce_sum3A_798 : vector<16xi32>, vector<16xi1> -> vector<16xi32>
      %reduce_sum3A_800 = vector.extract %reduce_sum3A_799[15] : i32 from vector<16xi32>
      %add3A_801 = arith.addi %add3A_782, %reduce_sum3A_800 : i32
      %scan3A_802 = arith.constant 0 : i32
      %scan3A_803 = arith.constant 16 : i32
      %scan3A_804 = arith.addi %scan3A_802, %scan3A_803 : i32
      %scan3A_805 = arith.constant 1 : i32
      %scan3A_806 = scf.for %scan3A_1489 = %scan3A_802 to %scan3A_804 step %scan3A_805 iter_args(%scan3A_1490 = %broadcast_in_dim3A_5) -> (vector<16xi32>)  : i32 {
        %mul3A_1491 = arith.constant 256 : i32
        %mul3A_1492 = arith.muli %scan3A_1489, %mul3A_1491 : i32
        %add3A_1493 = arith.constant 240 : i32
        %add3A_1494 = arith.addi %mul3A_1492, %add3A_1493 : i32
        %get3A = arith.index_cast %add3A_1494 : i32 to index
        %get3A_1495 = tpu.vector_load %arg7[%get3A] {strides = array<i32>} : memref<4096xi32, #tpu.memory_space<vmem>>, vector<16xi32>,
        %add3A_1496 = arith.addi %scan3A_1490, %get3A_1495 : vector<16xi32>
        scf.yield %add3A_1496 : vector<16xi32>
      }
      %scan3A_807 = arith.constant 16 : i32
      %broadcast_in_dim3A_808 = arith.constant true
      %broadcast_in_dim3A_809 = vector.broadcast %broadcast_in_dim3A_808 : i1 to vector<16xi1>
      %masked_cumsum3A_810 = tpu.scan <sum>, %scan3A_806 masked %broadcast_in_dim3A_809 : vector<16xi32>, vector<16xi1> -> vector<16xi32>
      %sub3A_811 = arith.subi %masked_cumsum3A_810, %scan3A_806 : vector<16xi32>
      %add3A_812 = vector.broadcast %add3A_801 : i32 to vector<16xi32>
      %add3A_813 = arith.addi %sub3A_811, %add3A_812 : vector<16xi32>
      %swap3A_814 = arith.constant 240 : index
      %swap3A_815 = tpu.vector_load %arg8[%swap3A_814] {strides = array<i32>} : memref<272xi32, #tpu.memory_space<vmem>>, vector<16xi32>,
      tpu.vector_store %arg8[%swap3A_814], %add3A_813 {strides = array<i32>} : memref<272xi32, #tpu.memory_space<vmem>>, vector<16xi32>,
      %reduce_sum3A_816 = arith.constant true
      %reduce_sum3A_817 = vector.broadcast %reduce_sum3A_816 : i1 to vector<16xi1>
      %reduce_sum3A_818 = tpu.scan <sum>, %scan3A_806 masked %reduce_sum3A_817 : vector<16xi32>, vector<16xi1> -> vector<16xi32>
      %reduce_sum3A_819 = vector.extract %reduce_sum3A_818[15] : i32 from vector<16xi32>
      %add3A_820 = arith.addi %add3A_801, %reduce_sum3A_819 : i32
      %scan3A_821 = arith.constant 0 : i32
      %scan3A_822 = arith.constant 0 : i32
      %scan3A_823 = arith.constant 64 : i32
      %scan3A_824 = arith.addi %scan3A_822, %scan3A_823 : i32
      %scan3A_825 = arith.constant 1 : i32
      %scan3A_826 = scf.for %scan3A_1489 = %scan3A_822 to %scan3A_824 step %scan3A_825 iter_args(%scan3A_1490 = %scan3A_821) -> (i32)  : i32 {
        %mul3A_1491 = arith.constant 16 : i32
        %mul3A_1492 = arith.muli %scan3A_1489, %mul3A_1491 : i32
        %get3A = arith.index_cast %mul3A_1492 : i32 to index
        %get3A_1493 = tpu.vector_load %arg14[%get3A] {strides = array<i32>} : memref<1024xi32, #tpu.memory_space<vmem>>, vector<16xi32>,
        %mul3A_1494 = arith.constant 16 : i32
        %mul3A_1495 = arith.muli %scan3A_1489, %mul3A_1494 : i32
        %get3A_1496 = arith.index_cast %mul3A_1495 : i32 to index
        %get3A_1497 = tpu.vector_load %arg15[%get3A_1496] {strides = array<i32>} : memref<1024xi32, #tpu.memory_space<vmem>>, vector<16xi32>,
        %shift_right_arithmetic3A = arith.constant 8 : i32
        %shift_right_arithmetic3A_1498 = vector.broadcast %shift_right_arithmetic3A : i32 to vector<16xi32>
        %shift_right_arithmetic3A_1499 = arith.shrsi %get3A_1493, %shift_right_arithmetic3A_1498 : vector<16xi32>
        %and3A = arith.constant 255 : i32
        %and3A_1500 = vector.broadcast %and3A : i32 to vector<16xi32>
        %and3A_1501 = arith.andi %shift_right_arithmetic3A_1499, %and3A_1500 : vector<16xi32>
        %swap3A_1502 = arith.constant 16 : index
        %swap3A_1503 = tpu.vector_load %arg16[%swap3A_1502] {strides = array<i32>} : memref<48xi32, #tpu.memory_space<vmem>>, vector<16xi32>,
        tpu.vector_store %arg16[%swap3A_1502], %and3A_1501 {strides = array<i32>} : memref<48xi32, #tpu.memory_space<vmem>>, vector<16xi32>,
        %scan3A_1504 = arith.constant 1 : i32
        %scan3A_1505 = arith.constant 15 : i32
        %scan3A_1506 = arith.addi %scan3A_1504, %scan3A_1505 : i32
        %scan3A_1507 = arith.constant 1 : i32
        %scan3A_1508:2 = scf.for %scan3A_1517 = %scan3A_1504 to %scan3A_1506 step %scan3A_1507 iter_args(%scan3A_1518 = %broadcast_in_dim3A_5, %scan3A_1519 = %broadcast_in_dim3A_5) -> (vector<16xi32>, vector<16xi32>)  : i32 {
          %sub3A_1520 = arith.constant 16 : i32
          %sub3A_1521 = arith.subi %sub3A_1520, %scan3A_1517 : i32
          %get3A_1522 = arith.index_cast %sub3A_1521 : i32 to index
          %get3A_1523 = tpu.vector_load %arg16[%get3A_1522] {strides = array<i32>} : memref<48xi32, #tpu.memory_space<vmem>>, vector<16xi32>,
          %add3A_1524 = arith.constant 16 : i32
          %add3A_1525 = arith.addi %add3A_1524, %scan3A_1517 : i32
          %get3A_1526 = arith.index_cast %add3A_1525 : i32 to index
          %get3A_1527 = tpu.vector_load %arg16[%get3A_1526] {strides = array<i32>} : memref<48xi32, #tpu.memory_space<vmem>>, vector<16xi32>,
          %eq3A_1528 = arith.cmpi eq, %get3A_1523, %and3A_1501 : vector<16xi32>
          %convert_element_type3A_1529 = arith.extui %eq3A_1528 : vector<16xi1> to vector<16xi32>
          %add3A_1530 = arith.addi %scan3A_1518, %convert_element_type3A_1529 : vector<16xi32>
          %eq3A_1531 = arith.cmpi eq, %get3A_1527, %and3A_1501 : vector<16xi32>
          %convert_element_type3A_1532 = arith.extui %eq3A_1531 : vector<16xi1> to vector<16xi32>
          %add3A_1533 = arith.addi %scan3A_1519, %convert_element_type3A_1532 : vector<16xi32>
          scf.yield %add3A_1530, %add3A_1533 : vector<16xi32>, vector<16xi32>
        }
        %scan3A_1509 = arith.constant 15 : i32
        %gather3A = tpu.vector_load_idx %arg8[%and3A_1501] : memref<272xi32, #tpu.memory_space<vmem>>[vector<16xi32>], vector<16xi32>,
        %add3A_1510 = arith.addi %gather3A, %scan3A_1508#0 : vector<16xi32>
        tpu.vector_store_idx %arg12[%add3A_1510], %get3A_1493 : memref<2080xi32, #tpu.memory_space<vmem>>[vector<16xi32>], vector<16xi32>,
        tpu.vector_store_idx %arg13[%add3A_1510], %get3A_1497 : memref<2080xi32, #tpu.memory_space<vmem>>[vector<16xi32>], vector<16xi32>,
        %add3A_1511 = arith.constant 1 : i32
        %add3A_1512 = vector.broadcast %add3A_1511 : i32 to vector<16xi32>
        %add3A_1513 = arith.addi %scan3A_1508#0, %add3A_1512 : vector<16xi32>
        %eq3A = arith.constant 0 : i32
        %eq3A_1514 = vector.broadcast %eq3A : i32 to vector<16xi32>
        %eq3A_1515 = arith.cmpi eq, %scan3A_1508#1, %eq3A_1514 : vector<16xi32>
        tpu.vector_store_idx %arg8[%and3A_1501], %add3A_1513 masked %eq3A_1515 {add = true} : memref<272xi32, #tpu.memory_space<vmem>>[vector<16xi32>], vector<16xi32>, vector<16xi1>
        %scan3A_1516 = arith.constant 0 : i32
        scf.yield %scan3A_1516 : i32
      }
      %scan3A_827 = arith.constant 64 : i32
      %scan3A_828 = arith.constant 0 : i32
      %scan3A_829 = arith.constant 0 : i32
      %scan3A_830 = arith.constant 256 : i32
      %scan3A_831 = arith.addi %scan3A_829, %scan3A_830 : i32
      %scan3A_832 = arith.constant 1 : i32
      %scan3A_833 = scf.for %scan3A_1489 = %scan3A_829 to %scan3A_831 step %scan3A_832 iter_args(%scan3A_1490 = %scan3A_828) -> (i32)  : i32 {
        %mul3A_1491 = arith.constant 16 : i32
        %mul3A_1492 = arith.muli %scan3A_1489, %mul3A_1491 : i32
        %swap3A_1493 = arith.index_cast %mul3A_1492 : i32 to index
        %swap3A_1494 = tpu.vector_load %arg7[%swap3A_1493] {strides = array<i32>} : memref<4096xi32, #tpu.memory_space<vmem>>, vector<16xi32>,
        tpu.vector_store %arg7[%swap3A_1493], %broadcast_in_dim3A_5 {strides = array<i32>} : memref<4096xi32, #tpu.memory_space<vmem>>, vector<16xi32>,
        %scan3A_1495 = arith.constant 0 : i32
        scf.yield %scan3A_1495 : i32
      }
      %scan3A_834 = arith.constant 256 : i32
      %scan3A_835 = arith.constant 0 : i32
      %scan3A_836 = arith.constant 0 : i32
      %scan3A_837 = arith.constant 64 : i32
      %scan3A_838 = arith.addi %scan3A_836, %scan3A_837 : i32
      %scan3A_839 = arith.constant 1 : i32
      %scan3A_840 = scf.for %scan3A_1489 = %scan3A_836 to %scan3A_838 step %scan3A_839 iter_args(%scan3A_1490 = %scan3A_835) -> (i32)  : i32 {
        %mul3A_1491 = arith.constant 16 : i32
        %mul3A_1492 = arith.muli %scan3A_1489, %mul3A_1491 : i32
        %get3A = arith.index_cast %mul3A_1492 : i32 to index
        %get3A_1493 = tpu.vector_load %arg12[%get3A] {strides = array<i32>} : memref<2080xi32, #tpu.memory_space<vmem>>, vector<16xi32>,
        %shift_right_arithmetic3A = arith.constant 16 : i32
        %shift_right_arithmetic3A_1494 = vector.broadcast %shift_right_arithmetic3A : i32 to vector<16xi32>
        %shift_right_arithmetic3A_1495 = arith.shrsi %get3A_1493, %shift_right_arithmetic3A_1494 : vector<16xi32>
        %and3A = arith.constant 255 : i32
        %and3A_1496 = vector.broadcast %and3A : i32 to vector<16xi32>
        %and3A_1497 = arith.andi %shift_right_arithmetic3A_1495, %and3A_1496 : vector<16xi32>
        %mul3A_1498 = arith.constant 256 : i32
        %mul3A_1499 = vector.broadcast %mul3A_1498 : i32 to vector<16xi32>
        %mul3A_1500 = arith.muli %iota3A, %mul3A_1499 : vector<16xi32>
        %add3A_1501 = arith.addi %mul3A_1500, %and3A_1497 : vector<16xi32>
        %broadcast_in_dim3A_1502 = arith.constant true
        %broadcast_in_dim3A_1503 = vector.broadcast %broadcast_in_dim3A_1502 : i1 to vector<16xi1>
        tpu.vector_store_idx %arg7[%add3A_1501], %broadcast_in_dim3A_3 masked %broadcast_in_dim3A_1503 {add = true} : memref<4096xi32, #tpu.memory_space<vmem>>[vector<16xi32>], vector<16xi32>, vector<16xi1>
        %scan3A_1504 = arith.constant 0 : i32
        scf.yield %scan3A_1504 : i32
      }
      %scan3A_841 = arith.constant 64 : i32
      %scan3A_842 = arith.constant 0 : i32
      %scan3A_843 = arith.constant 16 : i32
      %scan3A_844 = arith.addi %scan3A_842, %scan3A_843 : i32
      %scan3A_845 = arith.constant 1 : i32
      %scan3A_846 = scf.for %scan3A_1489 = %scan3A_842 to %scan3A_844 step %scan3A_845 iter_args(%scan3A_1490 = %broadcast_in_dim3A_5) -> (vector<16xi32>)  : i32 {
        %mul3A_1491 = arith.constant 256 : i32
        %mul3A_1492 = arith.muli %scan3A_1489, %mul3A_1491 : i32
        %add3A_1493 = arith.constant 0 : i32
        %add3A_1494 = arith.addi %mul3A_1492, %add3A_1493 : i32
        %get3A = arith.index_cast %add3A_1494 : i32 to index
        %get3A_1495 = tpu.vector_load %arg7[%get3A] {strides = array<i32>} : memref<4096xi32, #tpu.memory_space<vmem>>, vector<16xi32>,
        %add3A_1496 = arith.addi %scan3A_1490, %get3A_1495 : vector<16xi32>
        scf.yield %add3A_1496 : vector<16xi32>
      }
      %scan3A_847 = arith.constant 16 : i32
      %broadcast_in_dim3A_848 = arith.constant true
      %broadcast_in_dim3A_849 = vector.broadcast %broadcast_in_dim3A_848 : i1 to vector<16xi1>
      %masked_cumsum3A_850 = tpu.scan <sum>, %scan3A_846 masked %broadcast_in_dim3A_849 : vector<16xi32>, vector<16xi1> -> vector<16xi32>
      %sub3A_851 = arith.subi %masked_cumsum3A_850, %scan3A_846 : vector<16xi32>
      %add3A_852 = arith.constant 0 : i32
      %add3A_853 = vector.broadcast %add3A_852 : i32 to vector<16xi32>
      %add3A_854 = arith.addi %sub3A_851, %add3A_853 : vector<16xi32>
      %swap3A_855 = arith.constant 0 : index
      %swap3A_856 = tpu.vector_load %arg8[%swap3A_855] {strides = array<i32>} : memref<272xi32, #tpu.memory_space<vmem>>, vector<16xi32>,
      tpu.vector_store %arg8[%swap3A_855], %add3A_854 {strides = array<i32>} : memref<272xi32, #tpu.memory_space<vmem>>, vector<16xi32>,
      %reduce_sum3A_857 = arith.constant true
      %reduce_sum3A_858 = vector.broadcast %reduce_sum3A_857 : i1 to vector<16xi1>
      %reduce_sum3A_859 = tpu.scan <sum>, %scan3A_846 masked %reduce_sum3A_858 : vector<16xi32>, vector<16xi1> -> vector<16xi32>
      %reduce_sum3A_860 = vector.extract %reduce_sum3A_859[15] : i32 from vector<16xi32>
      %add3A_861 = arith.constant 0 : i32
      %add3A_862 = arith.addi %add3A_861, %reduce_sum3A_860 : i32
      %scan3A_863 = arith.constant 0 : i32
      %scan3A_864 = arith.constant 16 : i32
      %scan3A_865 = arith.addi %scan3A_863, %scan3A_864 : i32
      %scan3A_866 = arith.constant 1 : i32
      %scan3A_867 = scf.for %scan3A_1489 = %scan3A_863 to %scan3A_865 step %scan3A_866 iter_args(%scan3A_1490 = %broadcast_in_dim3A_5) -> (vector<16xi32>)  : i32 {
        %mul3A_1491 = arith.constant 256 : i32
        %mul3A_1492 = arith.muli %scan3A_1489, %mul3A_1491 : i32
        %add3A_1493 = arith.constant 16 : i32
        %add3A_1494 = arith.addi %mul3A_1492, %add3A_1493 : i32
        %get3A = arith.index_cast %add3A_1494 : i32 to index
        %get3A_1495 = tpu.vector_load %arg7[%get3A] {strides = array<i32>} : memref<4096xi32, #tpu.memory_space<vmem>>, vector<16xi32>,
        %add3A_1496 = arith.addi %scan3A_1490, %get3A_1495 : vector<16xi32>
        scf.yield %add3A_1496 : vector<16xi32>
      }
      %scan3A_868 = arith.constant 16 : i32
      %broadcast_in_dim3A_869 = arith.constant true
      %broadcast_in_dim3A_870 = vector.broadcast %broadcast_in_dim3A_869 : i1 to vector<16xi1>
      %masked_cumsum3A_871 = tpu.scan <sum>, %scan3A_867 masked %broadcast_in_dim3A_870 : vector<16xi32>, vector<16xi1> -> vector<16xi32>
      %sub3A_872 = arith.subi %masked_cumsum3A_871, %scan3A_867 : vector<16xi32>
      %add3A_873 = vector.broadcast %add3A_862 : i32 to vector<16xi32>
      %add3A_874 = arith.addi %sub3A_872, %add3A_873 : vector<16xi32>
      %swap3A_875 = arith.constant 16 : index
      %swap3A_876 = tpu.vector_load %arg8[%swap3A_875] {strides = array<i32>} : memref<272xi32, #tpu.memory_space<vmem>>, vector<16xi32>,
      tpu.vector_store %arg8[%swap3A_875], %add3A_874 {strides = array<i32>} : memref<272xi32, #tpu.memory_space<vmem>>, vector<16xi32>,
      %reduce_sum3A_877 = arith.constant true
      %reduce_sum3A_878 = vector.broadcast %reduce_sum3A_877 : i1 to vector<16xi1>
      %reduce_sum3A_879 = tpu.scan <sum>, %scan3A_867 masked %reduce_sum3A_878 : vector<16xi32>, vector<16xi1> -> vector<16xi32>
      %reduce_sum3A_880 = vector.extract %reduce_sum3A_879[15] : i32 from vector<16xi32>
      %add3A_881 = arith.addi %add3A_862, %reduce_sum3A_880 : i32
      %scan3A_882 = arith.constant 0 : i32
      %scan3A_883 = arith.constant 16 : i32
      %scan3A_884 = arith.addi %scan3A_882, %scan3A_883 : i32
      %scan3A_885 = arith.constant 1 : i32
      %scan3A_886 = scf.for %scan3A_1489 = %scan3A_882 to %scan3A_884 step %scan3A_885 iter_args(%scan3A_1490 = %broadcast_in_dim3A_5) -> (vector<16xi32>)  : i32 {
        %mul3A_1491 = arith.constant 256 : i32
        %mul3A_1492 = arith.muli %scan3A_1489, %mul3A_1491 : i32
        %add3A_1493 = arith.constant 32 : i32
        %add3A_1494 = arith.addi %mul3A_1492, %add3A_1493 : i32
        %get3A = arith.index_cast %add3A_1494 : i32 to index
        %get3A_1495 = tpu.vector_load %arg7[%get3A] {strides = array<i32>} : memref<4096xi32, #tpu.memory_space<vmem>>, vector<16xi32>,
        %add3A_1496 = arith.addi %scan3A_1490, %get3A_1495 : vector<16xi32>
        scf.yield %add3A_1496 : vector<16xi32>
      }
      %scan3A_887 = arith.constant 16 : i32
      %broadcast_in_dim3A_888 = arith.constant true
      %broadcast_in_dim3A_889 = vector.broadcast %broadcast_in_dim3A_888 : i1 to vector<16xi1>
      %masked_cumsum3A_890 = tpu.scan <sum>, %scan3A_886 masked %broadcast_in_dim3A_889 : vector<16xi32>, vector<16xi1> -> vector<16xi32>
      %sub3A_891 = arith.subi %masked_cumsum3A_890, %scan3A_886 : vector<16xi32>
      %add3A_892 = vector.broadcast %add3A_881 : i32 to vector<16xi32>
      %add3A_893 = arith.addi %sub3A_891, %add3A_892 : vector<16xi32>
      %swap3A_894 = arith.constant 32 : index
      %swap3A_895 = tpu.vector_load %arg8[%swap3A_894] {strides = array<i32>} : memref<272xi32, #tpu.memory_space<vmem>>, vector<16xi32>,
      tpu.vector_store %arg8[%swap3A_894], %add3A_893 {strides = array<i32>} : memref<272xi32, #tpu.memory_space<vmem>>, vector<16xi32>,
      %reduce_sum3A_896 = arith.constant true
      %reduce_sum3A_897 = vector.broadcast %reduce_sum3A_896 : i1 to vector<16xi1>
      %reduce_sum3A_898 = tpu.scan <sum>, %scan3A_886 masked %reduce_sum3A_897 : vector<16xi32>, vector<16xi1> -> vector<16xi32>
      %reduce_sum3A_899 = vector.extract %reduce_sum3A_898[15] : i32 from vector<16xi32>
      %add3A_900 = arith.addi %add3A_881, %reduce_sum3A_899 : i32
      %scan3A_901 = arith.constant 0 : i32
      %scan3A_902 = arith.constant 16 : i32
      %scan3A_903 = arith.addi %scan3A_901, %scan3A_902 : i32
      %scan3A_904 = arith.constant 1 : i32
      %scan3A_905 = scf.for %scan3A_1489 = %scan3A_901 to %scan3A_903 step %scan3A_904 iter_args(%scan3A_1490 = %broadcast_in_dim3A_5) -> (vector<16xi32>)  : i32 {
        %mul3A_1491 = arith.constant 256 : i32
        %mul3A_1492 = arith.muli %scan3A_1489, %mul3A_1491 : i32
        %add3A_1493 = arith.constant 48 : i32
        %add3A_1494 = arith.addi %mul3A_1492, %add3A_1493 : i32
        %get3A = arith.index_cast %add3A_1494 : i32 to index
        %get3A_1495 = tpu.vector_load %arg7[%get3A] {strides = array<i32>} : memref<4096xi32, #tpu.memory_space<vmem>>, vector<16xi32>,
        %add3A_1496 = arith.addi %scan3A_1490, %get3A_1495 : vector<16xi32>
        scf.yield %add3A_1496 : vector<16xi32>
      }
      %scan3A_906 = arith.constant 16 : i32
      %broadcast_in_dim3A_907 = arith.constant true
      %broadcast_in_dim3A_908 = vector.broadcast %broadcast_in_dim3A_907 : i1 to vector<16xi1>
      %masked_cumsum3A_909 = tpu.scan <sum>, %scan3A_905 masked %broadcast_in_dim3A_908 : vector<16xi32>, vector<16xi1> -> vector<16xi32>
      %sub3A_910 = arith.subi %masked_cumsum3A_909, %scan3A_905 : vector<16xi32>
      %add3A_911 = vector.broadcast %add3A_900 : i32 to vector<16xi32>
      %add3A_912 = arith.addi %sub3A_910, %add3A_911 : vector<16xi32>
      %swap3A_913 = arith.constant 48 : index
      %swap3A_914 = tpu.vector_load %arg8[%swap3A_913] {strides = array<i32>} : memref<272xi32, #tpu.memory_space<vmem>>, vector<16xi32>,
      tpu.vector_store %arg8[%swap3A_913], %add3A_912 {strides = array<i32>} : memref<272xi32, #tpu.memory_space<vmem>>, vector<16xi32>,
      %reduce_sum3A_915 = arith.constant true
      %reduce_sum3A_916 = vector.broadcast %reduce_sum3A_915 : i1 to vector<16xi1>
      %reduce_sum3A_917 = tpu.scan <sum>, %scan3A_905 masked %reduce_sum3A_916 : vector<16xi32>, vector<16xi1> -> vector<16xi32>
      %reduce_sum3A_918 = vector.extract %reduce_sum3A_917[15] : i32 from vector<16xi32>
      %add3A_919 = arith.addi %add3A_900, %reduce_sum3A_918 : i32
      %scan3A_920 = arith.constant 0 : i32
      %scan3A_921 = arith.constant 16 : i32
      %scan3A_922 = arith.addi %scan3A_920, %scan3A_921 : i32
      %scan3A_923 = arith.constant 1 : i32
      %scan3A_924 = scf.for %scan3A_1489 = %scan3A_920 to %scan3A_922 step %scan3A_923 iter_args(%scan3A_1490 = %broadcast_in_dim3A_5) -> (vector<16xi32>)  : i32 {
        %mul3A_1491 = arith.constant 256 : i32
        %mul3A_1492 = arith.muli %scan3A_1489, %mul3A_1491 : i32
        %add3A_1493 = arith.constant 64 : i32
        %add3A_1494 = arith.addi %mul3A_1492, %add3A_1493 : i32
        %get3A = arith.index_cast %add3A_1494 : i32 to index
        %get3A_1495 = tpu.vector_load %arg7[%get3A] {strides = array<i32>} : memref<4096xi32, #tpu.memory_space<vmem>>, vector<16xi32>,
        %add3A_1496 = arith.addi %scan3A_1490, %get3A_1495 : vector<16xi32>
        scf.yield %add3A_1496 : vector<16xi32>
      }
      %scan3A_925 = arith.constant 16 : i32
      %broadcast_in_dim3A_926 = arith.constant true
      %broadcast_in_dim3A_927 = vector.broadcast %broadcast_in_dim3A_926 : i1 to vector<16xi1>
      %masked_cumsum3A_928 = tpu.scan <sum>, %scan3A_924 masked %broadcast_in_dim3A_927 : vector<16xi32>, vector<16xi1> -> vector<16xi32>
      %sub3A_929 = arith.subi %masked_cumsum3A_928, %scan3A_924 : vector<16xi32>
      %add3A_930 = vector.broadcast %add3A_919 : i32 to vector<16xi32>
      %add3A_931 = arith.addi %sub3A_929, %add3A_930 : vector<16xi32>
      %swap3A_932 = arith.constant 64 : index
      %swap3A_933 = tpu.vector_load %arg8[%swap3A_932] {strides = array<i32>} : memref<272xi32, #tpu.memory_space<vmem>>, vector<16xi32>,
      tpu.vector_store %arg8[%swap3A_932], %add3A_931 {strides = array<i32>} : memref<272xi32, #tpu.memory_space<vmem>>, vector<16xi32>,
      %reduce_sum3A_934 = arith.constant true
      %reduce_sum3A_935 = vector.broadcast %reduce_sum3A_934 : i1 to vector<16xi1>
      %reduce_sum3A_936 = tpu.scan <sum>, %scan3A_924 masked %reduce_sum3A_935 : vector<16xi32>, vector<16xi1> -> vector<16xi32>
      %reduce_sum3A_937 = vector.extract %reduce_sum3A_936[15] : i32 from vector<16xi32>
      %add3A_938 = arith.addi %add3A_919, %reduce_sum3A_937 : i32
      %scan3A_939 = arith.constant 0 : i32
      %scan3A_940 = arith.constant 16 : i32
      %scan3A_941 = arith.addi %scan3A_939, %scan3A_940 : i32
      %scan3A_942 = arith.constant 1 : i32
      %scan3A_943 = scf.for %scan3A_1489 = %scan3A_939 to %scan3A_941 step %scan3A_942 iter_args(%scan3A_1490 = %broadcast_in_dim3A_5) -> (vector<16xi32>)  : i32 {
        %mul3A_1491 = arith.constant 256 : i32
        %mul3A_1492 = arith.muli %scan3A_1489, %mul3A_1491 : i32
        %add3A_1493 = arith.constant 80 : i32
        %add3A_1494 = arith.addi %mul3A_1492, %add3A_1493 : i32
        %get3A = arith.index_cast %add3A_1494 : i32 to index
        %get3A_1495 = tpu.vector_load %arg7[%get3A] {strides = array<i32>} : memref<4096xi32, #tpu.memory_space<vmem>>, vector<16xi32>,
        %add3A_1496 = arith.addi %scan3A_1490, %get3A_1495 : vector<16xi32>
        scf.yield %add3A_1496 : vector<16xi32>
      }
      %scan3A_944 = arith.constant 16 : i32
      %broadcast_in_dim3A_945 = arith.constant true
      %broadcast_in_dim3A_946 = vector.broadcast %broadcast_in_dim3A_945 : i1 to vector<16xi1>
      %masked_cumsum3A_947 = tpu.scan <sum>, %scan3A_943 masked %broadcast_in_dim3A_946 : vector<16xi32>, vector<16xi1> -> vector<16xi32>
      %sub3A_948 = arith.subi %masked_cumsum3A_947, %scan3A_943 : vector<16xi32>
      %add3A_949 = vector.broadcast %add3A_938 : i32 to vector<16xi32>
      %add3A_950 = arith.addi %sub3A_948, %add3A_949 : vector<16xi32>
      %swap3A_951 = arith.constant 80 : index
      %swap3A_952 = tpu.vector_load %arg8[%swap3A_951] {strides = array<i32>} : memref<272xi32, #tpu.memory_space<vmem>>, vector<16xi32>,
      tpu.vector_store %arg8[%swap3A_951], %add3A_950 {strides = array<i32>} : memref<272xi32, #tpu.memory_space<vmem>>, vector<16xi32>,
      %reduce_sum3A_953 = arith.constant true
      %reduce_sum3A_954 = vector.broadcast %reduce_sum3A_953 : i1 to vector<16xi1>
      %reduce_sum3A_955 = tpu.scan <sum>, %scan3A_943 masked %reduce_sum3A_954 : vector<16xi32>, vector<16xi1> -> vector<16xi32>
      %reduce_sum3A_956 = vector.extract %reduce_sum3A_955[15] : i32 from vector<16xi32>
      %add3A_957 = arith.addi %add3A_938, %reduce_sum3A_956 : i32
      %scan3A_958 = arith.constant 0 : i32
      %scan3A_959 = arith.constant 16 : i32
      %scan3A_960 = arith.addi %scan3A_958, %scan3A_959 : i32
      %scan3A_961 = arith.constant 1 : i32
      %scan3A_962 = scf.for %scan3A_1489 = %scan3A_958 to %scan3A_960 step %scan3A_961 iter_args(%scan3A_1490 = %broadcast_in_dim3A_5) -> (vector<16xi32>)  : i32 {
        %mul3A_1491 = arith.constant 256 : i32
        %mul3A_1492 = arith.muli %scan3A_1489, %mul3A_1491 : i32
        %add3A_1493 = arith.constant 96 : i32
        %add3A_1494 = arith.addi %mul3A_1492, %add3A_1493 : i32
        %get3A = arith.index_cast %add3A_1494 : i32 to index
        %get3A_1495 = tpu.vector_load %arg7[%get3A] {strides = array<i32>} : memref<4096xi32, #tpu.memory_space<vmem>>, vector<16xi32>,
        %add3A_1496 = arith.addi %scan3A_1490, %get3A_1495 : vector<16xi32>
        scf.yield %add3A_1496 : vector<16xi32>
      }
      %scan3A_963 = arith.constant 16 : i32
      %broadcast_in_dim3A_964 = arith.constant true
      %broadcast_in_dim3A_965 = vector.broadcast %broadcast_in_dim3A_964 : i1 to vector<16xi1>
      %masked_cumsum3A_966 = tpu.scan <sum>, %scan3A_962 masked %broadcast_in_dim3A_965 : vector<16xi32>, vector<16xi1> -> vector<16xi32>
      %sub3A_967 = arith.subi %masked_cumsum3A_966, %scan3A_962 : vector<16xi32>
      %add3A_968 = vector.broadcast %add3A_957 : i32 to vector<16xi32>
      %add3A_969 = arith.addi %sub3A_967, %add3A_968 : vector<16xi32>
      %swap3A_970 = arith.constant 96 : index
      %swap3A_971 = tpu.vector_load %arg8[%swap3A_970] {strides = array<i32>} : memref<272xi32, #tpu.memory_space<vmem>>, vector<16xi32>,
      tpu.vector_store %arg8[%swap3A_970], %add3A_969 {strides = array<i32>} : memref<272xi32, #tpu.memory_space<vmem>>, vector<16xi32>,
      %reduce_sum3A_972 = arith.constant true
      %reduce_sum3A_973 = vector.broadcast %reduce_sum3A_972 : i1 to vector<16xi1>
      %reduce_sum3A_974 = tpu.scan <sum>, %scan3A_962 masked %reduce_sum3A_973 : vector<16xi32>, vector<16xi1> -> vector<16xi32>
      %reduce_sum3A_975 = vector.extract %reduce_sum3A_974[15] : i32 from vector<16xi32>
      %add3A_976 = arith.addi %add3A_957, %reduce_sum3A_975 : i32
      %scan3A_977 = arith.constant 0 : i32
      %scan3A_978 = arith.constant 16 : i32
      %scan3A_979 = arith.addi %scan3A_977, %scan3A_978 : i32
      %scan3A_980 = arith.constant 1 : i32
      %scan3A_981 = scf.for %scan3A_1489 = %scan3A_977 to %scan3A_979 step %scan3A_980 iter_args(%scan3A_1490 = %broadcast_in_dim3A_5) -> (vector<16xi32>)  : i32 {
        %mul3A_1491 = arith.constant 256 : i32
        %mul3A_1492 = arith.muli %scan3A_1489, %mul3A_1491 : i32
        %add3A_1493 = arith.constant 112 : i32
        %add3A_1494 = arith.addi %mul3A_1492, %add3A_1493 : i32
        %get3A = arith.index_cast %add3A_1494 : i32 to index
        %get3A_1495 = tpu.vector_load %arg7[%get3A] {strides = array<i32>} : memref<4096xi32, #tpu.memory_space<vmem>>, vector<16xi32>,
        %add3A_1496 = arith.addi %scan3A_1490, %get3A_1495 : vector<16xi32>
        scf.yield %add3A_1496 : vector<16xi32>
      }
      %scan3A_982 = arith.constant 16 : i32
      %broadcast_in_dim3A_983 = arith.constant true
      %broadcast_in_dim3A_984 = vector.broadcast %broadcast_in_dim3A_983 : i1 to vector<16xi1>
      %masked_cumsum3A_985 = tpu.scan <sum>, %scan3A_981 masked %broadcast_in_dim3A_984 : vector<16xi32>, vector<16xi1> -> vector<16xi32>
      %sub3A_986 = arith.subi %masked_cumsum3A_985, %scan3A_981 : vector<16xi32>
      %add3A_987 = vector.broadcast %add3A_976 : i32 to vector<16xi32>
      %add3A_988 = arith.addi %sub3A_986, %add3A_987 : vector<16xi32>
      %swap3A_989 = arith.constant 112 : index
      %swap3A_990 = tpu.vector_load %arg8[%swap3A_989] {strides = array<i32>} : memref<272xi32, #tpu.memory_space<vmem>>, vector<16xi32>,
      tpu.vector_store %arg8[%swap3A_989], %add3A_988 {strides = array<i32>} : memref<272xi32, #tpu.memory_space<vmem>>, vector<16xi32>,
      %reduce_sum3A_991 = arith.constant true
      %reduce_sum3A_992 = vector.broadcast %reduce_sum3A_991 : i1 to vector<16xi1>
      %reduce_sum3A_993 = tpu.scan <sum>, %scan3A_981 masked %reduce_sum3A_992 : vector<16xi32>, vector<16xi1> -> vector<16xi32>
      %reduce_sum3A_994 = vector.extract %reduce_sum3A_993[15] : i32 from vector<16xi32>
      %add3A_995 = arith.addi %add3A_976, %reduce_sum3A_994 : i32
      %scan3A_996 = arith.constant 0 : i32
      %scan3A_997 = arith.constant 16 : i32
      %scan3A_998 = arith.addi %scan3A_996, %scan3A_997 : i32
      %scan3A_999 = arith.constant 1 : i32
      %scan3A_1000 = scf.for %scan3A_1489 = %scan3A_996 to %scan3A_998 step %scan3A_999 iter_args(%scan3A_1490 = %broadcast_in_dim3A_5) -> (vector<16xi32>)  : i32 {
        %mul3A_1491 = arith.constant 256 : i32
        %mul3A_1492 = arith.muli %scan3A_1489, %mul3A_1491 : i32
        %add3A_1493 = arith.constant 128 : i32
        %add3A_1494 = arith.addi %mul3A_1492, %add3A_1493 : i32
        %get3A = arith.index_cast %add3A_1494 : i32 to index
        %get3A_1495 = tpu.vector_load %arg7[%get3A] {strides = array<i32>} : memref<4096xi32, #tpu.memory_space<vmem>>, vector<16xi32>,
        %add3A_1496 = arith.addi %scan3A_1490, %get3A_1495 : vector<16xi32>
        scf.yield %add3A_1496 : vector<16xi32>
      }
      %scan3A_1001 = arith.constant 16 : i32
      %broadcast_in_dim3A_1002 = arith.constant true
      %broadcast_in_dim3A_1003 = vector.broadcast %broadcast_in_dim3A_1002 : i1 to vector<16xi1>
      %masked_cumsum3A_1004 = tpu.scan <sum>, %scan3A_1000 masked %broadcast_in_dim3A_1003 : vector<16xi32>, vector<16xi1> -> vector<16xi32>
      %sub3A_1005 = arith.subi %masked_cumsum3A_1004, %scan3A_1000 : vector<16xi32>
      %add3A_1006 = vector.broadcast %add3A_995 : i32 to vector<16xi32>
      %add3A_1007 = arith.addi %sub3A_1005, %add3A_1006 : vector<16xi32>
      %swap3A_1008 = arith.constant 128 : index
      %swap3A_1009 = tpu.vector_load %arg8[%swap3A_1008] {strides = array<i32>} : memref<272xi32, #tpu.memory_space<vmem>>, vector<16xi32>,
      tpu.vector_store %arg8[%swap3A_1008], %add3A_1007 {strides = array<i32>} : memref<272xi32, #tpu.memory_space<vmem>>, vector<16xi32>,
      %reduce_sum3A_1010 = arith.constant true
      %reduce_sum3A_1011 = vector.broadcast %reduce_sum3A_1010 : i1 to vector<16xi1>
      %reduce_sum3A_1012 = tpu.scan <sum>, %scan3A_1000 masked %reduce_sum3A_1011 : vector<16xi32>, vector<16xi1> -> vector<16xi32>
      %reduce_sum3A_1013 = vector.extract %reduce_sum3A_1012[15] : i32 from vector<16xi32>
      %add3A_1014 = arith.addi %add3A_995, %reduce_sum3A_1013 : i32
      %scan3A_1015 = arith.constant 0 : i32
      %scan3A_1016 = arith.constant 16 : i32
      %scan3A_1017 = arith.addi %scan3A_1015, %scan3A_1016 : i32
      %scan3A_1018 = arith.constant 1 : i32
      %scan3A_1019 = scf.for %scan3A_1489 = %scan3A_1015 to %scan3A_1017 step %scan3A_1018 iter_args(%scan3A_1490 = %broadcast_in_dim3A_5) -> (vector<16xi32>)  : i32 {
        %mul3A_1491 = arith.constant 256 : i32
        %mul3A_1492 = arith.muli %scan3A_1489, %mul3A_1491 : i32
        %add3A_1493 = arith.constant 144 : i32
        %add3A_1494 = arith.addi %mul3A_1492, %add3A_1493 : i32
        %get3A = arith.index_cast %add3A_1494 : i32 to index
        %get3A_1495 = tpu.vector_load %arg7[%get3A] {strides = array<i32>} : memref<4096xi32, #tpu.memory_space<vmem>>, vector<16xi32>,
        %add3A_1496 = arith.addi %scan3A_1490, %get3A_1495 : vector<16xi32>
        scf.yield %add3A_1496 : vector<16xi32>
      }
      %scan3A_1020 = arith.constant 16 : i32
      %broadcast_in_dim3A_1021 = arith.constant true
      %broadcast_in_dim3A_1022 = vector.broadcast %broadcast_in_dim3A_1021 : i1 to vector<16xi1>
      %masked_cumsum3A_1023 = tpu.scan <sum>, %scan3A_1019 masked %broadcast_in_dim3A_1022 : vector<16xi32>, vector<16xi1> -> vector<16xi32>
      %sub3A_1024 = arith.subi %masked_cumsum3A_1023, %scan3A_1019 : vector<16xi32>
      %add3A_1025 = vector.broadcast %add3A_1014 : i32 to vector<16xi32>
      %add3A_1026 = arith.addi %sub3A_1024, %add3A_1025 : vector<16xi32>
      %swap3A_1027 = arith.constant 144 : index
      %swap3A_1028 = tpu.vector_load %arg8[%swap3A_1027] {strides = array<i32>} : memref<272xi32, #tpu.memory_space<vmem>>, vector<16xi32>,
      tpu.vector_store %arg8[%swap3A_1027], %add3A_1026 {strides = array<i32>} : memref<272xi32, #tpu.memory_space<vmem>>, vector<16xi32>,
      %reduce_sum3A_1029 = arith.constant true
      %reduce_sum3A_1030 = vector.broadcast %reduce_sum3A_1029 : i1 to vector<16xi1>
      %reduce_sum3A_1031 = tpu.scan <sum>, %scan3A_1019 masked %reduce_sum3A_1030 : vector<16xi32>, vector<16xi1> -> vector<16xi32>
      %reduce_sum3A_1032 = vector.extract %reduce_sum3A_1031[15] : i32 from vector<16xi32>
      %add3A_1033 = arith.addi %add3A_1014, %reduce_sum3A_1032 : i32
      %scan3A_1034 = arith.constant 0 : i32
      %scan3A_1035 = arith.constant 16 : i32
      %scan3A_1036 = arith.addi %scan3A_1034, %scan3A_1035 : i32
      %scan3A_1037 = arith.constant 1 : i32
      %scan3A_1038 = scf.for %scan3A_1489 = %scan3A_1034 to %scan3A_1036 step %scan3A_1037 iter_args(%scan3A_1490 = %broadcast_in_dim3A_5) -> (vector<16xi32>)  : i32 {
        %mul3A_1491 = arith.constant 256 : i32
        %mul3A_1492 = arith.muli %scan3A_1489, %mul3A_1491 : i32
        %add3A_1493 = arith.constant 160 : i32
        %add3A_1494 = arith.addi %mul3A_1492, %add3A_1493 : i32
        %get3A = arith.index_cast %add3A_1494 : i32 to index
        %get3A_1495 = tpu.vector_load %arg7[%get3A] {strides = array<i32>} : memref<4096xi32, #tpu.memory_space<vmem>>, vector<16xi32>,
        %add3A_1496 = arith.addi %scan3A_1490, %get3A_1495 : vector<16xi32>
        scf.yield %add3A_1496 : vector<16xi32>
      }
      %scan3A_1039 = arith.constant 16 : i32
      %broadcast_in_dim3A_1040 = arith.constant true
      %broadcast_in_dim3A_1041 = vector.broadcast %broadcast_in_dim3A_1040 : i1 to vector<16xi1>
      %masked_cumsum3A_1042 = tpu.scan <sum>, %scan3A_1038 masked %broadcast_in_dim3A_1041 : vector<16xi32>, vector<16xi1> -> vector<16xi32>
      %sub3A_1043 = arith.subi %masked_cumsum3A_1042, %scan3A_1038 : vector<16xi32>
      %add3A_1044 = vector.broadcast %add3A_1033 : i32 to vector<16xi32>
      %add3A_1045 = arith.addi %sub3A_1043, %add3A_1044 : vector<16xi32>
      %swap3A_1046 = arith.constant 160 : index
      %swap3A_1047 = tpu.vector_load %arg8[%swap3A_1046] {strides = array<i32>} : memref<272xi32, #tpu.memory_space<vmem>>, vector<16xi32>,
      tpu.vector_store %arg8[%swap3A_1046], %add3A_1045 {strides = array<i32>} : memref<272xi32, #tpu.memory_space<vmem>>, vector<16xi32>,
      %reduce_sum3A_1048 = arith.constant true
      %reduce_sum3A_1049 = vector.broadcast %reduce_sum3A_1048 : i1 to vector<16xi1>
      %reduce_sum3A_1050 = tpu.scan <sum>, %scan3A_1038 masked %reduce_sum3A_1049 : vector<16xi32>, vector<16xi1> -> vector<16xi32>
      %reduce_sum3A_1051 = vector.extract %reduce_sum3A_1050[15] : i32 from vector<16xi32>
      %add3A_1052 = arith.addi %add3A_1033, %reduce_sum3A_1051 : i32
      %scan3A_1053 = arith.constant 0 : i32
      %scan3A_1054 = arith.constant 16 : i32
      %scan3A_1055 = arith.addi %scan3A_1053, %scan3A_1054 : i32
      %scan3A_1056 = arith.constant 1 : i32
      %scan3A_1057 = scf.for %scan3A_1489 = %scan3A_1053 to %scan3A_1055 step %scan3A_1056 iter_args(%scan3A_1490 = %broadcast_in_dim3A_5) -> (vector<16xi32>)  : i32 {
        %mul3A_1491 = arith.constant 256 : i32
        %mul3A_1492 = arith.muli %scan3A_1489, %mul3A_1491 : i32
        %add3A_1493 = arith.constant 176 : i32
        %add3A_1494 = arith.addi %mul3A_1492, %add3A_1493 : i32
        %get3A = arith.index_cast %add3A_1494 : i32 to index
        %get3A_1495 = tpu.vector_load %arg7[%get3A] {strides = array<i32>} : memref<4096xi32, #tpu.memory_space<vmem>>, vector<16xi32>,
        %add3A_1496 = arith.addi %scan3A_1490, %get3A_1495 : vector<16xi32>
        scf.yield %add3A_1496 : vector<16xi32>
      }
      %scan3A_1058 = arith.constant 16 : i32
      %broadcast_in_dim3A_1059 = arith.constant true
      %broadcast_in_dim3A_1060 = vector.broadcast %broadcast_in_dim3A_1059 : i1 to vector<16xi1>
      %masked_cumsum3A_1061 = tpu.scan <sum>, %scan3A_1057 masked %broadcast_in_dim3A_1060 : vector<16xi32>, vector<16xi1> -> vector<16xi32>
      %sub3A_1062 = arith.subi %masked_cumsum3A_1061, %scan3A_1057 : vector<16xi32>
      %add3A_1063 = vector.broadcast %add3A_1052 : i32 to vector<16xi32>
      %add3A_1064 = arith.addi %sub3A_1062, %add3A_1063 : vector<16xi32>
      %swap3A_1065 = arith.constant 176 : index
      %swap3A_1066 = tpu.vector_load %arg8[%swap3A_1065] {strides = array<i32>} : memref<272xi32, #tpu.memory_space<vmem>>, vector<16xi32>,
      tpu.vector_store %arg8[%swap3A_1065], %add3A_1064 {strides = array<i32>} : memref<272xi32, #tpu.memory_space<vmem>>, vector<16xi32>,
      %reduce_sum3A_1067 = arith.constant true
      %reduce_sum3A_1068 = vector.broadcast %reduce_sum3A_1067 : i1 to vector<16xi1>
      %reduce_sum3A_1069 = tpu.scan <sum>, %scan3A_1057 masked %reduce_sum3A_1068 : vector<16xi32>, vector<16xi1> -> vector<16xi32>
      %reduce_sum3A_1070 = vector.extract %reduce_sum3A_1069[15] : i32 from vector<16xi32>
      %add3A_1071 = arith.addi %add3A_1052, %reduce_sum3A_1070 : i32
      %scan3A_1072 = arith.constant 0 : i32
      %scan3A_1073 = arith.constant 16 : i32
      %scan3A_1074 = arith.addi %scan3A_1072, %scan3A_1073 : i32
      %scan3A_1075 = arith.constant 1 : i32
      %scan3A_1076 = scf.for %scan3A_1489 = %scan3A_1072 to %scan3A_1074 step %scan3A_1075 iter_args(%scan3A_1490 = %broadcast_in_dim3A_5) -> (vector<16xi32>)  : i32 {
        %mul3A_1491 = arith.constant 256 : i32
        %mul3A_1492 = arith.muli %scan3A_1489, %mul3A_1491 : i32
        %add3A_1493 = arith.constant 192 : i32
        %add3A_1494 = arith.addi %mul3A_1492, %add3A_1493 : i32
        %get3A = arith.index_cast %add3A_1494 : i32 to index
        %get3A_1495 = tpu.vector_load %arg7[%get3A] {strides = array<i32>} : memref<4096xi32, #tpu.memory_space<vmem>>, vector<16xi32>,
        %add3A_1496 = arith.addi %scan3A_1490, %get3A_1495 : vector<16xi32>
        scf.yield %add3A_1496 : vector<16xi32>
      }
      %scan3A_1077 = arith.constant 16 : i32
      %broadcast_in_dim3A_1078 = arith.constant true
      %broadcast_in_dim3A_1079 = vector.broadcast %broadcast_in_dim3A_1078 : i1 to vector<16xi1>
      %masked_cumsum3A_1080 = tpu.scan <sum>, %scan3A_1076 masked %broadcast_in_dim3A_1079 : vector<16xi32>, vector<16xi1> -> vector<16xi32>
      %sub3A_1081 = arith.subi %masked_cumsum3A_1080, %scan3A_1076 : vector<16xi32>
      %add3A_1082 = vector.broadcast %add3A_1071 : i32 to vector<16xi32>
      %add3A_1083 = arith.addi %sub3A_1081, %add3A_1082 : vector<16xi32>
      %swap3A_1084 = arith.constant 192 : index
      %swap3A_1085 = tpu.vector_load %arg8[%swap3A_1084] {strides = array<i32>} : memref<272xi32, #tpu.memory_space<vmem>>, vector<16xi32>,
      tpu.vector_store %arg8[%swap3A_1084], %add3A_1083 {strides = array<i32>} : memref<272xi32, #tpu.memory_space<vmem>>, vector<16xi32>,
      %reduce_sum3A_1086 = arith.constant true
      %reduce_sum3A_1087 = vector.broadcast %reduce_sum3A_1086 : i1 to vector<16xi1>
      %reduce_sum3A_1088 = tpu.scan <sum>, %scan3A_1076 masked %reduce_sum3A_1087 : vector<16xi32>, vector<16xi1> -> vector<16xi32>
      %reduce_sum3A_1089 = vector.extract %reduce_sum3A_1088[15] : i32 from vector<16xi32>
      %add3A_1090 = arith.addi %add3A_1071, %reduce_sum3A_1089 : i32
      %scan3A_1091 = arith.constant 0 : i32
      %scan3A_1092 = arith.constant 16 : i32
      %scan3A_1093 = arith.addi %scan3A_1091, %scan3A_1092 : i32
      %scan3A_1094 = arith.constant 1 : i32
      %scan3A_1095 = scf.for %scan3A_1489 = %scan3A_1091 to %scan3A_1093 step %scan3A_1094 iter_args(%scan3A_1490 = %broadcast_in_dim3A_5) -> (vector<16xi32>)  : i32 {
        %mul3A_1491 = arith.constant 256 : i32
        %mul3A_1492 = arith.muli %scan3A_1489, %mul3A_1491 : i32
        %add3A_1493 = arith.constant 208 : i32
        %add3A_1494 = arith.addi %mul3A_1492, %add3A_1493 : i32
        %get3A = arith.index_cast %add3A_1494 : i32 to index
        %get3A_1495 = tpu.vector_load %arg7[%get3A] {strides = array<i32>} : memref<4096xi32, #tpu.memory_space<vmem>>, vector<16xi32>,
        %add3A_1496 = arith.addi %scan3A_1490, %get3A_1495 : vector<16xi32>
        scf.yield %add3A_1496 : vector<16xi32>
      }
      %scan3A_1096 = arith.constant 16 : i32
      %broadcast_in_dim3A_1097 = arith.constant true
      %broadcast_in_dim3A_1098 = vector.broadcast %broadcast_in_dim3A_1097 : i1 to vector<16xi1>
      %masked_cumsum3A_1099 = tpu.scan <sum>, %scan3A_1095 masked %broadcast_in_dim3A_1098 : vector<16xi32>, vector<16xi1> -> vector<16xi32>
      %sub3A_1100 = arith.subi %masked_cumsum3A_1099, %scan3A_1095 : vector<16xi32>
      %add3A_1101 = vector.broadcast %add3A_1090 : i32 to vector<16xi32>
      %add3A_1102 = arith.addi %sub3A_1100, %add3A_1101 : vector<16xi32>
      %swap3A_1103 = arith.constant 208 : index
      %swap3A_1104 = tpu.vector_load %arg8[%swap3A_1103] {strides = array<i32>} : memref<272xi32, #tpu.memory_space<vmem>>, vector<16xi32>,
      tpu.vector_store %arg8[%swap3A_1103], %add3A_1102 {strides = array<i32>} : memref<272xi32, #tpu.memory_space<vmem>>, vector<16xi32>,
      %reduce_sum3A_1105 = arith.constant true
      %reduce_sum3A_1106 = vector.broadcast %reduce_sum3A_1105 : i1 to vector<16xi1>
      %reduce_sum3A_1107 = tpu.scan <sum>, %scan3A_1095 masked %reduce_sum3A_1106 : vector<16xi32>, vector<16xi1> -> vector<16xi32>
      %reduce_sum3A_1108 = vector.extract %reduce_sum3A_1107[15] : i32 from vector<16xi32>
      %add3A_1109 = arith.addi %add3A_1090, %reduce_sum3A_1108 : i32
      %scan3A_1110 = arith.constant 0 : i32
      %scan3A_1111 = arith.constant 16 : i32
      %scan3A_1112 = arith.addi %scan3A_1110, %scan3A_1111 : i32
      %scan3A_1113 = arith.constant 1 : i32
      %scan3A_1114 = scf.for %scan3A_1489 = %scan3A_1110 to %scan3A_1112 step %scan3A_1113 iter_args(%scan3A_1490 = %broadcast_in_dim3A_5) -> (vector<16xi32>)  : i32 {
        %mul3A_1491 = arith.constant 256 : i32
        %mul3A_1492 = arith.muli %scan3A_1489, %mul3A_1491 : i32
        %add3A_1493 = arith.constant 224 : i32
        %add3A_1494 = arith.addi %mul3A_1492, %add3A_1493 : i32
        %get3A = arith.index_cast %add3A_1494 : i32 to index
        %get3A_1495 = tpu.vector_load %arg7[%get3A] {strides = array<i32>} : memref<4096xi32, #tpu.memory_space<vmem>>, vector<16xi32>,
        %add3A_1496 = arith.addi %scan3A_1490, %get3A_1495 : vector<16xi32>
        scf.yield %add3A_1496 : vector<16xi32>
      }
      %scan3A_1115 = arith.constant 16 : i32
      %broadcast_in_dim3A_1116 = arith.constant true
      %broadcast_in_dim3A_1117 = vector.broadcast %broadcast_in_dim3A_1116 : i1 to vector<16xi1>
      %masked_cumsum3A_1118 = tpu.scan <sum>, %scan3A_1114 masked %broadcast_in_dim3A_1117 : vector<16xi32>, vector<16xi1> -> vector<16xi32>
      %sub3A_1119 = arith.subi %masked_cumsum3A_1118, %scan3A_1114 : vector<16xi32>
      %add3A_1120 = vector.broadcast %add3A_1109 : i32 to vector<16xi32>
      %add3A_1121 = arith.addi %sub3A_1119, %add3A_1120 : vector<16xi32>
      %swap3A_1122 = arith.constant 224 : index
      %swap3A_1123 = tpu.vector_load %arg8[%swap3A_1122] {strides = array<i32>} : memref<272xi32, #tpu.memory_space<vmem>>, vector<16xi32>,
      tpu.vector_store %arg8[%swap3A_1122], %add3A_1121 {strides = array<i32>} : memref<272xi32, #tpu.memory_space<vmem>>, vector<16xi32>,
      %reduce_sum3A_1124 = arith.constant true
      %reduce_sum3A_1125 = vector.broadcast %reduce_sum3A_1124 : i1 to vector<16xi1>
      %reduce_sum3A_1126 = tpu.scan <sum>, %scan3A_1114 masked %reduce_sum3A_1125 : vector<16xi32>, vector<16xi1> -> vector<16xi32>
      %reduce_sum3A_1127 = vector.extract %reduce_sum3A_1126[15] : i32 from vector<16xi32>
      %add3A_1128 = arith.addi %add3A_1109, %reduce_sum3A_1127 : i32
      %scan3A_1129 = arith.constant 0 : i32
      %scan3A_1130 = arith.constant 16 : i32
      %scan3A_1131 = arith.addi %scan3A_1129, %scan3A_1130 : i32
      %scan3A_1132 = arith.constant 1 : i32
      %scan3A_1133 = scf.for %scan3A_1489 = %scan3A_1129 to %scan3A_1131 step %scan3A_1132 iter_args(%scan3A_1490 = %broadcast_in_dim3A_5) -> (vector<16xi32>)  : i32 {
        %mul3A_1491 = arith.constant 256 : i32
        %mul3A_1492 = arith.muli %scan3A_1489, %mul3A_1491 : i32
        %add3A_1493 = arith.constant 240 : i32
        %add3A_1494 = arith.addi %mul3A_1492, %add3A_1493 : i32
        %get3A = arith.index_cast %add3A_1494 : i32 to index
        %get3A_1495 = tpu.vector_load %arg7[%get3A] {strides = array<i32>} : memref<4096xi32, #tpu.memory_space<vmem>>, vector<16xi32>,
        %add3A_1496 = arith.addi %scan3A_1490, %get3A_1495 : vector<16xi32>
        scf.yield %add3A_1496 : vector<16xi32>
      }
      %scan3A_1134 = arith.constant 16 : i32
      %broadcast_in_dim3A_1135 = arith.constant true
      %broadcast_in_dim3A_1136 = vector.broadcast %broadcast_in_dim3A_1135 : i1 to vector<16xi1>
      %masked_cumsum3A_1137 = tpu.scan <sum>, %scan3A_1133 masked %broadcast_in_dim3A_1136 : vector<16xi32>, vector<16xi1> -> vector<16xi32>
      %sub3A_1138 = arith.subi %masked_cumsum3A_1137, %scan3A_1133 : vector<16xi32>
      %add3A_1139 = vector.broadcast %add3A_1128 : i32 to vector<16xi32>
      %add3A_1140 = arith.addi %sub3A_1138, %add3A_1139 : vector<16xi32>
      %swap3A_1141 = arith.constant 240 : index
      %swap3A_1142 = tpu.vector_load %arg8[%swap3A_1141] {strides = array<i32>} : memref<272xi32, #tpu.memory_space<vmem>>, vector<16xi32>,
      tpu.vector_store %arg8[%swap3A_1141], %add3A_1140 {strides = array<i32>} : memref<272xi32, #tpu.memory_space<vmem>>, vector<16xi32>,
      %reduce_sum3A_1143 = arith.constant true
      %reduce_sum3A_1144 = vector.broadcast %reduce_sum3A_1143 : i1 to vector<16xi1>
      %reduce_sum3A_1145 = tpu.scan <sum>, %scan3A_1133 masked %reduce_sum3A_1144 : vector<16xi32>, vector<16xi1> -> vector<16xi32>
      %reduce_sum3A_1146 = vector.extract %reduce_sum3A_1145[15] : i32 from vector<16xi32>
      %add3A_1147 = arith.addi %add3A_1128, %reduce_sum3A_1146 : i32
      %scan3A_1148 = arith.constant 0 : i32
      %scan3A_1149 = arith.constant 0 : i32
      %scan3A_1150 = arith.constant 64 : i32
      %scan3A_1151 = arith.addi %scan3A_1149, %scan3A_1150 : i32
      %scan3A_1152 = arith.constant 1 : i32
      %scan3A_1153 = scf.for %scan3A_1489 = %scan3A_1149 to %scan3A_1151 step %scan3A_1152 iter_args(%scan3A_1490 = %scan3A_1148) -> (i32)  : i32 {
        %mul3A_1491 = arith.constant 16 : i32
        %mul3A_1492 = arith.muli %scan3A_1489, %mul3A_1491 : i32
        %get3A = arith.index_cast %mul3A_1492 : i32 to index
        %get3A_1493 = tpu.vector_load %arg12[%get3A] {strides = array<i32>} : memref<2080xi32, #tpu.memory_space<vmem>>, vector<16xi32>,
        %mul3A_1494 = arith.constant 16 : i32
        %mul3A_1495 = arith.muli %scan3A_1489, %mul3A_1494 : i32
        %get3A_1496 = arith.index_cast %mul3A_1495 : i32 to index
        %get3A_1497 = tpu.vector_load %arg13[%get3A_1496] {strides = array<i32>} : memref<2080xi32, #tpu.memory_space<vmem>>, vector<16xi32>,
        %shift_right_arithmetic3A = arith.constant 16 : i32
        %shift_right_arithmetic3A_1498 = vector.broadcast %shift_right_arithmetic3A : i32 to vector<16xi32>
        %shift_right_arithmetic3A_1499 = arith.shrsi %get3A_1493, %shift_right_arithmetic3A_1498 : vector<16xi32>
        %and3A = arith.constant 255 : i32
        %and3A_1500 = vector.broadcast %and3A : i32 to vector<16xi32>
        %and3A_1501 = arith.andi %shift_right_arithmetic3A_1499, %and3A_1500 : vector<16xi32>
        %swap3A_1502 = arith.constant 16 : index
        %swap3A_1503 = tpu.vector_load %arg16[%swap3A_1502] {strides = array<i32>} : memref<48xi32, #tpu.memory_space<vmem>>, vector<16xi32>,
        tpu.vector_store %arg16[%swap3A_1502], %and3A_1501 {strides = array<i32>} : memref<48xi32, #tpu.memory_space<vmem>>, vector<16xi32>,
        %scan3A_1504 = arith.constant 1 : i32
        %scan3A_1505 = arith.constant 15 : i32
        %scan3A_1506 = arith.addi %scan3A_1504, %scan3A_1505 : i32
        %scan3A_1507 = arith.constant 1 : i32
        %scan3A_1508:2 = scf.for %scan3A_1517 = %scan3A_1504 to %scan3A_1506 step %scan3A_1507 iter_args(%scan3A_1518 = %broadcast_in_dim3A_5, %scan3A_1519 = %broadcast_in_dim3A_5) -> (vector<16xi32>, vector<16xi32>)  : i32 {
          %sub3A_1520 = arith.constant 16 : i32
          %sub3A_1521 = arith.subi %sub3A_1520, %scan3A_1517 : i32
          %get3A_1522 = arith.index_cast %sub3A_1521 : i32 to index
          %get3A_1523 = tpu.vector_load %arg16[%get3A_1522] {strides = array<i32>} : memref<48xi32, #tpu.memory_space<vmem>>, vector<16xi32>,
          %add3A_1524 = arith.constant 16 : i32
          %add3A_1525 = arith.addi %add3A_1524, %scan3A_1517 : i32
          %get3A_1526 = arith.index_cast %add3A_1525 : i32 to index
          %get3A_1527 = tpu.vector_load %arg16[%get3A_1526] {strides = array<i32>} : memref<48xi32, #tpu.memory_space<vmem>>, vector<16xi32>,
          %eq3A_1528 = arith.cmpi eq, %get3A_1523, %and3A_1501 : vector<16xi32>
          %convert_element_type3A_1529 = arith.extui %eq3A_1528 : vector<16xi1> to vector<16xi32>
          %add3A_1530 = arith.addi %scan3A_1518, %convert_element_type3A_1529 : vector<16xi32>
          %eq3A_1531 = arith.cmpi eq, %get3A_1527, %and3A_1501 : vector<16xi32>
          %convert_element_type3A_1532 = arith.extui %eq3A_1531 : vector<16xi1> to vector<16xi32>
          %add3A_1533 = arith.addi %scan3A_1519, %convert_element_type3A_1532 : vector<16xi32>
          scf.yield %add3A_1530, %add3A_1533 : vector<16xi32>, vector<16xi32>
        }
        %scan3A_1509 = arith.constant 15 : i32
        %gather3A = tpu.vector_load_idx %arg8[%and3A_1501] : memref<272xi32, #tpu.memory_space<vmem>>[vector<16xi32>], vector<16xi32>,
        %add3A_1510 = arith.addi %gather3A, %scan3A_1508#0 : vector<16xi32>
        tpu.vector_store_idx %arg14[%add3A_1510], %get3A_1493 : memref<1024xi32, #tpu.memory_space<vmem>>[vector<16xi32>], vector<16xi32>,
        tpu.vector_store_idx %arg15[%add3A_1510], %get3A_1497 : memref<1024xi32, #tpu.memory_space<vmem>>[vector<16xi32>], vector<16xi32>,
        %add3A_1511 = arith.constant 1 : i32
        %add3A_1512 = vector.broadcast %add3A_1511 : i32 to vector<16xi32>
        %add3A_1513 = arith.addi %scan3A_1508#0, %add3A_1512 : vector<16xi32>
        %eq3A = arith.constant 0 : i32
        %eq3A_1514 = vector.broadcast %eq3A : i32 to vector<16xi32>
        %eq3A_1515 = arith.cmpi eq, %scan3A_1508#1, %eq3A_1514 : vector<16xi32>
        tpu.vector_store_idx %arg8[%and3A_1501], %add3A_1513 masked %eq3A_1515 {add = true} : memref<272xi32, #tpu.memory_space<vmem>>[vector<16xi32>], vector<16xi32>, vector<16xi1>
        %scan3A_1516 = arith.constant 0 : i32
        scf.yield %scan3A_1516 : i32
      }
      %scan3A_1154 = arith.constant 64 : i32
      %scan3A_1155 = arith.constant 0 : i32
      %scan3A_1156 = arith.constant 0 : i32
      %scan3A_1157 = arith.constant 256 : i32
      %scan3A_1158 = arith.addi %scan3A_1156, %scan3A_1157 : i32
      %scan3A_1159 = arith.constant 1 : i32
      %scan3A_1160 = scf.for %scan3A_1489 = %scan3A_1156 to %scan3A_1158 step %scan3A_1159 iter_args(%scan3A_1490 = %scan3A_1155) -> (i32)  : i32 {
        %mul3A_1491 = arith.constant 16 : i32
        %mul3A_1492 = arith.muli %scan3A_1489, %mul3A_1491 : i32
        %swap3A_1493 = arith.index_cast %mul3A_1492 : i32 to index
        %swap3A_1494 = tpu.vector_load %arg7[%swap3A_1493] {strides = array<i32>} : memref<4096xi32, #tpu.memory_space<vmem>>, vector<16xi32>,
        tpu.vector_store %arg7[%swap3A_1493], %broadcast_in_dim3A_5 {strides = array<i32>} : memref<4096xi32, #tpu.memory_space<vmem>>, vector<16xi32>,
        %scan3A_1495 = arith.constant 0 : i32
        scf.yield %scan3A_1495 : i32
      }
      %scan3A_1161 = arith.constant 256 : i32
      %scan3A_1162 = arith.constant 0 : i32
      %scan3A_1163 = arith.constant 0 : i32
      %scan3A_1164 = arith.constant 64 : i32
      %scan3A_1165 = arith.addi %scan3A_1163, %scan3A_1164 : i32
      %scan3A_1166 = arith.constant 1 : i32
      %scan3A_1167 = scf.for %scan3A_1489 = %scan3A_1163 to %scan3A_1165 step %scan3A_1166 iter_args(%scan3A_1490 = %scan3A_1162) -> (i32)  : i32 {
        %mul3A_1491 = arith.constant 16 : i32
        %mul3A_1492 = arith.muli %scan3A_1489, %mul3A_1491 : i32
        %get3A = arith.index_cast %mul3A_1492 : i32 to index
        %get3A_1493 = tpu.vector_load %arg14[%get3A] {strides = array<i32>} : memref<1024xi32, #tpu.memory_space<vmem>>, vector<16xi32>,
        %shift_right_arithmetic3A = arith.constant 24 : i32
        %shift_right_arithmetic3A_1494 = vector.broadcast %shift_right_arithmetic3A : i32 to vector<16xi32>
        %shift_right_arithmetic3A_1495 = arith.shrsi %get3A_1493, %shift_right_arithmetic3A_1494 : vector<16xi32>
        %and3A = arith.constant 255 : i32
        %and3A_1496 = vector.broadcast %and3A : i32 to vector<16xi32>
        %and3A_1497 = arith.andi %shift_right_arithmetic3A_1495, %and3A_1496 : vector<16xi32>
        %mul3A_1498 = arith.constant 256 : i32
        %mul3A_1499 = vector.broadcast %mul3A_1498 : i32 to vector<16xi32>
        %mul3A_1500 = arith.muli %iota3A, %mul3A_1499 : vector<16xi32>
        %add3A_1501 = arith.addi %mul3A_1500, %and3A_1497 : vector<16xi32>
        %broadcast_in_dim3A_1502 = arith.constant true
        %broadcast_in_dim3A_1503 = vector.broadcast %broadcast_in_dim3A_1502 : i1 to vector<16xi1>
        tpu.vector_store_idx %arg7[%add3A_1501], %broadcast_in_dim3A_3 masked %broadcast_in_dim3A_1503 {add = true} : memref<4096xi32, #tpu.memory_space<vmem>>[vector<16xi32>], vector<16xi32>, vector<16xi1>
        %scan3A_1504 = arith.constant 0 : i32
        scf.yield %scan3A_1504 : i32
      }
      %scan3A_1168 = arith.constant 64 : i32
      %scan3A_1169 = arith.constant 0 : i32
      %scan3A_1170 = arith.constant 16 : i32
      %scan3A_1171 = arith.addi %scan3A_1169, %scan3A_1170 : i32
      %scan3A_1172 = arith.constant 1 : i32
      %scan3A_1173 = scf.for %scan3A_1489 = %scan3A_1169 to %scan3A_1171 step %scan3A_1172 iter_args(%scan3A_1490 = %broadcast_in_dim3A_5) -> (vector<16xi32>)  : i32 {
        %mul3A_1491 = arith.constant 256 : i32
        %mul3A_1492 = arith.muli %scan3A_1489, %mul3A_1491 : i32
        %add3A_1493 = arith.constant 0 : i32
        %add3A_1494 = arith.addi %mul3A_1492, %add3A_1493 : i32
        %get3A = arith.index_cast %add3A_1494 : i32 to index
        %get3A_1495 = tpu.vector_load %arg7[%get3A] {strides = array<i32>} : memref<4096xi32, #tpu.memory_space<vmem>>, vector<16xi32>,
        %add3A_1496 = arith.addi %scan3A_1490, %get3A_1495 : vector<16xi32>
        scf.yield %add3A_1496 : vector<16xi32>
      }
      %scan3A_1174 = arith.constant 16 : i32
      %broadcast_in_dim3A_1175 = arith.constant true
      %broadcast_in_dim3A_1176 = vector.broadcast %broadcast_in_dim3A_1175 : i1 to vector<16xi1>
      %masked_cumsum3A_1177 = tpu.scan <sum>, %scan3A_1173 masked %broadcast_in_dim3A_1176 : vector<16xi32>, vector<16xi1> -> vector<16xi32>
      %sub3A_1178 = arith.subi %masked_cumsum3A_1177, %scan3A_1173 : vector<16xi32>
      %add3A_1179 = arith.constant 0 : i32
      %add3A_1180 = vector.broadcast %add3A_1179 : i32 to vector<16xi32>
      %add3A_1181 = arith.addi %sub3A_1178, %add3A_1180 : vector<16xi32>
      %swap3A_1182 = arith.constant 0 : index
      %swap3A_1183 = tpu.vector_load %arg8[%swap3A_1182] {strides = array<i32>} : memref<272xi32, #tpu.memory_space<vmem>>, vector<16xi32>,
      tpu.vector_store %arg8[%swap3A_1182], %add3A_1181 {strides = array<i32>} : memref<272xi32, #tpu.memory_space<vmem>>, vector<16xi32>,
      %reduce_sum3A_1184 = arith.constant true
      %reduce_sum3A_1185 = vector.broadcast %reduce_sum3A_1184 : i1 to vector<16xi1>
      %reduce_sum3A_1186 = tpu.scan <sum>, %scan3A_1173 masked %reduce_sum3A_1185 : vector<16xi32>, vector<16xi1> -> vector<16xi32>
      %reduce_sum3A_1187 = vector.extract %reduce_sum3A_1186[15] : i32 from vector<16xi32>
      %add3A_1188 = arith.constant 0 : i32
      %add3A_1189 = arith.addi %add3A_1188, %reduce_sum3A_1187 : i32
      %scan3A_1190 = arith.constant 0 : i32
      %scan3A_1191 = arith.constant 16 : i32
      %scan3A_1192 = arith.addi %scan3A_1190, %scan3A_1191 : i32
      %scan3A_1193 = arith.constant 1 : i32
      %scan3A_1194 = scf.for %scan3A_1489 = %scan3A_1190 to %scan3A_1192 step %scan3A_1193 iter_args(%scan3A_1490 = %broadcast_in_dim3A_5) -> (vector<16xi32>)  : i32 {
        %mul3A_1491 = arith.constant 256 : i32
        %mul3A_1492 = arith.muli %scan3A_1489, %mul3A_1491 : i32
        %add3A_1493 = arith.constant 16 : i32
        %add3A_1494 = arith.addi %mul3A_1492, %add3A_1493 : i32
        %get3A = arith.index_cast %add3A_1494 : i32 to index
        %get3A_1495 = tpu.vector_load %arg7[%get3A] {strides = array<i32>} : memref<4096xi32, #tpu.memory_space<vmem>>, vector<16xi32>,
        %add3A_1496 = arith.addi %scan3A_1490, %get3A_1495 : vector<16xi32>
        scf.yield %add3A_1496 : vector<16xi32>
      }
      %scan3A_1195 = arith.constant 16 : i32
      %broadcast_in_dim3A_1196 = arith.constant true
      %broadcast_in_dim3A_1197 = vector.broadcast %broadcast_in_dim3A_1196 : i1 to vector<16xi1>
      %masked_cumsum3A_1198 = tpu.scan <sum>, %scan3A_1194 masked %broadcast_in_dim3A_1197 : vector<16xi32>, vector<16xi1> -> vector<16xi32>
      %sub3A_1199 = arith.subi %masked_cumsum3A_1198, %scan3A_1194 : vector<16xi32>
      %add3A_1200 = vector.broadcast %add3A_1189 : i32 to vector<16xi32>
      %add3A_1201 = arith.addi %sub3A_1199, %add3A_1200 : vector<16xi32>
      %swap3A_1202 = arith.constant 16 : index
      %swap3A_1203 = tpu.vector_load %arg8[%swap3A_1202] {strides = array<i32>} : memref<272xi32, #tpu.memory_space<vmem>>, vector<16xi32>,
      tpu.vector_store %arg8[%swap3A_1202], %add3A_1201 {strides = array<i32>} : memref<272xi32, #tpu.memory_space<vmem>>, vector<16xi32>,
      %reduce_sum3A_1204 = arith.constant true
      %reduce_sum3A_1205 = vector.broadcast %reduce_sum3A_1204 : i1 to vector<16xi1>
      %reduce_sum3A_1206 = tpu.scan <sum>, %scan3A_1194 masked %reduce_sum3A_1205 : vector<16xi32>, vector<16xi1> -> vector<16xi32>
      %reduce_sum3A_1207 = vector.extract %reduce_sum3A_1206[15] : i32 from vector<16xi32>
      %add3A_1208 = arith.addi %add3A_1189, %reduce_sum3A_1207 : i32
      %scan3A_1209 = arith.constant 0 : i32
      %scan3A_1210 = arith.constant 16 : i32
      %scan3A_1211 = arith.addi %scan3A_1209, %scan3A_1210 : i32
      %scan3A_1212 = arith.constant 1 : i32
      %scan3A_1213 = scf.for %scan3A_1489 = %scan3A_1209 to %scan3A_1211 step %scan3A_1212 iter_args(%scan3A_1490 = %broadcast_in_dim3A_5) -> (vector<16xi32>)  : i32 {
        %mul3A_1491 = arith.constant 256 : i32
        %mul3A_1492 = arith.muli %scan3A_1489, %mul3A_1491 : i32
        %add3A_1493 = arith.constant 32 : i32
        %add3A_1494 = arith.addi %mul3A_1492, %add3A_1493 : i32
        %get3A = arith.index_cast %add3A_1494 : i32 to index
        %get3A_1495 = tpu.vector_load %arg7[%get3A] {strides = array<i32>} : memref<4096xi32, #tpu.memory_space<vmem>>, vector<16xi32>,
        %add3A_1496 = arith.addi %scan3A_1490, %get3A_1495 : vector<16xi32>
        scf.yield %add3A_1496 : vector<16xi32>
      }
      %scan3A_1214 = arith.constant 16 : i32
      %broadcast_in_dim3A_1215 = arith.constant true
      %broadcast_in_dim3A_1216 = vector.broadcast %broadcast_in_dim3A_1215 : i1 to vector<16xi1>
      %masked_cumsum3A_1217 = tpu.scan <sum>, %scan3A_1213 masked %broadcast_in_dim3A_1216 : vector<16xi32>, vector<16xi1> -> vector<16xi32>
      %sub3A_1218 = arith.subi %masked_cumsum3A_1217, %scan3A_1213 : vector<16xi32>
      %add3A_1219 = vector.broadcast %add3A_1208 : i32 to vector<16xi32>
      %add3A_1220 = arith.addi %sub3A_1218, %add3A_1219 : vector<16xi32>
      %swap3A_1221 = arith.constant 32 : index
      %swap3A_1222 = tpu.vector_load %arg8[%swap3A_1221] {strides = array<i32>} : memref<272xi32, #tpu.memory_space<vmem>>, vector<16xi32>,
      tpu.vector_store %arg8[%swap3A_1221], %add3A_1220 {strides = array<i32>} : memref<272xi32, #tpu.memory_space<vmem>>, vector<16xi32>,
      %reduce_sum3A_1223 = arith.constant true
      %reduce_sum3A_1224 = vector.broadcast %reduce_sum3A_1223 : i1 to vector<16xi1>
      %reduce_sum3A_1225 = tpu.scan <sum>, %scan3A_1213 masked %reduce_sum3A_1224 : vector<16xi32>, vector<16xi1> -> vector<16xi32>
      %reduce_sum3A_1226 = vector.extract %reduce_sum3A_1225[15] : i32 from vector<16xi32>
      %add3A_1227 = arith.addi %add3A_1208, %reduce_sum3A_1226 : i32
      %scan3A_1228 = arith.constant 0 : i32
      %scan3A_1229 = arith.constant 16 : i32
      %scan3A_1230 = arith.addi %scan3A_1228, %scan3A_1229 : i32
      %scan3A_1231 = arith.constant 1 : i32
      %scan3A_1232 = scf.for %scan3A_1489 = %scan3A_1228 to %scan3A_1230 step %scan3A_1231 iter_args(%scan3A_1490 = %broadcast_in_dim3A_5) -> (vector<16xi32>)  : i32 {
        %mul3A_1491 = arith.constant 256 : i32
        %mul3A_1492 = arith.muli %scan3A_1489, %mul3A_1491 : i32
        %add3A_1493 = arith.constant 48 : i32
        %add3A_1494 = arith.addi %mul3A_1492, %add3A_1493 : i32
        %get3A = arith.index_cast %add3A_1494 : i32 to index
        %get3A_1495 = tpu.vector_load %arg7[%get3A] {strides = array<i32>} : memref<4096xi32, #tpu.memory_space<vmem>>, vector<16xi32>,
        %add3A_1496 = arith.addi %scan3A_1490, %get3A_1495 : vector<16xi32>
        scf.yield %add3A_1496 : vector<16xi32>
      }
      %scan3A_1233 = arith.constant 16 : i32
      %broadcast_in_dim3A_1234 = arith.constant true
      %broadcast_in_dim3A_1235 = vector.broadcast %broadcast_in_dim3A_1234 : i1 to vector<16xi1>
      %masked_cumsum3A_1236 = tpu.scan <sum>, %scan3A_1232 masked %broadcast_in_dim3A_1235 : vector<16xi32>, vector<16xi1> -> vector<16xi32>
      %sub3A_1237 = arith.subi %masked_cumsum3A_1236, %scan3A_1232 : vector<16xi32>
      %add3A_1238 = vector.broadcast %add3A_1227 : i32 to vector<16xi32>
      %add3A_1239 = arith.addi %sub3A_1237, %add3A_1238 : vector<16xi32>
      %swap3A_1240 = arith.constant 48 : index
      %swap3A_1241 = tpu.vector_load %arg8[%swap3A_1240] {strides = array<i32>} : memref<272xi32, #tpu.memory_space<vmem>>, vector<16xi32>,
      tpu.vector_store %arg8[%swap3A_1240], %add3A_1239 {strides = array<i32>} : memref<272xi32, #tpu.memory_space<vmem>>, vector<16xi32>,
      %reduce_sum3A_1242 = arith.constant true
      %reduce_sum3A_1243 = vector.broadcast %reduce_sum3A_1242 : i1 to vector<16xi1>
      %reduce_sum3A_1244 = tpu.scan <sum>, %scan3A_1232 masked %reduce_sum3A_1243 : vector<16xi32>, vector<16xi1> -> vector<16xi32>
      %reduce_sum3A_1245 = vector.extract %reduce_sum3A_1244[15] : i32 from vector<16xi32>
      %add3A_1246 = arith.addi %add3A_1227, %reduce_sum3A_1245 : i32
      %scan3A_1247 = arith.constant 0 : i32
      %scan3A_1248 = arith.constant 16 : i32
      %scan3A_1249 = arith.addi %scan3A_1247, %scan3A_1248 : i32
      %scan3A_1250 = arith.constant 1 : i32
      %scan3A_1251 = scf.for %scan3A_1489 = %scan3A_1247 to %scan3A_1249 step %scan3A_1250 iter_args(%scan3A_1490 = %broadcast_in_dim3A_5) -> (vector<16xi32>)  : i32 {
        %mul3A_1491 = arith.constant 256 : i32
        %mul3A_1492 = arith.muli %scan3A_1489, %mul3A_1491 : i32
        %add3A_1493 = arith.constant 64 : i32
        %add3A_1494 = arith.addi %mul3A_1492, %add3A_1493 : i32
        %get3A = arith.index_cast %add3A_1494 : i32 to index
        %get3A_1495 = tpu.vector_load %arg7[%get3A] {strides = array<i32>} : memref<4096xi32, #tpu.memory_space<vmem>>, vector<16xi32>,
        %add3A_1496 = arith.addi %scan3A_1490, %get3A_1495 : vector<16xi32>
        scf.yield %add3A_1496 : vector<16xi32>
      }
      %scan3A_1252 = arith.constant 16 : i32
      %broadcast_in_dim3A_1253 = arith.constant true
      %broadcast_in_dim3A_1254 = vector.broadcast %broadcast_in_dim3A_1253 : i1 to vector<16xi1>
      %masked_cumsum3A_1255 = tpu.scan <sum>, %scan3A_1251 masked %broadcast_in_dim3A_1254 : vector<16xi32>, vector<16xi1> -> vector<16xi32>
      %sub3A_1256 = arith.subi %masked_cumsum3A_1255, %scan3A_1251 : vector<16xi32>
      %add3A_1257 = vector.broadcast %add3A_1246 : i32 to vector<16xi32>
      %add3A_1258 = arith.addi %sub3A_1256, %add3A_1257 : vector<16xi32>
      %swap3A_1259 = arith.constant 64 : index
      %swap3A_1260 = tpu.vector_load %arg8[%swap3A_1259] {strides = array<i32>} : memref<272xi32, #tpu.memory_space<vmem>>, vector<16xi32>,
      tpu.vector_store %arg8[%swap3A_1259], %add3A_1258 {strides = array<i32>} : memref<272xi32, #tpu.memory_space<vmem>>, vector<16xi32>,
      %reduce_sum3A_1261 = arith.constant true
      %reduce_sum3A_1262 = vector.broadcast %reduce_sum3A_1261 : i1 to vector<16xi1>
      %reduce_sum3A_1263 = tpu.scan <sum>, %scan3A_1251 masked %reduce_sum3A_1262 : vector<16xi32>, vector<16xi1> -> vector<16xi32>
      %reduce_sum3A_1264 = vector.extract %reduce_sum3A_1263[15] : i32 from vector<16xi32>
      %add3A_1265 = arith.addi %add3A_1246, %reduce_sum3A_1264 : i32
      %scan3A_1266 = arith.constant 0 : i32
      %scan3A_1267 = arith.constant 16 : i32
      %scan3A_1268 = arith.addi %scan3A_1266, %scan3A_1267 : i32
      %scan3A_1269 = arith.constant 1 : i32
      %scan3A_1270 = scf.for %scan3A_1489 = %scan3A_1266 to %scan3A_1268 step %scan3A_1269 iter_args(%scan3A_1490 = %broadcast_in_dim3A_5) -> (vector<16xi32>)  : i32 {
        %mul3A_1491 = arith.constant 256 : i32
        %mul3A_1492 = arith.muli %scan3A_1489, %mul3A_1491 : i32
        %add3A_1493 = arith.constant 80 : i32
        %add3A_1494 = arith.addi %mul3A_1492, %add3A_1493 : i32
        %get3A = arith.index_cast %add3A_1494 : i32 to index
        %get3A_1495 = tpu.vector_load %arg7[%get3A] {strides = array<i32>} : memref<4096xi32, #tpu.memory_space<vmem>>, vector<16xi32>,
        %add3A_1496 = arith.addi %scan3A_1490, %get3A_1495 : vector<16xi32>
        scf.yield %add3A_1496 : vector<16xi32>
      }
      %scan3A_1271 = arith.constant 16 : i32
      %broadcast_in_dim3A_1272 = arith.constant true
      %broadcast_in_dim3A_1273 = vector.broadcast %broadcast_in_dim3A_1272 : i1 to vector<16xi1>
      %masked_cumsum3A_1274 = tpu.scan <sum>, %scan3A_1270 masked %broadcast_in_dim3A_1273 : vector<16xi32>, vector<16xi1> -> vector<16xi32>
      %sub3A_1275 = arith.subi %masked_cumsum3A_1274, %scan3A_1270 : vector<16xi32>
      %add3A_1276 = vector.broadcast %add3A_1265 : i32 to vector<16xi32>
      %add3A_1277 = arith.addi %sub3A_1275, %add3A_1276 : vector<16xi32>
      %swap3A_1278 = arith.constant 80 : index
      %swap3A_1279 = tpu.vector_load %arg8[%swap3A_1278] {strides = array<i32>} : memref<272xi32, #tpu.memory_space<vmem>>, vector<16xi32>,
      tpu.vector_store %arg8[%swap3A_1278], %add3A_1277 {strides = array<i32>} : memref<272xi32, #tpu.memory_space<vmem>>, vector<16xi32>,
      %reduce_sum3A_1280 = arith.constant true
      %reduce_sum3A_1281 = vector.broadcast %reduce_sum3A_1280 : i1 to vector<16xi1>
      %reduce_sum3A_1282 = tpu.scan <sum>, %scan3A_1270 masked %reduce_sum3A_1281 : vector<16xi32>, vector<16xi1> -> vector<16xi32>
      %reduce_sum3A_1283 = vector.extract %reduce_sum3A_1282[15] : i32 from vector<16xi32>
      %add3A_1284 = arith.addi %add3A_1265, %reduce_sum3A_1283 : i32
      %scan3A_1285 = arith.constant 0 : i32
      %scan3A_1286 = arith.constant 16 : i32
      %scan3A_1287 = arith.addi %scan3A_1285, %scan3A_1286 : i32
      %scan3A_1288 = arith.constant 1 : i32
      %scan3A_1289 = scf.for %scan3A_1489 = %scan3A_1285 to %scan3A_1287 step %scan3A_1288 iter_args(%scan3A_1490 = %broadcast_in_dim3A_5) -> (vector<16xi32>)  : i32 {
        %mul3A_1491 = arith.constant 256 : i32
        %mul3A_1492 = arith.muli %scan3A_1489, %mul3A_1491 : i32
        %add3A_1493 = arith.constant 96 : i32
        %add3A_1494 = arith.addi %mul3A_1492, %add3A_1493 : i32
        %get3A = arith.index_cast %add3A_1494 : i32 to index
        %get3A_1495 = tpu.vector_load %arg7[%get3A] {strides = array<i32>} : memref<4096xi32, #tpu.memory_space<vmem>>, vector<16xi32>,
        %add3A_1496 = arith.addi %scan3A_1490, %get3A_1495 : vector<16xi32>
        scf.yield %add3A_1496 : vector<16xi32>
      }
      %scan3A_1290 = arith.constant 16 : i32
      %broadcast_in_dim3A_1291 = arith.constant true
      %broadcast_in_dim3A_1292 = vector.broadcast %broadcast_in_dim3A_1291 : i1 to vector<16xi1>
      %masked_cumsum3A_1293 = tpu.scan <sum>, %scan3A_1289 masked %broadcast_in_dim3A_1292 : vector<16xi32>, vector<16xi1> -> vector<16xi32>
      %sub3A_1294 = arith.subi %masked_cumsum3A_1293, %scan3A_1289 : vector<16xi32>
      %add3A_1295 = vector.broadcast %add3A_1284 : i32 to vector<16xi32>
      %add3A_1296 = arith.addi %sub3A_1294, %add3A_1295 : vector<16xi32>
      %swap3A_1297 = arith.constant 96 : index
      %swap3A_1298 = tpu.vector_load %arg8[%swap3A_1297] {strides = array<i32>} : memref<272xi32, #tpu.memory_space<vmem>>, vector<16xi32>,
      tpu.vector_store %arg8[%swap3A_1297], %add3A_1296 {strides = array<i32>} : memref<272xi32, #tpu.memory_space<vmem>>, vector<16xi32>,
      %reduce_sum3A_1299 = arith.constant true
      %reduce_sum3A_1300 = vector.broadcast %reduce_sum3A_1299 : i1 to vector<16xi1>
      %reduce_sum3A_1301 = tpu.scan <sum>, %scan3A_1289 masked %reduce_sum3A_1300 : vector<16xi32>, vector<16xi1> -> vector<16xi32>
      %reduce_sum3A_1302 = vector.extract %reduce_sum3A_1301[15] : i32 from vector<16xi32>
      %add3A_1303 = arith.addi %add3A_1284, %reduce_sum3A_1302 : i32
      %scan3A_1304 = arith.constant 0 : i32
      %scan3A_1305 = arith.constant 16 : i32
      %scan3A_1306 = arith.addi %scan3A_1304, %scan3A_1305 : i32
      %scan3A_1307 = arith.constant 1 : i32
      %scan3A_1308 = scf.for %scan3A_1489 = %scan3A_1304 to %scan3A_1306 step %scan3A_1307 iter_args(%scan3A_1490 = %broadcast_in_dim3A_5) -> (vector<16xi32>)  : i32 {
        %mul3A_1491 = arith.constant 256 : i32
        %mul3A_1492 = arith.muli %scan3A_1489, %mul3A_1491 : i32
        %add3A_1493 = arith.constant 112 : i32
        %add3A_1494 = arith.addi %mul3A_1492, %add3A_1493 : i32
        %get3A = arith.index_cast %add3A_1494 : i32 to index
        %get3A_1495 = tpu.vector_load %arg7[%get3A] {strides = array<i32>} : memref<4096xi32, #tpu.memory_space<vmem>>, vector<16xi32>,
        %add3A_1496 = arith.addi %scan3A_1490, %get3A_1495 : vector<16xi32>
        scf.yield %add3A_1496 : vector<16xi32>
      }
      %scan3A_1309 = arith.constant 16 : i32
      %broadcast_in_dim3A_1310 = arith.constant true
      %broadcast_in_dim3A_1311 = vector.broadcast %broadcast_in_dim3A_1310 : i1 to vector<16xi1>
      %masked_cumsum3A_1312 = tpu.scan <sum>, %scan3A_1308 masked %broadcast_in_dim3A_1311 : vector<16xi32>, vector<16xi1> -> vector<16xi32>
      %sub3A_1313 = arith.subi %masked_cumsum3A_1312, %scan3A_1308 : vector<16xi32>
      %add3A_1314 = vector.broadcast %add3A_1303 : i32 to vector<16xi32>
      %add3A_1315 = arith.addi %sub3A_1313, %add3A_1314 : vector<16xi32>
      %swap3A_1316 = arith.constant 112 : index
      %swap3A_1317 = tpu.vector_load %arg8[%swap3A_1316] {strides = array<i32>} : memref<272xi32, #tpu.memory_space<vmem>>, vector<16xi32>,
      tpu.vector_store %arg8[%swap3A_1316], %add3A_1315 {strides = array<i32>} : memref<272xi32, #tpu.memory_space<vmem>>, vector<16xi32>,
      %reduce_sum3A_1318 = arith.constant true
      %reduce_sum3A_1319 = vector.broadcast %reduce_sum3A_1318 : i1 to vector<16xi1>
      %reduce_sum3A_1320 = tpu.scan <sum>, %scan3A_1308 masked %reduce_sum3A_1319 : vector<16xi32>, vector<16xi1> -> vector<16xi32>
      %reduce_sum3A_1321 = vector.extract %reduce_sum3A_1320[15] : i32 from vector<16xi32>
      %add3A_1322 = arith.addi %add3A_1303, %reduce_sum3A_1321 : i32
      %scan3A_1323 = arith.constant 0 : i32
      %scan3A_1324 = arith.constant 16 : i32
      %scan3A_1325 = arith.addi %scan3A_1323, %scan3A_1324 : i32
      %scan3A_1326 = arith.constant 1 : i32
      %scan3A_1327 = scf.for %scan3A_1489 = %scan3A_1323 to %scan3A_1325 step %scan3A_1326 iter_args(%scan3A_1490 = %broadcast_in_dim3A_5) -> (vector<16xi32>)  : i32 {
        %mul3A_1491 = arith.constant 256 : i32
        %mul3A_1492 = arith.muli %scan3A_1489, %mul3A_1491 : i32
        %add3A_1493 = arith.constant 128 : i32
        %add3A_1494 = arith.addi %mul3A_1492, %add3A_1493 : i32
        %get3A = arith.index_cast %add3A_1494 : i32 to index
        %get3A_1495 = tpu.vector_load %arg7[%get3A] {strides = array<i32>} : memref<4096xi32, #tpu.memory_space<vmem>>, vector<16xi32>,
        %add3A_1496 = arith.addi %scan3A_1490, %get3A_1495 : vector<16xi32>
        scf.yield %add3A_1496 : vector<16xi32>
      }
      %scan3A_1328 = arith.constant 16 : i32
      %broadcast_in_dim3A_1329 = arith.constant true
      %broadcast_in_dim3A_1330 = vector.broadcast %broadcast_in_dim3A_1329 : i1 to vector<16xi1>
      %masked_cumsum3A_1331 = tpu.scan <sum>, %scan3A_1327 masked %broadcast_in_dim3A_1330 : vector<16xi32>, vector<16xi1> -> vector<16xi32>
      %sub3A_1332 = arith.subi %masked_cumsum3A_1331, %scan3A_1327 : vector<16xi32>
      %add3A_1333 = vector.broadcast %add3A_1322 : i32 to vector<16xi32>
      %add3A_1334 = arith.addi %sub3A_1332, %add3A_1333 : vector<16xi32>
      %swap3A_1335 = arith.constant 128 : index
      %swap3A_1336 = tpu.vector_load %arg8[%swap3A_1335] {strides = array<i32>} : memref<272xi32, #tpu.memory_space<vmem>>, vector<16xi32>,
      tpu.vector_store %arg8[%swap3A_1335], %add3A_1334 {strides = array<i32>} : memref<272xi32, #tpu.memory_space<vmem>>, vector<16xi32>,
      %reduce_sum3A_1337 = arith.constant true
      %reduce_sum3A_1338 = vector.broadcast %reduce_sum3A_1337 : i1 to vector<16xi1>
      %reduce_sum3A_1339 = tpu.scan <sum>, %scan3A_1327 masked %reduce_sum3A_1338 : vector<16xi32>, vector<16xi1> -> vector<16xi32>
      %reduce_sum3A_1340 = vector.extract %reduce_sum3A_1339[15] : i32 from vector<16xi32>
      %add3A_1341 = arith.addi %add3A_1322, %reduce_sum3A_1340 : i32
      %scan3A_1342 = arith.constant 0 : i32
      %scan3A_1343 = arith.constant 16 : i32
      %scan3A_1344 = arith.addi %scan3A_1342, %scan3A_1343 : i32
      %scan3A_1345 = arith.constant 1 : i32
      %scan3A_1346 = scf.for %scan3A_1489 = %scan3A_1342 to %scan3A_1344 step %scan3A_1345 iter_args(%scan3A_1490 = %broadcast_in_dim3A_5) -> (vector<16xi32>)  : i32 {
        %mul3A_1491 = arith.constant 256 : i32
        %mul3A_1492 = arith.muli %scan3A_1489, %mul3A_1491 : i32
        %add3A_1493 = arith.constant 144 : i32
        %add3A_1494 = arith.addi %mul3A_1492, %add3A_1493 : i32
        %get3A = arith.index_cast %add3A_1494 : i32 to index
        %get3A_1495 = tpu.vector_load %arg7[%get3A] {strides = array<i32>} : memref<4096xi32, #tpu.memory_space<vmem>>, vector<16xi32>,
        %add3A_1496 = arith.addi %scan3A_1490, %get3A_1495 : vector<16xi32>
        scf.yield %add3A_1496 : vector<16xi32>
      }
      %scan3A_1347 = arith.constant 16 : i32
      %broadcast_in_dim3A_1348 = arith.constant true
      %broadcast_in_dim3A_1349 = vector.broadcast %broadcast_in_dim3A_1348 : i1 to vector<16xi1>
      %masked_cumsum3A_1350 = tpu.scan <sum>, %scan3A_1346 masked %broadcast_in_dim3A_1349 : vector<16xi32>, vector<16xi1> -> vector<16xi32>
      %sub3A_1351 = arith.subi %masked_cumsum3A_1350, %scan3A_1346 : vector<16xi32>
      %add3A_1352 = vector.broadcast %add3A_1341 : i32 to vector<16xi32>
      %add3A_1353 = arith.addi %sub3A_1351, %add3A_1352 : vector<16xi32>
      %swap3A_1354 = arith.constant 144 : index
      %swap3A_1355 = tpu.vector_load %arg8[%swap3A_1354] {strides = array<i32>} : memref<272xi32, #tpu.memory_space<vmem>>, vector<16xi32>,
      tpu.vector_store %arg8[%swap3A_1354], %add3A_1353 {strides = array<i32>} : memref<272xi32, #tpu.memory_space<vmem>>, vector<16xi32>,
      %reduce_sum3A_1356 = arith.constant true
      %reduce_sum3A_1357 = vector.broadcast %reduce_sum3A_1356 : i1 to vector<16xi1>
      %reduce_sum3A_1358 = tpu.scan <sum>, %scan3A_1346 masked %reduce_sum3A_1357 : vector<16xi32>, vector<16xi1> -> vector<16xi32>
      %reduce_sum3A_1359 = vector.extract %reduce_sum3A_1358[15] : i32 from vector<16xi32>
      %add3A_1360 = arith.addi %add3A_1341, %reduce_sum3A_1359 : i32
      %scan3A_1361 = arith.constant 0 : i32
      %scan3A_1362 = arith.constant 16 : i32
      %scan3A_1363 = arith.addi %scan3A_1361, %scan3A_1362 : i32
      %scan3A_1364 = arith.constant 1 : i32
      %scan3A_1365 = scf.for %scan3A_1489 = %scan3A_1361 to %scan3A_1363 step %scan3A_1364 iter_args(%scan3A_1490 = %broadcast_in_dim3A_5) -> (vector<16xi32>)  : i32 {
        %mul3A_1491 = arith.constant 256 : i32
        %mul3A_1492 = arith.muli %scan3A_1489, %mul3A_1491 : i32
        %add3A_1493 = arith.constant 160 : i32
        %add3A_1494 = arith.addi %mul3A_1492, %add3A_1493 : i32
        %get3A = arith.index_cast %add3A_1494 : i32 to index
        %get3A_1495 = tpu.vector_load %arg7[%get3A] {strides = array<i32>} : memref<4096xi32, #tpu.memory_space<vmem>>, vector<16xi32>,
        %add3A_1496 = arith.addi %scan3A_1490, %get3A_1495 : vector<16xi32>
        scf.yield %add3A_1496 : vector<16xi32>
      }
      %scan3A_1366 = arith.constant 16 : i32
      %broadcast_in_dim3A_1367 = arith.constant true
      %broadcast_in_dim3A_1368 = vector.broadcast %broadcast_in_dim3A_1367 : i1 to vector<16xi1>
      %masked_cumsum3A_1369 = tpu.scan <sum>, %scan3A_1365 masked %broadcast_in_dim3A_1368 : vector<16xi32>, vector<16xi1> -> vector<16xi32>
      %sub3A_1370 = arith.subi %masked_cumsum3A_1369, %scan3A_1365 : vector<16xi32>
      %add3A_1371 = vector.broadcast %add3A_1360 : i32 to vector<16xi32>
      %add3A_1372 = arith.addi %sub3A_1370, %add3A_1371 : vector<16xi32>
      %swap3A_1373 = arith.constant 160 : index
      %swap3A_1374 = tpu.vector_load %arg8[%swap3A_1373] {strides = array<i32>} : memref<272xi32, #tpu.memory_space<vmem>>, vector<16xi32>,
      tpu.vector_store %arg8[%swap3A_1373], %add3A_1372 {strides = array<i32>} : memref<272xi32, #tpu.memory_space<vmem>>, vector<16xi32>,
      %reduce_sum3A_1375 = arith.constant true
      %reduce_sum3A_1376 = vector.broadcast %reduce_sum3A_1375 : i1 to vector<16xi1>
      %reduce_sum3A_1377 = tpu.scan <sum>, %scan3A_1365 masked %reduce_sum3A_1376 : vector<16xi32>, vector<16xi1> -> vector<16xi32>
      %reduce_sum3A_1378 = vector.extract %reduce_sum3A_1377[15] : i32 from vector<16xi32>
      %add3A_1379 = arith.addi %add3A_1360, %reduce_sum3A_1378 : i32
      %scan3A_1380 = arith.constant 0 : i32
      %scan3A_1381 = arith.constant 16 : i32
      %scan3A_1382 = arith.addi %scan3A_1380, %scan3A_1381 : i32
      %scan3A_1383 = arith.constant 1 : i32
      %scan3A_1384 = scf.for %scan3A_1489 = %scan3A_1380 to %scan3A_1382 step %scan3A_1383 iter_args(%scan3A_1490 = %broadcast_in_dim3A_5) -> (vector<16xi32>)  : i32 {
        %mul3A_1491 = arith.constant 256 : i32
        %mul3A_1492 = arith.muli %scan3A_1489, %mul3A_1491 : i32
        %add3A_1493 = arith.constant 176 : i32
        %add3A_1494 = arith.addi %mul3A_1492, %add3A_1493 : i32
        %get3A = arith.index_cast %add3A_1494 : i32 to index
        %get3A_1495 = tpu.vector_load %arg7[%get3A] {strides = array<i32>} : memref<4096xi32, #tpu.memory_space<vmem>>, vector<16xi32>,
        %add3A_1496 = arith.addi %scan3A_1490, %get3A_1495 : vector<16xi32>
        scf.yield %add3A_1496 : vector<16xi32>
      }
      %scan3A_1385 = arith.constant 16 : i32
      %broadcast_in_dim3A_1386 = arith.constant true
      %broadcast_in_dim3A_1387 = vector.broadcast %broadcast_in_dim3A_1386 : i1 to vector<16xi1>
      %masked_cumsum3A_1388 = tpu.scan <sum>, %scan3A_1384 masked %broadcast_in_dim3A_1387 : vector<16xi32>, vector<16xi1> -> vector<16xi32>
      %sub3A_1389 = arith.subi %masked_cumsum3A_1388, %scan3A_1384 : vector<16xi32>
      %add3A_1390 = vector.broadcast %add3A_1379 : i32 to vector<16xi32>
      %add3A_1391 = arith.addi %sub3A_1389, %add3A_1390 : vector<16xi32>
      %swap3A_1392 = arith.constant 176 : index
      %swap3A_1393 = tpu.vector_load %arg8[%swap3A_1392] {strides = array<i32>} : memref<272xi32, #tpu.memory_space<vmem>>, vector<16xi32>,
      tpu.vector_store %arg8[%swap3A_1392], %add3A_1391 {strides = array<i32>} : memref<272xi32, #tpu.memory_space<vmem>>, vector<16xi32>,
      %reduce_sum3A_1394 = arith.constant true
      %reduce_sum3A_1395 = vector.broadcast %reduce_sum3A_1394 : i1 to vector<16xi1>
      %reduce_sum3A_1396 = tpu.scan <sum>, %scan3A_1384 masked %reduce_sum3A_1395 : vector<16xi32>, vector<16xi1> -> vector<16xi32>
      %reduce_sum3A_1397 = vector.extract %reduce_sum3A_1396[15] : i32 from vector<16xi32>
      %add3A_1398 = arith.addi %add3A_1379, %reduce_sum3A_1397 : i32
      %scan3A_1399 = arith.constant 0 : i32
      %scan3A_1400 = arith.constant 16 : i32
      %scan3A_1401 = arith.addi %scan3A_1399, %scan3A_1400 : i32
      %scan3A_1402 = arith.constant 1 : i32
      %scan3A_1403 = scf.for %scan3A_1489 = %scan3A_1399 to %scan3A_1401 step %scan3A_1402 iter_args(%scan3A_1490 = %broadcast_in_dim3A_5) -> (vector<16xi32>)  : i32 {
        %mul3A_1491 = arith.constant 256 : i32
        %mul3A_1492 = arith.muli %scan3A_1489, %mul3A_1491 : i32
        %add3A_1493 = arith.constant 192 : i32
        %add3A_1494 = arith.addi %mul3A_1492, %add3A_1493 : i32
        %get3A = arith.index_cast %add3A_1494 : i32 to index
        %get3A_1495 = tpu.vector_load %arg7[%get3A] {strides = array<i32>} : memref<4096xi32, #tpu.memory_space<vmem>>, vector<16xi32>,
        %add3A_1496 = arith.addi %scan3A_1490, %get3A_1495 : vector<16xi32>
        scf.yield %add3A_1496 : vector<16xi32>
      }
      %scan3A_1404 = arith.constant 16 : i32
      %broadcast_in_dim3A_1405 = arith.constant true
      %broadcast_in_dim3A_1406 = vector.broadcast %broadcast_in_dim3A_1405 : i1 to vector<16xi1>
      %masked_cumsum3A_1407 = tpu.scan <sum>, %scan3A_1403 masked %broadcast_in_dim3A_1406 : vector<16xi32>, vector<16xi1> -> vector<16xi32>
      %sub3A_1408 = arith.subi %masked_cumsum3A_1407, %scan3A_1403 : vector<16xi32>
      %add3A_1409 = vector.broadcast %add3A_1398 : i32 to vector<16xi32>
      %add3A_1410 = arith.addi %sub3A_1408, %add3A_1409 : vector<16xi32>
      %swap3A_1411 = arith.constant 192 : index
      %swap3A_1412 = tpu.vector_load %arg8[%swap3A_1411] {strides = array<i32>} : memref<272xi32, #tpu.memory_space<vmem>>, vector<16xi32>,
      tpu.vector_store %arg8[%swap3A_1411], %add3A_1410 {strides = array<i32>} : memref<272xi32, #tpu.memory_space<vmem>>, vector<16xi32>,
      %reduce_sum3A_1413 = arith.constant true
      %reduce_sum3A_1414 = vector.broadcast %reduce_sum3A_1413 : i1 to vector<16xi1>
      %reduce_sum3A_1415 = tpu.scan <sum>, %scan3A_1403 masked %reduce_sum3A_1414 : vector<16xi32>, vector<16xi1> -> vector<16xi32>
      %reduce_sum3A_1416 = vector.extract %reduce_sum3A_1415[15] : i32 from vector<16xi32>
      %add3A_1417 = arith.addi %add3A_1398, %reduce_sum3A_1416 : i32
      %scan3A_1418 = arith.constant 0 : i32
      %scan3A_1419 = arith.constant 16 : i32
      %scan3A_1420 = arith.addi %scan3A_1418, %scan3A_1419 : i32
      %scan3A_1421 = arith.constant 1 : i32
      %scan3A_1422 = scf.for %scan3A_1489 = %scan3A_1418 to %scan3A_1420 step %scan3A_1421 iter_args(%scan3A_1490 = %broadcast_in_dim3A_5) -> (vector<16xi32>)  : i32 {
        %mul3A_1491 = arith.constant 256 : i32
        %mul3A_1492 = arith.muli %scan3A_1489, %mul3A_1491 : i32
        %add3A_1493 = arith.constant 208 : i32
        %add3A_1494 = arith.addi %mul3A_1492, %add3A_1493 : i32
        %get3A = arith.index_cast %add3A_1494 : i32 to index
        %get3A_1495 = tpu.vector_load %arg7[%get3A] {strides = array<i32>} : memref<4096xi32, #tpu.memory_space<vmem>>, vector<16xi32>,
        %add3A_1496 = arith.addi %scan3A_1490, %get3A_1495 : vector<16xi32>
        scf.yield %add3A_1496 : vector<16xi32>
      }
      %scan3A_1423 = arith.constant 16 : i32
      %broadcast_in_dim3A_1424 = arith.constant true
      %broadcast_in_dim3A_1425 = vector.broadcast %broadcast_in_dim3A_1424 : i1 to vector<16xi1>
      %masked_cumsum3A_1426 = tpu.scan <sum>, %scan3A_1422 masked %broadcast_in_dim3A_1425 : vector<16xi32>, vector<16xi1> -> vector<16xi32>
      %sub3A_1427 = arith.subi %masked_cumsum3A_1426, %scan3A_1422 : vector<16xi32>
      %add3A_1428 = vector.broadcast %add3A_1417 : i32 to vector<16xi32>
      %add3A_1429 = arith.addi %sub3A_1427, %add3A_1428 : vector<16xi32>
      %swap3A_1430 = arith.constant 208 : index
      %swap3A_1431 = tpu.vector_load %arg8[%swap3A_1430] {strides = array<i32>} : memref<272xi32, #tpu.memory_space<vmem>>, vector<16xi32>,
      tpu.vector_store %arg8[%swap3A_1430], %add3A_1429 {strides = array<i32>} : memref<272xi32, #tpu.memory_space<vmem>>, vector<16xi32>,
      %reduce_sum3A_1432 = arith.constant true
      %reduce_sum3A_1433 = vector.broadcast %reduce_sum3A_1432 : i1 to vector<16xi1>
      %reduce_sum3A_1434 = tpu.scan <sum>, %scan3A_1422 masked %reduce_sum3A_1433 : vector<16xi32>, vector<16xi1> -> vector<16xi32>
      %reduce_sum3A_1435 = vector.extract %reduce_sum3A_1434[15] : i32 from vector<16xi32>
      %add3A_1436 = arith.addi %add3A_1417, %reduce_sum3A_1435 : i32
      %scan3A_1437 = arith.constant 0 : i32
      %scan3A_1438 = arith.constant 16 : i32
      %scan3A_1439 = arith.addi %scan3A_1437, %scan3A_1438 : i32
      %scan3A_1440 = arith.constant 1 : i32
      %scan3A_1441 = scf.for %scan3A_1489 = %scan3A_1437 to %scan3A_1439 step %scan3A_1440 iter_args(%scan3A_1490 = %broadcast_in_dim3A_5) -> (vector<16xi32>)  : i32 {
        %mul3A_1491 = arith.constant 256 : i32
        %mul3A_1492 = arith.muli %scan3A_1489, %mul3A_1491 : i32
        %add3A_1493 = arith.constant 224 : i32
        %add3A_1494 = arith.addi %mul3A_1492, %add3A_1493 : i32
        %get3A = arith.index_cast %add3A_1494 : i32 to index
        %get3A_1495 = tpu.vector_load %arg7[%get3A] {strides = array<i32>} : memref<4096xi32, #tpu.memory_space<vmem>>, vector<16xi32>,
        %add3A_1496 = arith.addi %scan3A_1490, %get3A_1495 : vector<16xi32>
        scf.yield %add3A_1496 : vector<16xi32>
      }
      %scan3A_1442 = arith.constant 16 : i32
      %broadcast_in_dim3A_1443 = arith.constant true
      %broadcast_in_dim3A_1444 = vector.broadcast %broadcast_in_dim3A_1443 : i1 to vector<16xi1>
      %masked_cumsum3A_1445 = tpu.scan <sum>, %scan3A_1441 masked %broadcast_in_dim3A_1444 : vector<16xi32>, vector<16xi1> -> vector<16xi32>
      %sub3A_1446 = arith.subi %masked_cumsum3A_1445, %scan3A_1441 : vector<16xi32>
      %add3A_1447 = vector.broadcast %add3A_1436 : i32 to vector<16xi32>
      %add3A_1448 = arith.addi %sub3A_1446, %add3A_1447 : vector<16xi32>
      %swap3A_1449 = arith.constant 224 : index
      %swap3A_1450 = tpu.vector_load %arg8[%swap3A_1449] {strides = array<i32>} : memref<272xi32, #tpu.memory_space<vmem>>, vector<16xi32>,
      tpu.vector_store %arg8[%swap3A_1449], %add3A_1448 {strides = array<i32>} : memref<272xi32, #tpu.memory_space<vmem>>, vector<16xi32>,
      %reduce_sum3A_1451 = arith.constant true
      %reduce_sum3A_1452 = vector.broadcast %reduce_sum3A_1451 : i1 to vector<16xi1>
      %reduce_sum3A_1453 = tpu.scan <sum>, %scan3A_1441 masked %reduce_sum3A_1452 : vector<16xi32>, vector<16xi1> -> vector<16xi32>
      %reduce_sum3A_1454 = vector.extract %reduce_sum3A_1453[15] : i32 from vector<16xi32>
      %add3A_1455 = arith.addi %add3A_1436, %reduce_sum3A_1454 : i32
      %scan3A_1456 = arith.constant 0 : i32
      %scan3A_1457 = arith.constant 16 : i32
      %scan3A_1458 = arith.addi %scan3A_1456, %scan3A_1457 : i32
      %scan3A_1459 = arith.constant 1 : i32
      %scan3A_1460 = scf.for %scan3A_1489 = %scan3A_1456 to %scan3A_1458 step %scan3A_1459 iter_args(%scan3A_1490 = %broadcast_in_dim3A_5) -> (vector<16xi32>)  : i32 {
        %mul3A_1491 = arith.constant 256 : i32
        %mul3A_1492 = arith.muli %scan3A_1489, %mul3A_1491 : i32
        %add3A_1493 = arith.constant 240 : i32
        %add3A_1494 = arith.addi %mul3A_1492, %add3A_1493 : i32
        %get3A = arith.index_cast %add3A_1494 : i32 to index
        %get3A_1495 = tpu.vector_load %arg7[%get3A] {strides = array<i32>} : memref<4096xi32, #tpu.memory_space<vmem>>, vector<16xi32>,
        %add3A_1496 = arith.addi %scan3A_1490, %get3A_1495 : vector<16xi32>
        scf.yield %add3A_1496 : vector<16xi32>
      }
      %scan3A_1461 = arith.constant 16 : i32
      %broadcast_in_dim3A_1462 = arith.constant true
      %broadcast_in_dim3A_1463 = vector.broadcast %broadcast_in_dim3A_1462 : i1 to vector<16xi1>
      %masked_cumsum3A_1464 = tpu.scan <sum>, %scan3A_1460 masked %broadcast_in_dim3A_1463 : vector<16xi32>, vector<16xi1> -> vector<16xi32>
      %sub3A_1465 = arith.subi %masked_cumsum3A_1464, %scan3A_1460 : vector<16xi32>
      %add3A_1466 = vector.broadcast %add3A_1455 : i32 to vector<16xi32>
      %add3A_1467 = arith.addi %sub3A_1465, %add3A_1466 : vector<16xi32>
      %swap3A_1468 = arith.constant 240 : index
      %swap3A_1469 = tpu.vector_load %arg8[%swap3A_1468] {strides = array<i32>} : memref<272xi32, #tpu.memory_space<vmem>>, vector<16xi32>,
      tpu.vector_store %arg8[%swap3A_1468], %add3A_1467 {strides = array<i32>} : memref<272xi32, #tpu.memory_space<vmem>>, vector<16xi32>,
      %reduce_sum3A_1470 = arith.constant true
      %reduce_sum3A_1471 = vector.broadcast %reduce_sum3A_1470 : i1 to vector<16xi1>
      %reduce_sum3A_1472 = tpu.scan <sum>, %scan3A_1460 masked %reduce_sum3A_1471 : vector<16xi32>, vector<16xi1> -> vector<16xi32>
      %reduce_sum3A_1473 = vector.extract %reduce_sum3A_1472[15] : i32 from vector<16xi32>
      %add3A_1474 = arith.addi %add3A_1455, %reduce_sum3A_1473 : i32
      %scan3A_1475 = arith.constant 0 : i32
      %scan3A_1476 = arith.constant 0 : i32
      %scan3A_1477 = arith.constant 64 : i32
      %scan3A_1478 = arith.addi %scan3A_1476, %scan3A_1477 : i32
      %scan3A_1479 = arith.constant 1 : i32
      %scan3A_1480 = scf.for %scan3A_1489 = %scan3A_1476 to %scan3A_1478 step %scan3A_1479 iter_args(%scan3A_1490 = %scan3A_1475) -> (i32)  : i32 {
        %mul3A_1491 = arith.constant 16 : i32
        %mul3A_1492 = arith.muli %scan3A_1489, %mul3A_1491 : i32
        %get3A = arith.index_cast %mul3A_1492 : i32 to index
        %get3A_1493 = tpu.vector_load %arg14[%get3A] {strides = array<i32>} : memref<1024xi32, #tpu.memory_space<vmem>>, vector<16xi32>,
        %mul3A_1494 = arith.constant 16 : i32
        %mul3A_1495 = arith.muli %scan3A_1489, %mul3A_1494 : i32
        %get3A_1496 = arith.index_cast %mul3A_1495 : i32 to index
        %get3A_1497 = tpu.vector_load %arg15[%get3A_1496] {strides = array<i32>} : memref<1024xi32, #tpu.memory_space<vmem>>, vector<16xi32>,
        %shift_right_arithmetic3A = arith.constant 24 : i32
        %shift_right_arithmetic3A_1498 = vector.broadcast %shift_right_arithmetic3A : i32 to vector<16xi32>
        %shift_right_arithmetic3A_1499 = arith.shrsi %get3A_1493, %shift_right_arithmetic3A_1498 : vector<16xi32>
        %and3A = arith.constant 255 : i32
        %and3A_1500 = vector.broadcast %and3A : i32 to vector<16xi32>
        %and3A_1501 = arith.andi %shift_right_arithmetic3A_1499, %and3A_1500 : vector<16xi32>
        %swap3A_1502 = arith.constant 16 : index
        %swap3A_1503 = tpu.vector_load %arg16[%swap3A_1502] {strides = array<i32>} : memref<48xi32, #tpu.memory_space<vmem>>, vector<16xi32>,
        tpu.vector_store %arg16[%swap3A_1502], %and3A_1501 {strides = array<i32>} : memref<48xi32, #tpu.memory_space<vmem>>, vector<16xi32>,
        %scan3A_1504 = arith.constant 1 : i32
        %scan3A_1505 = arith.constant 15 : i32
        %scan3A_1506 = arith.addi %scan3A_1504, %scan3A_1505 : i32
        %scan3A_1507 = arith.constant 1 : i32
        %scan3A_1508:2 = scf.for %scan3A_1517 = %scan3A_1504 to %scan3A_1506 step %scan3A_1507 iter_args(%scan3A_1518 = %broadcast_in_dim3A_5, %scan3A_1519 = %broadcast_in_dim3A_5) -> (vector<16xi32>, vector<16xi32>)  : i32 {
          %sub3A_1520 = arith.constant 16 : i32
          %sub3A_1521 = arith.subi %sub3A_1520, %scan3A_1517 : i32
          %get3A_1522 = arith.index_cast %sub3A_1521 : i32 to index
          %get3A_1523 = tpu.vector_load %arg16[%get3A_1522] {strides = array<i32>} : memref<48xi32, #tpu.memory_space<vmem>>, vector<16xi32>,
          %add3A_1524 = arith.constant 16 : i32
          %add3A_1525 = arith.addi %add3A_1524, %scan3A_1517 : i32
          %get3A_1526 = arith.index_cast %add3A_1525 : i32 to index
          %get3A_1527 = tpu.vector_load %arg16[%get3A_1526] {strides = array<i32>} : memref<48xi32, #tpu.memory_space<vmem>>, vector<16xi32>,
          %eq3A_1528 = arith.cmpi eq, %get3A_1523, %and3A_1501 : vector<16xi32>
          %convert_element_type3A_1529 = arith.extui %eq3A_1528 : vector<16xi1> to vector<16xi32>
          %add3A_1530 = arith.addi %scan3A_1518, %convert_element_type3A_1529 : vector<16xi32>
          %eq3A_1531 = arith.cmpi eq, %get3A_1527, %and3A_1501 : vector<16xi32>
          %convert_element_type3A_1532 = arith.extui %eq3A_1531 : vector<16xi1> to vector<16xi32>
          %add3A_1533 = arith.addi %scan3A_1519, %convert_element_type3A_1532 : vector<16xi32>
          scf.yield %add3A_1530, %add3A_1533 : vector<16xi32>, vector<16xi32>
        }
        %scan3A_1509 = arith.constant 15 : i32
        %gather3A = tpu.vector_load_idx %arg8[%and3A_1501] : memref<272xi32, #tpu.memory_space<vmem>>[vector<16xi32>], vector<16xi32>,
        %add3A_1510 = arith.addi %gather3A, %scan3A_1508#0 : vector<16xi32>
        tpu.vector_store_idx %arg12[%add3A_1510], %get3A_1493 : memref<2080xi32, #tpu.memory_space<vmem>>[vector<16xi32>], vector<16xi32>,
        tpu.vector_store_idx %arg13[%add3A_1510], %get3A_1497 : memref<2080xi32, #tpu.memory_space<vmem>>[vector<16xi32>], vector<16xi32>,
        %add3A_1511 = arith.constant 1 : i32
        %add3A_1512 = vector.broadcast %add3A_1511 : i32 to vector<16xi32>
        %add3A_1513 = arith.addi %scan3A_1508#0, %add3A_1512 : vector<16xi32>
        %eq3A = arith.constant 0 : i32
        %eq3A_1514 = vector.broadcast %eq3A : i32 to vector<16xi32>
        %eq3A_1515 = arith.cmpi eq, %scan3A_1508#1, %eq3A_1514 : vector<16xi32>
        tpu.vector_store_idx %arg8[%and3A_1501], %add3A_1513 masked %eq3A_1515 {add = true} : memref<272xi32, #tpu.memory_space<vmem>>[vector<16xi32>], vector<16xi32>, vector<16xi1>
        %scan3A_1516 = arith.constant 0 : i32
        scf.yield %scan3A_1516 : i32
      }
      %scan3A_1481 = arith.constant 64 : i32
      "tpu.region"() ({
        %run_scoped3A = tpu.sem_alloc : memref<!tpu.dma_semaphore, #tpu.memory_space<semaphore_mem>>
        %dma_start3A = arith.constant 0 : i32
        %dma_start3A_1489 = tpu.memref_slice %arg13[%dma_start3A] : memref<2080xi32, #tpu.memory_space<vmem>> -> memref<1024xi32, #tpu.memory_space<vmem>>
        %dma_start3A_1490 = arith.constant 0 : i32
        %dma_start3A_1491 = tpu.memref_slice %arg4[%add3A, %dma_start3A_1490] : memref<8x1024xi32, #tpu.memory_space<hbm>> -> memref<1x1024xi32, #tpu.memory_space<hbm>>
        %dma_start3A_1492 = tpu.memref_squeeze %dma_start3A_1491 : memref<1x1024xi32, #tpu.memory_space<hbm>> -> memref<1024xi32, #tpu.memory_space<hbm>>
        %dma_start3A_1493 = arith.constant 0 : i32
        %dma_start3A_1494 = tpu.memref_slice %arg4[%add3A, %dma_start3A_1493] : memref<8x1024xi32, #tpu.memory_space<hbm>> -> memref<1x1024xi32, #tpu.memory_space<hbm>>
        %dma_start3A_1495 = tpu.memref_squeeze %dma_start3A_1494 : memref<1x1024xi32, #tpu.memory_space<hbm>> -> memref<1024xi32, #tpu.memory_space<hbm>>
        %dma_start3A_1496 = arith.constant 0 : i32
        %dma_start3A_1497 = tpu.memref_slice %arg13[%dma_start3A_1496] : memref<2080xi32, #tpu.memory_space<vmem>> -> memref<1024xi32, #tpu.memory_space<vmem>>
        tpu.enqueue_dma source(%dma_start3A_1497 : memref<1024xi32, #tpu.memory_space<vmem>>) target(%dma_start3A_1495 : memref<1024xi32, #tpu.memory_space<hbm>>) target_semaphore(%run_scoped3A : memref<!tpu.dma_semaphore, #tpu.memory_space<semaphore_mem>>)
        %dma_wait3A = arith.constant 0 : i32
        %dma_wait3A_1498 = tpu.memref_slice %arg13[%dma_wait3A] : memref<2080xi32, #tpu.memory_space<vmem>> -> memref<1024xi32, #tpu.memory_space<vmem>>
        %dma_wait3A_1499 = arith.constant 0 : i32
        %dma_wait3A_1500 = tpu.memref_slice %arg4[%add3A, %dma_wait3A_1499] : memref<8x1024xi32, #tpu.memory_space<hbm>> -> memref<1x1024xi32, #tpu.memory_space<hbm>>
        %dma_wait3A_1501 = tpu.memref_squeeze %dma_wait3A_1500 : memref<1x1024xi32, #tpu.memory_space<hbm>> -> memref<1024xi32, #tpu.memory_space<hbm>>
        %dma_wait3A_1502 = arith.constant 0 : i32
        %dma_wait3A_1503 = tpu.memref_slice %arg4[%add3A, %dma_wait3A_1502] : memref<8x1024xi32, #tpu.memory_space<hbm>> -> memref<1x1024xi32, #tpu.memory_space<hbm>>
        %dma_wait3A_1504 = tpu.memref_squeeze %dma_wait3A_1503 : memref<1x1024xi32, #tpu.memory_space<hbm>> -> memref<1024xi32, #tpu.memory_space<hbm>>
        %dma_wait3A_1505 = arith.constant 0 : i32
        %dma_wait3A_1506 = tpu.memref_slice %arg13[%dma_wait3A_1505] : memref<2080xi32, #tpu.memory_space<vmem>> -> memref<1024xi32, #tpu.memory_space<vmem>>
        tpu.wait_dma2 semaphore(%run_scoped3A : memref<!tpu.dma_semaphore, #tpu.memory_space<semaphore_mem>>) src(%dma_wait3A_1506 : memref<1024xi32, #tpu.memory_space<vmem>>) dst(%dma_wait3A_1504 : memref<1024xi32, #tpu.memory_space<hbm>>)
        tpu.yield
      }) : () -> ()
      "tpu.region"() ({
        %run_scoped3A = tpu.sem_alloc : memref<!tpu.dma_semaphore, #tpu.memory_space<semaphore_mem>>
        %dma_start3A = arith.constant 0 : i32
        %dma_start3A_1489 = tpu.memref_slice %arg3[%add3A, %dma_start3A] : memref<8x49152xf32, #tpu.memory_space<hbm>> -> memref<1x49152xf32, #tpu.memory_space<hbm>>
        %dma_start3A_1490 = tpu.memref_squeeze %dma_start3A_1489 : memref<1x49152xf32, #tpu.memory_space<hbm>> -> memref<49152xf32, #tpu.memory_space<hbm>>
        %dma_start3A_1491 = arith.constant 0 : i32
        %dma_start3A_1492 = tpu.memref_slice %arg3[%add3A, %dma_start3A_1491] : memref<8x49152xf32, #tpu.memory_space<hbm>> -> memref<1x49152xf32, #tpu.memory_space<hbm>>
        %dma_start3A_1493 = tpu.memref_squeeze %dma_start3A_1492 : memref<1x49152xf32, #tpu.memory_space<hbm>> -> memref<49152xf32, #tpu.memory_space<hbm>>
        tpu.enqueue_dma source(%dma_start3A_1493 : memref<49152xf32, #tpu.memory_space<hbm>>) target(%arg17 : memref<49152xf32, #tpu.memory_space<vmem>>) target_semaphore(%run_scoped3A : memref<!tpu.dma_semaphore, #tpu.memory_space<semaphore_mem>>)
        %dma_wait3A = arith.constant 0 : i32
        %dma_wait3A_1494 = tpu.memref_slice %arg3[%add3A, %dma_wait3A] : memref<8x49152xf32, #tpu.memory_space<hbm>> -> memref<1x49152xf32, #tpu.memory_space<hbm>>
        %dma_wait3A_1495 = tpu.memref_squeeze %dma_wait3A_1494 : memref<1x49152xf32, #tpu.memory_space<hbm>> -> memref<49152xf32, #tpu.memory_space<hbm>>
        %dma_wait3A_1496 = arith.constant 0 : i32
        %dma_wait3A_1497 = tpu.memref_slice %arg3[%add3A, %dma_wait3A_1496] : memref<8x49152xf32, #tpu.memory_space<hbm>> -> memref<1x49152xf32, #tpu.memory_space<hbm>>
        %dma_wait3A_1498 = tpu.memref_squeeze %dma_wait3A_1497 : memref<1x49152xf32, #tpu.memory_space<hbm>> -> memref<49152xf32, #tpu.memory_space<hbm>>
        tpu.wait_dma2 semaphore(%run_scoped3A : memref<!tpu.dma_semaphore, #tpu.memory_space<semaphore_mem>>) src(%dma_wait3A_1498 : memref<49152xf32, #tpu.memory_space<hbm>>) dst(%arg17 : memref<49152xf32, #tpu.memory_space<vmem>>)
        tpu.yield
      }) : () -> ()
      %scan3A_1482 = arith.constant 0 : i32
      %scan3A_1483 = arith.constant 0 : i32
      %scan3A_1484 = arith.constant 64 : i32
      %scan3A_1485 = arith.addi %scan3A_1483, %scan3A_1484 : i32
      %scan3A_1486 = arith.constant 1 : i32
      %scan3A_1487 = scf.for %scan3A_1489 = %scan3A_1483 to %scan3A_1485 step %scan3A_1486 iter_args(%scan3A_1490 = %scan3A_1482) -> (i32)  : i32 {
        %mul3A_1491 = arith.constant 16 : i32
        %mul3A_1492 = arith.muli %scan3A_1489, %mul3A_1491 : i32
        %get3A = arith.index_cast %mul3A_1492 : i32 to index
        %get3A_1493 = tpu.vector_load %arg13[%get3A] {strides = array<i32>} : memref<2080xi32, #tpu.memory_space<vmem>>, vector<16xi32>,
        %mul3A_1494 = arith.constant 48 : i32
        %mul3A_1495 = arith.muli %scan3A_1489, %mul3A_1494 : i32
        %mul3A_1496 = arith.constant 3 : i32
        %mul3A_1497 = vector.broadcast %mul3A_1496 : i32 to vector<16xi32>
        %mul3A_1498 = arith.muli %iota3A, %mul3A_1497 : vector<16xi32>
        %add3A_1499 = vector.broadcast %mul3A_1495 : i32 to vector<16xi32>
        %add3A_1500 = arith.addi %add3A_1499, %mul3A_1498 : vector<16xi32>
        %mul3A_1501 = arith.constant 3 : i32
        %mul3A_1502 = vector.broadcast %mul3A_1501 : i32 to vector<16xi32>
        %mul3A_1503 = arith.muli %get3A_1493, %mul3A_1502 : vector<16xi32>
        %add3A_1504 = arith.constant 0 : i32
        %add3A_1505 = vector.broadcast %add3A_1504 : i32 to vector<16xi32>
        %add3A_1506 = arith.addi %mul3A_1503, %add3A_1505 : vector<16xi32>
        %gather3A = tpu.vector_load_idx %arg17[%add3A_1506] : memref<49152xf32, #tpu.memory_space<vmem>>[vector<16xi32>], vector<16xf32>,
        %add3A_1507 = arith.constant 0 : i32
        %add3A_1508 = vector.broadcast %add3A_1507 : i32 to vector<16xi32>
        %add3A_1509 = arith.addi %add3A_1500, %add3A_1508 : vector<16xi32>
        tpu.vector_store_idx %arg18[%add3A_1509], %gather3A : memref<3072xf32, #tpu.memory_space<vmem>>[vector<16xi32>], vector<16xf32>,
        %mul3A_1510 = arith.constant 3 : i32
        %mul3A_1511 = vector.broadcast %mul3A_1510 : i32 to vector<16xi32>
        %mul3A_1512 = arith.muli %get3A_1493, %mul3A_1511 : vector<16xi32>
        %add3A_1513 = arith.constant 1 : i32
        %add3A_1514 = vector.broadcast %add3A_1513 : i32 to vector<16xi32>
        %add3A_1515 = arith.addi %mul3A_1512, %add3A_1514 : vector<16xi32>
        %gather3A_1516 = tpu.vector_load_idx %arg17[%add3A_1515] : memref<49152xf32, #tpu.memory_space<vmem>>[vector<16xi32>], vector<16xf32>,
        %add3A_1517 = arith.constant 1 : i32
        %add3A_1518 = vector.broadcast %add3A_1517 : i32 to vector<16xi32>
        %add3A_1519 = arith.addi %add3A_1500, %add3A_1518 : vector<16xi32>
        tpu.vector_store_idx %arg18[%add3A_1519], %gather3A_1516 : memref<3072xf32, #tpu.memory_space<vmem>>[vector<16xi32>], vector<16xf32>,
        %mul3A_1520 = arith.constant 3 : i32
        %mul3A_1521 = vector.broadcast %mul3A_1520 : i32 to vector<16xi32>
        %mul3A_1522 = arith.muli %get3A_1493, %mul3A_1521 : vector<16xi32>
        %add3A_1523 = arith.constant 2 : i32
        %add3A_1524 = vector.broadcast %add3A_1523 : i32 to vector<16xi32>
        %add3A_1525 = arith.addi %mul3A_1522, %add3A_1524 : vector<16xi32>
        %gather3A_1526 = tpu.vector_load_idx %arg17[%add3A_1525] : memref<49152xf32, #tpu.memory_space<vmem>>[vector<16xi32>], vector<16xf32>,
        %add3A_1527 = arith.constant 2 : i32
        %add3A_1528 = vector.broadcast %add3A_1527 : i32 to vector<16xi32>
        %add3A_1529 = arith.addi %add3A_1500, %add3A_1528 : vector<16xi32>
        tpu.vector_store_idx %arg18[%add3A_1529], %gather3A_1526 : memref<3072xf32, #tpu.memory_space<vmem>>[vector<16xi32>], vector<16xf32>,
        %scan3A_1530 = arith.constant 0 : i32
        scf.yield %scan3A_1530 : i32
      }
      %scan3A_1488 = arith.constant 64 : i32
      "tpu.region"() ({
        %run_scoped3A = tpu.sem_alloc : memref<!tpu.dma_semaphore, #tpu.memory_space<semaphore_mem>>
        %dma_start3A = arith.constant 0 : i32
        %dma_start3A_1489 = tpu.memref_slice %arg5[%add3A, %dma_start3A] : memref<8x3072xf32, #tpu.memory_space<hbm>> -> memref<1x3072xf32, #tpu.memory_space<hbm>>
        %dma_start3A_1490 = tpu.memref_squeeze %dma_start3A_1489 : memref<1x3072xf32, #tpu.memory_space<hbm>> -> memref<3072xf32, #tpu.memory_space<hbm>>
        %dma_start3A_1491 = arith.constant 0 : i32
        %dma_start3A_1492 = tpu.memref_slice %arg5[%add3A, %dma_start3A_1491] : memref<8x3072xf32, #tpu.memory_space<hbm>> -> memref<1x3072xf32, #tpu.memory_space<hbm>>
        %dma_start3A_1493 = tpu.memref_squeeze %dma_start3A_1492 : memref<1x3072xf32, #tpu.memory_space<hbm>> -> memref<3072xf32, #tpu.memory_space<hbm>>
        tpu.enqueue_dma source(%arg18 : memref<3072xf32, #tpu.memory_space<vmem>>) target(%dma_start3A_1493 : memref<3072xf32, #tpu.memory_space<hbm>>) target_semaphore(%run_scoped3A : memref<!tpu.dma_semaphore, #tpu.memory_space<semaphore_mem>>)
        %dma_wait3A = arith.constant 0 : i32
        %dma_wait3A_1494 = tpu.memref_slice %arg5[%add3A, %dma_wait3A] : memref<8x3072xf32, #tpu.memory_space<hbm>> -> memref<1x3072xf32, #tpu.memory_space<hbm>>
        %dma_wait3A_1495 = tpu.memref_squeeze %dma_wait3A_1494 : memref<1x3072xf32, #tpu.memory_space<hbm>> -> memref<3072xf32, #tpu.memory_space<hbm>>
        %dma_wait3A_1496 = arith.constant 0 : i32
        %dma_wait3A_1497 = tpu.memref_slice %arg5[%add3A, %dma_wait3A_1496] : memref<8x3072xf32, #tpu.memory_space<hbm>> -> memref<1x3072xf32, #tpu.memory_space<hbm>>
        %dma_wait3A_1498 = tpu.memref_squeeze %dma_wait3A_1497 : memref<1x3072xf32, #tpu.memory_space<hbm>> -> memref<3072xf32, #tpu.memory_space<hbm>>
        tpu.wait_dma2 semaphore(%run_scoped3A : memref<!tpu.dma_semaphore, #tpu.memory_space<semaphore_mem>>) src(%arg18 : memref<3072xf32, #tpu.memory_space<vmem>>) dst(%dma_wait3A_1498 : memref<3072xf32, #tpu.memory_space<hbm>>)
        tpu.yield
      }) : () -> ()
    } else {
    }
    return
  }
}

#map = affine_map<(d0, d1) -> (0, 0)>
module attributes {stable_mosaic.version = 14 : i64} {
  func.func @_fgather_body(%arg0: i32, %arg1: i32, %arg2: memref<2048x16384xf32, #tpu.memory_space<hbm>>, %arg3: memref<8x1024xi32, #tpu.memory_space<hbm>>, %arg4: memref<2048x1024xf32, #tpu.memory_space<hbm>>, %arg5: memref<16384xf32, #tpu.memory_space<vmem>>, %arg6: memref<1024xi32, #tpu.memory_space<vmem>>, %arg7: memref<1024xf32, #tpu.memory_space<vmem>>, %arg8: memref<!tpu.dma_semaphore, #tpu.memory_space<semaphore_mem>>) attributes {dimension_semantics = [#tpu.dimension_semantics<core_parallel>, #tpu.dimension_semantics<subcore_parallel>], iteration_bounds = array<i64: 2, 16>, scalar_prefetch = 0 : i64, scratch_operands = 4 : i64, tpu.core_type = #tpu.core_type<sc_vector_subcore>, window_params = [{transform_indices = #map}, {transform_indices = #map}, {transform_indices = #map}]} {
    %mul3A = arith.constant 2 : i32
    %mul3A_0 = arith.muli %arg1, %mul3A : i32
    %add3A = arith.addi %mul3A_0, %arg0 : i32
    %jit3A = arith.constant 4 : i32
    %div3A = arith.divsi %add3A, %jit3A : i32
    %sign3A = arith.constant 0 : i32
    %sign3A_1 = arith.cmpi sgt, %add3A, %sign3A : i32
    %sign3A_2 = arith.extui %sign3A_1 : i1 to i32
    %sign3A_3 = arith.constant 0 : i32
    %sign3A_4 = arith.cmpi slt, %add3A, %sign3A_3 : i32
    %sign3A_5 = arith.extui %sign3A_4 : i1 to i32
    %sign3A_6 = arith.subi %sign3A_2, %sign3A_5 : i32
    %sign3A_7 = arith.constant 0 : i32
    %sign3A_8 = arith.cmpi sgt, %jit3A, %sign3A_7 : i32
    %sign3A_9 = arith.extui %sign3A_8 : i1 to i32
    %sign3A_10 = arith.constant 0 : i32
    %sign3A_11 = arith.cmpi slt, %jit3A, %sign3A_10 : i32
    %sign3A_12 = arith.extui %sign3A_11 : i1 to i32
    %sign3A_13 = arith.subi %sign3A_9, %sign3A_12 : i32
    %ne3A = arith.cmpi ne, %sign3A_6, %sign3A_13 : i32
    %rem3A = arith.remsi %add3A, %jit3A : i32
    %ne3A_14 = arith.constant 0 : i32
    %ne3A_15 = arith.cmpi ne, %rem3A, %ne3A_14 : i32
    %and3A = arith.andi %ne3A, %ne3A_15 : i1
    %sub3A = arith.constant 1 : i32
    %sub3A_16 = arith.subi %div3A, %sub3A : i32
    %select_n3A = arith.select %and3A, %sub3A_16, %div3A : i32
    %jit3A_17 = arith.constant 4 : i32
    %eq3A = arith.constant 0 : i32
    %eq3A_18 = arith.cmpi eq, %jit3A_17, %eq3A : i32
    %jit3A_19 = arith.constant 1 : i32
    %select_n3A_20 = arith.select %eq3A_18, %jit3A_19, %jit3A_17 : i32
    %rem3A_21 = arith.remsi %add3A, %select_n3A_20 : i32
    %ne3A_22 = arith.constant 0 : i32
    %ne3A_23 = arith.cmpi ne, %rem3A_21, %ne3A_22 : i32
    %lt3A = arith.constant 0 : i32
    %lt3A_24 = arith.cmpi slt, %rem3A_21, %lt3A : i32
    %lt3A_25 = arith.constant 0 : i32
    %lt3A_26 = arith.cmpi slt, %select_n3A_20, %lt3A_25 : i32
    %ne3A_27 = arith.xori %lt3A_24, %lt3A_26 : i1
    %and3A_28 = arith.andi %ne3A_27, %ne3A_23 : i1
    %add3A_29 = arith.addi %rem3A_21, %select_n3A_20 : i32
    %select_n3A_30 = arith.select %and3A_28, %add3A_29, %rem3A_21 : i32
    "tpu.region"() ({
      %run_scoped3A = tpu.sem_alloc : memref<!tpu.dma_semaphore, #tpu.memory_space<semaphore_mem>>
      %dma_start3A = arith.constant 0 : i32
      %dma_start3A_42 = tpu.memref_slice %arg3[%select_n3A, %dma_start3A] : memref<8x1024xi32, #tpu.memory_space<hbm>> -> memref<1x1024xi32, #tpu.memory_space<hbm>>
      %dma_start3A_43 = tpu.memref_squeeze %dma_start3A_42 : memref<1x1024xi32, #tpu.memory_space<hbm>> -> memref<1024xi32, #tpu.memory_space<hbm>>
      %dma_start3A_44 = arith.constant 0 : i32
      %dma_start3A_45 = tpu.memref_slice %arg3[%select_n3A, %dma_start3A_44] : memref<8x1024xi32, #tpu.memory_space<hbm>> -> memref<1x1024xi32, #tpu.memory_space<hbm>>
      %dma_start3A_46 = tpu.memref_squeeze %dma_start3A_45 : memref<1x1024xi32, #tpu.memory_space<hbm>> -> memref<1024xi32, #tpu.memory_space<hbm>>
      tpu.enqueue_dma source(%dma_start3A_46 : memref<1024xi32, #tpu.memory_space<hbm>>) target(%arg6 : memref<1024xi32, #tpu.memory_space<vmem>>) target_semaphore(%run_scoped3A : memref<!tpu.dma_semaphore, #tpu.memory_space<semaphore_mem>>)
      %dma_wait3A = arith.constant 0 : i32
      %dma_wait3A_47 = tpu.memref_slice %arg3[%select_n3A, %dma_wait3A] : memref<8x1024xi32, #tpu.memory_space<hbm>> -> memref<1x1024xi32, #tpu.memory_space<hbm>>
      %dma_wait3A_48 = tpu.memref_squeeze %dma_wait3A_47 : memref<1x1024xi32, #tpu.memory_space<hbm>> -> memref<1024xi32, #tpu.memory_space<hbm>>
      %dma_wait3A_49 = arith.constant 0 : i32
      %dma_wait3A_50 = tpu.memref_slice %arg3[%select_n3A, %dma_wait3A_49] : memref<8x1024xi32, #tpu.memory_space<hbm>> -> memref<1x1024xi32, #tpu.memory_space<hbm>>
      %dma_wait3A_51 = tpu.memref_squeeze %dma_wait3A_50 : memref<1x1024xi32, #tpu.memory_space<hbm>> -> memref<1024xi32, #tpu.memory_space<hbm>>
      tpu.wait_dma2 semaphore(%run_scoped3A : memref<!tpu.dma_semaphore, #tpu.memory_space<semaphore_mem>>) src(%dma_wait3A_51 : memref<1024xi32, #tpu.memory_space<hbm>>) dst(%arg6 : memref<1024xi32, #tpu.memory_space<vmem>>)
      tpu.yield
    }) : () -> ()
    %mul3A_31 = arith.constant 256 : i32
    %mul3A_32 = arith.muli %select_n3A, %mul3A_31 : i32
    %mul3A_33 = arith.constant 64 : i32
    %mul3A_34 = arith.muli %select_n3A_30, %mul3A_33 : i32
    %add3A_35 = arith.addi %mul3A_32, %mul3A_34 : i32
    %scan3A = arith.constant 0 : i32
    %scan3A_36 = arith.constant 0 : i32
    %scan3A_37 = arith.constant 64 : i32
    %scan3A_38 = arith.addi %scan3A_36, %scan3A_37 : i32
    %scan3A_39 = arith.constant 1 : i32
    %scan3A_40 = scf.for %scan3A_42 = %scan3A_36 to %scan3A_38 step %scan3A_39 iter_args(%scan3A_43 = %scan3A) -> (i32)  : i32 {
      %add3A_44 = arith.addi %add3A_35, %scan3A_42 : i32
      "tpu.region"() ({
        %run_scoped3A = tpu.sem_alloc : memref<!tpu.dma_semaphore, #tpu.memory_space<semaphore_mem>>
        %dma_start3A = arith.constant 0 : i32
        %dma_start3A_53 = tpu.memref_slice %arg2[%add3A_44, %dma_start3A] : memref<2048x16384xf32, #tpu.memory_space<hbm>> -> memref<1x16384xf32, #tpu.memory_space<hbm>>
        %dma_start3A_54 = tpu.memref_squeeze %dma_start3A_53 : memref<1x16384xf32, #tpu.memory_space<hbm>> -> memref<16384xf32, #tpu.memory_space<hbm>>
        %dma_start3A_55 = arith.constant 0 : i32
        %dma_start3A_56 = tpu.memref_slice %arg2[%add3A_44, %dma_start3A_55] : memref<2048x16384xf32, #tpu.memory_space<hbm>> -> memref<1x16384xf32, #tpu.memory_space<hbm>>
        %dma_start3A_57 = tpu.memref_squeeze %dma_start3A_56 : memref<1x16384xf32, #tpu.memory_space<hbm>> -> memref<16384xf32, #tpu.memory_space<hbm>>
        tpu.enqueue_dma source(%dma_start3A_57 : memref<16384xf32, #tpu.memory_space<hbm>>) target(%arg5 : memref<16384xf32, #tpu.memory_space<vmem>>) target_semaphore(%run_scoped3A : memref<!tpu.dma_semaphore, #tpu.memory_space<semaphore_mem>>)
        %dma_wait3A = arith.constant 0 : i32
        %dma_wait3A_58 = tpu.memref_slice %arg2[%add3A_44, %dma_wait3A] : memref<2048x16384xf32, #tpu.memory_space<hbm>> -> memref<1x16384xf32, #tpu.memory_space<hbm>>
        %dma_wait3A_59 = tpu.memref_squeeze %dma_wait3A_58 : memref<1x16384xf32, #tpu.memory_space<hbm>> -> memref<16384xf32, #tpu.memory_space<hbm>>
        %dma_wait3A_60 = arith.constant 0 : i32
        %dma_wait3A_61 = tpu.memref_slice %arg2[%add3A_44, %dma_wait3A_60] : memref<2048x16384xf32, #tpu.memory_space<hbm>> -> memref<1x16384xf32, #tpu.memory_space<hbm>>
        %dma_wait3A_62 = tpu.memref_squeeze %dma_wait3A_61 : memref<1x16384xf32, #tpu.memory_space<hbm>> -> memref<16384xf32, #tpu.memory_space<hbm>>
        tpu.wait_dma2 semaphore(%run_scoped3A : memref<!tpu.dma_semaphore, #tpu.memory_space<semaphore_mem>>) src(%dma_wait3A_62 : memref<16384xf32, #tpu.memory_space<hbm>>) dst(%arg5 : memref<16384xf32, #tpu.memory_space<vmem>>)
        tpu.yield
      }) : () -> ()
      %scan3A_45 = arith.constant 0 : i32
      %scan3A_46 = arith.constant 0 : i32
      %scan3A_47 = arith.constant 64 : i32
      %scan3A_48 = arith.addi %scan3A_46, %scan3A_47 : i32
      %scan3A_49 = arith.constant 1 : i32
      %scan3A_50 = scf.for %scan3A_53 = %scan3A_46 to %scan3A_48 step %scan3A_49 iter_args(%scan3A_54 = %scan3A_45) -> (i32)  : i32 {
        %mul3A_55 = arith.constant 16 : i32
        %mul3A_56 = arith.muli %scan3A_53, %mul3A_55 : i32
        %get3A = arith.index_cast %mul3A_56 : i32 to index
        %get3A_57 = tpu.vector_load %arg6[%get3A] {strides = array<i32>} : memref<1024xi32, #tpu.memory_space<vmem>>, vector<16xi32>,
        %gather3A = tpu.vector_load_idx %arg5[%get3A_57] : memref<16384xf32, #tpu.memory_space<vmem>>[vector<16xi32>], vector<16xf32>,
        %mul3A_58 = arith.constant 16 : i32
        %mul3A_59 = arith.muli %scan3A_53, %mul3A_58 : i32
        %swap3A = arith.index_cast %mul3A_59 : i32 to index
        %swap3A_60 = tpu.vector_load %arg7[%swap3A] {strides = array<i32>} : memref<1024xf32, #tpu.memory_space<vmem>>, vector<16xf32>,
        tpu.vector_store %arg7[%swap3A], %gather3A {strides = array<i32>} : memref<1024xf32, #tpu.memory_space<vmem>>, vector<16xf32>,
        %scan3A_61 = arith.constant 0 : i32
        scf.yield %scan3A_61 : i32
      }
      %scan3A_51 = arith.constant 64 : i32
      "tpu.region"() ({
        %run_scoped3A = tpu.sem_alloc : memref<!tpu.dma_semaphore, #tpu.memory_space<semaphore_mem>>
        %dma_start3A = arith.constant 0 : i32
        %dma_start3A_53 = tpu.memref_slice %arg4[%add3A_44, %dma_start3A] : memref<2048x1024xf32, #tpu.memory_space<hbm>> -> memref<1x1024xf32, #tpu.memory_space<hbm>>
        %dma_start3A_54 = tpu.memref_squeeze %dma_start3A_53 : memref<1x1024xf32, #tpu.memory_space<hbm>> -> memref<1024xf32, #tpu.memory_space<hbm>>
        %dma_start3A_55 = arith.constant 0 : i32
        %dma_start3A_56 = tpu.memref_slice %arg4[%add3A_44, %dma_start3A_55] : memref<2048x1024xf32, #tpu.memory_space<hbm>> -> memref<1x1024xf32, #tpu.memory_space<hbm>>
        %dma_start3A_57 = tpu.memref_squeeze %dma_start3A_56 : memref<1x1024xf32, #tpu.memory_space<hbm>> -> memref<1024xf32, #tpu.memory_space<hbm>>
        tpu.enqueue_dma source(%arg7 : memref<1024xf32, #tpu.memory_space<vmem>>) target(%dma_start3A_57 : memref<1024xf32, #tpu.memory_space<hbm>>) target_semaphore(%run_scoped3A : memref<!tpu.dma_semaphore, #tpu.memory_space<semaphore_mem>>)
        %dma_wait3A = arith.constant 0 : i32
        %dma_wait3A_58 = tpu.memref_slice %arg4[%add3A_44, %dma_wait3A] : memref<2048x1024xf32, #tpu.memory_space<hbm>> -> memref<1x1024xf32, #tpu.memory_space<hbm>>
        %dma_wait3A_59 = tpu.memref_squeeze %dma_wait3A_58 : memref<1x1024xf32, #tpu.memory_space<hbm>> -> memref<1024xf32, #tpu.memory_space<hbm>>
        %dma_wait3A_60 = arith.constant 0 : i32
        %dma_wait3A_61 = tpu.memref_slice %arg4[%add3A_44, %dma_wait3A_60] : memref<2048x1024xf32, #tpu.memory_space<hbm>> -> memref<1x1024xf32, #tpu.memory_space<hbm>>
        %dma_wait3A_62 = tpu.memref_squeeze %dma_wait3A_61 : memref<1x1024xf32, #tpu.memory_space<hbm>> -> memref<1024xf32, #tpu.memory_space<hbm>>
        tpu.wait_dma2 semaphore(%run_scoped3A : memref<!tpu.dma_semaphore, #tpu.memory_space<semaphore_mem>>) src(%arg7 : memref<1024xf32, #tpu.memory_space<vmem>>) dst(%dma_wait3A_62 : memref<1024xf32, #tpu.memory_space<hbm>>)
        tpu.yield
      }) : () -> ()
      %scan3A_52 = arith.constant 0 : i32
      scf.yield %scan3A_52 : i32
    }
    %scan3A_41 = arith.constant 64 : i32
    return
  }
}

module attributes {stable_mosaic.version = 14 : i64} {
  func.func @_conv1_body(%arg0: i32, %arg1: i32, %arg2: memref<1x256x2048xf32, #tpu.memory_space<vmem>>, %arg3: memref<256x256xf32, #tpu.memory_space<vmem>>, %arg4: memref<256x1xf32, #tpu.memory_space<vmem>>, %arg5: memref<1x256x2048xf32, #tpu.memory_space<vmem>>) attributes {dimension_semantics = [#tpu.dimension_semantics<arbitrary>, #tpu.dimension_semantics<arbitrary>], iteration_bounds = array<i64: 8, 8>, scalar_prefetch = 0 : i64, scratch_operands = 0 : i64, tpu.core_type = #tpu.core_type<tc>, window_params = [{transform_indices = @transform_0, window_bounds = array<i64: 1, 256, 2048>}, {pipeline_mode = #tpu.pipeline_mode<synchronous>, transform_indices = @transform_1, window_bounds = array<i64: 256, 256>}, {pipeline_mode = #tpu.pipeline_mode<synchronous>, transform_indices = @transform_2, window_bounds = array<i64: 256, 1>}, {transform_indices = @transform_3, window_bounds = array<i64: 1, 256, 2048>}]} {
    %get3A = arith.constant 0 : index
    %get3A_0 = arith.constant 0 : index
    %get3A_1 = vector.load %arg3[%get3A, %get3A_0] : memref<256x256xf32, #tpu.memory_space<vmem>>, vector<256x256xf32>
    %get3A_2 = arith.constant 0 : index
    %get3A_3 = arith.constant 0 : index
    %get3A_4 = arith.constant 0 : index
    %get3A_5 = vector.load %arg2[%get3A_2, %get3A_3, %get3A_4] : memref<1x256x2048xf32, #tpu.memory_space<vmem>>, vector<1x256x2048xf32>
    %get3A_6 = vector.shape_cast %get3A_5 : vector<1x256x2048xf32> to vector<256x2048xf32>
    %dot_general3A = arith.constant dense<0.000000e+00> : vector<256x2048xf32>
    %dot_general3A_7 = tpu.matmul %get3A_1, %get3A_6, %dot_general3A {dimension_numbers = #tpu.dot_dimension_numbers<[1], [0], [0], [1], [0, 0, 1, 1], [], []>, transpose_lhs_hint = false} : vector<256x256xf32>, vector<256x2048xf32>, vector<256x2048xf32> -> vector<256x2048xf32>
    %get3A_8 = arith.constant 0 : index
    %get3A_9 = arith.constant 0 : index
    %get3A_10 = vector.load %arg4[%get3A_8, %get3A_9] : memref<256x1xf32, #tpu.memory_space<vmem>>, vector<256x1xf32>
    %add3A = vector.broadcast %get3A_10 : vector<256x1xf32> to vector<256x2048xf32>
    %add3A_11 = arith.addf %dot_general3A_7, %add3A : vector<256x2048xf32>
    %swap3A = arith.constant 0 : index
    %swap3A_12 = arith.constant 0 : index
    %swap3A_13 = arith.constant 0 : index
    %swap3A_14 = vector.load %arg5[%swap3A, %swap3A_12, %swap3A_13] : memref<1x256x2048xf32, #tpu.memory_space<vmem>>, vector<1x256x2048xf32>
    %swap3A_15 = vector.shape_cast %swap3A_14 : vector<1x256x2048xf32> to vector<256x2048xf32>
    %swap3A_16 = vector.shape_cast %add3A_11 : vector<256x2048xf32> to vector<1x256x2048xf32>
    tpu.vector_store %arg5[%swap3A, %swap3A_12, %swap3A_13], %swap3A_16 {strides = array<i32>} : memref<1x256x2048xf32, #tpu.memory_space<vmem>>, vector<1x256x2048xf32>,
    return
  }
  func.func @transform_0(%arg0: i32, %arg1: i32) -> (i32, i32, i32) {
    %c0_i32 = arith.constant 0 : i32
    %c0_i32_0 = arith.constant 0 : i32
    return %arg0, %c0_i32, %arg1 : i32, i32, i32
  }
  func.func @transform_1(%arg0: i32, %arg1: i32) -> (i32, i32) {
    %c0_i32 = arith.constant 0 : i32
    %c0_i32_0 = arith.constant 0 : i32
    %c0_i32_1 = arith.constant 0 : i32
    return %c0_i32, %c0_i32_0 : i32, i32
  }
  func.func @transform_2(%arg0: i32, %arg1: i32) -> (i32, i32) {
    %c0_i32 = arith.constant 0 : i32
    %c0_i32_0 = arith.constant 0 : i32
    %c0_i32_1 = arith.constant 0 : i32
    return %c0_i32, %c0_i32_0 : i32, i32
  }
  func.func @transform_3(%arg0: i32, %arg1: i32) -> (i32, i32, i32) {
    %c0_i32 = arith.constant 0 : i32
    %c0_i32_0 = arith.constant 0 : i32
    return %arg0, %c0_i32, %arg1 : i32, i32, i32
  }
}

</mosaic_0001>

<sc_bundles>
// kernel: kernel.6.cloned.1.call-start
scs
__scs_entry_jumppad:
0x0: {  	(pc) =	sbr.rel $0x88, $3  }
0x1: {  	(tag) =	ssettag $0x0;
	lr =	simm.s32 $0x1  }
0x2: {  	[smem:$0x3F95] =	sst lr;
	_ =	strace $0xD0000000  }
0x3: {  	_ = 	snop  }
0x4: {  	_ = 	snop  }
0x5: {  	_ = 	snop  }
0x6: {  	_ = 	snop  }
0x7: {  	_ = 	snop  }
__scs_overlays_trampoline_lowered:
0x8: {  	[smem:$0x3FA4] =	sst s0  }
0x9: {  	[smem:$0x3FA5] =	sst s1  }
0xa: {  	[smem:$0x3FA6] =	sst s2  }
0xb: {  	[smem:$0x3FA7] =	sst s3  }
0xc: {  	[smem:$0x3FA8] =	sst s4  }
0xd: {  	[smem:$0x3FA9] =	sst s5  }
0xe: {  	[smem:$0x3FAA] =	sst s6  }
0xf: {  	[smem:$0x3FAB] =	sst s7  }
0x10: {  	[smem:$0x3FAC] =	sst s8  }
0x11: {  	[smem:$0x3FAD] =	sst s9;
	s0 =	simm.s32 @!p0 $0x0  }
0x12: {  	s1 =	sld [smem:$0x3F93];
	s0 =	simm.s32 @p0 $0x1  }
0x13: {  	[smem:$0x3FAE] =	sst s0;
	s0 =	simm.s32 @!p1 $0x0  }
0x14: {  	s2 =	sld [smem:$0x3F92];
	s0 =	simm.s32 @p1 $0x1  }
0x15: {  	[smem:$0x3FAF] =	sst s0;
	s0 =	simm.s32 @!p2 $0x0  }
0x16: {  	s3 =	sld [smem:$0x3FDB];
	s0 =	simm.s32 @p2 $0x1  }
0x17: {  	s4 =	simm.s32 $0x1BF5;
	[smem:$0x3FB1] =	sst s0  }
0x18: {  	s0 =	sld [smem:$0x3F94];
	_ =	swait.ge [sflag:s4], $0x0  }
0x19: {  	s7 =	sld [smem:$0x3F95]  }
0x1a: {  	s8 =	sadd.s32 $0xFFFFE003, lr  }
0x1b: {  	s9 =	sadd.s32 $0xFFFFFEF7, lr;
	s5 =	simm.s32 $0xFFFFFFFF;
	p2 =	slt.u32 s8, $0xFFFFF086  }
0x1c: {  	p1 =	slt.u32 s9, $0xF7A;
	s5 =	simm.s32 @!p2 $0x0  }
0x1d: {  	s5 =	simm.s32 @p1 $0x1;
	p0 =	seq.s32 s7, s2  }
0x1e: {  	s7 =	smul.u32 @!p0 $0xF7A, s2;
	p2 =	seq.s32 @!p0 s5, $0x0  }
0x1f: {  	s9 =	smul.u32 $0xF7A, s1;
	s8 =	simm.s32 @!p0 $0x1BF5;
	p2 =	por !p2, p0  }
0x20: {  	[sflag:s8] =	ssyncset.s32 @!p0 $0xFFFFF086;
	s6 =	sadd.s32 @!p0 s3, s7;
	s7 =	simm.s32 @!p0 $0x108  }
0x21: {  	s3 =	sadd.s32 s3, s9;
	s6 =	sadd.s32 @!p0 $0x88, s6;
	s7 =	simm.s32 @p2 $0x1082  }
0x22: {  	[simem:s7], [sflag:s8] =	dma.local @!p0 [hbm:s6], $0xF7A  }
0x23: {  	s9 =	sor.u32 $0xD0000000, s2;
	s6 =	simm.s32 $0x108;
	_ =	swait.ge @!p0 [sflag:s8], $0x0  }
0x24: {  	s3 =	sadd.s32 $0x88, s3;
	s6 =	simm.s32 @!p1 $0x1082;
	[sflag:s4] =	ssyncset.s32 $0xFFFFF086  }
0x25: {  	[simem:s6], [sflag:s4] =	dma.local [hbm:s3], $0xF7A  }
0x26: {  	[smem:$0x3F95] =	sst s1;
	(tag) =	ssettag s2;
	_ =	strace s9  }
0x27: {  	s1 =	sld [smem:$0x3FA5]  }
0x28: {  	s2 =	sld [smem:$0x3FA6]  }
0x29: {  	s4 =	sld [smem:$0x3FA8]  }
0x2a: {  	p0 =	seq.s32 s5, $0x0;
	s5 =	sld [smem:$0x3FA9]  }
0x2b: {  	s6 =	sld [smem:$0x3FAA]  }
0x2c: {  	s7 =	sld [smem:$0x3FAB]  }
0x2d: {  	s3 =	simm.s32 $0x108;
	s8 =	sld [smem:$0x3FAC]  }
0x2e: {  	s3 =	simm.s32 @!p0 $0x1082;
	s9 =	sld [smem:$0x3FAD]  }
0x2f: {  	lr =	sadd.s32 s0, s3;
	s0 =	sld [smem:$0x3FA4]  }
0x30: {  	s3 =	sld [smem:$0x3FA7]  }
0x31: {  	[smem:$0x3FB0] =	sst s10  }
0x32: {  	s10 =	sld [smem:$0x3FAE];
	_ =	sdelay $0x3  }
0x33: {  	p0 =	seq.s32 s10, $0x1;
	s10 =	sld [smem:$0x3FB0];
	_ =	sdelay $0x3  }
0x34: {  	[smem:$0x3FB0] =	sst s10  }
0x35: {  	s10 =	sld [smem:$0x3FAF];
	_ =	sdelay $0x3  }
0x36: {  	p1 =	seq.s32 s10, $0x1;
	s10 =	sld [smem:$0x3FB0];
	_ =	sdelay $0x3  }
0x37: {  	[smem:$0x3FB0] =	sst s10  }
0x38: {  	s10 =	sld [smem:$0x3FB1]  }
0x39: {  	_ = 	snop;
	(pc) =	sbr.ind lr, $3  }
0x3a: {  	_ = 	snop  }
0x3b: {  	_ = 	snop  }
0x3c: {  	p2 =	seq.s32 s10, $0x1;
	s10 =	sld [smem:$0x3FB0]  }
0x3d: {  	_ =	shalt  }
0x3e: {  	_ =	shalt  }
0x3f: {  	_ =	shalt  }
0x40: {  	_ =	shalt  }
0x41: {  	_ =	shalt  }
0x42: {  	_ =	shalt  }
0x43: {  	_ =	shalt  }
0x44: {  	_ =	shalt  }
0x45: {  	_ =	shalt  }
0x46: {  	_ =	shalt  }
0x47: {  	_ =	shalt  }
0x48: {  	_ =	shalt  }
0x49: {  	_ =	shalt  }
0x4a: {  	_ =	shalt  }
0x4b: {  	_ =	shalt  }
0x4c: {  	_ =	shalt  }
0x4d: {  	_ =	shalt  }
0x4e: {  	_ =	shalt  }
0x4f: {  	_ =	shalt  }
0x50: {  	_ =	shalt  }
0x51: {  	_ =	shalt  }
0x52: {  	_ =	shalt  }
0x53: {  	_ =	shalt  }
0x54: {  	_ =	shalt  }
0x55: {  	_ =	shalt  }
0x56: {  	_ =	shalt  }
0x57: {  	_ =	shalt  }
0x58: {  	_ =	shalt  }
0x59: {  	_ =	shalt  }
0x5a: {  	_ =	shalt  }
0x5b: {  	_ =	shalt  }
0x5c: {  	_ =	shalt  }
0x5d: {  	_ =	shalt  }
0x5e: {  	_ =	shalt  }
0x5f: {  	_ =	shalt  }
0x60: {  	_ =	shalt  }
0x61: {  	_ =	shalt  }
0x62: {  	_ =	shalt  }
0x63: {  	_ =	shalt  }
0x64: {  	_ =	shalt  }
0x65: {  	_ =	shalt  }
0x66: {  	_ =	shalt  }
0x67: {  	_ =	shalt  }
0x68: {  	_ =	shalt  }
0x69: {  	_ =	shalt  }
0x6a: {  	_ =	shalt  }
0x6b: {  	_ =	shalt  }
0x6c: {  	_ =	shalt  }
0x6d: {  	_ =	shalt  }
0x6e: {  	_ =	shalt  }
0x6f: {  	_ =	shalt  }
0x70: {  	_ =	shalt  }
0x71: {  	_ =	shalt  }
0x72: {  	_ =	shalt  }
0x73: {  	_ =	shalt  }
0x74: {  	_ =	shalt  }
0x75: {  	_ =	shalt  }
0x76: {  	_ =	shalt  }
0x77: {  	_ =	shalt  }
0x78: {  	_ =	shalt  }
0x79: {  	_ =	shalt  }
0x7a: {  	_ =	shalt  }
0x7b: {  	_ =	shalt  }
0x7c: {  	_ =	shalt  }
0x7d: {  	_ =	shalt  }
0x7e: {  	_ =	shalt  }
0x7f: {  	_ =	shalt  }
0x80: {  	_ =	shalt  }
0x81: {  	_ =	shalt  }
0x82: {  	_ =	shalt  }
0x83: {  	_ =	shalt  }
0x84: {  	_ =	shalt  }
0x85: {  	_ =	shalt  }
0x86: {  	_ =	shalt  }
0x87: {  	_ =	shalt  }
.Lfunc_end0:
.L_simem_size_0:
called_computation_lowered:
.L_overlay_start_0:
0x88: {  	s2 =	sld [smem:$0x3FD9]  }
0x89: {  	s3 =	sld [smem:$0x3FFE];
	_ =	sdelay $0x1  }
0x8a: {  	s1 =	srdreg.scid  }
0x8b: {  	s0 =	sand.u32 $0x1, s1  }
0x8c: {  	s14 =	sshll.u32 s0, $0xA;
	s2 =	sadd.s32 s3, s2  }
0x8d: {  	s2 =	sadd.s32 s2, s14  }
0x8e: {  	[smem:$0x3FBC] =	sst s2  }
0x8f: {  	_ = 	snop  }
0x90: {  	s2 =	sld [smem:$0x3FD0];
	_ =	sdelay $0x2  }
0x91: {  	s15 =	simm.s32 $0xA;
	s4 =	simm.s32 $0x10  }
0x92: {  	[smem:s4], [sflag:s15] =	dma.local [hbm:s2], $0x1  }
0x93: {  	_ =	swait.eq [sflag:s15], $0x1  }
0x94: {  	s16 =	sld [smem:$0x10];
	[sflag:s15] =	ssyncset.done $0x0  }
0x95: {  	s17 =	sld [smem:$0x11];
	[sflag:s15] =	ssyncadd.s32 $0xFFFFFFFF  }
0x96: {  	s18 =	sld [smem:$0x12];
	(tm) =	ssettm $0x1  }
0x97: {  	s5 =	sld [smem:$0x3FFB];
	_ =	sdelay $0x3  }
0x98: {  	_ =	strace s5  }
0x99: {  	s5 =	sld [smem:$0x3FFC];
	_ =	sdelay $0x3  }
0x9a: {  	_ =	strace s5  }
0x9b: {  	s5 =	sld [smem:$0x3FFD];
	_ =	sdelay $0x3  }
0x9c: {  	_ =	strace s5  }
0x9d: {  	_ =	strace $0x8FFFFFFF  }
0x9e: {  	s19 =	sld [smem:$0x3FDB];
	_ =	sdelay $0x1  }
0x9f: {  	s6 =	simm.s32 $_scs_section_size  }
0xa0: {  	s7 =	simm.s32 $_size__tile_overlayer_lowered;
	s8 =	simm.s32 $_tile_overlayer_lowered  }
0xa1: {  	s22 =	simm.s32 $0x1BFF;
	s21 =	sshll.u32 s8, $0x1;
	s5 =	sadd.s32 s6, s19  }
0xa2: {  	s9 =	simm.s32 $0x0;
	s20 =	sshll.u32 s7, $0x1;
	s7 =	sadd.s32 s21, s5  }
0xa3: {  	[timem:s9], [sflag:s22] =	dma.local [hbm:s7], s20  }
0xa4: {  	_ =	swait.ge [sflag:s22], s20  }
0xa5: {  	s6 =	ssub.s32 $0x0, s20;
	[sflag:s22] =	ssyncset.done $0x0  }
0xa6: {  	[sflag:s22] =	ssyncadd.s32 s6;
	_ =	sdelay $0x1  }
0xa7: {  	s23 =	simm.s32 $0x1B8B  }
0xa8: {  	_ =	swait.ge [sflag:s23], $0x1  }
0xa9: {  	[sflag:s23] =	ssyncset.done $0x0  }
0xaa: {  	s25 =	simm.s32 $0x1B8E;
	s24 =	sld [smem:$0x3FFE];
	[sflag:s23] =	ssyncadd.s32 $0xFFFFFFFF  }
0xab: {  	s26 =	simm.s32 $execute0_lowered;
	[smem:$0x3FD2] =	sst s25  }
0xac: {  	s7 =	sshll.u32 s26, $0x1;
	_ =	strace $0x80000046;
	[dreg:$0x1] =	wrdreg $0xFFFFFFFF  }
0xad: {  	s28 =	simm.s32 $_size_execute0_lowered;
	s5 =	sadd.s32 s5, s7;
	[dreg:$0x0] =	wrdreg $0x0  }
0xae: {  	s7 =	sshll.u32 s28, $0x1;
	[dreg:$0x2] =	wrdreg s5  }
0xaf: {  	[dreg:$0x3] =	wrdreg s7  }
0xb0: {  	[dreg:$0x4] =	wrdreg $0xC0  }
0xb1: {  	_ =	task [dreg:s9], $0x5FFFF  }
0xb2: {  	[dreg:$0x1] =	wrdreg $0xFFFFFFFF  }
0xb3: {  	[dreg:$0x0] =	wrdreg $0x60  }
0xb4: {  	[dreg:$0x2] =	wrdreg s24  }
0xb5: {  	[dreg:$0x3] =	wrdreg s17  }
0xb6: {  	[dreg:$0x4] =	wrdreg s18  }
0xb7: {  	[dreg:$0x5] =	wrdreg s16  }
0xb8: {  	[dreg:$0x6] =	wrdreg $0x9  }
0xb9: {  	_ =	task.clear_ibuf [dreg:s9], $0x7FFFF;
	_ =	strace $0x90000046  }
0xba: {  	s29 =	simm.s32 $0x9;
	_ =	strace $0x80000048  }
0xbb: {  	_ =	swait.ge [sflag:s29], $0x1  }
0xbc: {  	[sflag:s29] =	ssyncadd.s32 $0xFFFFFFFF  }
0xbd: {  	_ =	strace $0x90000048  }
0xbe: {  	_ =	sfence  }
0xbf: {  	s30 =	sld [smem:$0x0];
	_ =	sdelay $0x2  }
0xc0: {  	s31 =	sshll.u32 s1, $0xD;
	s1 =	sshrl.u32 s1, $0x2  }
0xc1: {  	s3 =	sand.u32 $0x4000, s31;
	s1 =	sadd.s32 s1, s30  }
0xc2: {  	s0 =	sor.u32 s3, s0;
	s1 =	sshll.u32 s1, $0x11  }
0xc3: {  	s0 =	sor.u32 s1, s0  }
0xc4: {  	s0 =	sadd.s32 $0x8F2B, s0  }
0xc5: {  	[sflag:s0] =	ssyncadd.remote.s32 $0x1  }
0xc6: {  	_ =	sfence.sel $0xFFFF  }
0xc7: {  	[dreg:$0x0] =	wrdreg $0xFFFFFFFF;
	(pc) =	sbr.abs _section_cstart, $3  }
0xc8: {  	[dreg:$0x1] =	wrdreg $0xFFFFFFFF  }
0xc9: {  	_ =	task.clear_ibuf [dreg:s9], $0x2FFFF;
	_ =	strace $0x9FFFFFFF  }
0xca: {  	(tm) =	ssettm $0x7FFFFFFF  }
0xcb: {  	_ =	shalt  }
tec
execute0_lowered:
.L_overlay_start_1:
0x0: {  	(tag) =	ssettag $0x1  }
0x1: {  	s1 =	stileid.u32  }
0x2: {  	p0 =	sgt.u32 s1, $0x3  }
.Ltmp0:
0x3: {  	s4 =	rddreg [dreg:$0x0];
	(pc) =	sbr.rel @p0 .LBB2_83-.Ltmp0, $4  }
0x4: {  	s0 =	rddreg [dreg:$0x1]  }
0x5: {  	s3 =	rddreg [dreg:$0x2];
	s2 =	simm.s32 $0x0  }
0x6: {  	[smem:$0x7FF] =	sst s2  }
0x7: {  	s5 =	rddreg [dreg:$0x3];
	_ =	strace $0x80000047  }
0x8: {  	s6 =	srdreg.scid  }
0x9: {  	s1 =	stileid.u32;
	s9 =	sadd.s32 $0x400, s4;
	s10 =	simm.s32 $0x1  }
0xa: {  	s11 =	simm.s32 $0x4000;
	s12 =	simm.s32 $0x5000;
	s13 =	simm.s32 $0xAC00  }
0xb: {  	s14 =	simm.s32 $0xB000;
	s15 =	simm.s32 $0x9B00;
	s6 =	sand.u32 $0x1, s6  }
0xc: {  	s16 =	simm.s32 $0xA380;
	s7 =	sshll.u32 s1, $0x5;
	s8 =	sshll.u32 s6, $0x4  }
0xd: {  	s17 =	simm.s32 $0xB480;
	s6 =	ssub.s32 $0x2, s6;
	s7 =	sor.u32 s8, s7  }
0xe: {  	s18 =	simm.s32 $0x17480;
	s31 =	sshrl.u32 s6, $0x1;
	s30 =	sadd.s32 s3, s7  }
0xf: {  	s8 =	simm.s32 $0x80;
	s0 =	sadd.s32 s0, s7;
	[dreg:$0x5] =	wrdreg s30  }
0x10: {  	v0 =	vlaneseq.u32;
	s5 =	sadd.s32 s5, s7;
	[dreg:$0x6] =	wrdreg s0;
	s0 =	ssub.s32 s6, s31  }
0x11: {  	v1 =	vimm.s32 $0x0;
	v3 =	vimm.s32 $0x1;
	v2 =	vmul.u32 $0x100, v0;
	s6 =	sadd.s32 s9, s7;
	s9 =	simm.s32 $0x400;
	s7 =	smax.u32 s0, $0x1  }
.LBB2_2:
0x12: {  	s0 =	simm.s32 $0x0  }
0x13: {  	[tilespmem:s0], [sflag:$0x1] =	stream.strided.gather [hbm4b:s6+s8], $0x4000, s9, s8, $0x38;
	[tilespmem:$0x18080] =	vst v63  }
0x14: {  	_ =	swait.ge [sflag:s10], $0x4000  }
0x15: {  	[sflag:s10] =	ssyncset.done $0x0  }
0x16: {  	s19 =	simm.s32 $0x40;
	s20 =	simm.s32 $0x0;
	[sflag:s10] =	ssyncadd.s32 $0xFFFFC000  }
.LBB2_3:
0x17: {  	p0 =	sne.s32 s19, $0x3FC0;
	[tilespmem:s20+$0x4000] =	vst v1;
	s20 =	smov.u32 s19;
	s19 =	sadd.s32 $0x40, s19  }
.Ltmp1:
0x18: {  	(pc) =	sbr.rel @p0 .LBB2_3-.Ltmp1, $2  }
0x19: {  	_ =	sdelay $0x2  }
0x1a: {  	s20 =	sshra.s32 s20, $0x2  }
0x1b: {  	[tilespmem:s20+$0x4000] =	vst v1  }
.LBB2_5:
0x1c: {  	s19 =	sshra.s32 s0, $0x2  }
0x1d: {  	v4 =	vld [tilespmem:s19+$0x0];
	_ =	sdelay $0x4  }
0x1e: {  	v4 =	vshrl.u32 v4, $0x18  }
0x1f: {  	v5 =	vand.u32 $0x80, v4  }
0x20: {  	v4 =	vand.u32 $0x7F, v4;
	v5 =	vor.u32 v2, v5  }
0x21: {  	p0 =	sne.s32 s0, $0xFFC0;
	v4 =	vor.u32 v4, v5  }
.Ltmp2:
0x22: {  	_ = 	snop;
	(pc) =	sbr.rel @p0 .LBB2_5-.Ltmp2, $2  }
0x23: {  	_ =	sdelay $0x2  }
0x24: {  	s0 =	sadd.s32 $0x40, s0;
	[tilespmem:v4+s11+$0x0] =	vst.idx.add.s32.msk $0xffff, v3  }
0x25: {  	s19 =	simm.s32 $0x0  }
0x26: {  	s0 =	sand.u32 $0xF0, s19  }
0x27: {  	v4 =	vld [tilespmem:s0+$0x4100]  }
0x28: {  	v5 =	vld [tilespmem:s0+$0x4000]  }
0x29: {  	v6 =	vld [tilespmem:s0+$0x4200]  }
0x2a: {  	v7 =	vld [tilespmem:s0+$0x4300]  }
0x2b: {  	v8 =	vld [tilespmem:s0+$0x4400]  }
0x2c: {  	v9 =	vld [tilespmem:s0+$0x4500]  }
0x2d: {  	v4 =	vadd.s32 v5, v4;
	v5 =	vld [tilespmem:s0+$0x4600]  }
0x2e: {  	v4 =	vadd.s32 v4, v6;
	v6 =	vld [tilespmem:s0+$0x4700]  }
0x2f: {  	v4 =	vadd.s32 v4, v7;
	v7 =	vld [tilespmem:s0+$0x4800]  }
0x30: {  	v60 =	vld [tilespmem:s0+$0x4900];
	v4 =	vadd.s32 v4, v8  }
0x31: {  	v61 =	vld [tilespmem:s0+$0x4A00];
	v4 =	vadd.s32 v4, v9  }
0x32: {  	v4 =	vadd.s32 v4, v5;
	v5 =	vld [tilespmem:s0+$0x4B00]  }
0x33: {  	v4 =	vadd.s32 v4, v6;
	v6 =	vld [tilespmem:s0+$0x4C00]  }
0x34: {  	v4 =	vadd.s32 v4, v7;
	v7 =	vld [tilespmem:s0+$0x4D00]  }
0x35: {  	v62 =	vld [tilespmem:s0+$0x4E00];
	v4 =	vadd.s32 v4, v60  }
0x36: {  	v63 =	vld [tilespmem:s0+$0x4F00];
	v4 =	vadd.s32 v4, v61  }
0x37: {  	v4 =	vadd.s32 v4, v5  }
0x38: {  	v4 =	vadd.s32 v4, v6  }
0x39: {  	v4 =	vadd.s32 v4, v7  }
0x3a: {  	v4 =	vadd.s32 v4, v62  }
0x3b: {  	s20 =	simm.s32 $0x5000;
	s31 =	simm.s32 $0x10;
	v4 =	vadd.s32 v4, v63  }
0x3c: {  	s21 =	sand.u32 $0xF0, s31;
	[tilespmem:s20+$0x0] =	vst v4  }
0x3d: {  	s22 =	simm.s32 $0x20;
	v4 =	vld [tilespmem:s21+$0x4100]  }
.LBB2_7:
0x3e: {  	p0 =	sne.s32 s22, $0xF0;
	v5 =	vld [tilespmem:s21+$0x4000]  }
0x3f: {  	v6 =	vld [tilespmem:s21+$0x4200]  }
0x40: {  	v7 =	vld [tilespmem:s21+$0x4300]  }
0x41: {  	v8 =	vld [tilespmem:s21+$0x4400]  }
0x42: {  	v9 =	vld [tilespmem:s21+$0x4500]  }
0x43: {  	v4 =	vadd.s32 v5, v4;
	v5 =	vld [tilespmem:s21+$0x4600]  }
0x44: {  	v4 =	vadd.s32 v4, v6;
	v6 =	vld [tilespmem:s21+$0x4700]  }
0x45: {  	v4 =	vadd.s32 v4, v7;
	v7 =	vld [tilespmem:s21+$0x4800]  }
0x46: {  	v4 =	vadd.s32 v4, v8;
	v8 =	vld [tilespmem:s21+$0x4900]  }
0x47: {  	v4 =	vadd.s32 v4, v9;
	v9 =	vld [tilespmem:s21+$0x4A00]  }
0x48: {  	v4 =	vadd.s32 v4, v5;
	v5 =	vld [tilespmem:s21+$0x4B00]  }
0x49: {  	v4 =	vadd.s32 v4, v6;
	v6 =	vld [tilespmem:s21+$0x4C00]  }
0x4a: {  	v4 =	vadd.s32 v4, v7;
	v7 =	vld [tilespmem:s21+$0x4D00]  }
0x4b: {  	v4 =	vadd.s32 v4, v8;
	v8 =	vld [tilespmem:s21+$0x4E00]  }
0x4c: {  	v4 =	vadd.s32 v4, v9;
	v9 =	vld [tilespmem:s21+$0x4F00]  }
0x4d: {  	v4 =	vadd.s32 v4, v5  }
0x4e: {  	v4 =	vadd.s32 v4, v6  }
.Ltmp3:
0x4f: {  	v4 =	vadd.s32 v4, v7;
	(pc) =	sbr.rel @p0 .LBB2_7-.Ltmp3, $4  }
0x50: {  	v4 =	vadd.s32 v4, v8  }
0x51: {  	s20 =	sadd.s32 $0x10, s20;
	v4 =	vadd.s32 v4, v9  }
0x52: {  	s21 =	sand.u32 $0xF0, s22;
	[tilespmem:s20+$0x0] =	vst v4  }
0x53: {  	s22 =	sadd.s32 $0x10, s22;
	v4 =	vld [tilespmem:s21+$0x4100]  }
0x54: {  	v5 =	vld [tilespmem:s21+$0x4000]  }
0x55: {  	v6 =	vld [tilespmem:s21+$0x4200]  }
0x56: {  	v7 =	vld [tilespmem:s21+$0x4300]  }
0x57: {  	v8 =	vld [tilespmem:s21+$0x4400]  }
0x58: {  	v9 =	vld [tilespmem:s21+$0x4500]  }
0x59: {  	v4 =	vadd.s32 v5, v4;
	v5 =	vld [tilespmem:s21+$0x4600]  }
0x5a: {  	v4 =	vadd.s32 v4, v6;
	v6 =	vld [tilespmem:s21+$0x4700]  }
0x5b: {  	v4 =	vadd.s32 v4, v7;
	v7 =	vld [tilespmem:s21+$0x4800]  }
0x5c: {  	v60 =	vld [tilespmem:s21+$0x4900];
	v4 =	vadd.s32 v4, v8  }
0x5d: {  	v61 =	vld [tilespmem:s21+$0x4A00];
	v4 =	vadd.s32 v4, v9  }
0x5e: {  	v4 =	vadd.s32 v4, v5;
	v5 =	vld [tilespmem:s21+$0x4B00]  }
0x5f: {  	v4 =	vadd.s32 v4, v6;
	v6 =	vld [tilespmem:s21+$0x4C00]  }
0x60: {  	v4 =	vadd.s32 v4, v7;
	v7 =	vld [tilespmem:s21+$0x4D00]  }
0x61: {  	v62 =	vld [tilespmem:s21+$0x4E00];
	v4 =	vadd.s32 v4, v60  }
0x62: {  	v63 =	vld [tilespmem:s21+$0x4F00];
	v4 =	vadd.s32 v4, v61  }
0x63: {  	v4 =	vadd.s32 v4, v5  }
0x64: {  	p1 =	por $0x0, $0x0;
	v4 =	vadd.s32 v4, v6  }
.Ltmp4:
0x65: {  	v4 =	vadd.s32 v4, v7;
	(pc) =	sbr.rel @p1 .LBB2_9-.Ltmp4, $4  }
0x66: {  	v4 =	vadd.s32 v4, v62  }
0x67: {  	s0 =	sadd.s32 $0x10, s20;
	v4 =	vadd.s32 v4, v63  }
0x68: {  	s31 =	simm.s32 $0x50FF;
	s22 =	simm.s32 $0xFE;
	p0 =	por $0x0, $0x0;
	[tilespmem:s0+$0x0] =	vst v4  }
0x69: {  	p2 =	por $0x0, $0x0;
	s21 =	simm.s32 $0xFF;
	s0 =	simm.s32 $0x50FE;
	v4 =	vld [tilespmem:s31+$0x0]  }
0x6a: {  	p1 =	por $0x0, $0x0  }
.Ltmp5:
0x6b: {  	_ = 	snop;
	(pc) =	sbr.rel @p1 .LBB2_11-.Ltmp5, $2  }
0x6c: {  	_ =	sdelay $0x2  }
0x6d: {  	s30 =	simm.s32 $0xFD;
	p0 =	por $0x1, $0x1;
	(v2sf) =	vpush v4, $0x0;
	v4 =	vld [tilespmem:s0+$0x0];
	s0 =	simm.s32 $0x50FD  }
0x6e: {  	_ =	sdelay $0x3  }
0x6f: {  	(v2sf) =	vpush v4, $0x0;
	_ =	sdelay $0x3  }
0x70: {  	p1 =	por $0x0, $0x0  }
.Ltmp6:
0x71: {  	_ = 	snop;
	(pc) =	sbr.rel @p1 .LBB2_13-.Ltmp6, $2  }
0x72: {  	_ =	sdelay $0x2  }
0x73: {  	s20 =	simm.s32 $0xFC;
	s23 =	simm.s32 $0x50FC;
	p2 =	por $0x1, $0x1;
	v4 =	vld [tilespmem:s0+$0x0]  }
0x74: {  	_ =	sdelay $0x3  }
0x75: {  	(v2sf) =	vpush v4, $0x0;
	_ =	sdelay $0x1  }
0x76: {  	p1 =	por $0x0, $0x0  }
.Ltmp7:
0x77: {  	s0 =	spop (v2sf);
	s31 =	simm.s32 $0xFB;
	(pc) =	sbr.rel @p1 .LBB2_15-.Ltmp7, $4  }
0x78: {  	p3 =	por $0x0, $0x0;
	s24 =	simm.s32 $0x400;
	p5 =	por $0x0, $0x0  }
0x79: {  	s26 =	simm.s32 $0x0;
	s28 =	simm.s32 $0x0;
	s29 =	simm.s32 $0x0;
	v4 =	vld [tilespmem:s23+$0x0]  }
0x7a: {  	p4 =	por !p3, !p3;
	s25 =	sadd.s32 $0x0, s0;
	s0 =	simm.s32 $0x50FB  }
0x7b: {  	p3 =	por $0x1, $0x1;
	p6 =	sgt.s32 s25, $0x3FF;
	s23 =	simm.s32 $0xFF  }
.LBB2_16:
0x7c: {  	s1 =	smov.u32 s26;
	p1 =	seq.s32 s31, $0x0;
	p5 =	por p5, p6  }
0x7d: {  	s3 =	smov.u32 s20;
	s20 =	smov.u32 s31;
	s31 =	sadd.s32 $0xFFFFFFFF, s31  }
0x7e: {  	s4 =	smov.u32 s24;
	p6 =	por !p6, !p4;
	s26 =	smov.u32 s25;
	(v2sf) =	vpush v4, $0x0  }
.Ltmp8:
0x7f: {  	p4 =	por !p5, !p5;
	s26 =	smov.u32 @p5 s1;
	v4 =	vld [tilespmem:s0+$0x0];
	(pc) =	sbr.rel @!p1 .LBB2_16-.Ltmp8, $4  }
0x80: {  	p6 =	por !p6, !p6;
	s24 =	ssub.s32 $0x400, s26  }
0x81: {  	s28 =	smov.u32 @p6 s23;
	s23 =	smov.u32 s22;
	s1 =	spop (v2sf)  }
0x82: {  	s29 =	smov.u32 @p6 s4;
	s22 =	smov.u32 s30;
	s25 =	sadd.s32 s26, s1  }
0x83: {  	s0 =	sadd.s32 $0xFFFFFFFF, s0;
	s30 =	smov.u32 s3;
	p6 =	sgt.s32 s25, $0x3FF  }
0x84: {  	s0 =	smov.u32 s22;
	s22 =	smov.u32 s30  }
.LBB2_18:
0x85: {  	p5 =	por @p3 p5, p6  }
0x86: {  	p1 =	por !p5, !p3  }
0x87: {  	s1 =	simm.s32 $0x0;
	s26 =	smov.u32 @p1 s25  }
0x88: {  	s3 =	spop @p2 (v2sf);
	s1 =	smov.u32 @p3 s26  }
0x89: {  	s3 =	sadd.s32 @p2 s1, s3  }
0x8a: {  	p4 =	por @p3 !p6, !p4;
	p6 =	por $0x0, $0x0;
	p1 =	sgt.s32 @p2 s3, $0x3FF  }
0x8b: {  	(v2sf) =	vpush v4, $0x0;
	p5 =	por @!p3 p6, p6;
	p4 =	por @p3 !p4, !p4;
	p1 =	por @!p2 p0, p0  }
0x8c: {  	p6 =	por !p4, !p3;
	p4 =	por @p2 p5, p1  }
0x8d: {  	s25 =	simm.s32 @!p4 $0x0  }
0x8e: {  	s25 =	simm.s32 @p4 $0x1;
	p4 =	por !p4, !p2  }
0x8f: {  	[smem:$0x7FD] =	sst s25;
	s25 =	simm.s32 @!p4 $0x0  }
0x90: {  	s4 =	smov.u32 @p3 s24;
	s0 =	smov.u32 @p2 s0;
	s25 =	simm.s32 @p4 $0x1  }
0x91: {  	s23 =	smov.u32 @p6 s28;
	p5 =	por @p2 !p5, !p5;
	[smem:$0x7FC] =	sst s25  }
0x92: {  	s4 =	smov.u32 @p6 s29;
	p5 =	por @!p2 p0, p0;
	s25 =	sld [smem:$0x7FC]  }
0x93: {  	p6 =	por $0x0, $0x0;
	s24 =	ssub.s32 @p2 $0x400, s1;
	p1 =	por @p2 !p1, !p5  }
0x94: {  	s3 =	smov.u32 @p2 s3;
	p1 =	por @p2 !p1, !p1;
	s30 =	sld [smem:$0x7FD]  }
0x95: {  	p1 =	por !p1, !p2;
	p4 =	seq.s32 s25, $0x1;
	s25 =	simm.s32 $0x0  }
0x96: {  	s1 =	smov.u32 @p4 s3;
	s3 =	smov.u32 @p2 s24;
	s24 =	simm.s32 $0x0  }
0x97: {  	p4 =	seq.s32 s30, $0x1;
	s24 =	smov.u32 @p3 s23;
	s23 =	simm.s32 $0x0  }
0x98: {  	s25 =	smov.u32 @p2 s1;
	s1 =	spop @p0 (v2sf);
	p4 =	por @!p2 p6, p6  }
0x99: {  	s23 =	smov.u32 @p3 s4;
	s1 =	sadd.s32 @p0 s25, s1;
	s0 =	smov.u32 @p1 s24  }
0x9a: {  	s4 =	simm.s32 $0x0;
	s31 =	spop (v2sf);
	p3 =	sgt.s32 @p0 s1, $0x3FF  }
0x9b: {  	s3 =	smov.u32 @p1 s23;
	s4 =	smov.u32 @p2 s0;
	s23 =	simm.s32 $0x0  }
0x9c: {  	s0 =	smov.u32 @p0 s22;
	s1 =	smov.u32 @p0 s1;
	p3 =	por @!p0 p0, p0  }
0x9d: {  	s23 =	smov.u32 @p2 s3;
	s21 =	smov.u32 @p0 s0;
	p2 =	por @p0 !p4, !p4  }
0x9e: {  	s0 =	ssub.s32 @p0 $0x400, s25;
	p1 =	por @p0 p4, p3;
	s3 =	smov.u32 @p0 s21  }
0x9f: {  	s0 =	smov.u32 @p0 s0;
	p2 =	por @!p0 p0, p0;
	p5 =	por !p1, !p0  }
0xa0: {  	p1 =	por @!p0 p6, p6;
	p2 =	por @p0 !p3, !p2;
	s3 =	smov.u32 @p0 s3  }
0xa1: {  	s25 =	smov.u32 @p5 s1;
	s1 =	simm.s32 $0x0;
	p2 =	por @p0 !p2, !p2  }
0xa2: {  	s21 =	smov.u32 @p0 s0;
	s1 =	smov.u32 @p0 s25;
	p2 =	por !p2, !p0  }
0xa3: {  	p1 =	por !p1, !p1;
	s0 =	sadd.s32 s1, s31;
	s3 =	smov.u32 @p2 s4  }
0xa4: {  	s21 =	smov.u32 @p2 s23;
	s1 =	ssub.s32 $0x400, s1;
	p6 =	sgt.s32 s0, $0x3FF  }
0xa5: {  	s0 =	simm.s32 $0x0;
	s19 =	smov.u32 @p0 s21;
	p1 =	por !p6, !p1  }
0xa6: {  	s21 =	simm.s32 $0x0;
	s0 =	smov.u32 @p0 s3;
	p0 =	por !p1, !p1  }
0xa7: {  	s0 =	smov.u32 @p0 s20;
	s19 =	smov.u32 @p0 s1;
	s20 =	simm.s32 $0x40  }
.LBB2_19:
0xa8: {  	p0 =	seq.s32 s20, $0x3FC0;
	[tilespmem:s21+$0x4000] =	vst v1;
	s1 =	smov.u32 s20;
	s20 =	sadd.s32 $0x40, s20  }
.Ltmp9:
0xa9: {  	(pc) =	sbr.rel @!p0 .LBB2_19-.Ltmp9, $2  }
0xaa: {  	_ =	sdelay $0x2  }
0xab: {  	s21 =	sshra.s32 s1, $0x2  }
0xac: {  	[tilespmem:s21+$0x4000] =	vst v1;
	s21 =	sshll.u32 s0, $0x18  }
0xad: {  	s0 =	simm.s32 $0x0;
	s20 =	simm.s32 $0x0;
	v4 =	vmov s21  }
.LBB2_21:
0xae: {  	s1 =	sshra.s32 s20, $0x2  }
0xaf: {  	v5 =	vld [tilespmem:s1+$0x0];
	_ =	sdelay $0x4  }
0xb0: {  	v6 =	vshrl.u32 v5, $0x10;
	v5 =	vand.u32 $0xFF000000, v5  }
0xb1: {  	vm0 =	veq.s32 v5, v4;
	v5 =	vand.u32 $0xFF, v6  }
0xb2: {  	p0 =	sne.s32 s20, $0xFFC0;
	v5 =	vor.u32 v2, v5  }
.Ltmp10:
0xb3: {  	_ = 	snop;
	(pc) =	sbr.rel @p0 .LBB2_21-.Ltmp10, $2  }
0xb4: {  	_ =	sdelay $0x2  }
0xb5: {  	s20 =	sadd.s32 $0x40, s20;
	[tilespmem:v5+s11+$0x0] =	vst.idx.add.s32.msk vm0, v3  }
0xb6: {  	s0 =	sand.u32 $0xF0, s0  }
0xb7: {  	v4 =	vld [tilespmem:s0+$0x4100]  }
0xb8: {  	v5 =	vld [tilespmem:s0+$0x4000]  }
0xb9: {  	v6 =	vld [tilespmem:s0+$0x4200]  }
0xba: {  	v7 =	vld [tilespmem:s0+$0x4300]  }
0xbb: {  	v8 =	vld [tilespmem:s0+$0x4400]  }
0xbc: {  	v9 =	vld [tilespmem:s0+$0x4500]  }
0xbd: {  	v4 =	vadd.s32 v5, v4;
	v5 =	vld [tilespmem:s0+$0x4600]  }
0xbe: {  	v4 =	vadd.s32 v4, v6;
	v6 =	vld [tilespmem:s0+$0x4700]  }
0xbf: {  	v4 =	vadd.s32 v4, v7;
	v7 =	vld [tilespmem:s0+$0x4800]  }
0xc0: {  	v60 =	vld [tilespmem:s0+$0x4900];
	v4 =	vadd.s32 v4, v8  }
0xc1: {  	v61 =	vld [tilespmem:s0+$0x4A00];
	v4 =	vadd.s32 v4, v9  }
0xc2: {  	v4 =	vadd.s32 v4, v5;
	v5 =	vld [tilespmem:s0+$0x4B00]  }
0xc3: {  	v4 =	vadd.s32 v4, v6;
	v6 =	vld [tilespmem:s0+$0x4C00]  }
0xc4: {  	v4 =	vadd.s32 v4, v7;
	v7 =	vld [tilespmem:s0+$0x4D00]  }
0xc5: {  	v62 =	vld [tilespmem:s0+$0x4E00];
	v4 =	vadd.s32 v4, v60  }
0xc6: {  	v63 =	vld [tilespmem:s0+$0x4F00];
	v4 =	vadd.s32 v4, v61  }
0xc7: {  	v4 =	vadd.s32 v4, v5  }
0xc8: {  	v4 =	vadd.s32 v4, v6  }
0xc9: {  	v4 =	vadd.s32 v4, v7  }
0xca: {  	v4 =	vadd.s32 v4, v62  }
0xcb: {  	s20 =	simm.s32 $0x5000;
	s31 =	simm.s32 $0x10;
	v4 =	vadd.s32 v4, v63  }
0xcc: {  	s22 =	sand.u32 $0xF0, s31;
	[tilespmem:s20+$0x0] =	vst v4  }
0xcd: {  	s23 =	simm.s32 $0x20;
	v4 =	vld [tilespmem:s22+$0x4100]  }
.LBB2_23:
0xce: {  	p0 =	sne.s32 s23, $0xF0;
	v5 =	vld [tilespmem:s22+$0x4000]  }
0xcf: {  	v6 =	vld [tilespmem:s22+$0x4200]  }
0xd0: {  	v7 =	vld [tilespmem:s22+$0x4300]  }
0xd1: {  	v8 =	vld [tilespmem:s22+$0x4400]  }
0xd2: {  	v9 =	vld [tilespmem:s22+$0x4500]  }
0xd3: {  	v4 =	vadd.s32 v5, v4;
	v5 =	vld [tilespmem:s22+$0x4600]  }
0xd4: {  	v4 =	vadd.s32 v4, v6;
	v6 =	vld [tilespmem:s22+$0x4700]  }
0xd5: {  	v4 =	vadd.s32 v4, v7;
	v7 =	vld [tilespmem:s22+$0x4800]  }
0xd6: {  	v4 =	vadd.s32 v4, v8;
	v8 =	vld [tilespmem:s22+$0x4900]  }
0xd7: {  	v4 =	vadd.s32 v4, v9;
	v9 =	vld [tilespmem:s22+$0x4A00]  }
0xd8: {  	v4 =	vadd.s32 v4, v5;
	v5 =	vld [tilespmem:s22+$0x4B00]  }
0xd9: {  	v4 =	vadd.s32 v4, v6;
	v6 =	vld [tilespmem:s22+$0x4C00]  }
0xda: {  	v4 =	vadd.s32 v4, v7;
	v7 =	vld [tilespmem:s22+$0x4D00]  }
0xdb: {  	v4 =	vadd.s32 v4, v8;
	v8 =	vld [tilespmem:s22+$0x4E00]  }
0xdc: {  	v4 =	vadd.s32 v4, v9;
	v9 =	vld [tilespmem:s22+$0x4F00]  }
0xdd: {  	v4 =	vadd.s32 v4, v5  }
0xde: {  	v4 =	vadd.s32 v4, v6  }
.Ltmp11:
0xdf: {  	v4 =	vadd.s32 v4, v7;
	(pc) =	sbr.rel @p0 .LBB2_23-.Ltmp11, $4  }
0xe0: {  	v4 =	vadd.s32 v4, v8  }
0xe1: {  	s20 =	sadd.s32 $0x10, s20;
	v4 =	vadd.s32 v4, v9  }
0xe2: {  	s22 =	sand.u32 $0xF0, s23;
	[tilespmem:s20+$0x0] =	vst v4  }
0xe3: {  	s23 =	sadd.s32 $0x10, s23;
	v4 =	vld [tilespmem:s22+$0x4100]  }
0xe4: {  	v5 =	vld [tilespmem:s22+$0x4000]  }
0xe5: {  	v6 =	vld [tilespmem:s22+$0x4200]  }
0xe6: {  	v7 =	vld [tilespmem:s22+$0x4300]  }
0xe7: {  	v8 =	vld [tilespmem:s22+$0x4400]  }
0xe8: {  	v9 =	vld [tilespmem:s22+$0x4500]  }
0xe9: {  	v4 =	vadd.s32 v5, v4;
	v5 =	vld [tilespmem:s22+$0x4600]  }
0xea: {  	v4 =	vadd.s32 v4, v6;
	v6 =	vld [tilespmem:s22+$0x4700]  }
0xeb: {  	v4 =	vadd.s32 v4, v7;
	v7 =	vld [tilespmem:s22+$0x4800]  }
0xec: {  	v60 =	vld [tilespmem:s22+$0x4900];
	v4 =	vadd.s32 v4, v8  }
0xed: {  	v61 =	vld [tilespmem:s22+$0x4A00];
	v4 =	vadd.s32 v4, v9  }
0xee: {  	v4 =	vadd.s32 v4, v5;
	v5 =	vld [tilespmem:s22+$0x4B00]  }
0xef: {  	v4 =	vadd.s32 v4, v6;
	v6 =	vld [tilespmem:s22+$0x4C00]  }
0xf0: {  	v4 =	vadd.s32 v4, v7;
	v7 =	vld [tilespmem:s22+$0x4D00]  }
0xf1: {  	v62 =	vld [tilespmem:s22+$0x4E00];
	v4 =	vadd.s32 v4, v60  }
0xf2: {  	v63 =	vld [tilespmem:s22+$0x4F00];
	v4 =	vadd.s32 v4, v61  }
0xf3: {  	v4 =	vadd.s32 v4, v5  }
0xf4: {  	v4 =	vadd.s32 v4, v6  }
0xf5: {  	v4 =	vadd.s32 v4, v7  }
0xf6: {  	v4 =	vadd.s32 v4, v62  }
0xf7: {  	s0 =	sadd.s32 $0x10, s20;
	v4 =	vadd.s32 v4, v63  }
0xf8: {  	s24 =	simm.s32 $0x50FF;
	[tilespmem:s0+$0x0] =	vst v4  }
0xf9: {  	v4 =	vld [tilespmem:s24+$0x0];
	_ =	sdelay $0x4  }
0xfa: {  	(v2sf) =	vpush v4, $0x0;
	_ =	sdelay $0x6  }
0xfb: {  	s25 =	simm.s32 $0x50FE  }
0xfc: {  	v4 =	vld [tilespmem:s25+$0x0]  }
0xfd: {  	s26 =	simm.s32 $0x50FD  }
0xfe: {  	v5 =	vld [tilespmem:s26+$0x0];
	_ =	sdelay $0x2  }
0xff: {  	(v2sf) =	vpush v4, $0x0;
	_ =	sdelay $0x1  }
0x100: {  	s3 =	spop (v2sf);
	(v2sf) =	vpush v5, $0x0;
	_ =	sdelay $0x2  }
0x101: {  	p0 =	por $0x0, $0x0;
	s23 =	simm.s32 $0xFC;
	s1 =	simm.s32 $0x50FC  }
0x102: {  	s29 =	simm.s32 $0xFB;
	s31 =	simm.s32 $0x50FB;
	s20 =	simm.s32 $0x0  }
0x103: {  	p1 =	por !p0, !p0;
	s22 =	simm.s32 $0x0;
	s0 =	simm.s32 $0x0;
	v4 =	vld [tilespmem:s1+$0x0]  }
0x104: {  	s26 =	simm.s32 $0xFF;
	s24 =	simm.s32 $0xFD;
	s30 =	sadd.s32 $0x0, s3  }
0x105: {  	s28 =	ssub.s32 s19, s0;
	s25 =	simm.s32 $0xFE;
	p3 =	sge.s32 s30, s19  }
.LBB2_25:
0x106: {  	s1 =	smov.u32 s0;
	p2 =	seq.s32 s29, $0x0;
	p0 =	por p0, p3  }
0x107: {  	s3 =	smov.u32 s23;
	s23 =	smov.u32 s29;
	s29 =	sadd.s32 $0xFFFFFFFF, s29  }
0x108: {  	s4 =	smov.u32 s28;
	p3 =	por !p3, !p1;
	s0 =	smov.u32 s30;
	(v2sf) =	vpush v4, $0x0  }
.Ltmp12:
0x109: {  	p1 =	por !p0, !p0;
	s0 =	smov.u32 @p0 s1;
	v4 =	vld [tilespmem:s31+$0x0];
	(pc) =	sbr.rel @!p2 .LBB2_25-.Ltmp12, $4  }
0x10a: {  	p3 =	por !p3, !p3;
	s28 =	ssub.s32 s19, s0  }
0x10b: {  	s22 =	smov.u32 @p3 s26;
	s26 =	smov.u32 s25;
	s1 =	spop (v2sf)  }
0x10c: {  	s20 =	smov.u32 @p3 s4;
	s25 =	smov.u32 s24;
	s30 =	sadd.s32 s0, s1  }
0x10d: {  	s31 =	sadd.s32 $0xFFFFFFFF, s31;
	s24 =	smov.u32 s3;
	p3 =	sge.s32 s30, s19  }
0x10e: {  	(v2sf) =	vpush v4, $0x0;
	_ =	sdelay $0x5  }
0x10f: {  	p0 =	por p0, p3  }
0x110: {  	s29 =	spop (v2sf);
	s30 =	smov.u32 @p0 s0  }
0x111: {  	s0 =	sadd.s32 s30, s29  }
0x112: {  	p1 =	por !p3, !p1;
	p2 =	sge.s32 s0, s19  }
0x113: {  	p6 =	por !p0, !p0;
	p1 =	por !p1, !p1;
	p0 =	por p0, p2  }
0x114: {  	s3 =	ssub.s32 s19, s30;
	s0 =	smov.u32 @p0 s30;
	s1 =	spop (v2sf)  }
0x115: {  	s22 =	smov.u32 @p1 s26;
	s20 =	smov.u32 @p1 s28;
	s1 =	sadd.s32 s0, s1  }
0x116: {  	p2 =	por !p2, !p6;
	p4 =	por !p0, !p0;
	p3 =	sge.s32 s1, s19  }
0x117: {  	p1 =	por !p2, !p2;
	s4 =	ssub.s32 s19, s0;
	p0 =	por p0, p3  }
0x118: {  	s22 =	smov.u32 @p1 s25;
	s1 =	smov.u32 @p0 s0;
	s31 =	spop (v2sf)  }
0x119: {  	s20 =	smov.u32 @p1 s3;
	p5 =	por !p3, !p4;
	s0 =	sadd.s32 s1, s31  }
0x11a: {  	p0 =	por !p0, !p0;
	p1 =	por !p5, !p5;
	p6 =	sge.s32 s0, s19  }
0x11b: {  	s22 =	smov.u32 @p1 s24;
	s20 =	smov.u32 @p1 s4;
	p0 =	por !p6, !p0  }
0x11c: {  	s0 =	ssub.s32 s19, s1;
	s19 =	simm.s32 $0x0;
	p0 =	por !p0, !p0  }
0x11d: {  	s22 =	smov.u32 @p0 s23;
	s20 =	smov.u32 @p0 s0;
	s0 =	simm.s32 $0x40  }
.LBB2_27:
0x11e: {  	p0 =	seq.s32 s0, $0x3FC0;
	[tilespmem:s19+$0x4000] =	vst v1;
	s1 =	smov.u32 s0;
	s0 =	sadd.s32 $0x40, s0  }
.Ltmp13:
0x11f: {  	(pc) =	sbr.rel @!p0 .LBB2_27-.Ltmp13, $2  }
0x120: {  	_ =	sdelay $0x2  }
0x121: {  	s19 =	sshra.s32 s1, $0x2  }
0x122: {  	s0 =	sshll.u32 s22, $0x10  }
0x123: {  	s21 =	sor.u32 s21, s0  }
0x124: {  	[tilespmem:s19+$0x4000] =	vst v1;
	s19 =	simm.s32 $0x0;
	s0 =	simm.s32 $0x0;
	v4 =	vmov s21  }
.LBB2_29:
0x125: {  	s1 =	sshra.s32 s19, $0x2  }
0x126: {  	v5 =	vld [tilespmem:s1+$0x0];
	_ =	sdelay $0x4  }
0x127: {  	v6 =	vshrl.u32 v5, $0x8;
	v5 =	vand.u32 $0xFFFF0000, v5  }
0x128: {  	vm0 =	veq.s32 v5, v4;
	v5 =	vand.u32 $0xFF, v6  }
0x129: {  	p0 =	sne.s32 s19, $0xFFC0;
	v5 =	vor.u32 v2, v5  }
.Ltmp14:
0x12a: {  	_ = 	snop;
	(pc) =	sbr.rel @p0 .LBB2_29-.Ltmp14, $2  }
0x12b: {  	_ =	sdelay $0x2  }
0x12c: {  	s19 =	sadd.s32 $0x40, s19;
	[tilespmem:v5+s11+$0x0] =	vst.idx.add.s32.msk vm0, v3  }
0x12d: {  	s0 =	sand.u32 $0xF0, s0  }
0x12e: {  	v4 =	vld [tilespmem:s0+$0x4100]  }
0x12f: {  	v5 =	vld [tilespmem:s0+$0x4000]  }
0x130: {  	v6 =	vld [tilespmem:s0+$0x4200]  }
0x131: {  	v7 =	vld [tilespmem:s0+$0x4300]  }
0x132: {  	v8 =	vld [tilespmem:s0+$0x4400]  }
0x133: {  	v9 =	vld [tilespmem:s0+$0x4500]  }
0x134: {  	v4 =	vadd.s32 v5, v4;
	v5 =	vld [tilespmem:s0+$0x4600]  }
0x135: {  	v4 =	vadd.s32 v4, v6;
	v6 =	vld [tilespmem:s0+$0x4700]  }
0x136: {  	v4 =	vadd.s32 v4, v7;
	v7 =	vld [tilespmem:s0+$0x4800]  }
0x137: {  	v60 =	vld [tilespmem:s0+$0x4900];
	v4 =	vadd.s32 v4, v8  }
0x138: {  	v61 =	vld [tilespmem:s0+$0x4A00];
	v4 =	vadd.s32 v4, v9  }
0x139: {  	v4 =	vadd.s32 v4, v5;
	v5 =	vld [tilespmem:s0+$0x4B00]  }
0x13a: {  	v4 =	vadd.s32 v4, v6;
	v6 =	vld [tilespmem:s0+$0x4C00]  }
0x13b: {  	v4 =	vadd.s32 v4, v7;
	v7 =	vld [tilespmem:s0+$0x4D00]  }
0x13c: {  	v62 =	vld [tilespmem:s0+$0x4E00];
	v4 =	vadd.s32 v4, v60  }
0x13d: {  	v63 =	vld [tilespmem:s0+$0x4F00];
	v4 =	vadd.s32 v4, v61  }
0x13e: {  	v4 =	vadd.s32 v4, v5  }
0x13f: {  	v4 =	vadd.s32 v4, v6  }
0x140: {  	v4 =	vadd.s32 v4, v7  }
0x141: {  	v4 =	vadd.s32 v4, v62  }
0x142: {  	s19 =	simm.s32 $0x5000;
	s31 =	simm.s32 $0x10;
	v4 =	vadd.s32 v4, v63  }
0x143: {  	s22 =	sand.u32 $0xF0, s31;
	[tilespmem:s19+$0x0] =	vst v4  }
0x144: {  	s23 =	simm.s32 $0x20;
	v4 =	vld [tilespmem:s22+$0x4100]  }
.LBB2_31:
0x145: {  	p0 =	sne.s32 s23, $0xF0;
	v5 =	vld [tilespmem:s22+$0x4000]  }
0x146: {  	v6 =	vld [tilespmem:s22+$0x4200]  }
0x147: {  	v7 =	vld [tilespmem:s22+$0x4300]  }
0x148: {  	v8 =	vld [tilespmem:s22+$0x4400]  }
0x149: {  	v9 =	vld [tilespmem:s22+$0x4500]  }
0x14a: {  	v4 =	vadd.s32 v5, v4;
	v5 =	vld [tilespmem:s22+$0x4600]  }
0x14b: {  	v4 =	vadd.s32 v4, v6;
	v6 =	vld [tilespmem:s22+$0x4700]  }
0x14c: {  	v4 =	vadd.s32 v4, v7;
	v7 =	vld [tilespmem:s22+$0x4800]  }
0x14d: {  	v4 =	vadd.s32 v4, v8;
	v8 =	vld [tilespmem:s22+$0x4900]  }
0x14e: {  	v4 =	vadd.s32 v4, v9;
	v9 =	vld [tilespmem:s22+$0x4A00]  }
0x14f: {  	v4 =	vadd.s32 v4, v5;
	v5 =	vld [tilespmem:s22+$0x4B00]  }
0x150: {  	v4 =	vadd.s32 v4, v6;
	v6 =	vld [tilespmem:s22+$0x4C00]  }
0x151: {  	v4 =	vadd.s32 v4, v7;
	v7 =	vld [tilespmem:s22+$0x4D00]  }
0x152: {  	v4 =	vadd.s32 v4, v8;
	v8 =	vld [tilespmem:s22+$0x4E00]  }
0x153: {  	v4 =	vadd.s32 v4, v9;
	v9 =	vld [tilespmem:s22+$0x4F00]  }
0x154: {  	v4 =	vadd.s32 v4, v5  }
0x155: {  	v4 =	vadd.s32 v4, v6  }
.Ltmp15:
0x156: {  	v4 =	vadd.s32 v4, v7;
	(pc) =	sbr.rel @p0 .LBB2_31-.Ltmp15, $4  }
0x157: {  	v4 =	vadd.s32 v4, v8  }
0x158: {  	s19 =	sadd.s32 $0x10, s19;
	v4 =	vadd.s32 v4, v9  }
0x159: {  	s22 =	sand.u32 $0xF0, s23;
	[tilespmem:s19+$0x0] =	vst v4  }
0x15a: {  	s23 =	sadd.s32 $0x10, s23;
	v4 =	vld [tilespmem:s22+$0x4100]  }
0x15b: {  	v5 =	vld [tilespmem:s22+$0x4000]  }
0x15c: {  	v6 =	vld [tilespmem:s22+$0x4200]  }
0x15d: {  	v7 =	vld [tilespmem:s22+$0x4300]  }
0x15e: {  	v8 =	vld [tilespmem:s22+$0x4400]  }
0x15f: {  	v9 =	vld [tilespmem:s22+$0x4500]  }
0x160: {  	v4 =	vadd.s32 v5, v4;
	v5 =	vld [tilespmem:s22+$0x4600]  }
0x161: {  	v4 =	vadd.s32 v4, v6;
	v6 =	vld [tilespmem:s22+$0x4700]  }
0x162: {  	v4 =	vadd.s32 v4, v7;
	v7 =	vld [tilespmem:s22+$0x4800]  }
0x163: {  	v60 =	vld [tilespmem:s22+$0x4900];
	v4 =	vadd.s32 v4, v8  }
0x164: {  	v61 =	vld [tilespmem:s22+$0x4A00];
	v4 =	vadd.s32 v4, v9  }
0x165: {  	v4 =	vadd.s32 v4, v5;
	v5 =	vld [tilespmem:s22+$0x4B00]  }
0x166: {  	v4 =	vadd.s32 v4, v6;
	v6 =	vld [tilespmem:s22+$0x4C00]  }
0x167: {  	v4 =	vadd.s32 v4, v7;
	v7 =	vld [tilespmem:s22+$0x4D00]  }
0x168: {  	v62 =	vld [tilespmem:s22+$0x4E00];
	v4 =	vadd.s32 v4, v60  }
0x169: {  	v63 =	vld [tilespmem:s22+$0x4F00];
	v4 =	vadd.s32 v4, v61  }
0x16a: {  	v4 =	vadd.s32 v4, v5  }
0x16b: {  	v4 =	vadd.s32 v4, v6  }
0x16c: {  	v4 =	vadd.s32 v4, v7  }
0x16d: {  	v4 =	vadd.s32 v4, v62  }
0x16e: {  	s0 =	sadd.s32 $0x10, s19;
	v4 =	vadd.s32 v4, v63  }
0x16f: {  	s24 =	simm.s32 $0x50FF;
	[tilespmem:s0+$0x0] =	vst v4  }
0x170: {  	v4 =	vld [tilespmem:s24+$0x0];
	_ =	sdelay $0x4  }
0x171: {  	(v2sf) =	vpush v4, $0x0;
	_ =	sdelay $0x6  }
0x172: {  	s25 =	simm.s32 $0x50FE  }
0x173: {  	v4 =	vld [tilespmem:s25+$0x0]  }
0x174: {  	s26 =	simm.s32 $0x50FD  }
0x175: {  	v5 =	vld [tilespmem:s26+$0x0];
	_ =	sdelay $0x2  }
0x176: {  	(v2sf) =	vpush v4, $0x0;
	_ =	sdelay $0x1  }
0x177: {  	s3 =	spop (v2sf);
	(v2sf) =	vpush v5, $0x0;
	_ =	sdelay $0x2  }
0x178: {  	p0 =	por $0x0, $0x0;
	s23 =	simm.s32 $0xFC;
	s1 =	simm.s32 $0x50FC  }
0x179: {  	s29 =	simm.s32 $0xFB;
	s31 =	simm.s32 $0x50FB;
	s19 =	simm.s32 $0x0  }
0x17a: {  	p1 =	por !p0, !p0;
	s22 =	simm.s32 $0x0;
	s0 =	simm.s32 $0x0;
	v4 =	vld [tilespmem:s1+$0x0]  }
0x17b: {  	s26 =	simm.s32 $0xFF;
	s24 =	simm.s32 $0xFD;
	s30 =	sadd.s32 $0x0, s3  }
0x17c: {  	s28 =	ssub.s32 s20, s0;
	s25 =	simm.s32 $0xFE;
	p3 =	sge.s32 s30, s20  }
.LBB2_33:
0x17d: {  	s1 =	smov.u32 s0;
	p2 =	seq.s32 s29, $0x0;
	p0 =	por p0, p3  }
0x17e: {  	s3 =	smov.u32 s23;
	s23 =	smov.u32 s29;
	s29 =	sadd.s32 $0xFFFFFFFF, s29  }
0x17f: {  	s4 =	smov.u32 s28;
	p3 =	por !p3, !p1;
	s0 =	smov.u32 s30;
	(v2sf) =	vpush v4, $0x0  }
.Ltmp16:
0x180: {  	p1 =	por !p0, !p0;
	s0 =	smov.u32 @p0 s1;
	v4 =	vld [tilespmem:s31+$0x0];
	(pc) =	sbr.rel @!p2 .LBB2_33-.Ltmp16, $4  }
0x181: {  	p3 =	por !p3, !p3;
	s28 =	ssub.s32 s20, s0  }
0x182: {  	s22 =	smov.u32 @p3 s26;
	s26 =	smov.u32 s25;
	s1 =	spop (v2sf)  }
0x183: {  	s19 =	smov.u32 @p3 s4;
	s25 =	smov.u32 s24;
	s30 =	sadd.s32 s0, s1  }
0x184: {  	s31 =	sadd.s32 $0xFFFFFFFF, s31;
	s24 =	smov.u32 s3;
	p3 =	sge.s32 s30, s20  }
0x185: {  	(v2sf) =	vpush v4, $0x0;
	_ =	sdelay $0x5  }
0x186: {  	p0 =	por p0, p3  }
0x187: {  	s29 =	spop (v2sf);
	s30 =	smov.u32 @p0 s0  }
0x188: {  	s0 =	sadd.s32 s30, s29  }
0x189: {  	p1 =	por !p3, !p1;
	p2 =	sge.s32 s0, s20  }
0x18a: {  	p6 =	por !p0, !p0;
	p1 =	por !p1, !p1;
	p0 =	por p0, p2  }
0x18b: {  	s3 =	ssub.s32 s20, s30;
	s0 =	smov.u32 @p0 s30;
	s1 =	spop (v2sf)  }
0x18c: {  	s22 =	smov.u32 @p1 s26;
	s19 =	smov.u32 @p1 s28;
	s1 =	sadd.s32 s0, s1  }
0x18d: {  	p2 =	por !p2, !p6;
	p4 =	por !p0, !p0;
	p3 =	sge.s32 s1, s20  }
0x18e: {  	p1 =	por !p2, !p2;
	s4 =	ssub.s32 s20, s0;
	p0 =	por p0, p3  }
0x18f: {  	s22 =	smov.u32 @p1 s25;
	s1 =	smov.u32 @p0 s0;
	s31 =	spop (v2sf)  }
0x190: {  	s19 =	smov.u32 @p1 s3;
	p5 =	por !p3, !p4;
	s0 =	sadd.s32 s1, s31  }
0x191: {  	p0 =	por !p0, !p0;
	p1 =	por !p5, !p5;
	p6 =	sge.s32 s0, s20  }
0x192: {  	s22 =	smov.u32 @p1 s24;
	s19 =	smov.u32 @p1 s4;
	p0 =	por !p6, !p0  }
0x193: {  	s0 =	ssub.s32 s20, s1;
	s20 =	simm.s32 $0x0;
	p0 =	por !p0, !p0  }
0x194: {  	s22 =	smov.u32 @p0 s23;
	s19 =	smov.u32 @p0 s0;
	s0 =	simm.s32 $0x40  }
.LBB2_35:
0x195: {  	p0 =	seq.s32 s0, $0x3FC0;
	[tilespmem:s20+$0x4000] =	vst v1;
	s1 =	smov.u32 s0;
	s0 =	sadd.s32 $0x40, s0  }
.Ltmp17:
0x196: {  	(pc) =	sbr.rel @!p0 .LBB2_35-.Ltmp17, $2  }
0x197: {  	_ =	sdelay $0x2  }
0x198: {  	s20 =	sshra.s32 s1, $0x2  }
0x199: {  	s0 =	sshll.u32 s22, $0x8  }
0x19a: {  	[tilespmem:s20+$0x4000] =	vst v1;
	s20 =	sor.u32 s21, s0  }
0x19b: {  	s0 =	simm.s32 $0x0;
	s21 =	simm.s32 $0x0;
	v4 =	vmov s20  }
.LBB2_37:
0x19c: {  	s1 =	sshra.s32 s21, $0x2  }
0x19d: {  	v5 =	vld [tilespmem:s1+$0x0];
	_ =	sdelay $0x4  }
0x19e: {  	v6 =	vand.u32 $0xFFFFFF00, v5  }
0x19f: {  	v5 =	vand.u32 $0xFF, v5;
	vm0 =	veq.s32 v6, v4  }
0x1a0: {  	p0 =	sne.s32 s21, $0xFFC0;
	v5 =	vor.u32 v2, v5  }
.Ltmp18:
0x1a1: {  	_ = 	snop;
	(pc) =	sbr.rel @p0 .LBB2_37-.Ltmp18, $2  }
0x1a2: {  	_ =	sdelay $0x2  }
0x1a3: {  	s21 =	sadd.s32 $0x40, s21;
	[tilespmem:v5+s11+$0x0] =	vst.idx.add.s32.msk vm0, v3  }
0x1a4: {  	s0 =	sand.u32 $0xF0, s0  }
0x1a5: {  	v4 =	vld [tilespmem:s0+$0x4100]  }
0x1a6: {  	v5 =	vld [tilespmem:s0+$0x4000]  }
0x1a7: {  	v6 =	vld [tilespmem:s0+$0x4200]  }
0x1a8: {  	v7 =	vld [tilespmem:s0+$0x4300]  }
0x1a9: {  	v8 =	vld [tilespmem:s0+$0x4400]  }
0x1aa: {  	v9 =	vld [tilespmem:s0+$0x4500]  }
0x1ab: {  	v4 =	vadd.s32 v5, v4;
	v5 =	vld [tilespmem:s0+$0x4600]  }
0x1ac: {  	v4 =	vadd.s32 v4, v6;
	v6 =	vld [tilespmem:s0+$0x4700]  }
0x1ad: {  	v4 =	vadd.s32 v4, v7;
	v7 =	vld [tilespmem:s0+$0x4800]  }
0x1ae: {  	v60 =	vld [tilespmem:s0+$0x4900];
	v4 =	vadd.s32 v4, v8  }
0x1af: {  	v61 =	vld [tilespmem:s0+$0x4A00];
	v4 =	vadd.s32 v4, v9  }
0x1b0: {  	v4 =	vadd.s32 v4, v5;
	v5 =	vld [tilespmem:s0+$0x4B00]  }
0x1b1: {  	v4 =	vadd.s32 v4, v6;
	v6 =	vld [tilespmem:s0+$0x4C00]  }
0x1b2: {  	v4 =	vadd.s32 v4, v7;
	v7 =	vld [tilespmem:s0+$0x4D00]  }
0x1b3: {  	v62 =	vld [tilespmem:s0+$0x4E00];
	v4 =	vadd.s32 v4, v60  }
0x1b4: {  	v63 =	vld [tilespmem:s0+$0x4F00];
	v4 =	vadd.s32 v4, v61  }
0x1b5: {  	v4 =	vadd.s32 v4, v5  }
0x1b6: {  	v4 =	vadd.s32 v4, v6  }
0x1b7: {  	v4 =	vadd.s32 v4, v7  }
0x1b8: {  	v4 =	vadd.s32 v4, v62  }
0x1b9: {  	s21 =	simm.s32 $0x5000;
	s31 =	simm.s32 $0x10;
	v4 =	vadd.s32 v4, v63  }
0x1ba: {  	s22 =	sand.u32 $0xF0, s31;
	[tilespmem:s21+$0x0] =	vst v4  }
0x1bb: {  	s23 =	simm.s32 $0x20;
	v4 =	vld [tilespmem:s22+$0x4100]  }
.LBB2_39:
0x1bc: {  	p0 =	sne.s32 s23, $0xF0;
	v5 =	vld [tilespmem:s22+$0x4000]  }
0x1bd: {  	v6 =	vld [tilespmem:s22+$0x4200]  }
0x1be: {  	v7 =	vld [tilespmem:s22+$0x4300]  }
0x1bf: {  	v8 =	vld [tilespmem:s22+$0x4400]  }
0x1c0: {  	v9 =	vld [tilespmem:s22+$0x4500]  }
0x1c1: {  	v4 =	vadd.s32 v5, v4;
	v5 =	vld [tilespmem:s22+$0x4600]  }
0x1c2: {  	v4 =	vadd.s32 v4, v6;
	v6 =	vld [tilespmem:s22+$0x4700]  }
0x1c3: {  	v4 =	vadd.s32 v4, v7;
	v7 =	vld [tilespmem:s22+$0x4800]  }
0x1c4: {  	v4 =	vadd.s32 v4, v8;
	v8 =	vld [tilespmem:s22+$0x4900]  }
0x1c5: {  	v4 =	vadd.s32 v4, v9;
	v9 =	vld [tilespmem:s22+$0x4A00]  }
0x1c6: {  	v4 =	vadd.s32 v4, v5;
	v5 =	vld [tilespmem:s22+$0x4B00]  }
0x1c7: {  	v4 =	vadd.s32 v4, v6;
	v6 =	vld [tilespmem:s22+$0x4C00]  }
0x1c8: {  	v4 =	vadd.s32 v4, v7;
	v7 =	vld [tilespmem:s22+$0x4D00]  }
0x1c9: {  	v4 =	vadd.s32 v4, v8;
	v8 =	vld [tilespmem:s22+$0x4E00]  }
0x1ca: {  	v4 =	vadd.s32 v4, v9;
	v9 =	vld [tilespmem:s22+$0x4F00]  }
0x1cb: {  	v4 =	vadd.s32 v4, v5  }
0x1cc: {  	v4 =	vadd.s32 v4, v6  }
.Ltmp19:
0x1cd: {  	v4 =	vadd.s32 v4, v7;
	(pc) =	sbr.rel @p0 .LBB2_39-.Ltmp19, $4  }
0x1ce: {  	v4 =	vadd.s32 v4, v8  }
0x1cf: {  	s21 =	sadd.s32 $0x10, s21;
	v4 =	vadd.s32 v4, v9  }
0x1d0: {  	s22 =	sand.u32 $0xF0, s23;
	[tilespmem:s21+$0x0] =	vst v4  }
0x1d1: {  	s23 =	sadd.s32 $0x10, s23;
	v4 =	vld [tilespmem:s22+$0x4100]  }
0x1d2: {  	v5 =	vld [tilespmem:s22+$0x4000]  }
0x1d3: {  	v6 =	vld [tilespmem:s22+$0x4200]  }
0x1d4: {  	v7 =	vld [tilespmem:s22+$0x4300]  }
0x1d5: {  	v8 =	vld [tilespmem:s22+$0x4400]  }
0x1d6: {  	v9 =	vld [tilespmem:s22+$0x4500]  }
0x1d7: {  	v4 =	vadd.s32 v5, v4;
	v5 =	vld [tilespmem:s22+$0x4600]  }
0x1d8: {  	v55 =	vld [tilespmem:s22+$0x4700];
	v4 =	vadd.s32 v4, v6  }
0x1d9: {  	v56 =	vld [tilespmem:s22+$0x4800];
	v4 =	vadd.s32 v4, v7  }
0x1da: {  	v57 =	vld [tilespmem:s22+$0x4900];
	v4 =	vadd.s32 v4, v8  }
0x1db: {  	v58 =	vld [tilespmem:s22+$0x4A00];
	v4 =	vadd.s32 v4, v9  }
0x1dc: {  	v4 =	vadd.s32 v4, v5;
	v5 =	vld [tilespmem:s22+$0x4B00]  }
0x1dd: {  	v59 =	vld [tilespmem:s22+$0x4C00];
	v4 =	vadd.s32 v4, v55  }
0x1de: {  	v60 =	vld [tilespmem:s22+$0x4D00];
	v4 =	vadd.s32 v4, v56  }
0x1df: {  	v61 =	vld [tilespmem:s22+$0x4E00];
	v4 =	vadd.s32 v4, v57  }
0x1e0: {  	v62 =	vld [tilespmem:s22+$0x4F00];
	v4 =	vadd.s32 v4, v58  }
0x1e1: {  	v4 =	vadd.s32 v4, v5  }
0x1e2: {  	v4 =	vadd.s32 v4, v59  }
0x1e3: {  	v4 =	vadd.s32 v4, v60  }
0x1e4: {  	v4 =	vadd.s32 v4, v61  }
0x1e5: {  	s0 =	sadd.s32 $0x10, s21;
	v4 =	vadd.s32 v4, v62  }
0x1e6: {  	s26 =	simm.s32 $0x50FF;
	[tilespmem:s0+$0x0] =	vst v4  }
0x1e7: {  	v4 =	vld [tilespmem:s26+$0x0];
	_ =	sdelay $0x4  }
0x1e8: {  	(v2sf) =	vpush v4, $0x0;
	_ =	sdelay $0x6  }
0x1e9: {  	s29 =	simm.s32 $0x50FE  }
0x1ea: {  	v4 =	vld [tilespmem:s29+$0x0]  }
0x1eb: {  	s30 =	simm.s32 $0x50FD  }
0x1ec: {  	s31 =	simm.s32 $0x50FC;
	v5 =	vld [tilespmem:s30+$0x0]  }
0x1ed: {  	v63 =	vld [tilespmem:s31+$0x0];
	_ =	sdelay $0x1  }
0x1ee: {  	(v2sf) =	vpush v4, $0x0;
	_ =	sdelay $0x1  }
0x1ef: {  	s3 =	spop (v2sf);
	(v2sf) =	vpush v5, $0x0  }
0x1f0: {  	(v2sf) =	vpush v63, $0x0;
	_ =	sdelay $0x2  }
0x1f1: {  	p0 =	por $0x0, $0x0;
	s25 =	simm.s32 $0x0  }
0x1f2: {  	s1 =	simm.s32 $0xFF;
	s21 =	simm.s32 $0xFE;
	s23 =	simm.s32 $0xFD  }
0x1f3: {  	s24 =	simm.s32 $0x0;
	s1 =	smov.u32 @p0 s25;
	s28 =	sadd.s32 $0x0, s3  }
0x1f4: {  	s22 =	simm.s32 $0xFC;
	s0 =	simm.s32 $0xFB;
	p1 =	sge.s32 s28, s19  }
0x1f5: {  	s26 =	simm.s32 $0x50FB;
	s24 =	smov.u32 @p1 s1;
	p0 =	por p0, p1  }
.LBB2_41:
0x1f6: {  	s1 =	smov.u32 s25  }
0x1f7: {  	p1 =	sne.s32 s0, $0x0;
	s25 =	smov.u32 s28;
	s3 =	smov.u32 s21  }
0x1f8: {  	v4 =	vld [tilespmem:s26+$0x0];
	s25 =	smov.u32 @p0 s1;
	s1 =	smov.u32 s0;
	s0 =	sadd.s32 $0xFFFFFFFF, s0  }
.Ltmp20:
0x1f9: {  	s21 =	smov.u32 s23;
	s3 =	smov.u32 @p0 s24;
	(pc) =	sbr.rel @p1 .LBB2_41-.Ltmp20, $4  }
0x1fa: {  	s23 =	smov.u32 s22;
	s22 =	smov.u32 s1;
	s4 =	spop (v2sf)  }
0x1fb: {  	s28 =	sadd.s32 s25, s4  }
0x1fc: {  	p2 =	sge.s32 s28, s19  }
0x1fd: {  	s26 =	sadd.s32 $0xFFFFFFFF, s26;
	(v2sf) =	vpush v4, $0x0;
	s24 =	smov.u32 @p2 s3;
	p0 =	por p0, p2  }
0x1fe: {  	_ =	sdelay $0x5  }
0x1ff: {  	s28 =	smov.u32 @p0 s25;
	s0 =	spop (v2sf)  }
0x200: {  	s0 =	sadd.s32 s28, s0  }
0x201: {  	p1 =	sge.s32 s0, s19  }
0x202: {  	p2 =	por p0, p1  }
0x203: {  	s1 =	spop (v2sf);
	s0 =	smov.u32 @p2 s28  }
0x204: {  	s1 =	sadd.s32 s0, s1  }
0x205: {  	s21 =	smov.u32 @p0 s24;
	p0 =	sge.s32 s1, s19  }
0x206: {  	s24 =	smov.u32 @p1 s21;
	s21 =	simm.s32 $0x0;
	p1 =	por p2, p0  }
0x207: {  	s23 =	smov.u32 @p2 s24;
	s1 =	smov.u32 @p1 s0;
	s31 =	spop (v2sf)  }
0x208: {  	v5 =	vld [tilespmem:s21+$0x0];
	s24 =	smov.u32 @p0 s23;
	s0 =	sadd.s32 s1, s31  }
0x209: {  	s22 =	smov.u32 @p1 s24;
	p0 =	sge.s32 s0, s19  }
0x20a: {  	s24 =	smov.u32 @p0 s22  }
0x20b: {  	s19 =	sor.u32 s20, s24  }
0x20c: {  	v4 =	vmov s19  }
0x20d: {  	vm0 =	vgt.u32 v5, v4  }
0x20e: {  	vm1 =	veq.s32 v5, v4;
	v6 =	vsel vm0, $0x1, v1  }
0x20f: {  	v7 =	vsel vm1, $0x1, v1;
	(xrf0) =	vadd.scan.msk.s32 $0xffff, v6  }
0x210: {  	(xrf0) =	vadd.scan.msk.s32 $0xffff, v7;
	_ =	sdelay $0x1  }
0x211: {  	v5 =	vxor.u32 $0xFFFFFFFF, v5;
	_ =	sdelay $0x2  }
0x212: {  	[tilespmem:s21+$0x5180] =	vst.msk vm0, v5;
	v5, _, _ =	vpop (xrf0)  }
0x213: {  	v6 =	vor.u32 s21, v0;
	(v2sf) =	vpush v5, $0xF;
	v5, _, _ =	vpop (xrf0)  }
0x214: {  	[tilespmem:s21+$0x5600] =	vst.msk vm0, v6;
	(v2sf) =	vpush v5, $0xF  }
0x215: {  	s20 =	simm.s32 $0x10;
	[tilespmem:s21+$0x5A80] =	vst.msk vm1, v6  }
0x216: {  	s23 =	simm.s32 $0x20;
	s0 =	simm.s32 $0x10;
	s22 =	simm.s32 $0x0;
	v5 =	vld [tilespmem:s20+$0x0]  }
.LBB2_43:
0x217: {  	p0 =	sne.s32 s23, $0x3FF0;
	_ =	sdelay $0x3  }
0x218: {  	vm0 =	vgt.u32 v5, v4;
	vm1 =	veq.s32 v5, v4;
	v5 =	vxor.u32 $0xFFFFFFFF, v5  }
0x219: {  	v6 =	vsel vm0, $0x1, v1;
	v7 =	vsel vm1, $0x1, v1  }
0x21a: {  	(xrf0) =	vadd.scan.msk.s32 $0xffff, v6  }
0x21b: {  	(xrf0) =	vadd.scan.msk.s32 $0xffff, v7;
	_ =	sdelay $0x3  }
0x21c: {  	s1 =	spop (v2sf)  }
.Ltmp21:
0x21d: {  	v6, _, _ =	vpop (xrf0);
	s21 =	sadd.s32 s21, s1;
	s1 =	spop (v2sf);
	(pc) =	sbr.rel @p0 .LBB2_43-.Ltmp21, $4  }
0x21e: {  	v7 =	vor.u32 s20, v0;
	s20 =	smov.u32 s23;
	[tilespmem:s21+$0x5180] =	vst.msk vm0, v5;
	(v2sf) =	vpush v6, $0xF;
	v5, _, _ =	vpop (xrf0);
	s22 =	sadd.s32 s22, s1  }
0x21f: {  	[tilespmem:s21+$0x5600] =	vst.msk vm0, v7;
	(v2sf) =	vpush v5, $0xF  }
0x220: {  	s0 =	sadd.s32 $0x10, s0;
	[tilespmem:s22+$0x5A80] =	vst.msk vm1, v7  }
0x221: {  	s23 =	sadd.s32 $0x10, s23;
	v5 =	vld [tilespmem:s0+$0x0]  }
0x222: {  	_ =	sdelay $0x3  }
0x223: {  	vm0 =	vgt.u32 v5, v4  }
0x224: {  	vm1 =	veq.s32 v5, v4;
	v4 =	vsel vm0, $0x1, v1  }
0x225: {  	v6 =	vsel vm1, $0x1, v1;
	(xrf0) =	vadd.scan.msk.s32 $0xffff, v4  }
0x226: {  	(xrf0) =	vadd.scan.msk.s32 $0xffff, v6;
	_ =	sdelay $0x4  }
0x227: {  	v4, _, _ =	vpop (xrf0)  }
0x228: {  	(v2sf) =	vpush v4, $0xF;
	v4, _, _ =	vpop (xrf0)  }
0x229: {  	(v2sf) =	vpush v4, $0xF;
	_ =	sdelay $0x8  }
0x22a: {  	s0 =	spop (v2sf)  }
0x22b: {  	s0 =	sadd.s32 s21, s0;
	v4 =	vxor.u32 $0xFFFFFFFF, v5  }
0x22c: {  	s1 =	spop (v2sf);
	v5 =	vor.u32 s20, v0;
	[tilespmem:s0+$0x5180] =	vst.msk vm0, v4  }
0x22d: {  	s1 =	sadd.s32 s22, s1;
	[tilespmem:s0+$0x5600] =	vst.msk vm0, v5  }
0x22e: {  	s20 =	simm.s32 $0x0;
	[tilespmem:s1+$0x5A80] =	vst.msk vm1, v5  }
0x22f: {  	v4 =	vld [tilespmem:s20+$0x5600];
	s21 =	spop (v2sf)  }
0x230: {  	s22 =	simm.s32 $0x40;
	v5 =	vld [tilespmem:s20+$0x5180];
	s31 =	spop (v2sf)  }
.LBB2_45:
0x231: {  	p0 =	sne.s32 s22, $0x1000  }
.Ltmp22:
0x232: {  	_ = 	snop;
	(pc) =	sbr.rel @p0 .LBB2_45-.Ltmp22, $4  }
0x233: {  	_ = 	snop  }
0x234: {  	s1 =	sshra.s32 s22, $0x2;
	s22 =	sadd.s32 $0x40, s22;
	[tilespmem:s20+$0xA380] =	vst v4  }
0x235: {  	v4 =	vld [tilespmem:s1+$0x5600];
	[tilespmem:s20+$0x9B00] =	vst v5;
	s20 =	smov.u32 s1  }
0x236: {  	v5 =	vld [tilespmem:s20+$0x5180]  }
0x237: {  	s0 =	sadd.s32 s0, s21  }
0x238: {  	s0 =	sshll.u32 s0, $0x2  }
0x239: {  	s0 =	sshra.s32 s0, $0x2  }
0x23a: {  	s3 =	sadd.s32 $0x9B00, s0  }
0x23b: {  	v6 =	vmov s3;
	_ =	sdelay $0x2  }
0x23c: {  	s1 =	sxor.u32 $0xFFFFFFFF, s19;
	[tilespmem:s20+$0xA380] =	vst v4;
	s0 =	sadd.s32 $0xA380, s0  }
0x23d: {  	s19 =	simm.s32 $0x40;
	v4 =	vmov s1;
	[tilespmem:s20+$0x9B00] =	vst v5;
	v5 =	vmov s0;
	s0 =	simm.s32 $0x0  }
.LBB2_47:
0x23e: {  	p0 =	sne.s32 s19, $0x1000;
	[tilespmem:v6+s0+$0x0 ss:$0x1] =	vst.idx.msk $0xffff, v4  }
0x23f: {  	v7 =	vld [tilespmem:s0+$0x5A80]  }
.Ltmp23:
0x240: {  	(pc) =	sbr.rel @p0 .LBB2_47-.Ltmp23, $2  }
0x241: {  	_ =	sdelay $0x2  }
0x242: {  	[tilespmem:v5+s0+$0x0 ss:$0x1] =	vst.idx.msk $0xffff, v7;
	s0 =	sshra.s32 s19, $0x2;
	s19 =	sadd.s32 $0x40, s19  }
0x243: {  	_ =	sdelay $0x3  }
0x244: {  	[tilespmem:v6+s0+$0x0 ss:$0x1] =	vst.idx.msk $0xffff, v4  }
0x245: {  	v4 =	vld [tilespmem:s0+$0x5A80];
	_ =	sdelay $0x4  }
0x246: {  	[tilespmem:v5+s0+$0x0 ss:$0x1] =	vst.idx.msk $0xffff, v4;
	v4 =	vimm.s32 $0xFFFFFFFF  }
0x247: {  	[tilespmem:$0xB400] =	vst v4;
	v4 =	vimm.s32 $0xFFFFFFFE  }
0x248: {  	s19 =	simm.s32 $0x0;
	s0 =	simm.s32 $0x40;
	[tilespmem:$0xB420] =	vst v4  }
.LBB2_49:
0x249: {  	p0 =	sne.s32 s0, $0x3FC0;
	[tilespmem:s19+$0x4000] =	vst v1;
	s1 =	smov.u32 s0;
	s0 =	sadd.s32 $0x40, s0  }
.Ltmp24:
0x24a: {  	(pc) =	sbr.rel @p0 .LBB2_49-.Ltmp24, $2  }
0x24b: {  	_ =	sdelay $0x2  }
0x24c: {  	s19 =	sshra.s32 s1, $0x2  }
0x24d: {  	[tilespmem:s19+$0x4000] =	vst v1;
	s19 =	simm.s32 $0x0;
	s0 =	simm.s32 $0x40  }
.LBB2_51:
0x24e: {  	p0 =	sne.s32 s0, $0xFC0;
	v4 =	vld [tilespmem:s19+$0x9B00];
	_ =	sdelay $0x4  }
0x24f: {  	v4 =	vand.u32 $0xFF, v4  }
0x250: {  	v4 =	vor.u32 v2, v4  }
.Ltmp25:
0x251: {  	(pc) =	sbr.rel @p0 .LBB2_51-.Ltmp25, $2  }
0x252: {  	_ =	sdelay $0x2  }
0x253: {  	s19 =	sshra.s32 s0, $0x2;
	s0 =	sadd.s32 $0x40, s0;
	[tilespmem:v4+s11+$0x0] =	vst.idx.add.s32.msk $0xffff, v3  }
0x254: {  	v4 =	vld [tilespmem:s19+$0x9B00];
	_ =	sdelay $0x4  }
0x255: {  	v4 =	vand.u32 $0xFF, v4  }
0x256: {  	v4 =	vor.u32 v2, v4;
	_ =	sdelay $0x4  }
0x257: {  	[tilespmem:v4+s11+$0x0] =	vst.idx.add.s32.msk $0xffff, v3  }
0x258: {  	v4 =	vld [tilespmem:$0x4B00];
	_ =	sdelay $0x4  }
0x259: {  	[tilespmem:$0x1F8D0] =	vst v4;
	v4 =	vld [tilespmem:$0x4C00];
	_ =	sdelay $0x4  }
0x25a: {  	[tilespmem:$0x1F8E0] =	vst v4;
	v4 =	vld [tilespmem:$0x4D00];
	_ =	sdelay $0x4  }
0x25b: {  	[tilespmem:$0x1F8F0] =	vst v4;
	v4 =	vld [tilespmem:$0x4E00];
	_ =	sdelay $0x4  }
0x25c: {  	[tilespmem:$0x1F900] =	vst v4;
	v4 =	vld [tilespmem:$0x4F00];
	_ =	sdelay $0x2  }
0x25d: {  	v19 =	vld [tilespmem:$0x4000]  }
0x25e: {  	v16 =	vld [tilespmem:$0x4100]  }
0x25f: {  	[tilespmem:$0x1F920] =	vst v4;
	v4 =	vld [tilespmem:$0x4810]  }
0x260: {  	v20 =	vld [tilespmem:$0x4200]  }
0x261: {  	v22 =	vld [tilespmem:$0x4300]  }
0x262: {  	v24 =	vld [tilespmem:$0x4400]  }
0x263: {  	v26 =	vld [tilespmem:$0x4500]  }
0x264: {  	[tilespmem:$0x1F910] =	vst v4;
	v4 =	vld [tilespmem:$0x4910]  }
0x265: {  	v29 =	vld [tilespmem:$0x4600]  }
0x266: {  	v31 =	vld [tilespmem:$0x4700]  }
0x267: {  	v37 =	vld [tilespmem:$0x4800]  }
0x268: {  	v44 =	vld [tilespmem:$0x4900]  }
0x269: {  	[tilespmem:$0x1F930] =	vst v4;
	v4 =	vld [tilespmem:$0x4A10]  }
0x26a: {  	v54 =	vld [tilespmem:$0x4A00]  }
0x26b: {  	v12 =	vld [tilespmem:$0x4010]  }
0x26c: {  	v10 =	vld [tilespmem:$0x4110]  }
0x26d: {  	v13 =	vld [tilespmem:$0x4210]  }
0x26e: {  	[tilespmem:$0x1F940] =	vst v4;
	v4 =	vld [tilespmem:$0x4B10]  }
0x26f: {  	v23 =	vld [tilespmem:$0x4310]  }
0x270: {  	v30 =	vld [tilespmem:$0x4410]  }
0x271: {  	v35 =	vld [tilespmem:$0x4510]  }
0x272: {  	v45 =	vld [tilespmem:$0x4610]  }
0x273: {  	[tilespmem:$0x1F950] =	vst v4;
	v4 =	vld [tilespmem:$0x4C10]  }
0x274: {  	v55 =	vld [tilespmem:$0x4710]  }
0x275: {  	v5 =	vld [tilespmem:$0x4020]  }
0x276: {  	v6 =	vld [tilespmem:$0x4220]  }
0x277: {  	v7 =	vld [tilespmem:$0x4320]  }
0x278: {  	[tilespmem:$0x1F960] =	vst v4;
	v4 =	vld [tilespmem:$0x4D10]  }
0x279: {  	v8 =	vld [tilespmem:$0x4420]  }
0x27a: {  	v11 =	vld [tilespmem:$0x4520]  }
0x27b: {  	v17 =	vld [tilespmem:$0x4620]  }
0x27c: {  	v25 =	vld [tilespmem:$0x4720]  }
0x27d: {  	[tilespmem:$0x1F970] =	vst v4;
	v4 =	vld [tilespmem:$0x4E10]  }
0x27e: {  	v32 =	vld [tilespmem:$0x4820]  }
0x27f: {  	v9 =	vld [tilespmem:$0x4D20]  }
0x280: {  	v48 =	vld [tilespmem:$0x4E20]  }
0x281: {  	v49 =	vld [tilespmem:$0x4F20]  }
0x282: {  	[tilespmem:$0x1F980] =	vst v4;
	v4 =	vld [tilespmem:$0x4F10]  }
0x283: {  	v36 =	vld [tilespmem:$0x4920]  }
0x284: {  	v46 =	vld [tilespmem:$0x4A20];
	[tilespmem:$0x1F990] =	vst v9  }
0x285: {  	v56 =	vld [tilespmem:$0x4B20];
	[tilespmem:$0x1F9B0] =	vst v48  }
0x286: {  	v62 =	vld [tilespmem:$0x4C20];
	[tilespmem:$0x1F9C0] =	vst v49  }
0x287: {  	[tilespmem:$0x1F9A0] =	vst v4;
	v4 =	vld [tilespmem:$0x4120]  }
0x288: {  	v21 =	vld [tilespmem:$0x4030]  }
0x289: {  	v18 =	vld [tilespmem:$0x4130]  }
0x28a: {  	v27 =	vld [tilespmem:$0x4230]  }
0x28b: {  	v34 =	vld [tilespmem:$0x4330]  }
0x28c: {  	v43 =	vld [tilespmem:$0x4430]  }
0x28d: {  	v51 =	vld [tilespmem:$0x4530]  }
0x28e: {  	v59 =	vld [tilespmem:$0x4630]  }
0x28f: {  	v50 =	vld [tilespmem:$0x4730]  }
0x290: {  	v52 =	vld [tilespmem:$0x4830]  }
0x291: {  	v53 =	vld [tilespmem:$0x4930]  }
0x292: {  	v57 =	vld [tilespmem:$0x4A30]  }
0x293: {  	v58 =	vld [tilespmem:$0x4B30]  }
0x294: {  	v60 =	vld [tilespmem:$0x4C30]  }
0x295: {  	v61 =	vld [tilespmem:$0x4D30]  }
0x296: {  	v63 =	vld [tilespmem:$0x4E30]  }
0x297: {  	v14 =	vld [tilespmem:$0x4F30]  }
0x298: {  	v41 =	vld [tilespmem:$0x4040]  }
0x299: {  	v40 =	vld [tilespmem:$0x4140]  }
0x29a: {  	v47 =	vld [tilespmem:$0x4240]  }
0x29b: {  	v15 =	vld [tilespmem:$0x4540]  }
0x29c: {  	v28 =	vld [tilespmem:$0x4640]  }
0x29d: {  	v33 =	vld [tilespmem:$0x4740]  }
0x29e: {  	v38 =	vld [tilespmem:$0x4840]  }
0x29f: {  	v39 =	vld [tilespmem:$0x4940]  }
0x2a0: {  	v42 =	vld [tilespmem:$0x4A40]  }
0x2a1: {  	v16 =	vadd.s32 v19, v16;
	v48 =	vld [tilespmem:$0x4B40]  }
0x2a2: {  	v16 =	vadd.s32 v16, v20;
	v49 =	vld [tilespmem:$0x4C40]  }
0x2a3: {  	v16 =	vadd.s32 v16, v22;
	v9 =	vld [tilespmem:$0x4150]  }
0x2a4: {  	v16 =	vadd.s32 v16, v24;
	v22 =	vld [tilespmem:$0x45A0]  }
0x2a5: {  	v16 =	vadd.s32 v16, v26;
	v24 =	vld [tilespmem:$0x46A0]  }
0x2a6: {  	v16 =	vadd.s32 v16, v29;
	v26 =	vld [tilespmem:$0x47A0]  }
0x2a7: {  	v16 =	vadd.s32 v16, v31;
	v29 =	vld [tilespmem:$0x48A0]  }
0x2a8: {  	v31 =	vadd.s32 v16, v37;
	v37 =	vld [tilespmem:$0x4BA0]  }
0x2a9: {  	v10 =	vadd.s32 v12, v10;
	v12 =	vld [tilespmem:$0x4DA0]  }
0x2aa: {  	v10 =	vadd.s32 v10, v13;
	v13 =	vld [tilespmem:$0x1F8E0]  }
0x2ab: {  	v16 =	vld [tilespmem:$0x4EA0]  }
0x2ac: {  	v19 =	vld [tilespmem:$0x1F8F0]  }
0x2ad: {  	v20 =	vld [tilespmem:$0x1F900]  }
0x2ae: {  	v10 =	vadd.s32 v10, v23;
	v23 =	vld [tilespmem:$0x1F920]  }
0x2af: {  	v4 =	vadd.s32 v5, v4;
	v5 =	vld [tilespmem:$0x4AA0]  }
0x2b0: {  	[tilespmem:$0x1F9E0] =	vst v52;
	v52 =	vld [tilespmem:$0x4340]  }
0x2b1: {  	[tilespmem:$0x1FA70] =	vst v63;
	v63 =	vld [tilespmem:$0x4440]  }
0x2b2: {  	[tilespmem:$0x1F9D0] =	vst v50;
	v50 =	vld [tilespmem:$0x4D40]  }
0x2b3: {  	[tilespmem:$0x1F9F0] =	vst v53;
	v53 =	vld [tilespmem:$0x4E40]  }
0x2b4: {  	[tilespmem:$0x1FA00] =	vst v57;
	v57 =	vld [tilespmem:$0x4F40]  }
0x2b5: {  	[tilespmem:$0x1FA90] =	vst v14;
	v14 =	vld [tilespmem:$0x4050]  }
0x2b6: {  	[tilespmem:$0x1FA20] =	vst v15;
	v15 =	vld [tilespmem:$0x4250]  }
0x2b7: {  	[tilespmem:$0x1FA40] =	vst v28;
	v28 =	vld [tilespmem:$0x4350]  }
0x2b8: {  	[tilespmem:$0x1FA60] =	vst v33;
	v33 =	vld [tilespmem:$0x4450]  }
0x2b9: {  	[tilespmem:$0x1FA80] =	vst v38;
	v38 =	vld [tilespmem:$0x4550]  }
0x2ba: {  	[tilespmem:$0x1FB00] =	vst v49;
	v49 =	vld [tilespmem:$0x4650]  }
0x2bb: {  	[tilespmem:$0x1FAA0] =	vst v39;
	v39 =	vld [tilespmem:$0x4850]  }
0x2bc: {  	[tilespmem:$0x1FA10] =	vst v58;
	v58 =	vld [tilespmem:$0x4950]  }
0x2bd: {  	[tilespmem:$0x1FA30] =	vst v60;
	v60 =	vld [tilespmem:$0x4A50]  }
0x2be: {  	[tilespmem:$0x1FA50] =	vst v61;
	v61 =	vld [tilespmem:$0x4B50]  }
0x2bf: {  	[tilespmem:$0x1FAC0] =	vst v42;
	v42 =	vld [tilespmem:$0x4C50]  }
0x2c0: {  	[tilespmem:$0x1FAE0] =	vst v48;
	v48 =	vld [tilespmem:$0x4D50]  }
0x2c1: {  	[tilespmem:$0x1FF30] =	vst v22;
	v22 =	vld [tilespmem:$0x1F910]  }
0x2c2: {  	[tilespmem:$0x1FF50] =	vst v24;
	v24 =	vld [tilespmem:$0x1F940]  }
0x2c3: {  	[tilespmem:$0x1FF70] =	vst v26;
	v26 =	vld [tilespmem:$0x1F950]  }
0x2c4: {  	[tilespmem:$0x1FF90] =	vst v29;
	v4 =	vadd.s32 v4, v6;
	v29 =	vld [tilespmem:$0x1F960]  }
0x2c5: {  	v4 =	vadd.s32 v4, v7;
	v7 =	vld [tilespmem:$0x40B0]  }
0x2c6: {  	[tilespmem:$0x1FFC0] =	vst v37;
	v37 =	vadd.s32 v41, v40;
	v40 =	vld [tilespmem:$0x1F9E0]  }
0x2c7: {  	[tilespmem:$0x1FFE0] =	vst v12;
	v12 =	vld [tilespmem:$0x1FA90]  }
0x2c8: {  	[tilespmem:$0x1FFB0] =	vst v5;
	v5 =	vadd.s32 v31, v44;
	v44 =	vadd.s32 v10, v30;
	v10 =	vld [tilespmem:$0x1F8D0]  }
0x2c9: {  	v30 =	vld [tilespmem:$0x1F970]  }
0x2ca: {  	v31 =	vld [tilespmem:$0x1F980]  }
0x2cb: {  	[tilespmem:$0x1FB90] =	vst v57;
	v57 =	vld [tilespmem:$0x4750]  }
0x2cc: {  	[tilespmem:$0x1FB30] =	vst v50;
	v50 =	vld [tilespmem:$0x4E50]  }
0x2cd: {  	[tilespmem:$0x1FB60] =	vst v53;
	v53 =	vld [tilespmem:$0x4F50]  }
0x2ce: {  	[tilespmem:$0x1FAF0] =	vst v60;
	v60 =	vld [tilespmem:$0x4260]  }
0x2cf: {  	[tilespmem:$0x1FAD0] =	vst v58;
	v58 =	vld [tilespmem:$0x4360]  }
0x2d0: {  	[tilespmem:$0x1FB10] =	vst v61;
	v61 =	vld [tilespmem:$0x4460]  }
0x2d1: {  	[tilespmem:$0x1FB40] =	vst v42;
	v42 =	vld [tilespmem:$0x4560]  }
0x2d2: {  	[tilespmem:$0x1FB70] =	vst v48;
	v48 =	vld [tilespmem:$0x4660]  }
0x2d3: {  	[tilespmem:$0x1FAB0] =	vst v39;
	v39 =	vld [tilespmem:$0x4180]  }
0x2d4: {  	v4 =	vadd.s32 v4, v8;
	v5 =	vadd.s32 v5, v54;
	v54 =	vld [tilespmem:$0x4CA0]  }
0x2d5: {  	v4 =	vadd.s32 v4, v11;
	v6 =	vadd.s32 v44, v35;
	v35 =	vld [tilespmem:$0x1F9C0]  }
0x2d6: {  	v4 =	vadd.s32 v4, v17;
	v44 =	vld [tilespmem:$0x1FA00]  }
0x2d7: {  	v4 =	vadd.s32 v4, v25;
	v25 =	vadd.s32 v21, v18;
	v21 =	vld [tilespmem:$0x4DB0]  }
0x2d8: {  	v41 =	vadd.s32 v14, v9;
	v9 =	vld [tilespmem:$0x4FB0]  }
0x2d9: {  	v14 =	vld [tilespmem:$0x1FAA0]  }
0x2da: {  	[tilespmem:$0x1FB50] =	vst v61;
	v61 =	vld [tilespmem:$0x4860]  }
0x2db: {  	v18 =	vld [tilespmem:$0x1FAC0]  }
0x2dc: {  	v4 =	vadd.s32 v4, v32;
	v32 =	vld [tilespmem:$0x1F990]  }
0x2dd: {  	v6 =	vadd.s32 v6, v45;
	v45 =	vld [tilespmem:$0x1FA10]  }
0x2de: {  	v8 =	vadd.s32 v41, v15;
	v15 =	vld [tilespmem:$0x1FAB0]  }
0x2df: {  	[tilespmem:$0x1FC00] =	vst v61;
	v61 =	vld [tilespmem:$0x4C60]  }
0x2e0: {  	v6 =	vadd.s32 v6, v55;
	v55 =	vld [tilespmem:$0x4FA0]  }
0x2e1: {  	v4 =	vadd.s32 v4, v36;
	v36 =	vld [tilespmem:$0x1F9D0]  }
0x2e2: {  	v6 =	vadd.s32 v6, v22;
	v22 =	vld [tilespmem:$0x43B0]  }
0x2e3: {  	v8 =	vadd.s32 v8, v28;
	v4 =	vadd.s32 v4, v46;
	v46 =	vld [tilespmem:$0x1FA20]  }
0x2e4: {  	v8 =	vadd.s32 v8, v33;
	[tilespmem:$0x1FC90] =	vst v61;
	v61 =	vld [tilespmem:$0x4070]  }
0x2e5: {  	v8 =	vadd.s32 v8, v38;
	v38 =	vld [tilespmem:$0x1FB00]  }
0x2e6: {  	[tilespmem:$0x1FBC0] =	vst v53;
	v53 =	vld [tilespmem:$0x4060]  }
0x2e7: {  	[tilespmem:$0x1FBA0] =	vst v50;
	v50 =	vld [tilespmem:$0x4160]  }
0x2e8: {  	[tilespmem:$0x1FB20] =	vst v58;
	v58 =	vld [tilespmem:$0x4760]  }
0x2e9: {  	[tilespmem:$0x1FBE0] =	vst v61;
	v61 =	vld [tilespmem:$0x4470]  }
0x2ea: {  	[tilespmem:$0x1FB80] =	vst v42;
	v42 =	vld [tilespmem:$0x4960]  }
0x2eb: {  	v5 =	vadd.s32 v5, v10;
	[tilespmem:$0x1FBB0] =	vst v48;
	v48 =	vld [tilespmem:$0x4A60]  }
0x2ec: {  	v5 =	vadd.s32 v5, v13;
	v13 =	vld [tilespmem:$0x41B0]  }
0x2ed: {  	[tilespmem:$0x1FFD0] =	vst v54;
	v54 =	vld [tilespmem:$0x1FA60]  }
0x2ee: {  	[tilespmem:$0x1FC50] =	vst v61;
	v61 =	vld [tilespmem:$0x4870]  }
0x2ef: {  	v4 =	vadd.s32 v4, v56;
	v56 =	vadd.s32 v8, v49;
	v8 =	vld [tilespmem:$0x4EB0]  }
0x2f0: {  	v4 =	vadd.s32 v4, v62;
	v62 =	vld [tilespmem:$0x1FA80]  }
0x2f1: {  	v4 =	vadd.s32 v4, v32;
	v32 =	vld [tilespmem:$0x4BB0]  }
0x2f2: {  	v5 =	vadd.s32 v5, v19;
	v19 =	vld [tilespmem:$0x1FAD0]  }
0x2f3: {  	[tilespmem:$0x1FD00] =	vst v61;
	v61 =	vld [tilespmem:$0x4C70]  }
0x2f4: {  	v41 =	vld [tilespmem:$0x1FB20]  }
0x2f5: {  	v49 =	vld [tilespmem:$0x1FB80]  }
0x2f6: {  	v5 =	vadd.s32 v5, v20;
	v20 =	vld [tilespmem:$0x42B0]  }
0x2f7: {  	[tilespmem:$0x1FFF0] =	vst v16;
	v16 =	vadd.s32 v5, v23;
	v5 =	vld [tilespmem:$0x1F930]  }
0x2f8: {  	[tilespmem:$0x1FDC0] =	vst v61;
	v61 =	vld [tilespmem:$0x4480]  }
0x2f9: {  	v23 =	vld [tilespmem:$0x44B0]  }
0x2fa: {  	[tilespmem:$0x1FBD0] =	vst v58;
	v58 =	vld [tilespmem:$0x4B60]  }
0x2fb: {  	[tilespmem:$0x1FC20] =	vst v42;
	v42 =	vld [tilespmem:$0x4D60]  }
0x2fc: {  	[tilespmem:$0x1FC40] =	vst v48;
	v48 =	vld [tilespmem:$0x4E60]  }
0x2fd: {  	[tilespmem:$0x1FC80] =	vst v61;
	v61 =	vld [tilespmem:$0x4580]  }
0x2fe: {  	v28 =	vadd.s32 v53, v50;
	v50 =	vld [tilespmem:$0x1FB90]  }
0x2ff: {  	v53 =	vld [tilespmem:$0x1FBC0];
	v11 =	vadd.s32 v28, v60  }
0x300: {  	v7 =	vadd.s32 v7, v13;
	v11 =	vadd.s32 v11, v41;
	v41 =	vld [tilespmem:$0x46C0]  }
0x301: {  	v7 =	vadd.s32 v7, v20;
	v20 =	vld [tilespmem:$0x48D0]  }
0x302: {  	[tilespmem:$0x1FCB0] =	vst v61;
	v61 =	vld [tilespmem:$0x4680]  }
0x303: {  	v5 =	vadd.s32 v6, v5;
	v6 =	vadd.s32 v25, v27;
	v25 =	vld [tilespmem:$0x46B0]  }
0x304: {  	v27 =	vld [tilespmem:$0x48B0]  }
0x305: {  	v7 =	vadd.s32 v7, v22;
	v22 =	vld [tilespmem:$0x49D0]  }
0x306: {  	v5 =	vadd.s32 v5, v24;
	v24 =	vld [tilespmem:$0x45B0]  }
0x307: {  	[tilespmem:$0x1FCE0] =	vst v61;
	v61 =	vld [tilespmem:$0x4780]  }
0x308: {  	v6 =	vadd.s32 v6, v34;
	v34 =	vld [tilespmem:$0x1F9A0]  }
0x309: {  	v7 =	vadd.s32 v7, v23;
	v23 =	vld [tilespmem:$0x4AD0]  }
0x30a: {  	[tilespmem:$0x1FC60] =	vst v58;
	v58 =	vld [tilespmem:$0x4F60]  }
0x30b: {  	[tilespmem:$0x1FCC0] =	vst v42;
	v42 =	vld [tilespmem:$0x4170]  }
0x30c: {  	[tilespmem:$0x1FD10] =	vst v61;
	v61 =	vld [tilespmem:$0x4880]  }
0x30d: {  	[tilespmem:$0x1FCF0] =	vst v48;
	v48 =	vld [tilespmem:$0x4270]  }
0x30e: {  	v5 =	vadd.s32 v5, v26;
	v26 =	vld [tilespmem:$0x47B0]  }
0x30f: {  	v6 =	vadd.s32 v6, v43;
	v43 =	vld [tilespmem:$0x1F9F0]  }
0x310: {  	v5 =	vadd.s32 v5, v29;
	v29 =	vld [tilespmem:$0x49B0]  }
0x311: {  	[tilespmem:$0x1FD40] =	vst v61;
	v61 =	vld [tilespmem:$0x4980]  }
0x312: {  	v6 =	vadd.s32 v6, v51;
	v51 =	vld [tilespmem:$0x1FA40]  }
0x313: {  	v33 =	vld [tilespmem:$0x1FC60]  }
0x314: {  	v5 =	vadd.s32 v5, v30;
	v30 =	vld [tilespmem:$0x4CB0]  }
0x315: {  	v5 =	vadd.s32 v5, v31;
	v31 =	vld [tilespmem:$0x4AB0]  }
0x316: {  	[tilespmem:$0x1FD60] =	vst v61;
	v61 =	vld [tilespmem:$0x4A80]  }
0x317: {  	v17 =	vadd.s32 v5, v34;
	v5 =	vld [tilespmem:$0x1F9B0]  }
0x318: {  	v34 =	vld [tilespmem:$0x40C0]  }
0x319: {  	v7 =	vadd.s32 v7, v24;
	v24 =	vld [tilespmem:$0x4BD0]  }
0x31a: {  	[tilespmem:$0x1FD20] =	vst v58;
	v58 =	vld [tilespmem:$0x4370]  }
0x31b: {  	[tilespmem:$0x1FDA0] =	vst v61;
	v61 =	vld [tilespmem:$0x4B80]  }
0x31c: {  	[tilespmem:$0x1FBF0] =	vst v42;
	v42 =	vld [tilespmem:$0x4570]  }
0x31d: {  	[tilespmem:$0x1FC10] =	vst v48;
	v48 =	vld [tilespmem:$0x4670]  }
0x31e: {  	v7 =	vadd.s32 v7, v25;
	v25 =	vld [tilespmem:$0x4CD0]  }
0x31f: {  	v60 =	vld [tilespmem:$0x1FC10]  }
0x320: {  	[tilespmem:$0x1FDD0] =	vst v61;
	v61 =	vld [tilespmem:$0x4C80]  }
0x321: {  	v7 =	vadd.s32 v7, v26;
	v26 =	vld [tilespmem:$0x4DD0]  }
0x322: {  	v7 =	vadd.s32 v7, v27;
	v27 =	vld [tilespmem:$0x4ED0]  }
0x323: {  	v4 =	vadd.s32 v4, v5;
	v5 =	vadd.s32 v6, v59;
	v6 =	vadd.s32 v37, v47;
	v47 =	vld [tilespmem:$0x1FA30]  }
0x324: {  	v59 =	vld [tilespmem:$0x1FA70]  }
0x325: {  	[tilespmem:$0x1FE00] =	vst v61;
	v61 =	vld [tilespmem:$0x4D80]  }
0x326: {  	v7 =	vadd.s32 v7, v29;
	v37 =	vld [tilespmem:$0x1FAF0]  }
0x327: {  	v7 =	vadd.s32 v7, v31;
	v31 =	vld [tilespmem:$0x40E0]  }
0x328: {  	[tilespmem:$0x1FC30] =	vst v58;
	v58 =	vld [tilespmem:$0x4770]  }
0x329: {  	[tilespmem:$0x1FC70] =	vst v42;
	v42 =	vld [tilespmem:$0x4970]  }
0x32a: {  	[tilespmem:$0x1FE30] =	vst v61;
	v61 =	vld [tilespmem:$0x4E80]  }
0x32b: {  	[tilespmem:$0x1FCA0] =	vst v48;
	v48 =	vld [tilespmem:$0x4A70]  }
0x32c: {  	v6 =	vadd.s32 v6, v52;
	v52 =	vld [tilespmem:$0x1FA50]  }
0x32d: {  	v4 =	vadd.s32 v4, v35;
	v35 =	vld [tilespmem:$0x41C0]  }
0x32e: {  	v5 =	vadd.s32 v5, v36;
	v36 =	vld [tilespmem:$0x1FAE0]  }
0x32f: {  	[tilespmem:$0x1FE60] =	vst v61;
	v61 =	vld [tilespmem:$0x4F80]  }
0x330: {  	v5 =	vadd.s32 v5, v40;
	v40 =	vld [tilespmem:$0x1FB10]  }
0x331: {  	v6 =	vadd.s32 v6, v63;
	v63 =	vadd.s32 v56, v57;
	v56 =	vld [tilespmem:$0x1FBE0]  }
0x332: {  	v57 =	vld [tilespmem:$0x1FBF0]  }
0x333: {  	v28 =	vld [tilespmem:$0x1FC50]  }
0x334: {  	[tilespmem:$0x1FE80] =	vst v61;
	v61 =	vld [tilespmem:$0x4090]  }
0x335: {  	v5 =	vadd.s32 v5, v43;
	v43 =	vld [tilespmem:$0x1FB30]  }
0x336: {  	v6 =	vadd.s32 v6, v46;
	v46 =	vld [tilespmem:$0x1FB60]  }
0x337: {  	v10 =	vadd.s32 v63, v15;
	v63 =	vld [tilespmem:$0x1FC20]  }
0x338: {  	v5 =	vadd.s32 v5, v44;
	v44 =	vld [tilespmem:$0x1FB40]  }
0x339: {  	[tilespmem:$0x1FD70] =	vst v61;
	v61 =	vld [tilespmem:$0x4190]  }
0x33a: {  	v6 =	vadd.s32 v6, v51;
	v51 =	vld [tilespmem:$0x1FBA0]  }
0x33b: {  	v10 =	vadd.s32 v10, v19;
	v19 =	vld [tilespmem:$0x1FC40]  }
0x33c: {  	v10 =	vadd.s32 v10, v37;
	v37 =	vld [tilespmem:$0x43C0]  }
0x33d: {  	v5 =	vadd.s32 v5, v45;
	v45 =	vld [tilespmem:$0x1FB50]  }
0x33e: {  	[tilespmem:$0x1FD80] =	vst v61;
	v61 =	vld [tilespmem:$0x4290]  }
0x33f: {  	v6 =	vadd.s32 v6, v54;
	v54 =	vld [tilespmem:$0x1FBD0]  }
0x340: {  	[tilespmem:$0x1FCD0] =	vst v58;
	v58 =	vld [tilespmem:$0x4B70]  }
0x341: {  	[tilespmem:$0x1FD30] =	vst v42;
	v42 =	vld [tilespmem:$0x4D70]  }
0x342: {  	[tilespmem:$0x1FD50] =	vst v48;
	v48 =	vld [tilespmem:$0x4E70]  }
0x343: {  	[tilespmem:$0x1FDB0] =	vst v61;
	v61 =	vld [tilespmem:$0x4390]  }
0x344: {  	v5 =	vadd.s32 v5, v47;
	v47 =	vld [tilespmem:$0x1FB70]  }
0x345: {  	v10 =	vadd.s32 v10, v40;
	v40 =	vld [tilespmem:$0x45C0]  }
0x346: {  	v5 =	vadd.s32 v5, v52;
	v52 =	vld [tilespmem:$0x1FBB0]  }
0x347: {  	v6 =	vadd.s32 v6, v62;
	v5 =	vadd.s32 v5, v59;
	v59 =	vld [tilespmem:$0x1FC00]  }
0x348: {  	v6 =	vadd.s32 v6, v14;
	[tilespmem:$0x1FDE0] =	vst v61;
	v61 =	vld [tilespmem:$0x4490]  }
0x349: {  	v6 =	vadd.s32 v6, v18;
	v18 =	vld [tilespmem:$0x1FC30]  }
0x34a: {  	v6 =	vadd.s32 v6, v36;
	v36 =	vld [tilespmem:$0x42C0]  }
0x34b: {  	v10 =	vadd.s32 v10, v44;
	v44 =	vld [tilespmem:$0x4AC0]  }
0x34c: {  	v6 =	vadd.s32 v6, v38;
	v38 =	vld [tilespmem:$0x44C0]  }
0x34d: {  	[tilespmem:$0x1FE10] =	vst v61;
	v61 =	vld [tilespmem:$0x4590]  }
0x34e: {  	v11 =	vadd.s32 v11, v45;
	v45 =	vld [tilespmem:$0x1FC70]  }
0x34f: {  	[tilespmem:$0x1FD90] =	vst v58;
	v58 =	vld [tilespmem:$0x4F70]  }
0x350: {  	[tilespmem:$0x1FDF0] =	vst v42;
	v42 =	vld [tilespmem:$0x4080]  }
0x351: {  	[tilespmem:$0x1FE20] =	vst v48;
	v48 =	vld [tilespmem:$0x4280]  }
0x352: {  	[tilespmem:$0x1FE40] =	vst v61;
	v61 =	vld [tilespmem:$0x4690]  }
0x353: {  	v6 =	vadd.s32 v6, v43;
	v43 =	vld [tilespmem:$0x47C0]  }
0x354: {  	v10 =	vadd.s32 v10, v47;
	v47 =	vld [tilespmem:$0x1FC90];
	v6 =	vadd.s32 v6, v46  }
0x355: {  	v5 =	vadd.s32 v5, v12;
	v12 =	vadd.s32 v11, v49;
	v11 =	vadd.s32 v6, v50;
	v50 =	vld [tilespmem:$0x1FCC0]  }
0x356: {  	v6 =	vadd.s32 v10, v51;
	v51 =	vld [tilespmem:$0x1FCD0]  }
0x357: {  	[tilespmem:$0x1FE70] =	vst v61;
	v61 =	vld [tilespmem:$0x4790]  }
0x358: {  	v12 =	vadd.s32 v12, v52;
	v10 =	vadd.s32 v6, v53;
	v53 =	vld [tilespmem:$0x1FCF0]  }
0x359: {  	v6 =	vadd.s32 v12, v54;
	v54 =	vld [tilespmem:$0x1FD00]  }
0x35a: {  	v12 =	vadd.s32 v56, v57;
	v57 =	vld [tilespmem:$0x1FD20]  }
0x35b: {  	v12 =	vadd.s32 v12, v60;
	v60 =	vld [tilespmem:$0x1FD50]  }
0x35c: {  	[tilespmem:$0x1FE90] =	vst v61;
	v61 =	vld [tilespmem:$0x4890]  }
0x35d: {  	[tilespmem:$0x1FE50] =	vst v58;
	v58 =	vld [tilespmem:$0x4380]  }
0x35e: {  	v62 =	vadd.s32 v42, v39;
	v39 =	vld [tilespmem:$0x48C0]  }
0x35f: {  	v42 =	vld [tilespmem:$0x49C0]  }
0x360: {  	v12 =	vadd.s32 v12, v18;
	v18 =	vld [tilespmem:$0x4DC0]  }
0x361: {  	[tilespmem:$0x1FEC0] =	vst v61;
	v61 =	vld [tilespmem:$0x4990]  }
0x362: {  	v46 =	vld [tilespmem:$0x1FC80]  }
0x363: {  	v6 =	vadd.s32 v6, v59;
	v14 =	vadd.s32 v62, v48;
	v48 =	vld [tilespmem:$0x1FCA0]  }
0x364: {  	v6 =	vadd.s32 v6, v63;
	v12 =	vadd.s32 v12, v28;
	v28 =	vld [tilespmem:$0x4CC0]  }
0x365: {  	v6 =	vadd.s32 v6, v19;
	v19 =	vld [tilespmem:$0x4EC0]  }
0x366: {  	[tilespmem:$0x1FEE0] =	vst v61;
	v61 =	vld [tilespmem:$0x4A90]  }
0x367: {  	v6 =	vadd.s32 v6, v33;
	v33 =	vld [tilespmem:$0x4BC0]  }
0x368: {  	v6 =	vadd.s32 v6, v47;
	v47 =	vld [tilespmem:$0x41D0]  }
0x369: {  	v49 =	vld [tilespmem:$0x1FCB0]  }
0x36a: {  	v14 =	vadd.s32 v14, v58;
	v58 =	vld [tilespmem:$0x1FD30]  }
0x36b: {  	[tilespmem:$0x1FF00] =	vst v61;
	v61 =	vld [tilespmem:$0x4B90]  }
0x36c: {  	v12 =	vadd.s32 v12, v45;
	v14 =	vadd.s32 v14, v46;
	v46 =	vld [tilespmem:$0x40D0]  }
0x36d: {  	v6 =	vadd.s32 v6, v50;
	v12 =	vadd.s32 v12, v48;
	v52 =	vld [tilespmem:$0x1FCE0]  }
0x36e: {  	v6 =	vadd.s32 v6, v53;
	v12 =	vadd.s32 v12, v51;
	v14 =	vadd.s32 v14, v49;
	v49 =	vld [tilespmem:$0x1FD90]  }
0x36f: {  	v15 =	vadd.s32 v12, v54;
	v12 =	vadd.s32 v6, v57;
	v6 =	vld [tilespmem:$0x4FC0]  }
0x370: {  	[tilespmem:$0x1FF20] =	vst v61;
	v61 =	vld [tilespmem:$0x4C90]  }
0x371: {  	v15 =	vadd.s32 v15, v58;
	v56 =	vld [tilespmem:$0x1FD10]  }
0x372: {  	v15 =	vadd.s32 v15, v60;
	v14 =	vadd.s32 v14, v52;
	v52 =	vld [tilespmem:$0x1FDC0]  }
0x373: {  	v15 =	vadd.s32 v15, v49;
	v49 =	vld [tilespmem:$0x43D0]  }
0x374: {  	v59 =	vld [tilespmem:$0x1FD40]  }
0x375: {  	[tilespmem:$0x1FF40] =	vst v61;
	v61 =	vld [tilespmem:$0x4D90]  }
0x376: {  	v62 =	vld [tilespmem:$0x1FD60]  }
0x377: {  	v50 =	vld [tilespmem:$0x1FDA0]  }
0x378: {  	v14 =	vadd.s32 v14, v56;
	v56 =	vld [tilespmem:$0x1FDF0]  }
0x379: {  	v53 =	vld [tilespmem:$0x1FDD0]  }
0x37a: {  	v14 =	vadd.s32 v14, v59;
	[tilespmem:$0x1FF60] =	vst v61;
	v61 =	vld [tilespmem:$0x4E90]  }
0x37b: {  	v59 =	vld [tilespmem:$0x1FE20];
	v14 =	vadd.s32 v14, v62  }
0x37c: {  	v14 =	vadd.s32 v14, v50;
	v50 =	vld [tilespmem:$0x44D0]  }
0x37d: {  	v57 =	vld [tilespmem:$0x1FE00]  }
0x37e: {  	v14 =	vadd.s32 v14, v53;
	v53 =	vld [tilespmem:$0x46D0]  }
0x37f: {  	[tilespmem:$0x1FF80] =	vst v61;
	v61 =	vld [tilespmem:$0x4F90]  }
0x380: {  	v60 =	vld [tilespmem:$0x1FE30]  }
0x381: {  	v63 =	vld [tilespmem:$0x1FD70]  }
0x382: {  	v48 =	vld [tilespmem:$0x1FD80]  }
0x383: {  	v51 =	vld [tilespmem:$0x1FDB0]  }
0x384: {  	[tilespmem:$0x1FFA0] =	vst v61;
	v61 =	vld [tilespmem:$0x40A0]  }
0x385: {  	v54 =	vld [tilespmem:$0x1FDE0]  }
0x386: {  	v14 =	vadd.s32 v14, v57;
	v57 =	vld [tilespmem:$0x1FE80]  }
0x387: {  	v45 =	vadd.s32 v63, v48;
	v48 =	vld [tilespmem:$0x42D0]  }
0x388: {  	v58 =	vld [tilespmem:$0x1FE10]  }
0x389: {  	v45 =	vadd.s32 v45, v51;
	[tilespmem:$0x1FEA0] =	vst v61;
	v61 =	vld [tilespmem:$0x41A0]  }
0x38a: {  	v45 =	vadd.s32 v45, v54;
	v54 =	vld [tilespmem:$0x1FE60]  }
0x38b: {  	v62 =	vld [tilespmem:$0x1FE40]  }
0x38c: {  	v15 =	vadd.s32 v15, v52;
	v63 =	vld [tilespmem:$0x1FE50]  }
0x38d: {  	v15 =	vadd.s32 v15, v56;
	v56 =	vld [tilespmem:$0x1FE70]  }
0x38e: {  	[tilespmem:$0x1FEB0] =	vst v61;
	v61 =	vld [tilespmem:$0x42A0]  }
0x38f: {  	v14 =	vadd.s32 v14, v60;
	v45 =	vadd.s32 v45, v58;
	v58 =	vld [tilespmem:$0x1FE90]  }
0x390: {  	v14 =	vadd.s32 v14, v54;
	v45 =	vadd.s32 v45, v62;
	v62 =	vld [tilespmem:$0x1FEC0]  }
0x391: {  	v14 =	vadd.s32 v14, v57;
	v57 =	vld [tilespmem:$0x1FEE0]  }
0x392: {  	v51 =	vld [tilespmem:$0x45D0]  }
0x393: {  	v45 =	vadd.s32 v45, v56;
	[tilespmem:$0x1FED0] =	vst v61;
	v61 =	vld [tilespmem:$0x43A0]  }
0x394: {  	v15 =	vadd.s32 v15, v59;
	v45 =	vadd.s32 v45, v58;
	v59 =	vld [tilespmem:$0x1FEA0]  }
0x395: {  	v45 =	vadd.s32 v45, v62;
	v60 =	vld [tilespmem:$0x1FEB0]  }
0x396: {  	v13 =	vadd.s32 v45, v57;
	v57 =	vld [tilespmem:$0x1FF50]  }
0x397: {  	v15 =	vadd.s32 v15, v63;
	v63 =	vld [tilespmem:$0x1FED0]  }
0x398: {  	[tilespmem:$0x1FEF0] =	vst v61;
	v61 =	vld [tilespmem:$0x44A0]  }
0x399: {  	v62 =	vld [tilespmem:$0x1FF20]  }
0x39a: {  	v52 =	vadd.s32 v59, v60;
	v59 =	vld [tilespmem:$0x1FF00]  }
0x39b: {  	v56 =	vld [tilespmem:$0x1FF40]  }
0x39c: {  	v58 =	vld [tilespmem:$0x1FEF0]  }
0x39d: {  	v52 =	vadd.s32 v52, v63;
	v63 =	vld [tilespmem:$0x1FF30];
	[tilespmem:$0x1FF10] =	vst v61  }
0x39e: {  	v60 =	vld [tilespmem:$0x1FF10]  }
0x39f: {  	v13 =	vadd.s32 v13, v59;
	v59 =	vld [tilespmem:$0x1FF70]  }
0x3a0: {  	v13 =	vadd.s32 v13, v62;
	v62 =	vld [tilespmem:$0x1FF90]  }
0x3a1: {  	v45 =	vadd.s32 v52, v58;
	v58 =	vld [tilespmem:$0x1FF60]  }
0x3a2: {  	v61 =	vld [tilespmem:$0x49A0]  }
0x3a3: {  	v45 =	vadd.s32 v45, v60;
	v60 =	vld [tilespmem:$0x1FF80]  }
0x3a4: {  	v45 =	vadd.s32 v45, v63;
	v63 =	vld [tilespmem:$0x1FFA0]  }
0x3a5: {  	v13 =	vadd.s32 v13, v56;
	v56 =	vld [tilespmem:$0x1FFB0];
	v45 =	vadd.s32 v45, v57  }
0x3a6: {  	v13 =	vadd.s32 v13, v58;
	v58 =	vld [tilespmem:$0x1FFC0];
	v45 =	vadd.s32 v45, v59  }
0x3a7: {  	v59 =	vld [tilespmem:$0x1FFD0];
	v45 =	vadd.s32 v45, v62  }
0x3a8: {  	v13 =	vadd.s32 v13, v60;
	v45 =	vadd.s32 v45, v61;
	v61 =	vld [tilespmem:$0x1FFE0]  }
0x3a9: {  	(xrf0) =	vadd.scan.msk.s32 $0xffff, v16;
	v7 =	vadd.s32 v7, v32;
	v13 =	vadd.s32 v13, v63;
	v63 =	vld [tilespmem:$0x1FFF0]  }
0x3aa: {  	v7 =	vadd.s32 v7, v30;
	v54 =	vld [tilespmem:$0x47D0];
	v45 =	vadd.s32 v45, v56  }
0x3ab: {  	(xrf0) =	vadd.scan.msk.s32 $0xffff, v17;
	v21 =	vadd.s32 v7, v21;
	v57 =	vadd.s32 v34, v35;
	v34 =	vld [tilespmem:$0x4FD0];
	v35 =	vadd.s32 v45, v58  }
0x3ac: {  	v8 =	vadd.s32 v21, v8;
	v60 =	vld [tilespmem:$0x41E0];
	v35 =	vadd.s32 v35, v59  }
0x3ad: {  	v8 =	vadd.s32 v8, v9;
	v62 =	vld [tilespmem:$0x42E0];
	v35 =	vadd.s32 v35, v61  }
0x3ae: {  	v29 =	vadd.s32 v57, v36;
	v57 =	vadd.s32 v46, v47;
	v45 =	vld [tilespmem:$0x43E0];
	v35 =	vadd.s32 v35, v63  }
0x3af: {  	(xrf0) =	vadd.scan.msk.s32 $0xffff, v4;
	v29 =	vadd.s32 v29, v37;
	v21 =	vadd.s32 v57, v48;
	v37, _, _ =	vpop (xrf0);
	v7 =	vadd.s32 v35, v55;
	v55 =	vld [tilespmem:$0x44E0]  }
0x3b0: {  	(xrf0) =	vadd.scan.msk.s32 $0xffff, v5;
	v29 =	vadd.s32 v29, v38;
	v21 =	vadd.s32 v21, v49;
	(v2sf) =	vpush v37, $0xF;
	v58 =	vld [tilespmem:$0x45E0]  }
0x3b1: {  	v38, _, _ =	vpop (xrf0);
	v29 =	vadd.s32 v29, v40;
	v21 =	vadd.s32 v21, v50;
	v59 =	vld [tilespmem:$0x46E0];
	v31 =	vadd.s32 v31, v60  }
0x3b2: {  	(xrf0) =	vadd.scan.msk.s32 $0xffff, v11;
	(v2sf) =	vpush v38, $0xF;
	v52 =	vadd.s32 v29, v41;
	v60 =	vld [tilespmem:$0x47E0];
	v30 =	vadd.s32 v31, v62  }
0x3b3: {  	v21 =	vadd.s32 v21, v51;
	v56 =	vadd.s32 v52, v43;
	v61 =	vld [tilespmem:$0x48E0];
	v30 =	vadd.s32 v30, v45  }
0x3b4: {  	v21 =	vadd.s32 v21, v53;
	v9 =	vadd.s32 v56, v39;
	v62 =	vld [tilespmem:$0x49E0];
	v29 =	vadd.s32 v30, v55  }
0x3b5: {  	v39, _, _ =	vpop (xrf0);
	v21 =	vadd.s32 v21, v54;
	v9 =	vadd.s32 v9, v42;
	v63 =	vld [tilespmem:$0x4AE0];
	v29 =	vadd.s32 v29, v58  }
0x3b6: {  	(v2sf) =	vpush v39, $0xF;
	v40, _, _ =	vpop (xrf0);
	v9 =	vadd.s32 v9, v44;
	v44 =	vld [tilespmem:$0x4BE0];
	v29 =	vadd.s32 v29, v59  }
0x3b7: {  	(xrf0) =	vadd.scan.msk.s32 $0xffff, v10;
	v20 =	vadd.s32 v21, v20;
	(v2sf) =	vpush v40, $0xF;
	v45 =	vld [tilespmem:$0x4CE0];
	v29 =	vadd.s32 v29, v60  }
0x3b8: {  	v47 =	vld [tilespmem:$0x4DE0];
	(xrf0) =	vadd.scan.msk.s32 $0xffff, v12;
	v20 =	vadd.s32 v20, v22;
	v21, _, _ =	vpop (xrf0);
	v9 =	vadd.s32 v9, v33;
	v46 =	vadd.s32 v29, v61  }
0x3b9: {  	v48 =	vld [tilespmem:$0x4EE0];
	(xrf0) =	vadd.scan.msk.s32 $0xffff, v15;
	v20 =	vadd.s32 v20, v23;
	(v2sf) =	vpush v21, $0xF;
	v22 =	vadd.s32 v46, v62  }
0x3ba: {  	v49 =	vld [tilespmem:$0x4FE0];
	(xrf0) =	vadd.scan.msk.s32 $0xffff, v14;
	v9 =	vadd.s32 v9, v28;
	v20 =	vadd.s32 v20, v24;
	v22 =	vadd.s32 v22, v63  }
0x3bb: {  	(xrf0) =	vadd.scan.msk.s32 $0xffff, v13;
	v9 =	vadd.s32 v9, v18;
	v50 =	vadd.s32 v20, v25;
	v51 =	vadd.s32 v22, v44  }
0x3bc: {  	(xrf0) =	vadd.scan.msk.s32 $0xffff, v7;
	v9 =	vadd.s32 v9, v19;
	v18 =	vadd.s32 v50, v26;
	v52 =	vadd.s32 v51, v45  }
0x3bd: {  	v56 =	vld [tilespmem:$0x41F0];
	v20, _, _ =	vpop (xrf0);
	(xrf0) =	vadd.scan.msk.s32 $0xffff, v8;
	v6 =	vadd.s32 v9, v6;
	v53 =	vadd.s32 v18, v27;
	v54 =	vadd.s32 v52, v47  }
0x3be: {  	v55 =	vld [tilespmem:$0x40F0];
	(v2sf) =	vpush v20, $0xF;
	v9 =	vadd.s32 v53, v34;
	v22, _, _ =	vpop (xrf0);
	(xrf0) =	vadd.scan.msk.s32 $0xffff, v6;
	v18 =	vadd.s32 v54, v48  }
0x3bf: {  	v57 =	vld [tilespmem:$0x42F0];
	(v2sf) =	vpush v22, $0xF;
	v25, _, _ =	vpop (xrf0);
	(xrf0) =	vadd.scan.msk.s32 $0xffff, v9;
	v18 =	vadd.s32 v18, v49  }
0x3c0: {  	v58 =	vld [tilespmem:$0x43F0];
	(v2sf) =	vpush v25, $0xF;
	v26, _, _ =	vpop (xrf0);
	(xrf0) =	vadd.scan.msk.s32 $0xffff, v18  }
0x3c1: {  	v59 =	vld [tilespmem:$0x44F0];
	v28, _, _ =	vpop (xrf0);
	(v2sf) =	vpush v26, $0xF  }
0x3c2: {  	v60 =	vld [tilespmem:$0x45F0];
	v30, _, _ =	vpop (xrf0);
	(v2sf) =	vpush v28, $0xF  }
0x3c3: {  	v19 =	vadd.s32 v55, v56;
	v62 =	vld [tilespmem:$0x46F0];
	v61, _, _ =	vpop (xrf0);
	(v2sf) =	vpush v30, $0xF  }
0x3c4: {  	v41 =	vld [tilespmem:$0x47F0];
	v19 =	vadd.s32 v19, v57;
	v63, _, _ =	vpop (xrf0);
	(v2sf) =	vpush v61, $0xF  }
0x3c5: {  	v43 =	vld [tilespmem:$0x48F0];
	v19 =	vadd.s32 v19, v58;
	v42, _, _ =	vpop (xrf0);
	(v2sf) =	vpush v63, $0xF  }
0x3c6: {  	v19 =	vadd.s32 v19, v59;
	v45 =	vld [tilespmem:$0x49F0];
	(v2sf) =	vpush v42, $0xF;
	v44, _, _ =	vpop (xrf0)  }
0x3c7: {  	s0 =	spop (v2sf);
	v46 =	vld [tilespmem:$0x4AF0];
	v19 =	vadd.s32 v19, v60;
	(v2sf) =	vpush v44, $0xF  }
0x3c8: {  	s1 =	spop (v2sf);
	v19 =	vadd.s32 v19, v62;
	v48 =	vld [tilespmem:$0x4BF0]  }
0x3c9: {  	v16 =	vsub.s32 v37, v16;
	s0 =	sadd.s32 s0, s1;
	s4 =	spop (v2sf);
	v19 =	vadd.s32 v19, v41;
	v49 =	vld [tilespmem:$0x4CF0]  }
0x3ca: {  	v50 =	vld [tilespmem:$0x4DF0];
	v4 =	vsub.s32 s0, v4;
	v47 =	vbroadcast v37, $0xF;
	s0 =	sadd.s32 s0, s4;
	v19 =	vadd.s32 v19, v43  }
0x3cb: {  	[tilespmem:$0x5000] =	vst v16;
	v53 =	vld [tilespmem:$0x4EF0];
	v4 =	vadd.s32 v39, v4;
	s19 =	spop (v2sf);
	v5 =	vsub.s32 s0, v5;
	v52 =	vadd.s32 v19, v45  }
0x3cc: {  	v55 =	vld [tilespmem:$0x4FF0];
	[tilespmem:$0x5020] =	vst v4;
	s0 =	sadd.s32 s0, s19;
	v17 =	vsub.s32 v47, v17;
	s20 =	spop (v2sf);
	v4 =	vadd.s32 v40, v5;
	v54 =	vadd.s32 v52, v46  }
0x3cd: {  	v11 =	vsub.s32 s0, v11;
	v51 =	vadd.s32 v38, v17;
	s0 =	sadd.s32 s0, s20;
	[tilespmem:$0x5030] =	vst v4;
	v5 =	vadd.s32 v54, v48;
	s21 =	spop (v2sf)  }
0x3ce: {  	v4 =	vadd.s32 v21, v11;
	[tilespmem:$0x5010] =	vst v51;
	v10 =	vsub.s32 s0, v10;
	v5 =	vadd.s32 v5, v49;
	s0 =	sadd.s32 s0, s21;
	s22 =	spop (v2sf)  }
0x3cf: {  	[tilespmem:$0x5040] =	vst v4;
	v4 =	vadd.s32 v20, v10;
	v5 =	vadd.s32 v5, v50;
	v56 =	vsub.s32 s0, v12;
	s0 =	sadd.s32 s0, s22;
	s23 =	spop (v2sf)  }
0x3d0: {  	[tilespmem:$0x5050] =	vst v4;
	v4 =	vadd.s32 v22, v56;
	v5 =	vadd.s32 v5, v53;
	v57 =	vsub.s32 s0, v15;
	s0 =	sadd.s32 s0, s23;
	s24 =	spop (v2sf)  }
0x3d1: {  	[tilespmem:$0x5060] =	vst v4;
	v5 =	vadd.s32 v5, v55;
	v4 =	vadd.s32 v25, v57;
	v58 =	vsub.s32 s0, v14;
	s0 =	sadd.s32 s0, s24;
	s25 =	spop (v2sf)  }
0x3d2: {  	(xrf0) =	vadd.scan.msk.s32 $0xffff, v5;
	[tilespmem:$0x5070] =	vst v4;
	v4 =	vadd.s32 v26, v58;
	v59 =	vsub.s32 s0, v13;
	s0 =	sadd.s32 s0, s25;
	s26 =	spop (v2sf)  }
0x3d3: {  	[tilespmem:$0x5080] =	vst v4;
	v4 =	vadd.s32 v28, v59;
	v7 =	vsub.s32 s0, v7;
	s0 =	sadd.s32 s0, s26;
	s28 =	spop (v2sf)  }
0x3d4: {  	[tilespmem:$0x5090] =	vst v4;
	v4 =	vadd.s32 v30, v7;
	v60 =	vsub.s32 s0, v8;
	s0 =	sadd.s32 s0, s28;
	s29 =	spop (v2sf)  }
0x3d5: {  	[tilespmem:$0x50A0] =	vst v4;
	v4 =	vadd.s32 v61, v60;
	v6 =	vsub.s32 s0, v6;
	s0 =	sadd.s32 s0, s29;
	s30 =	spop (v2sf)  }
0x3d6: {  	[tilespmem:$0x50B0] =	vst v4;
	v4 =	vadd.s32 v63, v6;
	v61 =	vsub.s32 s0, v9;
	s0 =	sadd.s32 s0, s30;
	s31 =	spop (v2sf)  }
0x3d7: {  	[tilespmem:$0x50C0] =	vst v4;
	v4 =	vadd.s32 v42, v61;
	v62 =	vsub.s32 s0, v18;
	s0 =	sadd.s32 s0, s31  }
0x3d8: {  	v63, _, _ =	vpop (xrf0);
	[tilespmem:$0x50D0] =	vst v4;
	v4 =	vadd.s32 v44, v62;
	v5 =	vsub.s32 s0, v5  }
0x3d9: {  	[tilespmem:$0x50E0] =	vst v4;
	v4 =	vadd.s32 v63, v5  }
0x3da: {  	s19 =	simm.s32 $0x0;
	[tilespmem:$0x50F0] =	vst v4  }
.LBB2_53:
0x3db: {  	s0 =	sshll.u32 s19, $0x4  }
0x3dc: {  	v6 =	vld [tilespmem:s0+$0x9B00];
	_ =	sdelay $0x4  }
0x3dd: {  	v4 =	vand.u32 $0xFF, v6  }
0x3de: {  	s31 =	simm.s32 $0xB411;
	v5 =	vld [tilespmem:s0+$0xA380];
	[tilespmem:$0xB410] =	vst v4  }
0x3df: {  	s1 =	simm.s32 $0xF;
	v8 =	vld [tilespmem:s31+$0x0]  }
0x3e0: {  	v10 =	vld [tilespmem:s1+$0xB400];
	_ =	sdelay $0x3  }
0x3e1: {  	v7 =	vimm.s32 $0x0;
	s20 =	simm.s32 $0xB412;
	v9 =	vimm.s32 $0x0;
	s0 =	simm.s32 $0x38  }
.LBB2_54:
0x3e2: {  	s1 =	sshra.s32 s0, $0x2;
	p0 =	sne.s32 s0, $0x4;
	s0 =	sadd.s32 $0xFFFFFFFC, s0;
	vm0 =	veq.s32 v10, v4;
	vm1 =	veq.s32 v8, v4;
	v8 =	vld [tilespmem:s20+$0x0]  }
.Ltmp26:
0x3e3: {  	v10 =	vld [tilespmem:s1+$0xB400];
	v11 =	vsel vm0, $0x1, v1;
	v12 =	vsel vm1, $0x1, v1;
	(pc) =	sbr.rel @p0 .LBB2_54-.Ltmp26, $2  }
0x3e4: {  	v7 =	vadd.s32 v11, v7;
	v9 =	vadd.s32 v12, v9;
	_ =	sdelay $0x2  }
0x3e5: {  	s20 =	sadd.s32 $0x1, s20  }
0x3e6: {  	_ =	sdelay $0x3  }
0x3e7: {  	v11 =	vld.idx.msk [tilespmem:v4+s12+$0x0], $0xffff;
	_ =	sdelay $0x1  }
0x3e8: {  	vm0 =	veq.s32 v10, v4  }
0x3e9: {  	vm1 =	veq.s32 v8, v4;
	v60 =	vsel vm0, $0x1, v1  }
0x3ea: {  	v61 =	vsel vm1, $0x1, v1;
	v7 =	vadd.s32 v60, v7  }
0x3eb: {  	v62 =	vadd.s32 v61, v9;
	v63 =	vadd.s32 v7, v11  }
0x3ec: {  	s19 =	sadd.s32 $0x1, s19;
	vm15 =	veq.s32 v62, $0x0  }
0x3ed: {  	p0 =	sne.s32 s19, $0x40  }
.Ltmp27:
0x3ee: {  	_ = 	snop;
	(pc) =	sbr.rel @p0 .LBB2_53-.Ltmp27, $4  }
0x3ef: {  	_ = 	snop  }
0x3f0: {  	[tilespmem:v63+s13+$0x0] =	vst.idx.msk $0xffff, v6  }
0x3f1: {  	[tilespmem:v63+s14+$0x0] =	vst.idx.msk $0xffff, v5;
	v5 =	vadd.s32 $0x1, v7  }
0x3f2: {  	[tilespmem:v4+s12+$0x0] =	vst.idx.add.s32.msk vm15, v5  }
0x3f3: {  	s0 =	simm.s32 $0x40;
	s19 =	simm.s32 $0x0  }
.LBB2_57:
0x3f4: {  	p0 =	sne.s32 s0, $0x3FC0;
	[tilespmem:s19+$0x4000] =	vst v1;
	s1 =	smov.u32 s0;
	s0 =	sadd.s32 $0x40, s0  }
.Ltmp28:
0x3f5: {  	(pc) =	sbr.rel @p0 .LBB2_57-.Ltmp28, $2  }
0x3f6: {  	_ =	sdelay $0x2  }
0x3f7: {  	s19 =	sshra.s32 s1, $0x2  }
0x3f8: {  	[tilespmem:s19+$0x4000] =	vst v1;
	s19 =	simm.s32 $0x0;
	s0 =	simm.s32 $0x40  }
.LBB2_59:
0x3f9: {  	p0 =	sne.s32 s0, $0xFC0;
	v4 =	vld [tilespmem:s19+$0xAC00];
	_ =	sdelay $0x4  }
0x3fa: {  	v4 =	vshrl.u32 v4, $0x8  }
0x3fb: {  	v4 =	vand.u32 $0xFF, v4  }
0x3fc: {  	v4 =	vor.u32 v2, v4  }
.Ltmp29:
0x3fd: {  	(pc) =	sbr.rel @p0 .LBB2_59-.Ltmp29, $2  }
0x3fe: {  	_ =	sdelay $0x2  }
0x3ff: {  	s19 =	sshra.s32 s0, $0x2;
	s0 =	sadd.s32 $0x40, s0;
	[tilespmem:v4+s11+$0x0] =	vst.idx.add.s32.msk $0xffff, v3  }
0x400: {  	v4 =	vld [tilespmem:s19+$0xAC00];
	_ =	sdelay $0x4  }
0x401: {  	v4 =	vshrl.u32 v4, $0x8  }
0x402: {  	v4 =	vand.u32 $0xFF, v4  }
0x403: {  	v4 =	vor.u32 v2, v4;
	_ =	sdelay $0x4  }
0x404: {  	[tilespmem:v4+s11+$0x0] =	vst.idx.add.s32.msk $0xffff, v3  }
0x405: {  	v4 =	vld [tilespmem:$0x4B00];
	_ =	sdelay $0x4  }
0x406: {  	[tilespmem:$0x1F1A0] =	vst v4;
	v4 =	vld [tilespmem:$0x4C00];
	_ =	sdelay $0x4  }
0x407: {  	[tilespmem:$0x1F1B0] =	vst v4;
	v4 =	vld [tilespmem:$0x4D00];
	_ =	sdelay $0x4  }
0x408: {  	[tilespmem:$0x1F1C0] =	vst v4;
	v4 =	vld [tilespmem:$0x4E00];
	_ =	sdelay $0x4  }
0x409: {  	[tilespmem:$0x1F1D0] =	vst v4;
	v4 =	vld [tilespmem:$0x4F00];
	_ =	sdelay $0x2  }
0x40a: {  	v19 =	vld [tilespmem:$0x4000]  }
0x40b: {  	v16 =	vld [tilespmem:$0x4100]  }
0x40c: {  	[tilespmem:$0x1F1F0] =	vst v4;
	v4 =	vld [tilespmem:$0x4810]  }
0x40d: {  	v20 =	vld [tilespmem:$0x4200]  }
0x40e: {  	v22 =	vld [tilespmem:$0x4300]  }
0x40f: {  	v24 =	vld [tilespmem:$0x4400]  }
0x410: {  	v26 =	vld [tilespmem:$0x4500]  }
0x411: {  	[tilespmem:$0x1F1E0] =	vst v4;
	v4 =	vld [tilespmem:$0x4910]  }
0x412: {  	v29 =	vld [tilespmem:$0x4600]  }
0x413: {  	v31 =	vld [tilespmem:$0x4700]  }
0x414: {  	v37 =	vld [tilespmem:$0x4800]  }
0x415: {  	v44 =	vld [tilespmem:$0x4900]  }
0x416: {  	[tilespmem:$0x1F200] =	vst v4;
	v4 =	vld [tilespmem:$0x4A10]  }
0x417: {  	v54 =	vld [tilespmem:$0x4A00]  }
0x418: {  	v12 =	vld [tilespmem:$0x4010]  }
0x419: {  	v10 =	vld [tilespmem:$0x4110]  }
0x41a: {  	v13 =	vld [tilespmem:$0x4210]  }
0x41b: {  	[tilespmem:$0x1F210] =	vst v4;
	v4 =	vld [tilespmem:$0x4B10]  }
0x41c: {  	v23 =	vld [tilespmem:$0x4310]  }
0x41d: {  	v30 =	vld [tilespmem:$0x4410]  }
0x41e: {  	v35 =	vld [tilespmem:$0x4510]  }
0x41f: {  	v45 =	vld [tilespmem:$0x4610]  }
0x420: {  	[tilespmem:$0x1F220] =	vst v4;
	v4 =	vld [tilespmem:$0x4C10]  }
0x421: {  	v55 =	vld [tilespmem:$0x4710]  }
0x422: {  	v5 =	vld [tilespmem:$0x4020]  }
0x423: {  	v6 =	vld [tilespmem:$0x4220]  }
0x424: {  	v7 =	vld [tilespmem:$0x4320]  }
0x425: {  	[tilespmem:$0x1F230] =	vst v4;
	v4 =	vld [tilespmem:$0x4D10]  }
0x426: {  	v8 =	vld [tilespmem:$0x4420]  }
0x427: {  	v11 =	vld [tilespmem:$0x4520]  }
0x428: {  	v17 =	vld [tilespmem:$0x4620]  }
0x429: {  	v25 =	vld [tilespmem:$0x4720]  }
0x42a: {  	[tilespmem:$0x1F240] =	vst v4;
	v4 =	vld [tilespmem:$0x4E10]  }
0x42b: {  	v32 =	vld [tilespmem:$0x4820]  }
0x42c: {  	v9 =	vld [tilespmem:$0x4D20]  }
0x42d: {  	v48 =	vld [tilespmem:$0x4E20]  }
0x42e: {  	v49 =	vld [tilespmem:$0x4F20]  }
0x42f: {  	[tilespmem:$0x1F250] =	vst v4;
	v4 =	vld [tilespmem:$0x4F10]  }
0x430: {  	v36 =	vld [tilespmem:$0x4920]  }
0x431: {  	v46 =	vld [tilespmem:$0x4A20];
	[tilespmem:$0x1F260] =	vst v9  }
0x432: {  	v56 =	vld [tilespmem:$0x4B20];
	[tilespmem:$0x1F280] =	vst v48  }
0x433: {  	v62 =	vld [tilespmem:$0x4C20];
	[tilespmem:$0x1F290] =	vst v49  }
0x434: {  	[tilespmem:$0x1F270] =	vst v4;
	v4 =	vld [tilespmem:$0x4120]  }
0x435: {  	v21 =	vld [tilespmem:$0x4030]  }
0x436: {  	v18 =	vld [tilespmem:$0x4130]  }
0x437: {  	v27 =	vld [tilespmem:$0x4230]  }
0x438: {  	v34 =	vld [tilespmem:$0x4330]  }
0x439: {  	v43 =	vld [tilespmem:$0x4430]  }
0x43a: {  	v51 =	vld [tilespmem:$0x4530]  }
0x43b: {  	v59 =	vld [tilespmem:$0x4630]  }
0x43c: {  	v50 =	vld [tilespmem:$0x4730]  }
0x43d: {  	v52 =	vld [tilespmem:$0x4830]  }
0x43e: {  	v53 =	vld [tilespmem:$0x4930]  }
0x43f: {  	v57 =	vld [tilespmem:$0x4A30]  }
0x440: {  	v58 =	vld [tilespmem:$0x4B30]  }
0x441: {  	v60 =	vld [tilespmem:$0x4C30]  }
0x442: {  	v61 =	vld [tilespmem:$0x4D30]  }
0x443: {  	v63 =	vld [tilespmem:$0x4E30]  }
0x444: {  	v14 =	vld [tilespmem:$0x4F30]  }
0x445: {  	v41 =	vld [tilespmem:$0x4040]  }
0x446: {  	v40 =	vld [tilespmem:$0x4140]  }
0x447: {  	v47 =	vld [tilespmem:$0x4240]  }
0x448: {  	v15 =	vld [tilespmem:$0x4540]  }
0x449: {  	v28 =	vld [tilespmem:$0x4640]  }
0x44a: {  	v33 =	vld [tilespmem:$0x4740]  }
0x44b: {  	v38 =	vld [tilespmem:$0x4840]  }
0x44c: {  	v39 =	vld [tilespmem:$0x4940]  }
0x44d: {  	v42 =	vld [tilespmem:$0x4A40]  }
0x44e: {  	v16 =	vadd.s32 v19, v16;
	v48 =	vld [tilespmem:$0x4B40]  }
0x44f: {  	v16 =	vadd.s32 v16, v20;
	v49 =	vld [tilespmem:$0x4C40]  }
0x450: {  	v16 =	vadd.s32 v16, v22;
	v9 =	vld [tilespmem:$0x4150]  }
0x451: {  	v16 =	vadd.s32 v16, v24;
	v22 =	vld [tilespmem:$0x45A0]  }
0x452: {  	v16 =	vadd.s32 v16, v26;
	v24 =	vld [tilespmem:$0x46A0]  }
0x453: {  	v16 =	vadd.s32 v16, v29;
	v26 =	vld [tilespmem:$0x47A0]  }
0x454: {  	v16 =	vadd.s32 v16, v31;
	v29 =	vld [tilespmem:$0x48A0]  }
0x455: {  	v31 =	vadd.s32 v16, v37;
	v37 =	vld [tilespmem:$0x4BA0]  }
0x456: {  	v10 =	vadd.s32 v12, v10;
	v12 =	vld [tilespmem:$0x4DA0]  }
0x457: {  	v10 =	vadd.s32 v10, v13;
	v13 =	vld [tilespmem:$0x1F1B0]  }
0x458: {  	v16 =	vld [tilespmem:$0x4EA0]  }
0x459: {  	v19 =	vld [tilespmem:$0x1F1C0]  }
0x45a: {  	v20 =	vld [tilespmem:$0x1F1D0]  }
0x45b: {  	v10 =	vadd.s32 v10, v23;
	v23 =	vld [tilespmem:$0x1F1F0]  }
0x45c: {  	v4 =	vadd.s32 v5, v4;
	v5 =	vld [tilespmem:$0x4AA0]  }
0x45d: {  	[tilespmem:$0x1F2B0] =	vst v52;
	v52 =	vld [tilespmem:$0x4340]  }
0x45e: {  	[tilespmem:$0x1F340] =	vst v63;
	v63 =	vld [tilespmem:$0x4440]  }
0x45f: {  	[tilespmem:$0x1F2A0] =	vst v50;
	v50 =	vld [tilespmem:$0x4D40]  }
0x460: {  	[tilespmem:$0x1F2C0] =	vst v53;
	v53 =	vld [tilespmem:$0x4E40]  }
0x461: {  	[tilespmem:$0x1F2D0] =	vst v57;
	v57 =	vld [tilespmem:$0x4F40]  }
0x462: {  	[tilespmem:$0x1F360] =	vst v14;
	v14 =	vld [tilespmem:$0x4050]  }
0x463: {  	[tilespmem:$0x1F2F0] =	vst v15;
	v15 =	vld [tilespmem:$0x4250]  }
0x464: {  	[tilespmem:$0x1F310] =	vst v28;
	v28 =	vld [tilespmem:$0x4350]  }
0x465: {  	[tilespmem:$0x1F330] =	vst v33;
	v33 =	vld [tilespmem:$0x4450]  }
0x466: {  	[tilespmem:$0x1F350] =	vst v38;
	v38 =	vld [tilespmem:$0x4550]  }
0x467: {  	[tilespmem:$0x1F3D0] =	vst v49;
	v49 =	vld [tilespmem:$0x4650]  }
0x468: {  	[tilespmem:$0x1F370] =	vst v39;
	v39 =	vld [tilespmem:$0x4850]  }
0x469: {  	[tilespmem:$0x1F2E0] =	vst v58;
	v58 =	vld [tilespmem:$0x4950]  }
0x46a: {  	[tilespmem:$0x1F300] =	vst v60;
	v60 =	vld [tilespmem:$0x4A50]  }
0x46b: {  	[tilespmem:$0x1F320] =	vst v61;
	v61 =	vld [tilespmem:$0x4B50]  }
0x46c: {  	[tilespmem:$0x1F390] =	vst v42;
	v42 =	vld [tilespmem:$0x4C50]  }
0x46d: {  	[tilespmem:$0x1F3B0] =	vst v48;
	v48 =	vld [tilespmem:$0x4D50]  }
0x46e: {  	[tilespmem:$0x1F800] =	vst v22;
	v22 =	vld [tilespmem:$0x1F1E0]  }
0x46f: {  	[tilespmem:$0x1F820] =	vst v24;
	v24 =	vld [tilespmem:$0x1F210]  }
0x470: {  	[tilespmem:$0x1F840] =	vst v26;
	v26 =	vld [tilespmem:$0x1F220]  }
0x471: {  	[tilespmem:$0x1F860] =	vst v29;
	v4 =	vadd.s32 v4, v6;
	v29 =	vld [tilespmem:$0x1F230]  }
0x472: {  	v4 =	vadd.s32 v4, v7;
	v7 =	vld [tilespmem:$0x40B0]  }
0x473: {  	[tilespmem:$0x1F890] =	vst v37;
	v37 =	vadd.s32 v41, v40;
	v40 =	vld [tilespmem:$0x1F2B0]  }
0x474: {  	[tilespmem:$0x1F8B0] =	vst v12;
	v12 =	vld [tilespmem:$0x1F360]  }
0x475: {  	[tilespmem:$0x1F880] =	vst v5;
	v5 =	vadd.s32 v31, v44;
	v44 =	vadd.s32 v10, v30;
	v10 =	vld [tilespmem:$0x1F1A0]  }
0x476: {  	v30 =	vld [tilespmem:$0x1F240]  }
0x477: {  	v31 =	vld [tilespmem:$0x1F250]  }
0x478: {  	[tilespmem:$0x1F460] =	vst v57;
	v57 =	vld [tilespmem:$0x4750]  }
0x479: {  	[tilespmem:$0x1F400] =	vst v50;
	v50 =	vld [tilespmem:$0x4E50]  }
0x47a: {  	[tilespmem:$0x1F430] =	vst v53;
	v53 =	vld [tilespmem:$0x4F50]  }
0x47b: {  	[tilespmem:$0x1F3C0] =	vst v60;
	v60 =	vld [tilespmem:$0x4260]  }
0x47c: {  	[tilespmem:$0x1F3A0] =	vst v58;
	v58 =	vld [tilespmem:$0x4360]  }
0x47d: {  	[tilespmem:$0x1F3E0] =	vst v61;
	v61 =	vld [tilespmem:$0x4460]  }
0x47e: {  	[tilespmem:$0x1F410] =	vst v42;
	v42 =	vld [tilespmem:$0x4560]  }
0x47f: {  	[tilespmem:$0x1F440] =	vst v48;
	v48 =	vld [tilespmem:$0x4660]  }
0x480: {  	[tilespmem:$0x1F380] =	vst v39;
	v39 =	vld [tilespmem:$0x4180]  }
0x481: {  	v4 =	vadd.s32 v4, v8;
	v5 =	vadd.s32 v5, v54;
	v54 =	vld [tilespmem:$0x4CA0]  }
0x482: {  	v4 =	vadd.s32 v4, v11;
	v6 =	vadd.s32 v44, v35;
	v35 =	vld [tilespmem:$0x1F290]  }
0x483: {  	v4 =	vadd.s32 v4, v17;
	v44 =	vld [tilespmem:$0x1F2D0]  }
0x484: {  	v4 =	vadd.s32 v4, v25;
	v25 =	vadd.s32 v21, v18;
	v21 =	vld [tilespmem:$0x4DB0]  }
0x485: {  	v41 =	vadd.s32 v14, v9;
	v9 =	vld [tilespmem:$0x4FB0]  }
0x486: {  	v14 =	vld [tilespmem:$0x1F370]  }
0x487: {  	[tilespmem:$0x1F420] =	vst v61;
	v61 =	vld [tilespmem:$0x4860]  }
0x488: {  	v18 =	vld [tilespmem:$0x1F390]  }
0x489: {  	v4 =	vadd.s32 v4, v32;
	v32 =	vld [tilespmem:$0x1F260]  }
0x48a: {  	v6 =	vadd.s32 v6, v45;
	v45 =	vld [tilespmem:$0x1F2E0]  }
0x48b: {  	v8 =	vadd.s32 v41, v15;
	v15 =	vld [tilespmem:$0x1F380]  }
0x48c: {  	[tilespmem:$0x1F4D0] =	vst v61;
	v61 =	vld [tilespmem:$0x4C60]  }
0x48d: {  	v6 =	vadd.s32 v6, v55;
	v55 =	vld [tilespmem:$0x4FA0]  }
0x48e: {  	v4 =	vadd.s32 v4, v36;
	v36 =	vld [tilespmem:$0x1F2A0]  }
0x48f: {  	v6 =	vadd.s32 v6, v22;
	v22 =	vld [tilespmem:$0x43B0]  }
0x490: {  	v8 =	vadd.s32 v8, v28;
	v4 =	vadd.s32 v4, v46;
	v46 =	vld [tilespmem:$0x1F2F0]  }
0x491: {  	v8 =	vadd.s32 v8, v33;
	[tilespmem:$0x1F560] =	vst v61;
	v61 =	vld [tilespmem:$0x4070]  }
0x492: {  	v8 =	vadd.s32 v8, v38;
	v38 =	vld [tilespmem:$0x1F3D0]  }
0x493: {  	[tilespmem:$0x1F490] =	vst v53;
	v53 =	vld [tilespmem:$0x4060]  }
0x494: {  	[tilespmem:$0x1F470] =	vst v50;
	v50 =	vld [tilespmem:$0x4160]  }
0x495: {  	[tilespmem:$0x1F3F0] =	vst v58;
	v58 =	vld [tilespmem:$0x4760]  }
0x496: {  	[tilespmem:$0x1F4B0] =	vst v61;
	v61 =	vld [tilespmem:$0x4470]  }
0x497: {  	[tilespmem:$0x1F450] =	vst v42;
	v42 =	vld [tilespmem:$0x4960]  }
0x498: {  	v5 =	vadd.s32 v5, v10;
	[tilespmem:$0x1F480] =	vst v48;
	v48 =	vld [tilespmem:$0x4A60]  }
0x499: {  	v5 =	vadd.s32 v5, v13;
	v13 =	vld [tilespmem:$0x41B0]  }
0x49a: {  	[tilespmem:$0x1F8A0] =	vst v54;
	v54 =	vld [tilespmem:$0x1F330]  }
0x49b: {  	[tilespmem:$0x1F520] =	vst v61;
	v61 =	vld [tilespmem:$0x4870]  }
0x49c: {  	v4 =	vadd.s32 v4, v56;
	v56 =	vadd.s32 v8, v49;
	v8 =	vld [tilespmem:$0x4EB0]  }
0x49d: {  	v4 =	vadd.s32 v4, v62;
	v62 =	vld [tilespmem:$0x1F350]  }
0x49e: {  	v4 =	vadd.s32 v4, v32;
	v32 =	vld [tilespmem:$0x4BB0]  }
0x49f: {  	v5 =	vadd.s32 v5, v19;
	v19 =	vld [tilespmem:$0x1F3A0]  }
0x4a0: {  	[tilespmem:$0x1F5D0] =	vst v61;
	v61 =	vld [tilespmem:$0x4C70]  }
0x4a1: {  	v41 =	vld [tilespmem:$0x1F3F0]  }
0x4a2: {  	v49 =	vld [tilespmem:$0x1F450]  }
0x4a3: {  	v5 =	vadd.s32 v5, v20;
	v20 =	vld [tilespmem:$0x42B0]  }
0x4a4: {  	[tilespmem:$0x1F8C0] =	vst v16;
	v16 =	vadd.s32 v5, v23;
	v5 =	vld [tilespmem:$0x1F200]  }
0x4a5: {  	[tilespmem:$0x1F690] =	vst v61;
	v61 =	vld [tilespmem:$0x4480]  }
0x4a6: {  	v23 =	vld [tilespmem:$0x44B0]  }
0x4a7: {  	[tilespmem:$0x1F4A0] =	vst v58;
	v58 =	vld [tilespmem:$0x4B60]  }
0x4a8: {  	[tilespmem:$0x1F4F0] =	vst v42;
	v42 =	vld [tilespmem:$0x4D60]  }
0x4a9: {  	[tilespmem:$0x1F510] =	vst v48;
	v48 =	vld [tilespmem:$0x4E60]  }
0x4aa: {  	[tilespmem:$0x1F550] =	vst v61;
	v61 =	vld [tilespmem:$0x4580]  }
0x4ab: {  	v28 =	vadd.s32 v53, v50;
	v50 =	vld [tilespmem:$0x1F460]  }
0x4ac: {  	v53 =	vld [tilespmem:$0x1F490];
	v11 =	vadd.s32 v28, v60  }
0x4ad: {  	v7 =	vadd.s32 v7, v13;
	v11 =	vadd.s32 v11, v41;
	v41 =	vld [tilespmem:$0x46C0]  }
0x4ae: {  	v7 =	vadd.s32 v7, v20;
	v20 =	vld [tilespmem:$0x48D0]  }
0x4af: {  	[tilespmem:$0x1F580] =	vst v61;
	v61 =	vld [tilespmem:$0x4680]  }
0x4b0: {  	v5 =	vadd.s32 v6, v5;
	v6 =	vadd.s32 v25, v27;
	v25 =	vld [tilespmem:$0x46B0]  }
0x4b1: {  	v27 =	vld [tilespmem:$0x48B0]  }
0x4b2: {  	v7 =	vadd.s32 v7, v22;
	v22 =	vld [tilespmem:$0x49D0]  }
0x4b3: {  	v5 =	vadd.s32 v5, v24;
	v24 =	vld [tilespmem:$0x45B0]  }
0x4b4: {  	[tilespmem:$0x1F5B0] =	vst v61;
	v61 =	vld [tilespmem:$0x4780]  }
0x4b5: {  	v6 =	vadd.s32 v6, v34;
	v34 =	vld [tilespmem:$0x1F270]  }
0x4b6: {  	v7 =	vadd.s32 v7, v23;
	v23 =	vld [tilespmem:$0x4AD0]  }
0x4b7: {  	[tilespmem:$0x1F530] =	vst v58;
	v58 =	vld [tilespmem:$0x4F60]  }
0x4b8: {  	[tilespmem:$0x1F590] =	vst v42;
	v42 =	vld [tilespmem:$0x4170]  }
0x4b9: {  	[tilespmem:$0x1F5E0] =	vst v61;
	v61 =	vld [tilespmem:$0x4880]  }
0x4ba: {  	[tilespmem:$0x1F5C0] =	vst v48;
	v48 =	vld [tilespmem:$0x4270]  }
0x4bb: {  	v5 =	vadd.s32 v5, v26;
	v26 =	vld [tilespmem:$0x47B0]  }
0x4bc: {  	v6 =	vadd.s32 v6, v43;
	v43 =	vld [tilespmem:$0x1F2C0]  }
0x4bd: {  	v5 =	vadd.s32 v5, v29;
	v29 =	vld [tilespmem:$0x49B0]  }
0x4be: {  	[tilespmem:$0x1F610] =	vst v61;
	v61 =	vld [tilespmem:$0x4980]  }
0x4bf: {  	v6 =	vadd.s32 v6, v51;
	v51 =	vld [tilespmem:$0x1F310]  }
0x4c0: {  	v33 =	vld [tilespmem:$0x1F530]  }
0x4c1: {  	v5 =	vadd.s32 v5, v30;
	v30 =	vld [tilespmem:$0x4CB0]  }
0x4c2: {  	v5 =	vadd.s32 v5, v31;
	v31 =	vld [tilespmem:$0x4AB0]  }
0x4c3: {  	[tilespmem:$0x1F630] =	vst v61;
	v61 =	vld [tilespmem:$0x4A80]  }
0x4c4: {  	v17 =	vadd.s32 v5, v34;
	v5 =	vld [tilespmem:$0x1F280]  }
0x4c5: {  	v34 =	vld [tilespmem:$0x40C0]  }
0x4c6: {  	v7 =	vadd.s32 v7, v24;
	v24 =	vld [tilespmem:$0x4BD0]  }
0x4c7: {  	[tilespmem:$0x1F5F0] =	vst v58;
	v58 =	vld [tilespmem:$0x4370]  }
0x4c8: {  	[tilespmem:$0x1F670] =	vst v61;
	v61 =	vld [tilespmem:$0x4B80]  }
0x4c9: {  	[tilespmem:$0x1F4C0] =	vst v42;
	v42 =	vld [tilespmem:$0x4570]  }
0x4ca: {  	[tilespmem:$0x1F4E0] =	vst v48;
	v48 =	vld [tilespmem:$0x4670]  }
0x4cb: {  	v7 =	vadd.s32 v7, v25;
	v25 =	vld [tilespmem:$0x4CD0]  }
0x4cc: {  	v60 =	vld [tilespmem:$0x1F4E0]  }
0x4cd: {  	[tilespmem:$0x1F6A0] =	vst v61;
	v61 =	vld [tilespmem:$0x4C80]  }
0x4ce: {  	v7 =	vadd.s32 v7, v26;
	v26 =	vld [tilespmem:$0x4DD0]  }
0x4cf: {  	v7 =	vadd.s32 v7, v27;
	v27 =	vld [tilespmem:$0x4ED0]  }
0x4d0: {  	v4 =	vadd.s32 v4, v5;
	v5 =	vadd.s32 v6, v59;
	v6 =	vadd.s32 v37, v47;
	v47 =	vld [tilespmem:$0x1F300]  }
0x4d1: {  	v59 =	vld [tilespmem:$0x1F340]  }
0x4d2: {  	[tilespmem:$0x1F6D0] =	vst v61;
	v61 =	vld [tilespmem:$0x4D80]  }
0x4d3: {  	v7 =	vadd.s32 v7, v29;
	v37 =	vld [tilespmem:$0x1F3C0]  }
0x4d4: {  	v7 =	vadd.s32 v7, v31;
	v31 =	vld [tilespmem:$0x40E0]  }
0x4d5: {  	[tilespmem:$0x1F500] =	vst v58;
	v58 =	vld [tilespmem:$0x4770]  }
0x4d6: {  	[tilespmem:$0x1F540] =	vst v42;
	v42 =	vld [tilespmem:$0x4970]  }
0x4d7: {  	[tilespmem:$0x1F700] =	vst v61;
	v61 =	vld [tilespmem:$0x4E80]  }
0x4d8: {  	[tilespmem:$0x1F570] =	vst v48;
	v48 =	vld [tilespmem:$0x4A70]  }
0x4d9: {  	v6 =	vadd.s32 v6, v52;
	v52 =	vld [tilespmem:$0x1F320]  }
0x4da: {  	v4 =	vadd.s32 v4, v35;
	v35 =	vld [tilespmem:$0x41C0]  }
0x4db: {  	v5 =	vadd.s32 v5, v36;
	v36 =	vld [tilespmem:$0x1F3B0]  }
0x4dc: {  	[tilespmem:$0x1F730] =	vst v61;
	v61 =	vld [tilespmem:$0x4F80]  }
0x4dd: {  	v5 =	vadd.s32 v5, v40;
	v40 =	vld [tilespmem:$0x1F3E0]  }
0x4de: {  	v6 =	vadd.s32 v6, v63;
	v63 =	vadd.s32 v56, v57;
	v56 =	vld [tilespmem:$0x1F4B0]  }
0x4df: {  	v57 =	vld [tilespmem:$0x1F4C0]  }
0x4e0: {  	v28 =	vld [tilespmem:$0x1F520]  }
0x4e1: {  	[tilespmem:$0x1F750] =	vst v61;
	v61 =	vld [tilespmem:$0x4090]  }
0x4e2: {  	v5 =	vadd.s32 v5, v43;
	v43 =	vld [tilespmem:$0x1F400]  }
0x4e3: {  	v6 =	vadd.s32 v6, v46;
	v46 =	vld [tilespmem:$0x1F430]  }
0x4e4: {  	v10 =	vadd.s32 v63, v15;
	v63 =	vld [tilespmem:$0x1F4F0]  }
0x4e5: {  	v5 =	vadd.s32 v5, v44;
	v44 =	vld [tilespmem:$0x1F410]  }
0x4e6: {  	[tilespmem:$0x1F640] =	vst v61;
	v61 =	vld [tilespmem:$0x4190]  }
0x4e7: {  	v6 =	vadd.s32 v6, v51;
	v51 =	vld [tilespmem:$0x1F470]  }
0x4e8: {  	v10 =	vadd.s32 v10, v19;
	v19 =	vld [tilespmem:$0x1F510]  }
0x4e9: {  	v10 =	vadd.s32 v10, v37;
	v37 =	vld [tilespmem:$0x43C0]  }
0x4ea: {  	v5 =	vadd.s32 v5, v45;
	v45 =	vld [tilespmem:$0x1F420]  }
0x4eb: {  	[tilespmem:$0x1F650] =	vst v61;
	v61 =	vld [tilespmem:$0x4290]  }
0x4ec: {  	v6 =	vadd.s32 v6, v54;
	v54 =	vld [tilespmem:$0x1F4A0]  }
0x4ed: {  	[tilespmem:$0x1F5A0] =	vst v58;
	v58 =	vld [tilespmem:$0x4B70]  }
0x4ee: {  	[tilespmem:$0x1F600] =	vst v42;
	v42 =	vld [tilespmem:$0x4D70]  }
0x4ef: {  	[tilespmem:$0x1F620] =	vst v48;
	v48 =	vld [tilespmem:$0x4E70]  }
0x4f0: {  	[tilespmem:$0x1F680] =	vst v61;
	v61 =	vld [tilespmem:$0x4390]  }
0x4f1: {  	v5 =	vadd.s32 v5, v47;
	v47 =	vld [tilespmem:$0x1F440]  }
0x4f2: {  	v10 =	vadd.s32 v10, v40;
	v40 =	vld [tilespmem:$0x45C0]  }
0x4f3: {  	v5 =	vadd.s32 v5, v52;
	v52 =	vld [tilespmem:$0x1F480]  }
0x4f4: {  	v6 =	vadd.s32 v6, v62;
	v5 =	vadd.s32 v5, v59;
	v59 =	vld [tilespmem:$0x1F4D0]  }
0x4f5: {  	v6 =	vadd.s32 v6, v14;
	[tilespmem:$0x1F6B0] =	vst v61;
	v61 =	vld [tilespmem:$0x4490]  }
0x4f6: {  	v6 =	vadd.s32 v6, v18;
	v18 =	vld [tilespmem:$0x1F500]  }
0x4f7: {  	v6 =	vadd.s32 v6, v36;
	v36 =	vld [tilespmem:$0x42C0]  }
0x4f8: {  	v10 =	vadd.s32 v10, v44;
	v44 =	vld [tilespmem:$0x4AC0]  }
0x4f9: {  	v6 =	vadd.s32 v6, v38;
	v38 =	vld [tilespmem:$0x44C0]  }
0x4fa: {  	[tilespmem:$0x1F6E0] =	vst v61;
	v61 =	vld [tilespmem:$0x4590]  }
0x4fb: {  	v11 =	vadd.s32 v11, v45;
	v45 =	vld [tilespmem:$0x1F540]  }
0x4fc: {  	[tilespmem:$0x1F660] =	vst v58;
	v58 =	vld [tilespmem:$0x4F70]  }
0x4fd: {  	[tilespmem:$0x1F6C0] =	vst v42;
	v42 =	vld [tilespmem:$0x4080]  }
0x4fe: {  	[tilespmem:$0x1F6F0] =	vst v48;
	v48 =	vld [tilespmem:$0x4280]  }
0x4ff: {  	[tilespmem:$0x1F710] =	vst v61;
	v61 =	vld [tilespmem:$0x4690]  }
0x500: {  	v6 =	vadd.s32 v6, v43;
	v43 =	vld [tilespmem:$0x47C0]  }
0x501: {  	v10 =	vadd.s32 v10, v47;
	v47 =	vld [tilespmem:$0x1F560];
	v6 =	vadd.s32 v6, v46  }
0x502: {  	v5 =	vadd.s32 v5, v12;
	v12 =	vadd.s32 v11, v49;
	v11 =	vadd.s32 v6, v50;
	v50 =	vld [tilespmem:$0x1F590]  }
0x503: {  	v6 =	vadd.s32 v10, v51;
	v51 =	vld [tilespmem:$0x1F5A0]  }
0x504: {  	[tilespmem:$0x1F740] =	vst v61;
	v61 =	vld [tilespmem:$0x4790]  }
0x505: {  	v12 =	vadd.s32 v12, v52;
	v10 =	vadd.s32 v6, v53;
	v53 =	vld [tilespmem:$0x1F5C0]  }
0x506: {  	v6 =	vadd.s32 v12, v54;
	v54 =	vld [tilespmem:$0x1F5D0]  }
0x507: {  	v12 =	vadd.s32 v56, v57;
	v57 =	vld [tilespmem:$0x1F5F0]  }
0x508: {  	v12 =	vadd.s32 v12, v60;
	v60 =	vld [tilespmem:$0x1F620]  }
0x509: {  	[tilespmem:$0x1F760] =	vst v61;
	v61 =	vld [tilespmem:$0x4890]  }
0x50a: {  	[tilespmem:$0x1F720] =	vst v58;
	v58 =	vld [tilespmem:$0x4380]  }
0x50b: {  	v62 =	vadd.s32 v42, v39;
	v39 =	vld [tilespmem:$0x48C0]  }
0x50c: {  	v42 =	vld [tilespmem:$0x49C0]  }
0x50d: {  	v12 =	vadd.s32 v12, v18;
	v18 =	vld [tilespmem:$0x4DC0]  }
0x50e: {  	[tilespmem:$0x1F790] =	vst v61;
	v61 =	vld [tilespmem:$0x4990]  }
0x50f: {  	v46 =	vld [tilespmem:$0x1F550]  }
0x510: {  	v6 =	vadd.s32 v6, v59;
	v14 =	vadd.s32 v62, v48;
	v48 =	vld [tilespmem:$0x1F570]  }
0x511: {  	v6 =	vadd.s32 v6, v63;
	v12 =	vadd.s32 v12, v28;
	v28 =	vld [tilespmem:$0x4CC0]  }
0x512: {  	v6 =	vadd.s32 v6, v19;
	v19 =	vld [tilespmem:$0x4EC0]  }
0x513: {  	[tilespmem:$0x1F7B0] =	vst v61;
	v61 =	vld [tilespmem:$0x4A90]  }
0x514: {  	v6 =	vadd.s32 v6, v33;
	v33 =	vld [tilespmem:$0x4BC0]  }
0x515: {  	v6 =	vadd.s32 v6, v47;
	v47 =	vld [tilespmem:$0x41D0]  }
0x516: {  	v49 =	vld [tilespmem:$0x1F580]  }
0x517: {  	v14 =	vadd.s32 v14, v58;
	v58 =	vld [tilespmem:$0x1F600]  }
0x518: {  	[tilespmem:$0x1F7D0] =	vst v61;
	v61 =	vld [tilespmem:$0x4B90]  }
0x519: {  	v12 =	vadd.s32 v12, v45;
	v14 =	vadd.s32 v14, v46;
	v46 =	vld [tilespmem:$0x40D0]  }
0x51a: {  	v6 =	vadd.s32 v6, v50;
	v12 =	vadd.s32 v12, v48;
	v52 =	vld [tilespmem:$0x1F5B0]  }
0x51b: {  	v6 =	vadd.s32 v6, v53;
	v12 =	vadd.s32 v12, v51;
	v14 =	vadd.s32 v14, v49;
	v49 =	vld [tilespmem:$0x1F660]  }
0x51c: {  	v15 =	vadd.s32 v12, v54;
	v12 =	vadd.s32 v6, v57;
	v6 =	vld [tilespmem:$0x4FC0]  }
0x51d: {  	[tilespmem:$0x1F7F0] =	vst v61;
	v61 =	vld [tilespmem:$0x4C90]  }
0x51e: {  	v15 =	vadd.s32 v15, v58;
	v56 =	vld [tilespmem:$0x1F5E0]  }
0x51f: {  	v15 =	vadd.s32 v15, v60;
	v14 =	vadd.s32 v14, v52;
	v52 =	vld [tilespmem:$0x1F690]  }
0x520: {  	v15 =	vadd.s32 v15, v49;
	v49 =	vld [tilespmem:$0x43D0]  }
0x521: {  	v59 =	vld [tilespmem:$0x1F610]  }
0x522: {  	[tilespmem:$0x1F810] =	vst v61;
	v61 =	vld [tilespmem:$0x4D90]  }
0x523: {  	v62 =	vld [tilespmem:$0x1F630]  }
0x524: {  	v50 =	vld [tilespmem:$0x1F670]  }
0x525: {  	v14 =	vadd.s32 v14, v56;
	v56 =	vld [tilespmem:$0x1F6C0]  }
0x526: {  	v53 =	vld [tilespmem:$0x1F6A0]  }
0x527: {  	v14 =	vadd.s32 v14, v59;
	[tilespmem:$0x1F830] =	vst v61;
	v61 =	vld [tilespmem:$0x4E90]  }
0x528: {  	v59 =	vld [tilespmem:$0x1F6F0];
	v14 =	vadd.s32 v14, v62  }
0x529: {  	v14 =	vadd.s32 v14, v50;
	v50 =	vld [tilespmem:$0x44D0]  }
0x52a: {  	v57 =	vld [tilespmem:$0x1F6D0]  }
0x52b: {  	v14 =	vadd.s32 v14, v53;
	v53 =	vld [tilespmem:$0x46D0]  }
0x52c: {  	[tilespmem:$0x1F850] =	vst v61;
	v61 =	vld [tilespmem:$0x4F90]  }
0x52d: {  	v60 =	vld [tilespmem:$0x1F700]  }
0x52e: {  	v63 =	vld [tilespmem:$0x1F640]  }
0x52f: {  	v48 =	vld [tilespmem:$0x1F650]  }
0x530: {  	v51 =	vld [tilespmem:$0x1F680]  }
0x531: {  	[tilespmem:$0x1F870] =	vst v61;
	v61 =	vld [tilespmem:$0x40A0]  }
0x532: {  	v54 =	vld [tilespmem:$0x1F6B0]  }
0x533: {  	v14 =	vadd.s32 v14, v57;
	v57 =	vld [tilespmem:$0x1F750]  }
0x534: {  	v45 =	vadd.s32 v63, v48;
	v48 =	vld [tilespmem:$0x42D0]  }
0x535: {  	v58 =	vld [tilespmem:$0x1F6E0]  }
0x536: {  	v45 =	vadd.s32 v45, v51;
	[tilespmem:$0x1F770] =	vst v61;
	v61 =	vld [tilespmem:$0x41A0]  }
0x537: {  	v45 =	vadd.s32 v45, v54;
	v54 =	vld [tilespmem:$0x1F730]  }
0x538: {  	v62 =	vld [tilespmem:$0x1F710]  }
0x539: {  	v15 =	vadd.s32 v15, v52;
	v63 =	vld [tilespmem:$0x1F720]  }
0x53a: {  	v15 =	vadd.s32 v15, v56;
	v56 =	vld [tilespmem:$0x1F740]  }
0x53b: {  	[tilespmem:$0x1F780] =	vst v61;
	v61 =	vld [tilespmem:$0x42A0]  }
0x53c: {  	v14 =	vadd.s32 v14, v60;
	v45 =	vadd.s32 v45, v58;
	v58 =	vld [tilespmem:$0x1F760]  }
0x53d: {  	v14 =	vadd.s32 v14, v54;
	v45 =	vadd.s32 v45, v62;
	v62 =	vld [tilespmem:$0x1F790]  }
0x53e: {  	v14 =	vadd.s32 v14, v57;
	v57 =	vld [tilespmem:$0x1F7B0]  }
0x53f: {  	v51 =	vld [tilespmem:$0x45D0]  }
0x540: {  	v45 =	vadd.s32 v45, v56;
	[tilespmem:$0x1F7A0] =	vst v61;
	v61 =	vld [tilespmem:$0x43A0]  }
0x541: {  	v15 =	vadd.s32 v15, v59;
	v45 =	vadd.s32 v45, v58;
	v59 =	vld [tilespmem:$0x1F770]  }
0x542: {  	v45 =	vadd.s32 v45, v62;
	v60 =	vld [tilespmem:$0x1F780]  }
0x543: {  	v13 =	vadd.s32 v45, v57;
	v57 =	vld [tilespmem:$0x1F820]  }
0x544: {  	v15 =	vadd.s32 v15, v63;
	v63 =	vld [tilespmem:$0x1F7A0]  }
0x545: {  	[tilespmem:$0x1F7C0] =	vst v61;
	v61 =	vld [tilespmem:$0x44A0]  }
0x546: {  	v62 =	vld [tilespmem:$0x1F7F0]  }
0x547: {  	v52 =	vadd.s32 v59, v60;
	v59 =	vld [tilespmem:$0x1F7D0]  }
0x548: {  	v56 =	vld [tilespmem:$0x1F810]  }
0x549: {  	v58 =	vld [tilespmem:$0x1F7C0]  }
0x54a: {  	v52 =	vadd.s32 v52, v63;
	v63 =	vld [tilespmem:$0x1F800];
	[tilespmem:$0x1F7E0] =	vst v61  }
0x54b: {  	v60 =	vld [tilespmem:$0x1F7E0]  }
0x54c: {  	v13 =	vadd.s32 v13, v59;
	v59 =	vld [tilespmem:$0x1F840]  }
0x54d: {  	v13 =	vadd.s32 v13, v62;
	v62 =	vld [tilespmem:$0x1F860]  }
0x54e: {  	v45 =	vadd.s32 v52, v58;
	v58 =	vld [tilespmem:$0x1F830]  }
0x54f: {  	v61 =	vld [tilespmem:$0x49A0]  }
0x550: {  	v45 =	vadd.s32 v45, v60;
	v60 =	vld [tilespmem:$0x1F850]  }
0x551: {  	v45 =	vadd.s32 v45, v63;
	v63 =	vld [tilespmem:$0x1F870]  }
0x552: {  	v13 =	vadd.s32 v13, v56;
	v56 =	vld [tilespmem:$0x1F880];
	v45 =	vadd.s32 v45, v57  }
0x553: {  	v13 =	vadd.s32 v13, v58;
	v58 =	vld [tilespmem:$0x1F890];
	v45 =	vadd.s32 v45, v59  }
0x554: {  	v59 =	vld [tilespmem:$0x1F8A0];
	v45 =	vadd.s32 v45, v62  }
0x555: {  	v13 =	vadd.s32 v13, v60;
	v45 =	vadd.s32 v45, v61;
	v61 =	vld [tilespmem:$0x1F8B0]  }
0x556: {  	(xrf0) =	vadd.scan.msk.s32 $0xffff, v16;
	v7 =	vadd.s32 v7, v32;
	v13 =	vadd.s32 v13, v63;
	v63 =	vld [tilespmem:$0x1F8C0]  }
0x557: {  	v7 =	vadd.s32 v7, v30;
	v54 =	vld [tilespmem:$0x47D0];
	v45 =	vadd.s32 v45, v56  }
0x558: {  	(xrf0) =	vadd.scan.msk.s32 $0xffff, v17;
	v21 =	vadd.s32 v7, v21;
	v57 =	vadd.s32 v34, v35;
	v34 =	vld [tilespmem:$0x4FD0];
	v35 =	vadd.s32 v45, v58  }
0x559: {  	v8 =	vadd.s32 v21, v8;
	v60 =	vld [tilespmem:$0x41E0];
	v35 =	vadd.s32 v35, v59  }
0x55a: {  	v8 =	vadd.s32 v8, v9;
	v62 =	vld [tilespmem:$0x42E0];
	v35 =	vadd.s32 v35, v61  }
0x55b: {  	v29 =	vadd.s32 v57, v36;
	v57 =	vadd.s32 v46, v47;
	v45 =	vld [tilespmem:$0x43E0];
	v35 =	vadd.s32 v35, v63  }
0x55c: {  	(xrf0) =	vadd.scan.msk.s32 $0xffff, v4;
	v29 =	vadd.s32 v29, v37;
	v21 =	vadd.s32 v57, v48;
	v37, _, _ =	vpop (xrf0);
	v7 =	vadd.s32 v35, v55;
	v55 =	vld [tilespmem:$0x44E0]  }
0x55d: {  	(xrf0) =	vadd.scan.msk.s32 $0xffff, v5;
	v29 =	vadd.s32 v29, v38;
	v21 =	vadd.s32 v21, v49;
	(v2sf) =	vpush v37, $0xF;
	v58 =	vld [tilespmem:$0x45E0]  }
0x55e: {  	v38, _, _ =	vpop (xrf0);
	v29 =	vadd.s32 v29, v40;
	v21 =	vadd.s32 v21, v50;
	v59 =	vld [tilespmem:$0x46E0];
	v31 =	vadd.s32 v31, v60  }
0x55f: {  	(xrf0) =	vadd.scan.msk.s32 $0xffff, v11;
	(v2sf) =	vpush v38, $0xF;
	v52 =	vadd.s32 v29, v41;
	v60 =	vld [tilespmem:$0x47E0];
	v30 =	vadd.s32 v31, v62  }
0x560: {  	v21 =	vadd.s32 v21, v51;
	v56 =	vadd.s32 v52, v43;
	v61 =	vld [tilespmem:$0x48E0];
	v30 =	vadd.s32 v30, v45  }
0x561: {  	v21 =	vadd.s32 v21, v53;
	v9 =	vadd.s32 v56, v39;
	v62 =	vld [tilespmem:$0x49E0];
	v29 =	vadd.s32 v30, v55  }
0x562: {  	v39, _, _ =	vpop (xrf0);
	v21 =	vadd.s32 v21, v54;
	v9 =	vadd.s32 v9, v42;
	v63 =	vld [tilespmem:$0x4AE0];
	v29 =	vadd.s32 v29, v58  }
0x563: {  	(v2sf) =	vpush v39, $0xF;
	v40, _, _ =	vpop (xrf0);
	v9 =	vadd.s32 v9, v44;
	v44 =	vld [tilespmem:$0x4BE0];
	v29 =	vadd.s32 v29, v59  }
0x564: {  	(xrf0) =	vadd.scan.msk.s32 $0xffff, v10;
	v20 =	vadd.s32 v21, v20;
	(v2sf) =	vpush v40, $0xF;
	v45 =	vld [tilespmem:$0x4CE0];
	v29 =	vadd.s32 v29, v60  }
0x565: {  	v47 =	vld [tilespmem:$0x4DE0];
	(xrf0) =	vadd.scan.msk.s32 $0xffff, v12;
	v20 =	vadd.s32 v20, v22;
	v21, _, _ =	vpop (xrf0);
	v9 =	vadd.s32 v9, v33;
	v46 =	vadd.s32 v29, v61  }
0x566: {  	v48 =	vld [tilespmem:$0x4EE0];
	(xrf0) =	vadd.scan.msk.s32 $0xffff, v15;
	v20 =	vadd.s32 v20, v23;
	(v2sf) =	vpush v21, $0xF;
	v22 =	vadd.s32 v46, v62  }
0x567: {  	v49 =	vld [tilespmem:$0x4FE0];
	(xrf0) =	vadd.scan.msk.s32 $0xffff, v14;
	v9 =	vadd.s32 v9, v28;
	v20 =	vadd.s32 v20, v24;
	v22 =	vadd.s32 v22, v63  }
0x568: {  	(xrf0) =	vadd.scan.msk.s32 $0xffff, v13;
	v9 =	vadd.s32 v9, v18;
	v50 =	vadd.s32 v20, v25;
	v51 =	vadd.s32 v22, v44  }
0x569: {  	(xrf0) =	vadd.scan.msk.s32 $0xffff, v7;
	v9 =	vadd.s32 v9, v19;
	v18 =	vadd.s32 v50, v26;
	v52 =	vadd.s32 v51, v45  }
0x56a: {  	v56 =	vld [tilespmem:$0x41F0];
	v20, _, _ =	vpop (xrf0);
	(xrf0) =	vadd.scan.msk.s32 $0xffff, v8;
	v6 =	vadd.s32 v9, v6;
	v53 =	vadd.s32 v18, v27;
	v54 =	vadd.s32 v52, v47  }
0x56b: {  	v55 =	vld [tilespmem:$0x40F0];
	(v2sf) =	vpush v20, $0xF;
	v9 =	vadd.s32 v53, v34;
	v22, _, _ =	vpop (xrf0);
	(xrf0) =	vadd.scan.msk.s32 $0xffff, v6;
	v18 =	vadd.s32 v54, v48  }
0x56c: {  	v57 =	vld [tilespmem:$0x42F0];
	(v2sf) =	vpush v22, $0xF;
	v25, _, _ =	vpop (xrf0);
	(xrf0) =	vadd.scan.msk.s32 $0xffff, v9;
	v18 =	vadd.s32 v18, v49  }
0x56d: {  	v58 =	vld [tilespmem:$0x43F0];
	(v2sf) =	vpush v25, $0xF;
	v26, _, _ =	vpop (xrf0);
	(xrf0) =	vadd.scan.msk.s32 $0xffff, v18  }
0x56e: {  	v59 =	vld [tilespmem:$0x44F0];
	v28, _, _ =	vpop (xrf0);
	(v2sf) =	vpush v26, $0xF  }
0x56f: {  	v60 =	vld [tilespmem:$0x45F0];
	v30, _, _ =	vpop (xrf0);
	(v2sf) =	vpush v28, $0xF  }
0x570: {  	v19 =	vadd.s32 v55, v56;
	v62 =	vld [tilespmem:$0x46F0];
	v61, _, _ =	vpop (xrf0);
	(v2sf) =	vpush v30, $0xF  }
0x571: {  	v41 =	vld [tilespmem:$0x47F0];
	v19 =	vadd.s32 v19, v57;
	v63, _, _ =	vpop (xrf0);
	(v2sf) =	vpush v61, $0xF  }
0x572: {  	v43 =	vld [tilespmem:$0x48F0];
	v19 =	vadd.s32 v19, v58;
	v42, _, _ =	vpop (xrf0);
	(v2sf) =	vpush v63, $0xF  }
0x573: {  	v19 =	vadd.s32 v19, v59;
	v45 =	vld [tilespmem:$0x49F0];
	(v2sf) =	vpush v42, $0xF;
	v44, _, _ =	vpop (xrf0)  }
0x574: {  	s0 =	spop (v2sf);
	v46 =	vld [tilespmem:$0x4AF0];
	v19 =	vadd.s32 v19, v60;
	(v2sf) =	vpush v44, $0xF  }
0x575: {  	s1 =	spop (v2sf);
	v19 =	vadd.s32 v19, v62;
	v48 =	vld [tilespmem:$0x4BF0]  }
0x576: {  	v16 =	vsub.s32 v37, v16;
	s0 =	sadd.s32 s0, s1;
	s4 =	spop (v2sf);
	v19 =	vadd.s32 v19, v41;
	v49 =	vld [tilespmem:$0x4CF0]  }
0x577: {  	v50 =	vld [tilespmem:$0x4DF0];
	v4 =	vsub.s32 s0, v4;
	v47 =	vbroadcast v37, $0xF;
	s0 =	sadd.s32 s0, s4;
	v19 =	vadd.s32 v19, v43  }
0x578: {  	[tilespmem:$0x5000] =	vst v16;
	v53 =	vld [tilespmem:$0x4EF0];
	v4 =	vadd.s32 v39, v4;
	s19 =	spop (v2sf);
	v5 =	vsub.s32 s0, v5;
	v52 =	vadd.s32 v19, v45  }
0x579: {  	v55 =	vld [tilespmem:$0x4FF0];
	[tilespmem:$0x5020] =	vst v4;
	s0 =	sadd.s32 s0, s19;
	v17 =	vsub.s32 v47, v17;
	s20 =	spop (v2sf);
	v4 =	vadd.s32 v40, v5;
	v54 =	vadd.s32 v52, v46  }
0x57a: {  	v11 =	vsub.s32 s0, v11;
	v51 =	vadd.s32 v38, v17;
	s0 =	sadd.s32 s0, s20;
	[tilespmem:$0x5030] =	vst v4;
	v5 =	vadd.s32 v54, v48;
	s21 =	spop (v2sf)  }
0x57b: {  	v4 =	vadd.s32 v21, v11;
	[tilespmem:$0x5010] =	vst v51;
	v10 =	vsub.s32 s0, v10;
	v5 =	vadd.s32 v5, v49;
	s0 =	sadd.s32 s0, s21;
	s22 =	spop (v2sf)  }
0x57c: {  	[tilespmem:$0x5040] =	vst v4;
	v4 =	vadd.s32 v20, v10;
	v5 =	vadd.s32 v5, v50;
	v56 =	vsub.s32 s0, v12;
	s0 =	sadd.s32 s0, s22;
	s23 =	spop (v2sf)  }
0x57d: {  	[tilespmem:$0x5050] =	vst v4;
	v4 =	vadd.s32 v22, v56;
	v5 =	vadd.s32 v5, v53;
	v57 =	vsub.s32 s0, v15;
	s0 =	sadd.s32 s0, s23;
	s24 =	spop (v2sf)  }
0x57e: {  	[tilespmem:$0x5060] =	vst v4;
	v5 =	vadd.s32 v5, v55;
	v4 =	vadd.s32 v25, v57;
	v58 =	vsub.s32 s0, v14;
	s0 =	sadd.s32 s0, s24;
	s25 =	spop (v2sf)  }
0x57f: {  	(xrf0) =	vadd.scan.msk.s32 $0xffff, v5;
	[tilespmem:$0x5070] =	vst v4;
	v4 =	vadd.s32 v26, v58;
	v59 =	vsub.s32 s0, v13;
	s0 =	sadd.s32 s0, s25;
	s26 =	spop (v2sf)  }
0x580: {  	[tilespmem:$0x5080] =	vst v4;
	v4 =	vadd.s32 v28, v59;
	v7 =	vsub.s32 s0, v7;
	s0 =	sadd.s32 s0, s26;
	s28 =	spop (v2sf)  }
0x581: {  	[tilespmem:$0x5090] =	vst v4;
	v4 =	vadd.s32 v30, v7;
	v60 =	vsub.s32 s0, v8;
	s0 =	sadd.s32 s0, s28;
	s29 =	spop (v2sf)  }
0x582: {  	[tilespmem:$0x50A0] =	vst v4;
	v4 =	vadd.s32 v61, v60;
	v6 =	vsub.s32 s0, v6;
	s0 =	sadd.s32 s0, s29;
	s30 =	spop (v2sf)  }
0x583: {  	[tilespmem:$0x50B0] =	vst v4;
	v4 =	vadd.s32 v63, v6;
	v61 =	vsub.s32 s0, v9;
	s0 =	sadd.s32 s0, s30;
	s31 =	spop (v2sf)  }
0x584: {  	[tilespmem:$0x50C0] =	vst v4;
	v4 =	vadd.s32 v42, v61;
	v62 =	vsub.s32 s0, v18;
	s0 =	sadd.s32 s0, s31  }
0x585: {  	v63, _, _ =	vpop (xrf0);
	[tilespmem:$0x50D0] =	vst v4;
	v4 =	vadd.s32 v44, v62;
	v5 =	vsub.s32 s0, v5  }
0x586: {  	[tilespmem:$0x50E0] =	vst v4;
	v4 =	vadd.s32 v63, v5  }
0x587: {  	s19 =	simm.s32 $0x0;
	[tilespmem:$0x50F0] =	vst v4  }
.LBB2_61:
0x588: {  	s0 =	sshll.u32 s19, $0x4  }
0x589: {  	v5 =	vld [tilespmem:s0+$0xAC00];
	_ =	sdelay $0x4  }
0x58a: {  	v4 =	vshrl.u32 v5, $0x8  }
0x58b: {  	v4 =	vand.u32 $0xFF, v4  }
0x58c: {  	s31 =	simm.s32 $0xB411;
	v6 =	vld [tilespmem:s0+$0xB000];
	[tilespmem:$0xB410] =	vst v4  }
0x58d: {  	s1 =	simm.s32 $0xF;
	v8 =	vld [tilespmem:s31+$0x0]  }
0x58e: {  	v10 =	vld [tilespmem:s1+$0xB400];
	_ =	sdelay $0x3  }
0x58f: {  	v7 =	vimm.s32 $0x0;
	s20 =	simm.s32 $0xB412;
	v9 =	vimm.s32 $0x0;
	s0 =	simm.s32 $0x38  }
.LBB2_62:
0x590: {  	s1 =	sshra.s32 s0, $0x2;
	p0 =	sne.s32 s0, $0x4;
	s0 =	sadd.s32 $0xFFFFFFFC, s0;
	vm0 =	veq.s32 v10, v4;
	vm1 =	veq.s32 v8, v4;
	v8 =	vld [tilespmem:s20+$0x0]  }
.Ltmp30:
0x591: {  	v10 =	vld [tilespmem:s1+$0xB400];
	v11 =	vsel vm0, $0x1, v1;
	v12 =	vsel vm1, $0x1, v1;
	(pc) =	sbr.rel @p0 .LBB2_62-.Ltmp30, $2  }
0x592: {  	v7 =	vadd.s32 v11, v7;
	v9 =	vadd.s32 v12, v9;
	_ =	sdelay $0x2  }
0x593: {  	s20 =	sadd.s32 $0x1, s20  }
0x594: {  	_ =	sdelay $0x3  }
0x595: {  	v11 =	vld.idx.msk [tilespmem:v4+s12+$0x0], $0xffff;
	_ =	sdelay $0x1  }
0x596: {  	vm0 =	veq.s32 v10, v4  }
0x597: {  	vm1 =	veq.s32 v8, v4;
	v60 =	vsel vm0, $0x1, v1  }
0x598: {  	v61 =	vsel vm1, $0x1, v1;
	v7 =	vadd.s32 v60, v7  }
0x599: {  	v62 =	vadd.s32 v61, v9;
	v63 =	vadd.s32 v7, v11  }
0x59a: {  	s19 =	sadd.s32 $0x1, s19;
	vm15 =	veq.s32 v62, $0x0  }
0x59b: {  	p0 =	sne.s32 s19, $0x40  }
.Ltmp31:
0x59c: {  	_ = 	snop;
	(pc) =	sbr.rel @p0 .LBB2_61-.Ltmp31, $4  }
0x59d: {  	_ = 	snop  }
0x59e: {  	[tilespmem:v63+s15+$0x0] =	vst.idx.msk $0xffff, v5  }
0x59f: {  	v5 =	vadd.s32 $0x1, v7;
	[tilespmem:v63+s16+$0x0] =	vst.idx.msk $0xffff, v6  }
0x5a0: {  	[tilespmem:v4+s12+$0x0] =	vst.idx.add.s32.msk vm15, v5  }
0x5a1: {  	s0 =	simm.s32 $0x40;
	s19 =	simm.s32 $0x0  }
.LBB2_65:
0x5a2: {  	p0 =	sne.s32 s0, $0x3FC0;
	[tilespmem:s19+$0x4000] =	vst v1;
	s1 =	smov.u32 s0;
	s0 =	sadd.s32 $0x40, s0  }
.Ltmp32:
0x5a3: {  	(pc) =	sbr.rel @p0 .LBB2_65-.Ltmp32, $2  }
0x5a4: {  	_ =	sdelay $0x2  }
0x5a5: {  	s19 =	sshra.s32 s1, $0x2  }
0x5a6: {  	[tilespmem:s19+$0x4000] =	vst v1;
	s19 =	simm.s32 $0x0;
	s0 =	simm.s32 $0x40  }
.LBB2_67:
0x5a7: {  	p0 =	sne.s32 s0, $0xFC0;
	v4 =	vld [tilespmem:s19+$0x9B00];
	_ =	sdelay $0x4  }
0x5a8: {  	v4 =	vshrl.u32 v4, $0x10  }
0x5a9: {  	v4 =	vand.u32 $0xFF, v4  }
0x5aa: {  	v4 =	vor.u32 v2, v4  }
.Ltmp33:
0x5ab: {  	(pc) =	sbr.rel @p0 .LBB2_67-.Ltmp33, $2  }
0x5ac: {  	_ =	sdelay $0x2  }
0x5ad: {  	s19 =	sshra.s32 s0, $0x2;
	s0 =	sadd.s32 $0x40, s0;
	[tilespmem:v4+s11+$0x0] =	vst.idx.add.s32.msk $0xffff, v3  }
0x5ae: {  	v4 =	vld [tilespmem:s19+$0x9B00];
	_ =	sdelay $0x4  }
0x5af: {  	v4 =	vshrl.u32 v4, $0x10  }
0x5b0: {  	v4 =	vand.u32 $0xFF, v4  }
0x5b1: {  	v4 =	vor.u32 v2, v4;
	_ =	sdelay $0x4  }
0x5b2: {  	[tilespmem:v4+s11+$0x0] =	vst.idx.add.s32.msk $0xffff, v3  }
0x5b3: {  	v4 =	vld [tilespmem:$0x4B00];
	_ =	sdelay $0x4  }
0x5b4: {  	[tilespmem:$0x1EA70] =	vst v4;
	v4 =	vld [tilespmem:$0x4C00];
	_ =	sdelay $0x4  }
0x5b5: {  	[tilespmem:$0x1EA80] =	vst v4;
	v4 =	vld [tilespmem:$0x4D00];
	_ =	sdelay $0x4  }
0x5b6: {  	[tilespmem:$0x1EA90] =	vst v4;
	v4 =	vld [tilespmem:$0x4E00];
	_ =	sdelay $0x4  }
0x5b7: {  	[tilespmem:$0x1EAA0] =	vst v4;
	v4 =	vld [tilespmem:$0x4F00];
	_ =	sdelay $0x2  }
0x5b8: {  	v19 =	vld [tilespmem:$0x4000]  }
0x5b9: {  	v16 =	vld [tilespmem:$0x4100]  }
0x5ba: {  	[tilespmem:$0x1EAC0] =	vst v4;
	v4 =	vld [tilespmem:$0x4810]  }
0x5bb: {  	v20 =	vld [tilespmem:$0x4200]  }
0x5bc: {  	v22 =	vld [tilespmem:$0x4300]  }
0x5bd: {  	v24 =	vld [tilespmem:$0x4400]  }
0x5be: {  	v26 =	vld [tilespmem:$0x4500]  }
0x5bf: {  	[tilespmem:$0x1EAB0] =	vst v4;
	v4 =	vld [tilespmem:$0x4910]  }
0x5c0: {  	v29 =	vld [tilespmem:$0x4600]  }
0x5c1: {  	v31 =	vld [tilespmem:$0x4700]  }
0x5c2: {  	v37 =	vld [tilespmem:$0x4800]  }
0x5c3: {  	v44 =	vld [tilespmem:$0x4900]  }
0x5c4: {  	[tilespmem:$0x1EAD0] =	vst v4;
	v4 =	vld [tilespmem:$0x4A10]  }
0x5c5: {  	v54 =	vld [tilespmem:$0x4A00]  }
0x5c6: {  	v12 =	vld [tilespmem:$0x4010]  }
0x5c7: {  	v10 =	vld [tilespmem:$0x4110]  }
0x5c8: {  	v13 =	vld [tilespmem:$0x4210]  }
0x5c9: {  	[tilespmem:$0x1EAE0] =	vst v4;
	v4 =	vld [tilespmem:$0x4B10]  }
0x5ca: {  	v23 =	vld [tilespmem:$0x4310]  }
0x5cb: {  	v30 =	vld [tilespmem:$0x4410]  }
0x5cc: {  	v35 =	vld [tilespmem:$0x4510]  }
0x5cd: {  	v45 =	vld [tilespmem:$0x4610]  }
0x5ce: {  	[tilespmem:$0x1EAF0] =	vst v4;
	v4 =	vld [tilespmem:$0x4C10]  }
0x5cf: {  	v55 =	vld [tilespmem:$0x4710]  }
0x5d0: {  	v5 =	vld [tilespmem:$0x4020]  }
0x5d1: {  	v6 =	vld [tilespmem:$0x4220]  }
0x5d2: {  	v7 =	vld [tilespmem:$0x4320]  }
0x5d3: {  	[tilespmem:$0x1EB00] =	vst v4;
	v4 =	vld [tilespmem:$0x4D10]  }
0x5d4: {  	v8 =	vld [tilespmem:$0x4420]  }
0x5d5: {  	v11 =	vld [tilespmem:$0x4520]  }
0x5d6: {  	v17 =	vld [tilespmem:$0x4620]  }
0x5d7: {  	v25 =	vld [tilespmem:$0x4720]  }
0x5d8: {  	[tilespmem:$0x1EB10] =	vst v4;
	v4 =	vld [tilespmem:$0x4E10]  }
0x5d9: {  	v32 =	vld [tilespmem:$0x4820]  }
0x5da: {  	v9 =	vld [tilespmem:$0x4D20]  }
0x5db: {  	v48 =	vld [tilespmem:$0x4E20]  }
0x5dc: {  	v49 =	vld [tilespmem:$0x4F20]  }
0x5dd: {  	[tilespmem:$0x1EB20] =	vst v4;
	v4 =	vld [tilespmem:$0x4F10]  }
0x5de: {  	v36 =	vld [tilespmem:$0x4920]  }
0x5df: {  	v46 =	vld [tilespmem:$0x4A20];
	[tilespmem:$0x1EB30] =	vst v9  }
0x5e0: {  	v56 =	vld [tilespmem:$0x4B20];
	[tilespmem:$0x1EB50] =	vst v48  }
0x5e1: {  	v62 =	vld [tilespmem:$0x4C20];
	[tilespmem:$0x1EB60] =	vst v49  }
0x5e2: {  	[tilespmem:$0x1EB40] =	vst v4;
	v4 =	vld [tilespmem:$0x4120]  }
0x5e3: {  	v21 =	vld [tilespmem:$0x4030]  }
0x5e4: {  	v18 =	vld [tilespmem:$0x4130]  }
0x5e5: {  	v27 =	vld [tilespmem:$0x4230]  }
0x5e6: {  	v34 =	vld [tilespmem:$0x4330]  }
0x5e7: {  	v43 =	vld [tilespmem:$0x4430]  }
0x5e8: {  	v51 =	vld [tilespmem:$0x4530]  }
0x5e9: {  	v59 =	vld [tilespmem:$0x4630]  }
0x5ea: {  	v50 =	vld [tilespmem:$0x4730]  }
0x5eb: {  	v52 =	vld [tilespmem:$0x4830]  }
0x5ec: {  	v53 =	vld [tilespmem:$0x4930]  }
0x5ed: {  	v57 =	vld [tilespmem:$0x4A30]  }
0x5ee: {  	v58 =	vld [tilespmem:$0x4B30]  }
0x5ef: {  	v60 =	vld [tilespmem:$0x4C30]  }
0x5f0: {  	v61 =	vld [tilespmem:$0x4D30]  }
0x5f1: {  	v63 =	vld [tilespmem:$0x4E30]  }
0x5f2: {  	v14 =	vld [tilespmem:$0x4F30]  }
0x5f3: {  	v41 =	vld [tilespmem:$0x4040]  }
0x5f4: {  	v40 =	vld [tilespmem:$0x4140]  }
0x5f5: {  	v47 =	vld [tilespmem:$0x4240]  }
0x5f6: {  	v15 =	vld [tilespmem:$0x4540]  }
0x5f7: {  	v28 =	vld [tilespmem:$0x4640]  }
0x5f8: {  	v33 =	vld [tilespmem:$0x4740]  }
0x5f9: {  	v38 =	vld [tilespmem:$0x4840]  }
0x5fa: {  	v39 =	vld [tilespmem:$0x4940]  }
0x5fb: {  	v42 =	vld [tilespmem:$0x4A40]  }
0x5fc: {  	v16 =	vadd.s32 v19, v16;
	v48 =	vld [tilespmem:$0x4B40]  }
0x5fd: {  	v16 =	vadd.s32 v16, v20;
	v49 =	vld [tilespmem:$0x4C40]  }
0x5fe: {  	v16 =	vadd.s32 v16, v22;
	v9 =	vld [tilespmem:$0x4150]  }
0x5ff: {  	v16 =	vadd.s32 v16, v24;
	v22 =	vld [tilespmem:$0x45A0]  }
0x600: {  	v16 =	vadd.s32 v16, v26;
	v24 =	vld [tilespmem:$0x46A0]  }
0x601: {  	v16 =	vadd.s32 v16, v29;
	v26 =	vld [tilespmem:$0x47A0]  }
0x602: {  	v16 =	vadd.s32 v16, v31;
	v29 =	vld [tilespmem:$0x48A0]  }
0x603: {  	v31 =	vadd.s32 v16, v37;
	v37 =	vld [tilespmem:$0x4BA0]  }
0x604: {  	v10 =	vadd.s32 v12, v10;
	v12 =	vld [tilespmem:$0x4DA0]  }
0x605: {  	v10 =	vadd.s32 v10, v13;
	v13 =	vld [tilespmem:$0x1EA80]  }
0x606: {  	v16 =	vld [tilespmem:$0x4EA0]  }
0x607: {  	v19 =	vld [tilespmem:$0x1EA90]  }
0x608: {  	v20 =	vld [tilespmem:$0x1EAA0]  }
0x609: {  	v10 =	vadd.s32 v10, v23;
	v23 =	vld [tilespmem:$0x1EAC0]  }
0x60a: {  	v4 =	vadd.s32 v5, v4;
	v5 =	vld [tilespmem:$0x4AA0]  }
0x60b: {  	[tilespmem:$0x1EB80] =	vst v52;
	v52 =	vld [tilespmem:$0x4340]  }
0x60c: {  	[tilespmem:$0x1EC10] =	vst v63;
	v63 =	vld [tilespmem:$0x4440]  }
0x60d: {  	[tilespmem:$0x1EB70] =	vst v50;
	v50 =	vld [tilespmem:$0x4D40]  }
0x60e: {  	[tilespmem:$0x1EB90] =	vst v53;
	v53 =	vld [tilespmem:$0x4E40]  }
0x60f: {  	[tilespmem:$0x1EBA0] =	vst v57;
	v57 =	vld [tilespmem:$0x4F40]  }
0x610: {  	[tilespmem:$0x1EC30] =	vst v14;
	v14 =	vld [tilespmem:$0x4050]  }
0x611: {  	[tilespmem:$0x1EBC0] =	vst v15;
	v15 =	vld [tilespmem:$0x4250]  }
0x612: {  	[tilespmem:$0x1EBE0] =	vst v28;
	v28 =	vld [tilespmem:$0x4350]  }
0x613: {  	[tilespmem:$0x1EC00] =	vst v33;
	v33 =	vld [tilespmem:$0x4450]  }
0x614: {  	[tilespmem:$0x1EC20] =	vst v38;
	v38 =	vld [tilespmem:$0x4550]  }
0x615: {  	[tilespmem:$0x1ECA0] =	vst v49;
	v49 =	vld [tilespmem:$0x4650]  }
0x616: {  	[tilespmem:$0x1EC40] =	vst v39;
	v39 =	vld [tilespmem:$0x4850]  }
0x617: {  	[tilespmem:$0x1EBB0] =	vst v58;
	v58 =	vld [tilespmem:$0x4950]  }
0x618: {  	[tilespmem:$0x1EBD0] =	vst v60;
	v60 =	vld [tilespmem:$0x4A50]  }
0x619: {  	[tilespmem:$0x1EBF0] =	vst v61;
	v61 =	vld [tilespmem:$0x4B50]  }
0x61a: {  	[tilespmem:$0x1EC60] =	vst v42;
	v42 =	vld [tilespmem:$0x4C50]  }
0x61b: {  	[tilespmem:$0x1EC80] =	vst v48;
	v48 =	vld [tilespmem:$0x4D50]  }
0x61c: {  	[tilespmem:$0x1F0D0] =	vst v22;
	v22 =	vld [tilespmem:$0x1EAB0]  }
0x61d: {  	[tilespmem:$0x1F0F0] =	vst v24;
	v24 =	vld [tilespmem:$0x1EAE0]  }
0x61e: {  	[tilespmem:$0x1F110] =	vst v26;
	v26 =	vld [tilespmem:$0x1EAF0]  }
0x61f: {  	[tilespmem:$0x1F130] =	vst v29;
	v4 =	vadd.s32 v4, v6;
	v29 =	vld [tilespmem:$0x1EB00]  }
0x620: {  	v4 =	vadd.s32 v4, v7;
	v7 =	vld [tilespmem:$0x40B0]  }
0x621: {  	[tilespmem:$0x1F160] =	vst v37;
	v37 =	vadd.s32 v41, v40;
	v40 =	vld [tilespmem:$0x1EB80]  }
0x622: {  	[tilespmem:$0x1F180] =	vst v12;
	v12 =	vld [tilespmem:$0x1EC30]  }
0x623: {  	[tilespmem:$0x1F150] =	vst v5;
	v5 =	vadd.s32 v31, v44;
	v44 =	vadd.s32 v10, v30;
	v10 =	vld [tilespmem:$0x1EA70]  }
0x624: {  	v30 =	vld [tilespmem:$0x1EB10]  }
0x625: {  	v31 =	vld [tilespmem:$0x1EB20]  }
0x626: {  	[tilespmem:$0x1ED30] =	vst v57;
	v57 =	vld [tilespmem:$0x4750]  }
0x627: {  	[tilespmem:$0x1ECD0] =	vst v50;
	v50 =	vld [tilespmem:$0x4E50]  }
0x628: {  	[tilespmem:$0x1ED00] =	vst v53;
	v53 =	vld [tilespmem:$0x4F50]  }
0x629: {  	[tilespmem:$0x1EC90] =	vst v60;
	v60 =	vld [tilespmem:$0x4260]  }
0x62a: {  	[tilespmem:$0x1EC70] =	vst v58;
	v58 =	vld [tilespmem:$0x4360]  }
0x62b: {  	[tilespmem:$0x1ECB0] =	vst v61;
	v61 =	vld [tilespmem:$0x4460]  }
0x62c: {  	[tilespmem:$0x1ECE0] =	vst v42;
	v42 =	vld [tilespmem:$0x4560]  }
0x62d: {  	[tilespmem:$0x1ED10] =	vst v48;
	v48 =	vld [tilespmem:$0x4660]  }
0x62e: {  	[tilespmem:$0x1EC50] =	vst v39;
	v39 =	vld [tilespmem:$0x4180]  }
0x62f: {  	v4 =	vadd.s32 v4, v8;
	v5 =	vadd.s32 v5, v54;
	v54 =	vld [tilespmem:$0x4CA0]  }
0x630: {  	v4 =	vadd.s32 v4, v11;
	v6 =	vadd.s32 v44, v35;
	v35 =	vld [tilespmem:$0x1EB60]  }
0x631: {  	v4 =	vadd.s32 v4, v17;
	v44 =	vld [tilespmem:$0x1EBA0]  }
0x632: {  	v4 =	vadd.s32 v4, v25;
	v25 =	vadd.s32 v21, v18;
	v21 =	vld [tilespmem:$0x4DB0]  }
0x633: {  	v41 =	vadd.s32 v14, v9;
	v9 =	vld [tilespmem:$0x4FB0]  }
0x634: {  	v14 =	vld [tilespmem:$0x1EC40]  }
0x635: {  	[tilespmem:$0x1ECF0] =	vst v61;
	v61 =	vld [tilespmem:$0x4860]  }
0x636: {  	v18 =	vld [tilespmem:$0x1EC60]  }
0x637: {  	v4 =	vadd.s32 v4, v32;
	v32 =	vld [tilespmem:$0x1EB30]  }
0x638: {  	v6 =	vadd.s32 v6, v45;
	v45 =	vld [tilespmem:$0x1EBB0]  }
0x639: {  	v8 =	vadd.s32 v41, v15;
	v15 =	vld [tilespmem:$0x1EC50]  }
0x63a: {  	[tilespmem:$0x1EDA0] =	vst v61;
	v61 =	vld [tilespmem:$0x4C60]  }
0x63b: {  	v6 =	vadd.s32 v6, v55;
	v55 =	vld [tilespmem:$0x4FA0]  }
0x63c: {  	v4 =	vadd.s32 v4, v36;
	v36 =	vld [tilespmem:$0x1EB70]  }
0x63d: {  	v6 =	vadd.s32 v6, v22;
	v22 =	vld [tilespmem:$0x43B0]  }
0x63e: {  	v8 =	vadd.s32 v8, v28;
	v4 =	vadd.s32 v4, v46;
	v46 =	vld [tilespmem:$0x1EBC0]  }
0x63f: {  	v8 =	vadd.s32 v8, v33;
	[tilespmem:$0x1EE30] =	vst v61;
	v61 =	vld [tilespmem:$0x4070]  }
0x640: {  	v8 =	vadd.s32 v8, v38;
	v38 =	vld [tilespmem:$0x1ECA0]  }
0x641: {  	[tilespmem:$0x1ED60] =	vst v53;
	v53 =	vld [tilespmem:$0x4060]  }
0x642: {  	[tilespmem:$0x1ED40] =	vst v50;
	v50 =	vld [tilespmem:$0x4160]  }
0x643: {  	[tilespmem:$0x1ECC0] =	vst v58;
	v58 =	vld [tilespmem:$0x4760]  }
0x644: {  	[tilespmem:$0x1ED80] =	vst v61;
	v61 =	vld [tilespmem:$0x4470]  }
0x645: {  	[tilespmem:$0x1ED20] =	vst v42;
	v42 =	vld [tilespmem:$0x4960]  }
0x646: {  	v5 =	vadd.s32 v5, v10;
	[tilespmem:$0x1ED50] =	vst v48;
	v48 =	vld [tilespmem:$0x4A60]  }
0x647: {  	v5 =	vadd.s32 v5, v13;
	v13 =	vld [tilespmem:$0x41B0]  }
0x648: {  	[tilespmem:$0x1F170] =	vst v54;
	v54 =	vld [tilespmem:$0x1EC00]  }
0x649: {  	[tilespmem:$0x1EDF0] =	vst v61;
	v61 =	vld [tilespmem:$0x4870]  }
0x64a: {  	v4 =	vadd.s32 v4, v56;
	v56 =	vadd.s32 v8, v49;
	v8 =	vld [tilespmem:$0x4EB0]  }
0x64b: {  	v4 =	vadd.s32 v4, v62;
	v62 =	vld [tilespmem:$0x1EC20]  }
0x64c: {  	v4 =	vadd.s32 v4, v32;
	v32 =	vld [tilespmem:$0x4BB0]  }
0x64d: {  	v5 =	vadd.s32 v5, v19;
	v19 =	vld [tilespmem:$0x1EC70]  }
0x64e: {  	[tilespmem:$0x1EEA0] =	vst v61;
	v61 =	vld [tilespmem:$0x4C70]  }
0x64f: {  	v41 =	vld [tilespmem:$0x1ECC0]  }
0x650: {  	v49 =	vld [tilespmem:$0x1ED20]  }
0x651: {  	v5 =	vadd.s32 v5, v20;
	v20 =	vld [tilespmem:$0x42B0]  }
0x652: {  	[tilespmem:$0x1F190] =	vst v16;
	v16 =	vadd.s32 v5, v23;
	v5 =	vld [tilespmem:$0x1EAD0]  }
0x653: {  	[tilespmem:$0x1EF60] =	vst v61;
	v61 =	vld [tilespmem:$0x4480]  }
0x654: {  	v23 =	vld [tilespmem:$0x44B0]  }
0x655: {  	[tilespmem:$0x1ED70] =	vst v58;
	v58 =	vld [tilespmem:$0x4B60]  }
0x656: {  	[tilespmem:$0x1EDC0] =	vst v42;
	v42 =	vld [tilespmem:$0x4D60]  }
0x657: {  	[tilespmem:$0x1EDE0] =	vst v48;
	v48 =	vld [tilespmem:$0x4E60]  }
0x658: {  	[tilespmem:$0x1EE20] =	vst v61;
	v61 =	vld [tilespmem:$0x4580]  }
0x659: {  	v28 =	vadd.s32 v53, v50;
	v50 =	vld [tilespmem:$0x1ED30]  }
0x65a: {  	v53 =	vld [tilespmem:$0x1ED60];
	v11 =	vadd.s32 v28, v60  }
0x65b: {  	v7 =	vadd.s32 v7, v13;
	v11 =	vadd.s32 v11, v41;
	v41 =	vld [tilespmem:$0x46C0]  }
0x65c: {  	v7 =	vadd.s32 v7, v20;
	v20 =	vld [tilespmem:$0x48D0]  }
0x65d: {  	[tilespmem:$0x1EE50] =	vst v61;
	v61 =	vld [tilespmem:$0x4680]  }
0x65e: {  	v5 =	vadd.s32 v6, v5;
	v6 =	vadd.s32 v25, v27;
	v25 =	vld [tilespmem:$0x46B0]  }
0x65f: {  	v27 =	vld [tilespmem:$0x48B0]  }
0x660: {  	v7 =	vadd.s32 v7, v22;
	v22 =	vld [tilespmem:$0x49D0]  }
0x661: {  	v5 =	vadd.s32 v5, v24;
	v24 =	vld [tilespmem:$0x45B0]  }
0x662: {  	[tilespmem:$0x1EE80] =	vst v61;
	v61 =	vld [tilespmem:$0x4780]  }
0x663: {  	v6 =	vadd.s32 v6, v34;
	v34 =	vld [tilespmem:$0x1EB40]  }
0x664: {  	v7 =	vadd.s32 v7, v23;
	v23 =	vld [tilespmem:$0x4AD0]  }
0x665: {  	[tilespmem:$0x1EE00] =	vst v58;
	v58 =	vld [tilespmem:$0x4F60]  }
0x666: {  	[tilespmem:$0x1EE60] =	vst v42;
	v42 =	vld [tilespmem:$0x4170]  }
0x667: {  	[tilespmem:$0x1EEB0] =	vst v61;
	v61 =	vld [tilespmem:$0x4880]  }
0x668: {  	[tilespmem:$0x1EE90] =	vst v48;
	v48 =	vld [tilespmem:$0x4270]  }
0x669: {  	v5 =	vadd.s32 v5, v26;
	v26 =	vld [tilespmem:$0x47B0]  }
0x66a: {  	v6 =	vadd.s32 v6, v43;
	v43 =	vld [tilespmem:$0x1EB90]  }
0x66b: {  	v5 =	vadd.s32 v5, v29;
	v29 =	vld [tilespmem:$0x49B0]  }
0x66c: {  	[tilespmem:$0x1EEE0] =	vst v61;
	v61 =	vld [tilespmem:$0x4980]  }
0x66d: {  	v6 =	vadd.s32 v6, v51;
	v51 =	vld [tilespmem:$0x1EBE0]  }
0x66e: {  	v33 =	vld [tilespmem:$0x1EE00]  }
0x66f: {  	v5 =	vadd.s32 v5, v30;
	v30 =	vld [tilespmem:$0x4CB0]  }
0x670: {  	v5 =	vadd.s32 v5, v31;
	v31 =	vld [tilespmem:$0x4AB0]  }
0x671: {  	[tilespmem:$0x1EF00] =	vst v61;
	v61 =	vld [tilespmem:$0x4A80]  }
0x672: {  	v17 =	vadd.s32 v5, v34;
	v5 =	vld [tilespmem:$0x1EB50]  }
0x673: {  	v34 =	vld [tilespmem:$0x40C0]  }
0x674: {  	v7 =	vadd.s32 v7, v24;
	v24 =	vld [tilespmem:$0x4BD0]  }
0x675: {  	[tilespmem:$0x1EEC0] =	vst v58;
	v58 =	vld [tilespmem:$0x4370]  }
0x676: {  	[tilespmem:$0x1EF40] =	vst v61;
	v61 =	vld [tilespmem:$0x4B80]  }
0x677: {  	[tilespmem:$0x1ED90] =	vst v42;
	v42 =	vld [tilespmem:$0x4570]  }
0x678: {  	[tilespmem:$0x1EDB0] =	vst v48;
	v48 =	vld [tilespmem:$0x4670]  }
0x679: {  	v7 =	vadd.s32 v7, v25;
	v25 =	vld [tilespmem:$0x4CD0]  }
0x67a: {  	v60 =	vld [tilespmem:$0x1EDB0]  }
0x67b: {  	[tilespmem:$0x1EF70] =	vst v61;
	v61 =	vld [tilespmem:$0x4C80]  }
0x67c: {  	v7 =	vadd.s32 v7, v26;
	v26 =	vld [tilespmem:$0x4DD0]  }
0x67d: {  	v7 =	vadd.s32 v7, v27;
	v27 =	vld [tilespmem:$0x4ED0]  }
0x67e: {  	v4 =	vadd.s32 v4, v5;
	v5 =	vadd.s32 v6, v59;
	v6 =	vadd.s32 v37, v47;
	v47 =	vld [tilespmem:$0x1EBD0]  }
0x67f: {  	v59 =	vld [tilespmem:$0x1EC10]  }
0x680: {  	[tilespmem:$0x1EFA0] =	vst v61;
	v61 =	vld [tilespmem:$0x4D80]  }
0x681: {  	v7 =	vadd.s32 v7, v29;
	v37 =	vld [tilespmem:$0x1EC90]  }
0x682: {  	v7 =	vadd.s32 v7, v31;
	v31 =	vld [tilespmem:$0x40E0]  }
0x683: {  	[tilespmem:$0x1EDD0] =	vst v58;
	v58 =	vld [tilespmem:$0x4770]  }
0x684: {  	[tilespmem:$0x1EE10] =	vst v42;
	v42 =	vld [tilespmem:$0x4970]  }
0x685: {  	[tilespmem:$0x1EFD0] =	vst v61;
	v61 =	vld [tilespmem:$0x4E80]  }
0x686: {  	[tilespmem:$0x1EE40] =	vst v48;
	v48 =	vld [tilespmem:$0x4A70]  }
0x687: {  	v6 =	vadd.s32 v6, v52;
	v52 =	vld [tilespmem:$0x1EBF0]  }
0x688: {  	v4 =	vadd.s32 v4, v35;
	v35 =	vld [tilespmem:$0x41C0]  }
0x689: {  	v5 =	vadd.s32 v5, v36;
	v36 =	vld [tilespmem:$0x1EC80]  }
0x68a: {  	[tilespmem:$0x1F000] =	vst v61;
	v61 =	vld [tilespmem:$0x4F80]  }
0x68b: {  	v5 =	vadd.s32 v5, v40;
	v40 =	vld [tilespmem:$0x1ECB0]  }
0x68c: {  	v6 =	vadd.s32 v6, v63;
	v63 =	vadd.s32 v56, v57;
	v56 =	vld [tilespmem:$0x1ED80]  }
0x68d: {  	v57 =	vld [tilespmem:$0x1ED90]  }
0x68e: {  	v28 =	vld [tilespmem:$0x1EDF0]  }
0x68f: {  	[tilespmem:$0x1F020] =	vst v61;
	v61 =	vld [tilespmem:$0x4090]  }
0x690: {  	v5 =	vadd.s32 v5, v43;
	v43 =	vld [tilespmem:$0x1ECD0]  }
0x691: {  	v6 =	vadd.s32 v6, v46;
	v46 =	vld [tilespmem:$0x1ED00]  }
0x692: {  	v10 =	vadd.s32 v63, v15;
	v63 =	vld [tilespmem:$0x1EDC0]  }
0x693: {  	v5 =	vadd.s32 v5, v44;
	v44 =	vld [tilespmem:$0x1ECE0]  }
0x694: {  	[tilespmem:$0x1EF10] =	vst v61;
	v61 =	vld [tilespmem:$0x4190]  }
0x695: {  	v6 =	vadd.s32 v6, v51;
	v51 =	vld [tilespmem:$0x1ED40]  }
0x696: {  	v10 =	vadd.s32 v10, v19;
	v19 =	vld [tilespmem:$0x1EDE0]  }
0x697: {  	v10 =	vadd.s32 v10, v37;
	v37 =	vld [tilespmem:$0x43C0]  }
0x698: {  	v5 =	vadd.s32 v5, v45;
	v45 =	vld [tilespmem:$0x1ECF0]  }
0x699: {  	[tilespmem:$0x1EF20] =	vst v61;
	v61 =	vld [tilespmem:$0x4290]  }
0x69a: {  	v6 =	vadd.s32 v6, v54;
	v54 =	vld [tilespmem:$0x1ED70]  }
0x69b: {  	[tilespmem:$0x1EE70] =	vst v58;
	v58 =	vld [tilespmem:$0x4B70]  }
0x69c: {  	[tilespmem:$0x1EED0] =	vst v42;
	v42 =	vld [tilespmem:$0x4D70]  }
0x69d: {  	[tilespmem:$0x1EEF0] =	vst v48;
	v48 =	vld [tilespmem:$0x4E70]  }
0x69e: {  	[tilespmem:$0x1EF50] =	vst v61;
	v61 =	vld [tilespmem:$0x4390]  }
0x69f: {  	v5 =	vadd.s32 v5, v47;
	v47 =	vld [tilespmem:$0x1ED10]  }
0x6a0: {  	v10 =	vadd.s32 v10, v40;
	v40 =	vld [tilespmem:$0x45C0]  }
0x6a1: {  	v5 =	vadd.s32 v5, v52;
	v52 =	vld [tilespmem:$0x1ED50]  }
0x6a2: {  	v6 =	vadd.s32 v6, v62;
	v5 =	vadd.s32 v5, v59;
	v59 =	vld [tilespmem:$0x1EDA0]  }
0x6a3: {  	v6 =	vadd.s32 v6, v14;
	[tilespmem:$0x1EF80] =	vst v61;
	v61 =	vld [tilespmem:$0x4490]  }
0x6a4: {  	v6 =	vadd.s32 v6, v18;
	v18 =	vld [tilespmem:$0x1EDD0]  }
0x6a5: {  	v6 =	vadd.s32 v6, v36;
	v36 =	vld [tilespmem:$0x42C0]  }
0x6a6: {  	v10 =	vadd.s32 v10, v44;
	v44 =	vld [tilespmem:$0x4AC0]  }
0x6a7: {  	v6 =	vadd.s32 v6, v38;
	v38 =	vld [tilespmem:$0x44C0]  }
0x6a8: {  	[tilespmem:$0x1EFB0] =	vst v61;
	v61 =	vld [tilespmem:$0x4590]  }
0x6a9: {  	v11 =	vadd.s32 v11, v45;
	v45 =	vld [tilespmem:$0x1EE10]  }
0x6aa: {  	[tilespmem:$0x1EF30] =	vst v58;
	v58 =	vld [tilespmem:$0x4F70]  }
0x6ab: {  	[tilespmem:$0x1EF90] =	vst v42;
	v42 =	vld [tilespmem:$0x4080]  }
0x6ac: {  	[tilespmem:$0x1EFC0] =	vst v48;
	v48 =	vld [tilespmem:$0x4280]  }
0x6ad: {  	[tilespmem:$0x1EFE0] =	vst v61;
	v61 =	vld [tilespmem:$0x4690]  }
0x6ae: {  	v6 =	vadd.s32 v6, v43;
	v43 =	vld [tilespmem:$0x47C0]  }
0x6af: {  	v10 =	vadd.s32 v10, v47;
	v47 =	vld [tilespmem:$0x1EE30];
	v6 =	vadd.s32 v6, v46  }
0x6b0: {  	v5 =	vadd.s32 v5, v12;
	v12 =	vadd.s32 v11, v49;
	v11 =	vadd.s32 v6, v50;
	v50 =	vld [tilespmem:$0x1EE60]  }
0x6b1: {  	v6 =	vadd.s32 v10, v51;
	v51 =	vld [tilespmem:$0x1EE70]  }
0x6b2: {  	[tilespmem:$0x1F010] =	vst v61;
	v61 =	vld [tilespmem:$0x4790]  }
0x6b3: {  	v12 =	vadd.s32 v12, v52;
	v10 =	vadd.s32 v6, v53;
	v53 =	vld [tilespmem:$0x1EE90]  }
0x6b4: {  	v6 =	vadd.s32 v12, v54;
	v54 =	vld [tilespmem:$0x1EEA0]  }
0x6b5: {  	v12 =	vadd.s32 v56, v57;
	v57 =	vld [tilespmem:$0x1EEC0]  }
0x6b6: {  	v12 =	vadd.s32 v12, v60;
	v60 =	vld [tilespmem:$0x1EEF0]  }
0x6b7: {  	[tilespmem:$0x1F030] =	vst v61;
	v61 =	vld [tilespmem:$0x4890]  }
0x6b8: {  	[tilespmem:$0x1EFF0] =	vst v58;
	v58 =	vld [tilespmem:$0x4380]  }
0x6b9: {  	v62 =	vadd.s32 v42, v39;
	v39 =	vld [tilespmem:$0x48C0]  }
0x6ba: {  	v42 =	vld [tilespmem:$0x49C0]  }
0x6bb: {  	v12 =	vadd.s32 v12, v18;
	v18 =	vld [tilespmem:$0x4DC0]  }
0x6bc: {  	[tilespmem:$0x1F060] =	vst v61;
	v61 =	vld [tilespmem:$0x4990]  }
0x6bd: {  	v46 =	vld [tilespmem:$0x1EE20]  }
0x6be: {  	v6 =	vadd.s32 v6, v59;
	v14 =	vadd.s32 v62, v48;
	v48 =	vld [tilespmem:$0x1EE40]  }
0x6bf: {  	v6 =	vadd.s32 v6, v63;
	v12 =	vadd.s32 v12, v28;
	v28 =	vld [tilespmem:$0x4CC0]  }
0x6c0: {  	v6 =	vadd.s32 v6, v19;
	v19 =	vld [tilespmem:$0x4EC0]  }
0x6c1: {  	[tilespmem:$0x1F080] =	vst v61;
	v61 =	vld [tilespmem:$0x4A90]  }
0x6c2: {  	v6 =	vadd.s32 v6, v33;
	v33 =	vld [tilespmem:$0x4BC0]  }
0x6c3: {  	v6 =	vadd.s32 v6, v47;
	v47 =	vld [tilespmem:$0x41D0]  }
0x6c4: {  	v49 =	vld [tilespmem:$0x1EE50]  }
0x6c5: {  	v14 =	vadd.s32 v14, v58;
	v58 =	vld [tilespmem:$0x1EED0]  }
0x6c6: {  	[tilespmem:$0x1F0A0] =	vst v61;
	v61 =	vld [tilespmem:$0x4B90]  }
0x6c7: {  	v12 =	vadd.s32 v12, v45;
	v14 =	vadd.s32 v14, v46;
	v46 =	vld [tilespmem:$0x40D0]  }
0x6c8: {  	v6 =	vadd.s32 v6, v50;
	v12 =	vadd.s32 v12, v48;
	v52 =	vld [tilespmem:$0x1EE80]  }
0x6c9: {  	v6 =	vadd.s32 v6, v53;
	v12 =	vadd.s32 v12, v51;
	v14 =	vadd.s32 v14, v49;
	v49 =	vld [tilespmem:$0x1EF30]  }
0x6ca: {  	v15 =	vadd.s32 v12, v54;
	v12 =	vadd.s32 v6, v57;
	v6 =	vld [tilespmem:$0x4FC0]  }
0x6cb: {  	[tilespmem:$0x1F0C0] =	vst v61;
	v61 =	vld [tilespmem:$0x4C90]  }
0x6cc: {  	v15 =	vadd.s32 v15, v58;
	v56 =	vld [tilespmem:$0x1EEB0]  }
0x6cd: {  	v15 =	vadd.s32 v15, v60;
	v14 =	vadd.s32 v14, v52;
	v52 =	vld [tilespmem:$0x1EF60]  }
0x6ce: {  	v15 =	vadd.s32 v15, v49;
	v49 =	vld [tilespmem:$0x43D0]  }
0x6cf: {  	v59 =	vld [tilespmem:$0x1EEE0]  }
0x6d0: {  	[tilespmem:$0x1F0E0] =	vst v61;
	v61 =	vld [tilespmem:$0x4D90]  }
0x6d1: {  	v62 =	vld [tilespmem:$0x1EF00]  }
0x6d2: {  	v50 =	vld [tilespmem:$0x1EF40]  }
0x6d3: {  	v14 =	vadd.s32 v14, v56;
	v56 =	vld [tilespmem:$0x1EF90]  }
0x6d4: {  	v53 =	vld [tilespmem:$0x1EF70]  }
0x6d5: {  	v14 =	vadd.s32 v14, v59;
	[tilespmem:$0x1F100] =	vst v61;
	v61 =	vld [tilespmem:$0x4E90]  }
0x6d6: {  	v59 =	vld [tilespmem:$0x1EFC0];
	v14 =	vadd.s32 v14, v62  }
0x6d7: {  	v14 =	vadd.s32 v14, v50;
	v50 =	vld [tilespmem:$0x44D0]  }
0x6d8: {  	v57 =	vld [tilespmem:$0x1EFA0]  }
0x6d9: {  	v14 =	vadd.s32 v14, v53;
	v53 =	vld [tilespmem:$0x46D0]  }
0x6da: {  	[tilespmem:$0x1F120] =	vst v61;
	v61 =	vld [tilespmem:$0x4F90]  }
0x6db: {  	v60 =	vld [tilespmem:$0x1EFD0]  }
0x6dc: {  	v63 =	vld [tilespmem:$0x1EF10]  }
0x6dd: {  	v48 =	vld [tilespmem:$0x1EF20]  }
0x6de: {  	v51 =	vld [tilespmem:$0x1EF50]  }
0x6df: {  	[tilespmem:$0x1F140] =	vst v61;
	v61 =	vld [tilespmem:$0x40A0]  }
0x6e0: {  	v54 =	vld [tilespmem:$0x1EF80]  }
0x6e1: {  	v14 =	vadd.s32 v14, v57;
	v57 =	vld [tilespmem:$0x1F020]  }
0x6e2: {  	v45 =	vadd.s32 v63, v48;
	v48 =	vld [tilespmem:$0x42D0]  }
0x6e3: {  	v58 =	vld [tilespmem:$0x1EFB0]  }
0x6e4: {  	v45 =	vadd.s32 v45, v51;
	[tilespmem:$0x1F040] =	vst v61;
	v61 =	vld [tilespmem:$0x41A0]  }
0x6e5: {  	v45 =	vadd.s32 v45, v54;
	v54 =	vld [tilespmem:$0x1F000]  }
0x6e6: {  	v62 =	vld [tilespmem:$0x1EFE0]  }
0x6e7: {  	v15 =	vadd.s32 v15, v52;
	v63 =	vld [tilespmem:$0x1EFF0]  }
0x6e8: {  	v15 =	vadd.s32 v15, v56;
	v56 =	vld [tilespmem:$0x1F010]  }
0x6e9: {  	[tilespmem:$0x1F050] =	vst v61;
	v61 =	vld [tilespmem:$0x42A0]  }
0x6ea: {  	v14 =	vadd.s32 v14, v60;
	v45 =	vadd.s32 v45, v58;
	v58 =	vld [tilespmem:$0x1F030]  }
0x6eb: {  	v14 =	vadd.s32 v14, v54;
	v45 =	vadd.s32 v45, v62;
	v62 =	vld [tilespmem:$0x1F060]  }
0x6ec: {  	v14 =	vadd.s32 v14, v57;
	v57 =	vld [tilespmem:$0x1F080]  }
0x6ed: {  	v51 =	vld [tilespmem:$0x45D0]  }
0x6ee: {  	v45 =	vadd.s32 v45, v56;
	[tilespmem:$0x1F070] =	vst v61;
	v61 =	vld [tilespmem:$0x43A0]  }
0x6ef: {  	v15 =	vadd.s32 v15, v59;
	v45 =	vadd.s32 v45, v58;
	v59 =	vld [tilespmem:$0x1F040]  }
0x6f0: {  	v45 =	vadd.s32 v45, v62;
	v60 =	vld [tilespmem:$0x1F050]  }
0x6f1: {  	v13 =	vadd.s32 v45, v57;
	v57 =	vld [tilespmem:$0x1F0F0]  }
0x6f2: {  	v15 =	vadd.s32 v15, v63;
	v63 =	vld [tilespmem:$0x1F070]  }
0x6f3: {  	[tilespmem:$0x1F090] =	vst v61;
	v61 =	vld [tilespmem:$0x44A0]  }
0x6f4: {  	v62 =	vld [tilespmem:$0x1F0C0]  }
0x6f5: {  	v52 =	vadd.s32 v59, v60;
	v59 =	vld [tilespmem:$0x1F0A0]  }
0x6f6: {  	v56 =	vld [tilespmem:$0x1F0E0]  }
0x6f7: {  	v58 =	vld [tilespmem:$0x1F090]  }
0x6f8: {  	v52 =	vadd.s32 v52, v63;
	v63 =	vld [tilespmem:$0x1F0D0];
	[tilespmem:$0x1F0B0] =	vst v61  }
0x6f9: {  	v60 =	vld [tilespmem:$0x1F0B0]  }
0x6fa: {  	v13 =	vadd.s32 v13, v59;
	v59 =	vld [tilespmem:$0x1F110]  }
0x6fb: {  	v13 =	vadd.s32 v13, v62;
	v62 =	vld [tilespmem:$0x1F130]  }
0x6fc: {  	v45 =	vadd.s32 v52, v58;
	v58 =	vld [tilespmem:$0x1F100]  }
0x6fd: {  	v61 =	vld [tilespmem:$0x49A0]  }
0x6fe: {  	v45 =	vadd.s32 v45, v60;
	v60 =	vld [tilespmem:$0x1F120]  }
0x6ff: {  	v45 =	vadd.s32 v45, v63;
	v63 =	vld [tilespmem:$0x1F140]  }
0x700: {  	v13 =	vadd.s32 v13, v56;
	v56 =	vld [tilespmem:$0x1F150];
	v45 =	vadd.s32 v45, v57  }
0x701: {  	v13 =	vadd.s32 v13, v58;
	v58 =	vld [tilespmem:$0x1F160];
	v45 =	vadd.s32 v45, v59  }
0x702: {  	v59 =	vld [tilespmem:$0x1F170];
	v45 =	vadd.s32 v45, v62  }
0x703: {  	v13 =	vadd.s32 v13, v60;
	v45 =	vadd.s32 v45, v61;
	v61 =	vld [tilespmem:$0x1F180]  }
0x704: {  	(xrf0) =	vadd.scan.msk.s32 $0xffff, v16;
	v7 =	vadd.s32 v7, v32;
	v13 =	vadd.s32 v13, v63;
	v63 =	vld [tilespmem:$0x1F190]  }
0x705: {  	v7 =	vadd.s32 v7, v30;
	v54 =	vld [tilespmem:$0x47D0];
	v45 =	vadd.s32 v45, v56  }
0x706: {  	(xrf0) =	vadd.scan.msk.s32 $0xffff, v17;
	v21 =	vadd.s32 v7, v21;
	v57 =	vadd.s32 v34, v35;
	v34 =	vld [tilespmem:$0x4FD0];
	v35 =	vadd.s32 v45, v58  }
0x707: {  	v8 =	vadd.s32 v21, v8;
	v60 =	vld [tilespmem:$0x41E0];
	v35 =	vadd.s32 v35, v59  }
0x708: {  	v8 =	vadd.s32 v8, v9;
	v62 =	vld [tilespmem:$0x42E0];
	v35 =	vadd.s32 v35, v61  }
0x709: {  	v29 =	vadd.s32 v57, v36;
	v57 =	vadd.s32 v46, v47;
	v45 =	vld [tilespmem:$0x43E0];
	v35 =	vadd.s32 v35, v63  }
0x70a: {  	(xrf0) =	vadd.scan.msk.s32 $0xffff, v4;
	v29 =	vadd.s32 v29, v37;
	v21 =	vadd.s32 v57, v48;
	v37, _, _ =	vpop (xrf0);
	v7 =	vadd.s32 v35, v55;
	v55 =	vld [tilespmem:$0x44E0]  }
0x70b: {  	(xrf0) =	vadd.scan.msk.s32 $0xffff, v5;
	v29 =	vadd.s32 v29, v38;
	v21 =	vadd.s32 v21, v49;
	(v2sf) =	vpush v37, $0xF;
	v58 =	vld [tilespmem:$0x45E0]  }
0x70c: {  	v38, _, _ =	vpop (xrf0);
	v29 =	vadd.s32 v29, v40;
	v21 =	vadd.s32 v21, v50;
	v59 =	vld [tilespmem:$0x46E0];
	v31 =	vadd.s32 v31, v60  }
0x70d: {  	(xrf0) =	vadd.scan.msk.s32 $0xffff, v11;
	(v2sf) =	vpush v38, $0xF;
	v52 =	vadd.s32 v29, v41;
	v60 =	vld [tilespmem:$0x47E0];
	v30 =	vadd.s32 v31, v62  }
0x70e: {  	v21 =	vadd.s32 v21, v51;
	v56 =	vadd.s32 v52, v43;
	v61 =	vld [tilespmem:$0x48E0];
	v30 =	vadd.s32 v30, v45  }
0x70f: {  	v21 =	vadd.s32 v21, v53;
	v9 =	vadd.s32 v56, v39;
	v62 =	vld [tilespmem:$0x49E0];
	v29 =	vadd.s32 v30, v55  }
0x710: {  	v39, _, _ =	vpop (xrf0);
	v21 =	vadd.s32 v21, v54;
	v9 =	vadd.s32 v9, v42;
	v63 =	vld [tilespmem:$0x4AE0];
	v29 =	vadd.s32 v29, v58  }
0x711: {  	(v2sf) =	vpush v39, $0xF;
	v40, _, _ =	vpop (xrf0);
	v9 =	vadd.s32 v9, v44;
	v44 =	vld [tilespmem:$0x4BE0];
	v29 =	vadd.s32 v29, v59  }
0x712: {  	(xrf0) =	vadd.scan.msk.s32 $0xffff, v10;
	v20 =	vadd.s32 v21, v20;
	(v2sf) =	vpush v40, $0xF;
	v45 =	vld [tilespmem:$0x4CE0];
	v29 =	vadd.s32 v29, v60  }
0x713: {  	v47 =	vld [tilespmem:$0x4DE0];
	(xrf0) =	vadd.scan.msk.s32 $0xffff, v12;
	v20 =	vadd.s32 v20, v22;
	v21, _, _ =	vpop (xrf0);
	v9 =	vadd.s32 v9, v33;
	v46 =	vadd.s32 v29, v61  }
0x714: {  	v48 =	vld [tilespmem:$0x4EE0];
	(xrf0) =	vadd.scan.msk.s32 $0xffff, v15;
	v20 =	vadd.s32 v20, v23;
	(v2sf) =	vpush v21, $0xF;
	v22 =	vadd.s32 v46, v62  }
0x715: {  	v49 =	vld [tilespmem:$0x4FE0];
	(xrf0) =	vadd.scan.msk.s32 $0xffff, v14;
	v9 =	vadd.s32 v9, v28;
	v20 =	vadd.s32 v20, v24;
	v22 =	vadd.s32 v22, v63  }
0x716: {  	(xrf0) =	vadd.scan.msk.s32 $0xffff, v13;
	v9 =	vadd.s32 v9, v18;
	v50 =	vadd.s32 v20, v25;
	v51 =	vadd.s32 v22, v44  }
0x717: {  	(xrf0) =	vadd.scan.msk.s32 $0xffff, v7;
	v9 =	vadd.s32 v9, v19;
	v18 =	vadd.s32 v50, v26;
	v52 =	vadd.s32 v51, v45  }
0x718: {  	v56 =	vld [tilespmem:$0x41F0];
	v20, _, _ =	vpop (xrf0);
	(xrf0) =	vadd.scan.msk.s32 $0xffff, v8;
	v6 =	vadd.s32 v9, v6;
	v53 =	vadd.s32 v18, v27;
	v54 =	vadd.s32 v52, v47  }
0x719: {  	v55 =	vld [tilespmem:$0x40F0];
	(v2sf) =	vpush v20, $0xF;
	v9 =	vadd.s32 v53, v34;
	v22, _, _ =	vpop (xrf0);
	(xrf0) =	vadd.scan.msk.s32 $0xffff, v6;
	v18 =	vadd.s32 v54, v48  }
0x71a: {  	v57 =	vld [tilespmem:$0x42F0];
	(v2sf) =	vpush v22, $0xF;
	v25, _, _ =	vpop (xrf0);
	(xrf0) =	vadd.scan.msk.s32 $0xffff, v9;
	v18 =	vadd.s32 v18, v49  }
0x71b: {  	v58 =	vld [tilespmem:$0x43F0];
	(v2sf) =	vpush v25, $0xF;
	v26, _, _ =	vpop (xrf0);
	(xrf0) =	vadd.scan.msk.s32 $0xffff, v18  }
0x71c: {  	v59 =	vld [tilespmem:$0x44F0];
	v28, _, _ =	vpop (xrf0);
	(v2sf) =	vpush v26, $0xF  }
0x71d: {  	v60 =	vld [tilespmem:$0x45F0];
	v30, _, _ =	vpop (xrf0);
	(v2sf) =	vpush v28, $0xF  }
0x71e: {  	v19 =	vadd.s32 v55, v56;
	v62 =	vld [tilespmem:$0x46F0];
	v61, _, _ =	vpop (xrf0);
	(v2sf) =	vpush v30, $0xF  }
0x71f: {  	v41 =	vld [tilespmem:$0x47F0];
	v19 =	vadd.s32 v19, v57;
	v63, _, _ =	vpop (xrf0);
	(v2sf) =	vpush v61, $0xF  }
0x720: {  	v43 =	vld [tilespmem:$0x48F0];
	v19 =	vadd.s32 v19, v58;
	v42, _, _ =	vpop (xrf0);
	(v2sf) =	vpush v63, $0xF  }
0x721: {  	v19 =	vadd.s32 v19, v59;
	v45 =	vld [tilespmem:$0x49F0];
	(v2sf) =	vpush v42, $0xF;
	v44, _, _ =	vpop (xrf0)  }
0x722: {  	s0 =	spop (v2sf);
	v46 =	vld [tilespmem:$0x4AF0];
	v19 =	vadd.s32 v19, v60;
	(v2sf) =	vpush v44, $0xF  }
0x723: {  	s1 =	spop (v2sf);
	v19 =	vadd.s32 v19, v62;
	v48 =	vld [tilespmem:$0x4BF0]  }
0x724: {  	v16 =	vsub.s32 v37, v16;
	s0 =	sadd.s32 s0, s1;
	s4 =	spop (v2sf);
	v19 =	vadd.s32 v19, v41;
	v49 =	vld [tilespmem:$0x4CF0]  }
0x725: {  	v50 =	vld [tilespmem:$0x4DF0];
	v4 =	vsub.s32 s0, v4;
	v47 =	vbroadcast v37, $0xF;
	s0 =	sadd.s32 s0, s4;
	v19 =	vadd.s32 v19, v43  }
0x726: {  	[tilespmem:$0x5000] =	vst v16;
	v53 =	vld [tilespmem:$0x4EF0];
	v4 =	vadd.s32 v39, v4;
	s19 =	spop (v2sf);
	v5 =	vsub.s32 s0, v5;
	v52 =	vadd.s32 v19, v45  }
0x727: {  	v55 =	vld [tilespmem:$0x4FF0];
	[tilespmem:$0x5020] =	vst v4;
	s0 =	sadd.s32 s0, s19;
	v17 =	vsub.s32 v47, v17;
	s20 =	spop (v2sf);
	v4 =	vadd.s32 v40, v5;
	v54 =	vadd.s32 v52, v46  }
0x728: {  	v11 =	vsub.s32 s0, v11;
	v51 =	vadd.s32 v38, v17;
	s0 =	sadd.s32 s0, s20;
	[tilespmem:$0x5030] =	vst v4;
	v5 =	vadd.s32 v54, v48;
	s21 =	spop (v2sf)  }
0x729: {  	v4 =	vadd.s32 v21, v11;
	[tilespmem:$0x5010] =	vst v51;
	v10 =	vsub.s32 s0, v10;
	v5 =	vadd.s32 v5, v49;
	s0 =	sadd.s32 s0, s21;
	s22 =	spop (v2sf)  }
0x72a: {  	[tilespmem:$0x5040] =	vst v4;
	v4 =	vadd.s32 v20, v10;
	v5 =	vadd.s32 v5, v50;
	v56 =	vsub.s32 s0, v12;
	s0 =	sadd.s32 s0, s22;
	s23 =	spop (v2sf)  }
0x72b: {  	[tilespmem:$0x5050] =	vst v4;
	v4 =	vadd.s32 v22, v56;
	v5 =	vadd.s32 v5, v53;
	v57 =	vsub.s32 s0, v15;
	s0 =	sadd.s32 s0, s23;
	s24 =	spop (v2sf)  }
0x72c: {  	[tilespmem:$0x5060] =	vst v4;
	v5 =	vadd.s32 v5, v55;
	v4 =	vadd.s32 v25, v57;
	v58 =	vsub.s32 s0, v14;
	s0 =	sadd.s32 s0, s24;
	s25 =	spop (v2sf)  }
0x72d: {  	(xrf0) =	vadd.scan.msk.s32 $0xffff, v5;
	[tilespmem:$0x5070] =	vst v4;
	v4 =	vadd.s32 v26, v58;
	v59 =	vsub.s32 s0, v13;
	s0 =	sadd.s32 s0, s25;
	s26 =	spop (v2sf)  }
0x72e: {  	[tilespmem:$0x5080] =	vst v4;
	v4 =	vadd.s32 v28, v59;
	v7 =	vsub.s32 s0, v7;
	s0 =	sadd.s32 s0, s26;
	s28 =	spop (v2sf)  }
0x72f: {  	[tilespmem:$0x5090] =	vst v4;
	v4 =	vadd.s32 v30, v7;
	v60 =	vsub.s32 s0, v8;
	s0 =	sadd.s32 s0, s28;
	s29 =	spop (v2sf)  }
0x730: {  	[tilespmem:$0x50A0] =	vst v4;
	v4 =	vadd.s32 v61, v60;
	v6 =	vsub.s32 s0, v6;
	s0 =	sadd.s32 s0, s29;
	s30 =	spop (v2sf)  }
0x731: {  	[tilespmem:$0x50B0] =	vst v4;
	v4 =	vadd.s32 v63, v6;
	v61 =	vsub.s32 s0, v9;
	s0 =	sadd.s32 s0, s30;
	s31 =	spop (v2sf)  }
0x732: {  	[tilespmem:$0x50C0] =	vst v4;
	v4 =	vadd.s32 v42, v61;
	v62 =	vsub.s32 s0, v18;
	s0 =	sadd.s32 s0, s31  }
0x733: {  	v63, _, _ =	vpop (xrf0);
	[tilespmem:$0x50D0] =	vst v4;
	v4 =	vadd.s32 v44, v62;
	v5 =	vsub.s32 s0, v5  }
0x734: {  	[tilespmem:$0x50E0] =	vst v4;
	v4 =	vadd.s32 v63, v5  }
0x735: {  	s19 =	simm.s32 $0x0;
	[tilespmem:$0x50F0] =	vst v4  }
.LBB2_69:
0x736: {  	s0 =	sshll.u32 s19, $0x4  }
0x737: {  	v5 =	vld [tilespmem:s0+$0x9B00];
	_ =	sdelay $0x4  }
0x738: {  	v4 =	vshrl.u32 v5, $0x10  }
0x739: {  	v4 =	vand.u32 $0xFF, v4  }
0x73a: {  	s31 =	simm.s32 $0xB411;
	v6 =	vld [tilespmem:s0+$0xA380];
	[tilespmem:$0xB410] =	vst v4  }
0x73b: {  	s1 =	simm.s32 $0xF;
	v8 =	vld [tilespmem:s31+$0x0]  }
0x73c: {  	v10 =	vld [tilespmem:s1+$0xB400];
	_ =	sdelay $0x3  }
0x73d: {  	v7 =	vimm.s32 $0x0;
	s20 =	simm.s32 $0xB412;
	v9 =	vimm.s32 $0x0;
	s0 =	simm.s32 $0x38  }
.LBB2_70:
0x73e: {  	s1 =	sshra.s32 s0, $0x2;
	p0 =	sne.s32 s0, $0x4;
	s0 =	sadd.s32 $0xFFFFFFFC, s0;
	vm0 =	veq.s32 v10, v4;
	vm1 =	veq.s32 v8, v4;
	v8 =	vld [tilespmem:s20+$0x0]  }
.Ltmp34:
0x73f: {  	v10 =	vld [tilespmem:s1+$0xB400];
	v11 =	vsel vm0, $0x1, v1;
	v12 =	vsel vm1, $0x1, v1;
	(pc) =	sbr.rel @p0 .LBB2_70-.Ltmp34, $2  }
0x740: {  	v7 =	vadd.s32 v11, v7;
	v9 =	vadd.s32 v12, v9;
	_ =	sdelay $0x2  }
0x741: {  	s20 =	sadd.s32 $0x1, s20  }
0x742: {  	_ =	sdelay $0x3  }
0x743: {  	v11 =	vld.idx.msk [tilespmem:v4+s12+$0x0], $0xffff;
	_ =	sdelay $0x1  }
0x744: {  	vm0 =	veq.s32 v10, v4  }
0x745: {  	vm1 =	veq.s32 v8, v4;
	v60 =	vsel vm0, $0x1, v1  }
0x746: {  	v61 =	vsel vm1, $0x1, v1;
	v7 =	vadd.s32 v60, v7  }
0x747: {  	v62 =	vadd.s32 v61, v9;
	v63 =	vadd.s32 v7, v11  }
0x748: {  	s19 =	sadd.s32 $0x1, s19;
	vm15 =	veq.s32 v62, $0x0  }
0x749: {  	p0 =	sne.s32 s19, $0x40  }
.Ltmp35:
0x74a: {  	_ = 	snop;
	(pc) =	sbr.rel @p0 .LBB2_69-.Ltmp35, $4  }
0x74b: {  	_ = 	snop  }
0x74c: {  	[tilespmem:v63+s13+$0x0] =	vst.idx.msk $0xffff, v5  }
0x74d: {  	v5 =	vadd.s32 $0x1, v7;
	[tilespmem:v63+s14+$0x0] =	vst.idx.msk $0xffff, v6  }
0x74e: {  	[tilespmem:v4+s12+$0x0] =	vst.idx.add.s32.msk vm15, v5  }
0x74f: {  	s0 =	simm.s32 $0x40;
	s19 =	simm.s32 $0x0  }
.LBB2_73:
0x750: {  	p0 =	sne.s32 s0, $0x3FC0;
	[tilespmem:s19+$0x4000] =	vst v1;
	s1 =	smov.u32 s0;
	s0 =	sadd.s32 $0x40, s0  }
.Ltmp36:
0x751: {  	(pc) =	sbr.rel @p0 .LBB2_73-.Ltmp36, $2  }
0x752: {  	_ =	sdelay $0x2  }
0x753: {  	s19 =	sshra.s32 s1, $0x2  }
0x754: {  	[tilespmem:s19+$0x4000] =	vst v1;
	s19 =	simm.s32 $0x0;
	s0 =	simm.s32 $0x40  }
.LBB2_75:
0x755: {  	p0 =	sne.s32 s0, $0xFC0;
	v4 =	vld [tilespmem:s19+$0xAC00];
	_ =	sdelay $0x4  }
0x756: {  	v4 =	vshrl.u32 v4, $0x18  }
0x757: {  	v5 =	vand.u32 $0x80, v4  }
0x758: {  	v4 =	vand.u32 $0x7F, v4;
	v5 =	vor.u32 v2, v5  }
0x759: {  	v4 =	vor.u32 v4, v5  }
.Ltmp37:
0x75a: {  	(pc) =	sbr.rel @p0 .LBB2_75-.Ltmp37, $2  }
0x75b: {  	_ =	sdelay $0x2  }
0x75c: {  	s19 =	sshra.s32 s0, $0x2;
	s0 =	sadd.s32 $0x40, s0;
	[tilespmem:v4+s11+$0x0] =	vst.idx.add.s32.msk $0xffff, v3  }
0x75d: {  	v4 =	vld [tilespmem:s19+$0xAC00];
	_ =	sdelay $0x4  }
0x75e: {  	v4 =	vshrl.u32 v4, $0x18  }
0x75f: {  	v5 =	vand.u32 $0x80, v4  }
0x760: {  	v4 =	vand.u32 $0x7F, v4;
	v5 =	vor.u32 v2, v5  }
0x761: {  	v4 =	vor.u32 v4, v5;
	_ =	sdelay $0x4  }
0x762: {  	[tilespmem:v4+s11+$0x0] =	vst.idx.add.s32.msk $0xffff, v3  }
0x763: {  	v4 =	vld [tilespmem:$0x4B00];
	_ =	sdelay $0x4  }
0x764: {  	[tilespmem:$0x1E340] =	vst v4;
	v4 =	vld [tilespmem:$0x4C00];
	_ =	sdelay $0x4  }
0x765: {  	[tilespmem:$0x1E350] =	vst v4;
	v4 =	vld [tilespmem:$0x4D00];
	_ =	sdelay $0x4  }
0x766: {  	[tilespmem:$0x1E360] =	vst v4;
	v4 =	vld [tilespmem:$0x4E00];
	_ =	sdelay $0x4  }
0x767: {  	[tilespmem:$0x1E370] =	vst v4;
	v4 =	vld [tilespmem:$0x4F00];
	_ =	sdelay $0x2  }
0x768: {  	v19 =	vld [tilespmem:$0x4000]  }
0x769: {  	v16 =	vld [tilespmem:$0x4100]  }
0x76a: {  	[tilespmem:$0x1E390] =	vst v4;
	v4 =	vld [tilespmem:$0x4810]  }
0x76b: {  	v20 =	vld [tilespmem:$0x4200]  }
0x76c: {  	v22 =	vld [tilespmem:$0x4300]  }
0x76d: {  	v24 =	vld [tilespmem:$0x4400]  }
0x76e: {  	v26 =	vld [tilespmem:$0x4500]  }
0x76f: {  	[tilespmem:$0x1E380] =	vst v4;
	v4 =	vld [tilespmem:$0x4910]  }
0x770: {  	v29 =	vld [tilespmem:$0x4600]  }
0x771: {  	v31 =	vld [tilespmem:$0x4700]  }
0x772: {  	v37 =	vld [tilespmem:$0x4800]  }
0x773: {  	v44 =	vld [tilespmem:$0x4900]  }
0x774: {  	[tilespmem:$0x1E3A0] =	vst v4;
	v4 =	vld [tilespmem:$0x4A10]  }
0x775: {  	v54 =	vld [tilespmem:$0x4A00]  }
0x776: {  	v12 =	vld [tilespmem:$0x4010]  }
0x777: {  	v10 =	vld [tilespmem:$0x4110]  }
0x778: {  	v13 =	vld [tilespmem:$0x4210]  }
0x779: {  	[tilespmem:$0x1E3B0] =	vst v4;
	v4 =	vld [tilespmem:$0x4B10]  }
0x77a: {  	v23 =	vld [tilespmem:$0x4310]  }
0x77b: {  	v30 =	vld [tilespmem:$0x4410]  }
0x77c: {  	v35 =	vld [tilespmem:$0x4510]  }
0x77d: {  	v45 =	vld [tilespmem:$0x4610]  }
0x77e: {  	[tilespmem:$0x1E3C0] =	vst v4;
	v4 =	vld [tilespmem:$0x4C10]  }
0x77f: {  	v55 =	vld [tilespmem:$0x4710]  }
0x780: {  	v5 =	vld [tilespmem:$0x4020]  }
0x781: {  	v6 =	vld [tilespmem:$0x4220]  }
0x782: {  	v7 =	vld [tilespmem:$0x4320]  }
0x783: {  	[tilespmem:$0x1E3D0] =	vst v4;
	v4 =	vld [tilespmem:$0x4D10]  }
0x784: {  	v8 =	vld [tilespmem:$0x4420]  }
0x785: {  	v11 =	vld [tilespmem:$0x4520]  }
0x786: {  	v17 =	vld [tilespmem:$0x4620]  }
0x787: {  	v25 =	vld [tilespmem:$0x4720]  }
0x788: {  	[tilespmem:$0x1E3E0] =	vst v4;
	v4 =	vld [tilespmem:$0x4E10]  }
0x789: {  	v32 =	vld [tilespmem:$0x4820]  }
0x78a: {  	v9 =	vld [tilespmem:$0x4D20]  }
0x78b: {  	v48 =	vld [tilespmem:$0x4E20]  }
0x78c: {  	v49 =	vld [tilespmem:$0x4F20]  }
0x78d: {  	[tilespmem:$0x1E3F0] =	vst v4;
	v4 =	vld [tilespmem:$0x4F10]  }
0x78e: {  	v36 =	vld [tilespmem:$0x4920]  }
0x78f: {  	v46 =	vld [tilespmem:$0x4A20];
	[tilespmem:$0x1E400] =	vst v9  }
0x790: {  	v56 =	vld [tilespmem:$0x4B20];
	[tilespmem:$0x1E420] =	vst v48  }
0x791: {  	v62 =	vld [tilespmem:$0x4C20];
	[tilespmem:$0x1E430] =	vst v49  }
0x792: {  	[tilespmem:$0x1E410] =	vst v4;
	v4 =	vld [tilespmem:$0x4120]  }
0x793: {  	v21 =	vld [tilespmem:$0x4030]  }
0x794: {  	v18 =	vld [tilespmem:$0x4130]  }
0x795: {  	v27 =	vld [tilespmem:$0x4230]  }
0x796: {  	v34 =	vld [tilespmem:$0x4330]  }
0x797: {  	v43 =	vld [tilespmem:$0x4430]  }
0x798: {  	v51 =	vld [tilespmem:$0x4530]  }
0x799: {  	v59 =	vld [tilespmem:$0x4630]  }
0x79a: {  	v50 =	vld [tilespmem:$0x4730]  }
0x79b: {  	v52 =	vld [tilespmem:$0x4830]  }
0x79c: {  	v53 =	vld [tilespmem:$0x4930]  }
0x79d: {  	v57 =	vld [tilespmem:$0x4A30]  }
0x79e: {  	v58 =	vld [tilespmem:$0x4B30]  }
0x79f: {  	v60 =	vld [tilespmem:$0x4C30]  }
0x7a0: {  	v61 =	vld [tilespmem:$0x4D30]  }
0x7a1: {  	v63 =	vld [tilespmem:$0x4E30]  }
0x7a2: {  	v14 =	vld [tilespmem:$0x4F30]  }
0x7a3: {  	v41 =	vld [tilespmem:$0x4040]  }
0x7a4: {  	v40 =	vld [tilespmem:$0x4140]  }
0x7a5: {  	v47 =	vld [tilespmem:$0x4240]  }
0x7a6: {  	v15 =	vld [tilespmem:$0x4540]  }
0x7a7: {  	v28 =	vld [tilespmem:$0x4640]  }
0x7a8: {  	v33 =	vld [tilespmem:$0x4740]  }
0x7a9: {  	v38 =	vld [tilespmem:$0x4840]  }
0x7aa: {  	v39 =	vld [tilespmem:$0x4940]  }
0x7ab: {  	v42 =	vld [tilespmem:$0x4A40]  }
0x7ac: {  	v16 =	vadd.s32 v19, v16;
	v48 =	vld [tilespmem:$0x4B40]  }
0x7ad: {  	v16 =	vadd.s32 v16, v20;
	v49 =	vld [tilespmem:$0x4C40]  }
0x7ae: {  	v16 =	vadd.s32 v16, v22;
	v9 =	vld [tilespmem:$0x4150]  }
0x7af: {  	v16 =	vadd.s32 v16, v24;
	v22 =	vld [tilespmem:$0x45A0]  }
0x7b0: {  	v16 =	vadd.s32 v16, v26;
	v24 =	vld [tilespmem:$0x46A0]  }
0x7b1: {  	v16 =	vadd.s32 v16, v29;
	v26 =	vld [tilespmem:$0x47A0]  }
0x7b2: {  	v16 =	vadd.s32 v16, v31;
	v29 =	vld [tilespmem:$0x48A0]  }
0x7b3: {  	v31 =	vadd.s32 v16, v37;
	v37 =	vld [tilespmem:$0x4BA0]  }
0x7b4: {  	v10 =	vadd.s32 v12, v10;
	v12 =	vld [tilespmem:$0x4DA0]  }
0x7b5: {  	v10 =	vadd.s32 v10, v13;
	v13 =	vld [tilespmem:$0x1E350]  }
0x7b6: {  	v16 =	vld [tilespmem:$0x4EA0]  }
0x7b7: {  	v19 =	vld [tilespmem:$0x1E360]  }
0x7b8: {  	v20 =	vld [tilespmem:$0x1E370]  }
0x7b9: {  	v10 =	vadd.s32 v10, v23;
	v23 =	vld [tilespmem:$0x1E390]  }
0x7ba: {  	v4 =	vadd.s32 v5, v4;
	v5 =	vld [tilespmem:$0x4AA0]  }
0x7bb: {  	[tilespmem:$0x1E450] =	vst v52;
	v52 =	vld [tilespmem:$0x4340]  }
0x7bc: {  	[tilespmem:$0x1E4E0] =	vst v63;
	v63 =	vld [tilespmem:$0x4440]  }
0x7bd: {  	[tilespmem:$0x1E440] =	vst v50;
	v50 =	vld [tilespmem:$0x4D40]  }
0x7be: {  	[tilespmem:$0x1E460] =	vst v53;
	v53 =	vld [tilespmem:$0x4E40]  }
0x7bf: {  	[tilespmem:$0x1E470] =	vst v57;
	v57 =	vld [tilespmem:$0x4F40]  }
0x7c0: {  	[tilespmem:$0x1E500] =	vst v14;
	v14 =	vld [tilespmem:$0x4050]  }
0x7c1: {  	[tilespmem:$0x1E490] =	vst v15;
	v15 =	vld [tilespmem:$0x4250]  }
0x7c2: {  	[tilespmem:$0x1E4B0] =	vst v28;
	v28 =	vld [tilespmem:$0x4350]  }
0x7c3: {  	[tilespmem:$0x1E4D0] =	vst v33;
	v33 =	vld [tilespmem:$0x4450]  }
0x7c4: {  	[tilespmem:$0x1E4F0] =	vst v38;
	v38 =	vld [tilespmem:$0x4550]  }
0x7c5: {  	[tilespmem:$0x1E570] =	vst v49;
	v49 =	vld [tilespmem:$0x4650]  }
0x7c6: {  	[tilespmem:$0x1E510] =	vst v39;
	v39 =	vld [tilespmem:$0x4850]  }
0x7c7: {  	[tilespmem:$0x1E480] =	vst v58;
	v58 =	vld [tilespmem:$0x4950]  }
0x7c8: {  	[tilespmem:$0x1E4A0] =	vst v60;
	v60 =	vld [tilespmem:$0x4A50]  }
0x7c9: {  	[tilespmem:$0x1E4C0] =	vst v61;
	v61 =	vld [tilespmem:$0x4B50]  }
0x7ca: {  	[tilespmem:$0x1E530] =	vst v42;
	v42 =	vld [tilespmem:$0x4C50]  }
0x7cb: {  	[tilespmem:$0x1E550] =	vst v48;
	v48 =	vld [tilespmem:$0x4D50]  }
0x7cc: {  	[tilespmem:$0x1E9A0] =	vst v22;
	v22 =	vld [tilespmem:$0x1E380]  }
0x7cd: {  	[tilespmem:$0x1E9C0] =	vst v24;
	v24 =	vld [tilespmem:$0x1E3B0]  }
0x7ce: {  	[tilespmem:$0x1E9E0] =	vst v26;
	v26 =	vld [tilespmem:$0x1E3C0]  }
0x7cf: {  	[tilespmem:$0x1EA00] =	vst v29;
	v4 =	vadd.s32 v4, v6;
	v29 =	vld [tilespmem:$0x1E3D0]  }
0x7d0: {  	v4 =	vadd.s32 v4, v7;
	v7 =	vld [tilespmem:$0x40B0]  }
0x7d1: {  	[tilespmem:$0x1EA30] =	vst v37;
	v37 =	vadd.s32 v41, v40;
	v40 =	vld [tilespmem:$0x1E450]  }
0x7d2: {  	[tilespmem:$0x1EA50] =	vst v12;
	v12 =	vld [tilespmem:$0x1E500]  }
0x7d3: {  	[tilespmem:$0x1EA20] =	vst v5;
	v5 =	vadd.s32 v31, v44;
	v44 =	vadd.s32 v10, v30;
	v10 =	vld [tilespmem:$0x1E340]  }
0x7d4: {  	v30 =	vld [tilespmem:$0x1E3E0]  }
0x7d5: {  	v31 =	vld [tilespmem:$0x1E3F0]  }
0x7d6: {  	[tilespmem:$0x1E600] =	vst v57;
	v57 =	vld [tilespmem:$0x4750]  }
0x7d7: {  	[tilespmem:$0x1E5A0] =	vst v50;
	v50 =	vld [tilespmem:$0x4E50]  }
0x7d8: {  	[tilespmem:$0x1E5D0] =	vst v53;
	v53 =	vld [tilespmem:$0x4F50]  }
0x7d9: {  	[tilespmem:$0x1E560] =	vst v60;
	v60 =	vld [tilespmem:$0x4260]  }
0x7da: {  	[tilespmem:$0x1E540] =	vst v58;
	v58 =	vld [tilespmem:$0x4360]  }
0x7db: {  	[tilespmem:$0x1E580] =	vst v61;
	v61 =	vld [tilespmem:$0x4460]  }
0x7dc: {  	[tilespmem:$0x1E5B0] =	vst v42;
	v42 =	vld [tilespmem:$0x4560]  }
0x7dd: {  	[tilespmem:$0x1E5E0] =	vst v48;
	v48 =	vld [tilespmem:$0x4660]  }
0x7de: {  	[tilespmem:$0x1E520] =	vst v39;
	v39 =	vld [tilespmem:$0x4180]  }
0x7df: {  	v4 =	vadd.s32 v4, v8;
	v5 =	vadd.s32 v5, v54;
	v54 =	vld [tilespmem:$0x4CA0]  }
0x7e0: {  	v4 =	vadd.s32 v4, v11;
	v6 =	vadd.s32 v44, v35;
	v35 =	vld [tilespmem:$0x1E430]  }
0x7e1: {  	v4 =	vadd.s32 v4, v17;
	v44 =	vld [tilespmem:$0x1E470]  }
0x7e2: {  	v4 =	vadd.s32 v4, v25;
	v25 =	vadd.s32 v21, v18;
	v21 =	vld [tilespmem:$0x4DB0]  }
0x7e3: {  	v41 =	vadd.s32 v14, v9;
	v9 =	vld [tilespmem:$0x4FB0]  }
0x7e4: {  	v14 =	vld [tilespmem:$0x1E510]  }
0x7e5: {  	[tilespmem:$0x1E5C0] =	vst v61;
	v61 =	vld [tilespmem:$0x4860]  }
0x7e6: {  	v18 =	vld [tilespmem:$0x1E530]  }
0x7e7: {  	v4 =	vadd.s32 v4, v32;
	v32 =	vld [tilespmem:$0x1E400]  }
0x7e8: {  	v6 =	vadd.s32 v6, v45;
	v45 =	vld [tilespmem:$0x1E480]  }
0x7e9: {  	v8 =	vadd.s32 v41, v15;
	v15 =	vld [tilespmem:$0x1E520]  }
0x7ea: {  	[tilespmem:$0x1E670] =	vst v61;
	v61 =	vld [tilespmem:$0x4C60]  }
0x7eb: {  	v6 =	vadd.s32 v6, v55;
	v55 =	vld [tilespmem:$0x4FA0]  }
0x7ec: {  	v4 =	vadd.s32 v4, v36;
	v36 =	vld [tilespmem:$0x1E440]  }
0x7ed: {  	v6 =	vadd.s32 v6, v22;
	v22 =	vld [tilespmem:$0x43B0]  }
0x7ee: {  	v8 =	vadd.s32 v8, v28;
	v4 =	vadd.s32 v4, v46;
	v46 =	vld [tilespmem:$0x1E490]  }
0x7ef: {  	v8 =	vadd.s32 v8, v33;
	[tilespmem:$0x1E700] =	vst v61;
	v61 =	vld [tilespmem:$0x4070]  }
0x7f0: {  	v8 =	vadd.s32 v8, v38;
	v38 =	vld [tilespmem:$0x1E570]  }
0x7f1: {  	[tilespmem:$0x1E630] =	vst v53;
	v53 =	vld [tilespmem:$0x4060]  }
0x7f2: {  	[tilespmem:$0x1E610] =	vst v50;
	v50 =	vld [tilespmem:$0x4160]  }
0x7f3: {  	[tilespmem:$0x1E590] =	vst v58;
	v58 =	vld [tilespmem:$0x4760]  }
0x7f4: {  	[tilespmem:$0x1E650] =	vst v61;
	v61 =	vld [tilespmem:$0x4470]  }
0x7f5: {  	[tilespmem:$0x1E5F0] =	vst v42;
	v42 =	vld [tilespmem:$0x4960]  }
0x7f6: {  	v5 =	vadd.s32 v5, v10;
	[tilespmem:$0x1E620] =	vst v48;
	v48 =	vld [tilespmem:$0x4A60]  }
0x7f7: {  	v5 =	vadd.s32 v5, v13;
	v13 =	vld [tilespmem:$0x41B0]  }
0x7f8: {  	[tilespmem:$0x1EA40] =	vst v54;
	v54 =	vld [tilespmem:$0x1E4D0]  }
0x7f9: {  	[tilespmem:$0x1E6C0] =	vst v61;
	v61 =	vld [tilespmem:$0x4870]  }
0x7fa: {  	v4 =	vadd.s32 v4, v56;
	v56 =	vadd.s32 v8, v49;
	v8 =	vld [tilespmem:$0x4EB0]  }
0x7fb: {  	v4 =	vadd.s32 v4, v62;
	v62 =	vld [tilespmem:$0x1E4F0]  }
0x7fc: {  	v4 =	vadd.s32 v4, v32;
	v32 =	vld [tilespmem:$0x4BB0]  }
0x7fd: {  	v5 =	vadd.s32 v5, v19;
	v19 =	vld [tilespmem:$0x1E540]  }
0x7fe: {  	[tilespmem:$0x1E770] =	vst v61;
	v61 =	vld [tilespmem:$0x4C70]  }
0x7ff: {  	v41 =	vld [tilespmem:$0x1E590]  }
0x800: {  	v49 =	vld [tilespmem:$0x1E5F0]  }
0x801: {  	v5 =	vadd.s32 v5, v20;
	v20 =	vld [tilespmem:$0x42B0]  }
0x802: {  	[tilespmem:$0x1EA60] =	vst v16;
	v16 =	vadd.s32 v5, v23;
	v5 =	vld [tilespmem:$0x1E3A0]  }
0x803: {  	[tilespmem:$0x1E830] =	vst v61;
	v61 =	vld [tilespmem:$0x4480]  }
0x804: {  	v23 =	vld [tilespmem:$0x44B0]  }
0x805: {  	[tilespmem:$0x1E640] =	vst v58;
	v58 =	vld [tilespmem:$0x4B60]  }
0x806: {  	[tilespmem:$0x1E690] =	vst v42;
	v42 =	vld [tilespmem:$0x4D60]  }
0x807: {  	[tilespmem:$0x1E6B0] =	vst v48;
	v48 =	vld [tilespmem:$0x4E60]  }
0x808: {  	[tilespmem:$0x1E6F0] =	vst v61;
	v61 =	vld [tilespmem:$0x4580]  }
0x809: {  	v28 =	vadd.s32 v53, v50;
	v50 =	vld [tilespmem:$0x1E600]  }
0x80a: {  	v53 =	vld [tilespmem:$0x1E630];
	v11 =	vadd.s32 v28, v60  }
0x80b: {  	v7 =	vadd.s32 v7, v13;
	v11 =	vadd.s32 v11, v41;
	v41 =	vld [tilespmem:$0x46C0]  }
0x80c: {  	v7 =	vadd.s32 v7, v20;
	v20 =	vld [tilespmem:$0x48D0]  }
0x80d: {  	[tilespmem:$0x1E720] =	vst v61;
	v61 =	vld [tilespmem:$0x4680]  }
0x80e: {  	v5 =	vadd.s32 v6, v5;
	v6 =	vadd.s32 v25, v27;
	v25 =	vld [tilespmem:$0x46B0]  }
0x80f: {  	v27 =	vld [tilespmem:$0x48B0]  }
0x810: {  	v7 =	vadd.s32 v7, v22;
	v22 =	vld [tilespmem:$0x49D0]  }
0x811: {  	v5 =	vadd.s32 v5, v24;
	v24 =	vld [tilespmem:$0x45B0]  }
0x812: {  	[tilespmem:$0x1E750] =	vst v61;
	v61 =	vld [tilespmem:$0x4780]  }
0x813: {  	v6 =	vadd.s32 v6, v34;
	v34 =	vld [tilespmem:$0x1E410]  }
0x814: {  	v7 =	vadd.s32 v7, v23;
	v23 =	vld [tilespmem:$0x4AD0]  }
0x815: {  	[tilespmem:$0x1E6D0] =	vst v58;
	v58 =	vld [tilespmem:$0x4F60]  }
0x816: {  	[tilespmem:$0x1E730] =	vst v42;
	v42 =	vld [tilespmem:$0x4170]  }
0x817: {  	[tilespmem:$0x1E780] =	vst v61;
	v61 =	vld [tilespmem:$0x4880]  }
0x818: {  	[tilespmem:$0x1E760] =	vst v48;
	v48 =	vld [tilespmem:$0x4270]  }
0x819: {  	v5 =	vadd.s32 v5, v26;
	v26 =	vld [tilespmem:$0x47B0]  }
0x81a: {  	v6 =	vadd.s32 v6, v43;
	v43 =	vld [tilespmem:$0x1E460]  }
0x81b: {  	v5 =	vadd.s32 v5, v29;
	v29 =	vld [tilespmem:$0x49B0]  }
0x81c: {  	[tilespmem:$0x1E7B0] =	vst v61;
	v61 =	vld [tilespmem:$0x4980]  }
0x81d: {  	v6 =	vadd.s32 v6, v51;
	v51 =	vld [tilespmem:$0x1E4B0]  }
0x81e: {  	v33 =	vld [tilespmem:$0x1E6D0]  }
0x81f: {  	v5 =	vadd.s32 v5, v30;
	v30 =	vld [tilespmem:$0x4CB0]  }
0x820: {  	v5 =	vadd.s32 v5, v31;
	v31 =	vld [tilespmem:$0x4AB0]  }
0x821: {  	[tilespmem:$0x1E7D0] =	vst v61;
	v61 =	vld [tilespmem:$0x4A80]  }
0x822: {  	v17 =	vadd.s32 v5, v34;
	v5 =	vld [tilespmem:$0x1E420]  }
0x823: {  	v34 =	vld [tilespmem:$0x40C0]  }
0x824: {  	v7 =	vadd.s32 v7, v24;
	v24 =	vld [tilespmem:$0x4BD0]  }
0x825: {  	[tilespmem:$0x1E790] =	vst v58;
	v58 =	vld [tilespmem:$0x4370]  }
0x826: {  	[tilespmem:$0x1E810] =	vst v61;
	v61 =	vld [tilespmem:$0x4B80]  }
0x827: {  	[tilespmem:$0x1E660] =	vst v42;
	v42 =	vld [tilespmem:$0x4570]  }
0x828: {  	[tilespmem:$0x1E680] =	vst v48;
	v48 =	vld [tilespmem:$0x4670]  }
0x829: {  	v7 =	vadd.s32 v7, v25;
	v25 =	vld [tilespmem:$0x4CD0]  }
0x82a: {  	v60 =	vld [tilespmem:$0x1E680]  }
0x82b: {  	[tilespmem:$0x1E840] =	vst v61;
	v61 =	vld [tilespmem:$0x4C80]  }
0x82c: {  	v7 =	vadd.s32 v7, v26;
	v26 =	vld [tilespmem:$0x4DD0]  }
0x82d: {  	v7 =	vadd.s32 v7, v27;
	v27 =	vld [tilespmem:$0x4ED0]  }
0x82e: {  	v4 =	vadd.s32 v4, v5;
	v5 =	vadd.s32 v6, v59;
	v6 =	vadd.s32 v37, v47;
	v47 =	vld [tilespmem:$0x1E4A0]  }
0x82f: {  	v59 =	vld [tilespmem:$0x1E4E0]  }
0x830: {  	[tilespmem:$0x1E870] =	vst v61;
	v61 =	vld [tilespmem:$0x4D80]  }
0x831: {  	v7 =	vadd.s32 v7, v29;
	v37 =	vld [tilespmem:$0x1E560]  }
0x832: {  	v7 =	vadd.s32 v7, v31;
	v31 =	vld [tilespmem:$0x40E0]  }
0x833: {  	[tilespmem:$0x1E6A0] =	vst v58;
	v58 =	vld [tilespmem:$0x4770]  }
0x834: {  	[tilespmem:$0x1E6E0] =	vst v42;
	v42 =	vld [tilespmem:$0x4970]  }
0x835: {  	[tilespmem:$0x1E8A0] =	vst v61;
	v61 =	vld [tilespmem:$0x4E80]  }
0x836: {  	[tilespmem:$0x1E710] =	vst v48;
	v48 =	vld [tilespmem:$0x4A70]  }
0x837: {  	v6 =	vadd.s32 v6, v52;
	v52 =	vld [tilespmem:$0x1E4C0]  }
0x838: {  	v4 =	vadd.s32 v4, v35;
	v35 =	vld [tilespmem:$0x41C0]  }
0x839: {  	v5 =	vadd.s32 v5, v36;
	v36 =	vld [tilespmem:$0x1E550]  }
0x83a: {  	[tilespmem:$0x1E8D0] =	vst v61;
	v61 =	vld [tilespmem:$0x4F80]  }
0x83b: {  	v5 =	vadd.s32 v5, v40;
	v40 =	vld [tilespmem:$0x1E580]  }
0x83c: {  	v6 =	vadd.s32 v6, v63;
	v63 =	vadd.s32 v56, v57;
	v56 =	vld [tilespmem:$0x1E650]  }
0x83d: {  	v57 =	vld [tilespmem:$0x1E660]  }
0x83e: {  	v28 =	vld [tilespmem:$0x1E6C0]  }
0x83f: {  	[tilespmem:$0x1E8F0] =	vst v61;
	v61 =	vld [tilespmem:$0x4090]  }
0x840: {  	v5 =	vadd.s32 v5, v43;
	v43 =	vld [tilespmem:$0x1E5A0]  }
0x841: {  	v6 =	vadd.s32 v6, v46;
	v46 =	vld [tilespmem:$0x1E5D0]  }
0x842: {  	v10 =	vadd.s32 v63, v15;
	v63 =	vld [tilespmem:$0x1E690]  }
0x843: {  	v5 =	vadd.s32 v5, v44;
	v44 =	vld [tilespmem:$0x1E5B0]  }
0x844: {  	[tilespmem:$0x1E7E0] =	vst v61;
	v61 =	vld [tilespmem:$0x4190]  }
0x845: {  	v6 =	vadd.s32 v6, v51;
	v51 =	vld [tilespmem:$0x1E610]  }
0x846: {  	v10 =	vadd.s32 v10, v19;
	v19 =	vld [tilespmem:$0x1E6B0]  }
0x847: {  	v10 =	vadd.s32 v10, v37;
	v37 =	vld [tilespmem:$0x43C0]  }
0x848: {  	v5 =	vadd.s32 v5, v45;
	v45 =	vld [tilespmem:$0x1E5C0]  }
0x849: {  	[tilespmem:$0x1E7F0] =	vst v61;
	v61 =	vld [tilespmem:$0x4290]  }
0x84a: {  	v6 =	vadd.s32 v6, v54;
	v54 =	vld [tilespmem:$0x1E640]  }
0x84b: {  	[tilespmem:$0x1E740] =	vst v58;
	v58 =	vld [tilespmem:$0x4B70]  }
0x84c: {  	[tilespmem:$0x1E7A0] =	vst v42;
	v42 =	vld [tilespmem:$0x4D70]  }
0x84d: {  	[tilespmem:$0x1E7C0] =	vst v48;
	v48 =	vld [tilespmem:$0x4E70]  }
0x84e: {  	[tilespmem:$0x1E820] =	vst v61;
	v61 =	vld [tilespmem:$0x4390]  }
0x84f: {  	v5 =	vadd.s32 v5, v47;
	v47 =	vld [tilespmem:$0x1E5E0]  }
0x850: {  	v10 =	vadd.s32 v10, v40;
	v40 =	vld [tilespmem:$0x45C0]  }
0x851: {  	v5 =	vadd.s32 v5, v52;
	v52 =	vld [tilespmem:$0x1E620]  }
0x852: {  	v6 =	vadd.s32 v6, v62;
	v5 =	vadd.s32 v5, v59;
	v59 =	vld [tilespmem:$0x1E670]  }
0x853: {  	v6 =	vadd.s32 v6, v14;
	[tilespmem:$0x1E850] =	vst v61;
	v61 =	vld [tilespmem:$0x4490]  }
0x854: {  	v6 =	vadd.s32 v6, v18;
	v18 =	vld [tilespmem:$0x1E6A0]  }
0x855: {  	v6 =	vadd.s32 v6, v36;
	v36 =	vld [tilespmem:$0x42C0]  }
0x856: {  	v10 =	vadd.s32 v10, v44;
	v44 =	vld [tilespmem:$0x4AC0]  }
0x857: {  	v6 =	vadd.s32 v6, v38;
	v38 =	vld [tilespmem:$0x44C0]  }
0x858: {  	[tilespmem:$0x1E880] =	vst v61;
	v61 =	vld [tilespmem:$0x4590]  }
0x859: {  	v11 =	vadd.s32 v11, v45;
	v45 =	vld [tilespmem:$0x1E6E0]  }
0x85a: {  	[tilespmem:$0x1E800] =	vst v58;
	v58 =	vld [tilespmem:$0x4F70]  }
0x85b: {  	[tilespmem:$0x1E860] =	vst v42;
	v42 =	vld [tilespmem:$0x4080]  }
0x85c: {  	[tilespmem:$0x1E890] =	vst v48;
	v48 =	vld [tilespmem:$0x4280]  }
0x85d: {  	[tilespmem:$0x1E8B0] =	vst v61;
	v61 =	vld [tilespmem:$0x4690]  }
0x85e: {  	v6 =	vadd.s32 v6, v43;
	v43 =	vld [tilespmem:$0x47C0]  }
0x85f: {  	v10 =	vadd.s32 v10, v47;
	v47 =	vld [tilespmem:$0x1E700];
	v6 =	vadd.s32 v6, v46  }
0x860: {  	v5 =	vadd.s32 v5, v12;
	v12 =	vadd.s32 v11, v49;
	v11 =	vadd.s32 v6, v50;
	v50 =	vld [tilespmem:$0x1E730]  }
0x861: {  	v6 =	vadd.s32 v10, v51;
	v51 =	vld [tilespmem:$0x1E740]  }
0x862: {  	[tilespmem:$0x1E8E0] =	vst v61;
	v61 =	vld [tilespmem:$0x4790]  }
0x863: {  	v12 =	vadd.s32 v12, v52;
	v10 =	vadd.s32 v6, v53;
	v53 =	vld [tilespmem:$0x1E760]  }
0x864: {  	v6 =	vadd.s32 v12, v54;
	v54 =	vld [tilespmem:$0x1E770]  }
0x865: {  	v12 =	vadd.s32 v56, v57;
	v57 =	vld [tilespmem:$0x1E790]  }
0x866: {  	v12 =	vadd.s32 v12, v60;
	v60 =	vld [tilespmem:$0x1E7C0]  }
0x867: {  	[tilespmem:$0x1E900] =	vst v61;
	v61 =	vld [tilespmem:$0x4890]  }
0x868: {  	[tilespmem:$0x1E8C0] =	vst v58;
	v58 =	vld [tilespmem:$0x4380]  }
0x869: {  	v62 =	vadd.s32 v42, v39;
	v39 =	vld [tilespmem:$0x48C0]  }
0x86a: {  	v42 =	vld [tilespmem:$0x49C0]  }
0x86b: {  	v12 =	vadd.s32 v12, v18;
	v18 =	vld [tilespmem:$0x4DC0]  }
0x86c: {  	[tilespmem:$0x1E930] =	vst v61;
	v61 =	vld [tilespmem:$0x4990]  }
0x86d: {  	v46 =	vld [tilespmem:$0x1E6F0]  }
0x86e: {  	v6 =	vadd.s32 v6, v59;
	v14 =	vadd.s32 v62, v48;
	v48 =	vld [tilespmem:$0x1E710]  }
0x86f: {  	v6 =	vadd.s32 v6, v63;
	v12 =	vadd.s32 v12, v28;
	v28 =	vld [tilespmem:$0x4CC0]  }
0x870: {  	v6 =	vadd.s32 v6, v19;
	v19 =	vld [tilespmem:$0x4EC0]  }
0x871: {  	[tilespmem:$0x1E950] =	vst v61;
	v61 =	vld [tilespmem:$0x4A90]  }
0x872: {  	v6 =	vadd.s32 v6, v33;
	v33 =	vld [tilespmem:$0x4BC0]  }
0x873: {  	v6 =	vadd.s32 v6, v47;
	v47 =	vld [tilespmem:$0x41D0]  }
0x874: {  	v49 =	vld [tilespmem:$0x1E720]  }
0x875: {  	v14 =	vadd.s32 v14, v58;
	v58 =	vld [tilespmem:$0x1E7A0]  }
0x876: {  	[tilespmem:$0x1E970] =	vst v61;
	v61 =	vld [tilespmem:$0x4B90]  }
0x877: {  	v12 =	vadd.s32 v12, v45;
	v14 =	vadd.s32 v14, v46;
	v46 =	vld [tilespmem:$0x40D0]  }
0x878: {  	v6 =	vadd.s32 v6, v50;
	v12 =	vadd.s32 v12, v48;
	v52 =	vld [tilespmem:$0x1E750]  }
0x879: {  	v6 =	vadd.s32 v6, v53;
	v12 =	vadd.s32 v12, v51;
	v14 =	vadd.s32 v14, v49;
	v49 =	vld [tilespmem:$0x1E800]  }
0x87a: {  	v15 =	vadd.s32 v12, v54;
	v12 =	vadd.s32 v6, v57;
	v6 =	vld [tilespmem:$0x4FC0]  }
0x87b: {  	[tilespmem:$0x1E990] =	vst v61;
	v61 =	vld [tilespmem:$0x4C90]  }
0x87c: {  	v15 =	vadd.s32 v15, v58;
	v56 =	vld [tilespmem:$0x1E780]  }
0x87d: {  	v15 =	vadd.s32 v15, v60;
	v14 =	vadd.s32 v14, v52;
	v52 =	vld [tilespmem:$0x1E830]  }
0x87e: {  	v15 =	vadd.s32 v15, v49;
	v49 =	vld [tilespmem:$0x43D0]  }
0x87f: {  	v59 =	vld [tilespmem:$0x1E7B0]  }
0x880: {  	[tilespmem:$0x1E9B0] =	vst v61;
	v61 =	vld [tilespmem:$0x4D90]  }
0x881: {  	v62 =	vld [tilespmem:$0x1E7D0]  }
0x882: {  	v50 =	vld [tilespmem:$0x1E810]  }
0x883: {  	v14 =	vadd.s32 v14, v56;
	v56 =	vld [tilespmem:$0x1E860]  }
0x884: {  	v53 =	vld [tilespmem:$0x1E840]  }
0x885: {  	v14 =	vadd.s32 v14, v59;
	[tilespmem:$0x1E9D0] =	vst v61;
	v61 =	vld [tilespmem:$0x4E90]  }
0x886: {  	v59 =	vld [tilespmem:$0x1E890];
	v14 =	vadd.s32 v14, v62  }
0x887: {  	v14 =	vadd.s32 v14, v50;
	v50 =	vld [tilespmem:$0x44D0]  }
0x888: {  	v57 =	vld [tilespmem:$0x1E870]  }
0x889: {  	v14 =	vadd.s32 v14, v53;
	v53 =	vld [tilespmem:$0x46D0]  }
0x88a: {  	[tilespmem:$0x1E9F0] =	vst v61;
	v61 =	vld [tilespmem:$0x4F90]  }
0x88b: {  	v60 =	vld [tilespmem:$0x1E8A0]  }
0x88c: {  	v63 =	vld [tilespmem:$0x1E7E0]  }
0x88d: {  	v48 =	vld [tilespmem:$0x1E7F0]  }
0x88e: {  	v51 =	vld [tilespmem:$0x1E820]  }
0x88f: {  	[tilespmem:$0x1EA10] =	vst v61;
	v61 =	vld [tilespmem:$0x40A0]  }
0x890: {  	v54 =	vld [tilespmem:$0x1E850]  }
0x891: {  	v14 =	vadd.s32 v14, v57;
	v57 =	vld [tilespmem:$0x1E8F0]  }
0x892: {  	v45 =	vadd.s32 v63, v48;
	v48 =	vld [tilespmem:$0x42D0]  }
0x893: {  	v58 =	vld [tilespmem:$0x1E880]  }
0x894: {  	v45 =	vadd.s32 v45, v51;
	[tilespmem:$0x1E910] =	vst v61;
	v61 =	vld [tilespmem:$0x41A0]  }
0x895: {  	v45 =	vadd.s32 v45, v54;
	v54 =	vld [tilespmem:$0x1E8D0]  }
0x896: {  	v62 =	vld [tilespmem:$0x1E8B0]  }
0x897: {  	v15 =	vadd.s32 v15, v52;
	v63 =	vld [tilespmem:$0x1E8C0]  }
0x898: {  	v15 =	vadd.s32 v15, v56;
	v56 =	vld [tilespmem:$0x1E8E0]  }
0x899: {  	[tilespmem:$0x1E920] =	vst v61;
	v61 =	vld [tilespmem:$0x42A0]  }
0x89a: {  	v14 =	vadd.s32 v14, v60;
	v45 =	vadd.s32 v45, v58;
	v58 =	vld [tilespmem:$0x1E900]  }
0x89b: {  	v14 =	vadd.s32 v14, v54;
	v45 =	vadd.s32 v45, v62;
	v62 =	vld [tilespmem:$0x1E930]  }
0x89c: {  	v14 =	vadd.s32 v14, v57;
	v57 =	vld [tilespmem:$0x1E950]  }
0x89d: {  	v51 =	vld [tilespmem:$0x45D0]  }
0x89e: {  	v45 =	vadd.s32 v45, v56;
	[tilespmem:$0x1E940] =	vst v61;
	v61 =	vld [tilespmem:$0x43A0]  }
0x89f: {  	v15 =	vadd.s32 v15, v59;
	v45 =	vadd.s32 v45, v58;
	v59 =	vld [tilespmem:$0x1E910]  }
0x8a0: {  	v45 =	vadd.s32 v45, v62;
	v60 =	vld [tilespmem:$0x1E920]  }
0x8a1: {  	v13 =	vadd.s32 v45, v57;
	v57 =	vld [tilespmem:$0x1E9C0]  }
0x8a2: {  	v15 =	vadd.s32 v15, v63;
	v63 =	vld [tilespmem:$0x1E940]  }
0x8a3: {  	[tilespmem:$0x1E960] =	vst v61;
	v61 =	vld [tilespmem:$0x44A0]  }
0x8a4: {  	v62 =	vld [tilespmem:$0x1E990]  }
0x8a5: {  	v52 =	vadd.s32 v59, v60;
	v59 =	vld [tilespmem:$0x1E970]  }
0x8a6: {  	v56 =	vld [tilespmem:$0x1E9B0]  }
0x8a7: {  	v58 =	vld [tilespmem:$0x1E960]  }
0x8a8: {  	v52 =	vadd.s32 v52, v63;
	v63 =	vld [tilespmem:$0x1E9A0];
	[tilespmem:$0x1E980] =	vst v61  }
0x8a9: {  	v60 =	vld [tilespmem:$0x1E980]  }
0x8aa: {  	v13 =	vadd.s32 v13, v59;
	v59 =	vld [tilespmem:$0x1E9E0]  }
0x8ab: {  	v13 =	vadd.s32 v13, v62;
	v62 =	vld [tilespmem:$0x1EA00]  }
0x8ac: {  	v45 =	vadd.s32 v52, v58;
	v58 =	vld [tilespmem:$0x1E9D0]  }
0x8ad: {  	v61 =	vld [tilespmem:$0x49A0]  }
0x8ae: {  	v45 =	vadd.s32 v45, v60;
	v60 =	vld [tilespmem:$0x1E9F0]  }
0x8af: {  	v45 =	vadd.s32 v45, v63;
	v63 =	vld [tilespmem:$0x1EA10]  }
0x8b0: {  	v13 =	vadd.s32 v13, v56;
	v56 =	vld [tilespmem:$0x1EA20];
	v45 =	vadd.s32 v45, v57  }
0x8b1: {  	v13 =	vadd.s32 v13, v58;
	v58 =	vld [tilespmem:$0x1EA30];
	v45 =	vadd.s32 v45, v59  }
0x8b2: {  	v59 =	vld [tilespmem:$0x1EA40];
	v45 =	vadd.s32 v45, v62  }
0x8b3: {  	v13 =	vadd.s32 v13, v60;
	v45 =	vadd.s32 v45, v61;
	v61 =	vld [tilespmem:$0x1EA50]  }
0x8b4: {  	(xrf0) =	vadd.scan.msk.s32 $0xffff, v16;
	v7 =	vadd.s32 v7, v32;
	v13 =	vadd.s32 v13, v63;
	v63 =	vld [tilespmem:$0x1EA60]  }
0x8b5: {  	v7 =	vadd.s32 v7, v30;
	v54 =	vld [tilespmem:$0x47D0];
	v45 =	vadd.s32 v45, v56  }
0x8b6: {  	(xrf0) =	vadd.scan.msk.s32 $0xffff, v17;
	v21 =	vadd.s32 v7, v21;
	v57 =	vadd.s32 v34, v35;
	v34 =	vld [tilespmem:$0x4FD0];
	v35 =	vadd.s32 v45, v58  }
0x8b7: {  	v8 =	vadd.s32 v21, v8;
	v60 =	vld [tilespmem:$0x41E0];
	v35 =	vadd.s32 v35, v59  }
0x8b8: {  	v8 =	vadd.s32 v8, v9;
	v62 =	vld [tilespmem:$0x42E0];
	v35 =	vadd.s32 v35, v61  }
0x8b9: {  	v29 =	vadd.s32 v57, v36;
	v57 =	vadd.s32 v46, v47;
	v45 =	vld [tilespmem:$0x43E0];
	v35 =	vadd.s32 v35, v63  }
0x8ba: {  	(xrf0) =	vadd.scan.msk.s32 $0xffff, v4;
	v29 =	vadd.s32 v29, v37;
	v21 =	vadd.s32 v57, v48;
	v37, _, _ =	vpop (xrf0);
	v7 =	vadd.s32 v35, v55;
	v55 =	vld [tilespmem:$0x44E0]  }
0x8bb: {  	(xrf0) =	vadd.scan.msk.s32 $0xffff, v5;
	v29 =	vadd.s32 v29, v38;
	v21 =	vadd.s32 v21, v49;
	(v2sf) =	vpush v37, $0xF;
	v58 =	vld [tilespmem:$0x45E0]  }
0x8bc: {  	v38, _, _ =	vpop (xrf0);
	v29 =	vadd.s32 v29, v40;
	v21 =	vadd.s32 v21, v50;
	v59 =	vld [tilespmem:$0x46E0];
	v31 =	vadd.s32 v31, v60  }
0x8bd: {  	(xrf0) =	vadd.scan.msk.s32 $0xffff, v11;
	(v2sf) =	vpush v38, $0xF;
	v52 =	vadd.s32 v29, v41;
	v60 =	vld [tilespmem:$0x47E0];
	v30 =	vadd.s32 v31, v62  }
0x8be: {  	v21 =	vadd.s32 v21, v51;
	v56 =	vadd.s32 v52, v43;
	v61 =	vld [tilespmem:$0x48E0];
	v30 =	vadd.s32 v30, v45  }
0x8bf: {  	v21 =	vadd.s32 v21, v53;
	v9 =	vadd.s32 v56, v39;
	v62 =	vld [tilespmem:$0x49E0];
	v29 =	vadd.s32 v30, v55  }
0x8c0: {  	v39, _, _ =	vpop (xrf0);
	v21 =	vadd.s32 v21, v54;
	v9 =	vadd.s32 v9, v42;
	v63 =	vld [tilespmem:$0x4AE0];
	v29 =	vadd.s32 v29, v58  }
0x8c1: {  	(v2sf) =	vpush v39, $0xF;
	v40, _, _ =	vpop (xrf0);
	v9 =	vadd.s32 v9, v44;
	v44 =	vld [tilespmem:$0x4BE0];
	v29 =	vadd.s32 v29, v59  }
0x8c2: {  	(xrf0) =	vadd.scan.msk.s32 $0xffff, v10;
	v20 =	vadd.s32 v21, v20;
	(v2sf) =	vpush v40, $0xF;
	v45 =	vld [tilespmem:$0x4CE0];
	v29 =	vadd.s32 v29, v60  }
0x8c3: {  	v47 =	vld [tilespmem:$0x4DE0];
	(xrf0) =	vadd.scan.msk.s32 $0xffff, v12;
	v20 =	vadd.s32 v20, v22;
	v21, _, _ =	vpop (xrf0);
	v9 =	vadd.s32 v9, v33;
	v46 =	vadd.s32 v29, v61  }
0x8c4: {  	v48 =	vld [tilespmem:$0x4EE0];
	(xrf0) =	vadd.scan.msk.s32 $0xffff, v15;
	v20 =	vadd.s32 v20, v23;
	(v2sf) =	vpush v21, $0xF;
	v22 =	vadd.s32 v46, v62  }
0x8c5: {  	v49 =	vld [tilespmem:$0x4FE0];
	(xrf0) =	vadd.scan.msk.s32 $0xffff, v14;
	v9 =	vadd.s32 v9, v28;
	v20 =	vadd.s32 v20, v24;
	v22 =	vadd.s32 v22, v63  }
0x8c6: {  	(xrf0) =	vadd.scan.msk.s32 $0xffff, v13;
	v9 =	vadd.s32 v9, v18;
	v50 =	vadd.s32 v20, v25;
	v51 =	vadd.s32 v22, v44  }
0x8c7: {  	(xrf0) =	vadd.scan.msk.s32 $0xffff, v7;
	v9 =	vadd.s32 v9, v19;
	v18 =	vadd.s32 v50, v26;
	v52 =	vadd.s32 v51, v45  }
0x8c8: {  	v56 =	vld [tilespmem:$0x41F0];
	v20, _, _ =	vpop (xrf0);
	(xrf0) =	vadd.scan.msk.s32 $0xffff, v8;
	v6 =	vadd.s32 v9, v6;
	v53 =	vadd.s32 v18, v27;
	v54 =	vadd.s32 v52, v47  }
0x8c9: {  	v55 =	vld [tilespmem:$0x40F0];
	(v2sf) =	vpush v20, $0xF;
	v9 =	vadd.s32 v53, v34;
	v22, _, _ =	vpop (xrf0);
	(xrf0) =	vadd.scan.msk.s32 $0xffff, v6;
	v18 =	vadd.s32 v54, v48  }
0x8ca: {  	v57 =	vld [tilespmem:$0x42F0];
	(v2sf) =	vpush v22, $0xF;
	v25, _, _ =	vpop (xrf0);
	(xrf0) =	vadd.scan.msk.s32 $0xffff, v9;
	v18 =	vadd.s32 v18, v49  }
0x8cb: {  	v58 =	vld [tilespmem:$0x43F0];
	(v2sf) =	vpush v25, $0xF;
	v26, _, _ =	vpop (xrf0);
	(xrf0) =	vadd.scan.msk.s32 $0xffff, v18  }
0x8cc: {  	v59 =	vld [tilespmem:$0x44F0];
	v28, _, _ =	vpop (xrf0);
	(v2sf) =	vpush v26, $0xF  }
0x8cd: {  	v60 =	vld [tilespmem:$0x45F0];
	v30, _, _ =	vpop (xrf0);
	(v2sf) =	vpush v28, $0xF  }
0x8ce: {  	v19 =	vadd.s32 v55, v56;
	v62 =	vld [tilespmem:$0x46F0];
	v61, _, _ =	vpop (xrf0);
	(v2sf) =	vpush v30, $0xF  }
0x8cf: {  	v41 =	vld [tilespmem:$0x47F0];
	v19 =	vadd.s32 v19, v57;
	v63, _, _ =	vpop (xrf0);
	(v2sf) =	vpush v61, $0xF  }
0x8d0: {  	v43 =	vld [tilespmem:$0x48F0];
	v19 =	vadd.s32 v19, v58;
	v42, _, _ =	vpop (xrf0);
	(v2sf) =	vpush v63, $0xF  }
0x8d1: {  	v19 =	vadd.s32 v19, v59;
	v45 =	vld [tilespmem:$0x49F0];
	(v2sf) =	vpush v42, $0xF;
	v44, _, _ =	vpop (xrf0)  }
0x8d2: {  	s0 =	spop (v2sf);
	v46 =	vld [tilespmem:$0x4AF0];
	v19 =	vadd.s32 v19, v60;
	(v2sf) =	vpush v44, $0xF  }
0x8d3: {  	s1 =	spop (v2sf);
	v19 =	vadd.s32 v19, v62;
	v48 =	vld [tilespmem:$0x4BF0]  }
0x8d4: {  	v16 =	vsub.s32 v37, v16;
	s0 =	sadd.s32 s0, s1;
	s4 =	spop (v2sf);
	v19 =	vadd.s32 v19, v41;
	v49 =	vld [tilespmem:$0x4CF0]  }
0x8d5: {  	v50 =	vld [tilespmem:$0x4DF0];
	v4 =	vsub.s32 s0, v4;
	v47 =	vbroadcast v37, $0xF;
	s0 =	sadd.s32 s0, s4;
	v19 =	vadd.s32 v19, v43  }
0x8d6: {  	[tilespmem:$0x5000] =	vst v16;
	v53 =	vld [tilespmem:$0x4EF0];
	v4 =	vadd.s32 v39, v4;
	s19 =	spop (v2sf);
	v5 =	vsub.s32 s0, v5;
	v52 =	vadd.s32 v19, v45  }
0x8d7: {  	v55 =	vld [tilespmem:$0x4FF0];
	[tilespmem:$0x5020] =	vst v4;
	s0 =	sadd.s32 s0, s19;
	v17 =	vsub.s32 v47, v17;
	s20 =	spop (v2sf);
	v4 =	vadd.s32 v40, v5;
	v54 =	vadd.s32 v52, v46  }
0x8d8: {  	v11 =	vsub.s32 s0, v11;
	v51 =	vadd.s32 v38, v17;
	s0 =	sadd.s32 s0, s20;
	[tilespmem:$0x5030] =	vst v4;
	v5 =	vadd.s32 v54, v48;
	s21 =	spop (v2sf)  }
0x8d9: {  	v4 =	vadd.s32 v21, v11;
	[tilespmem:$0x5010] =	vst v51;
	v10 =	vsub.s32 s0, v10;
	v5 =	vadd.s32 v5, v49;
	s0 =	sadd.s32 s0, s21;
	s22 =	spop (v2sf)  }
0x8da: {  	[tilespmem:$0x5040] =	vst v4;
	v4 =	vadd.s32 v20, v10;
	v5 =	vadd.s32 v5, v50;
	v56 =	vsub.s32 s0, v12;
	s0 =	sadd.s32 s0, s22;
	s23 =	spop (v2sf)  }
0x8db: {  	[tilespmem:$0x5050] =	vst v4;
	v4 =	vadd.s32 v22, v56;
	v5 =	vadd.s32 v5, v53;
	v57 =	vsub.s32 s0, v15;
	s0 =	sadd.s32 s0, s23;
	s24 =	spop (v2sf)  }
0x8dc: {  	[tilespmem:$0x5060] =	vst v4;
	v5 =	vadd.s32 v5, v55;
	v4 =	vadd.s32 v25, v57;
	v58 =	vsub.s32 s0, v14;
	s0 =	sadd.s32 s0, s24;
	s25 =	spop (v2sf)  }
0x8dd: {  	(xrf0) =	vadd.scan.msk.s32 $0xffff, v5;
	[tilespmem:$0x5070] =	vst v4;
	v4 =	vadd.s32 v26, v58;
	v59 =	vsub.s32 s0, v13;
	s0 =	sadd.s32 s0, s25;
	s26 =	spop (v2sf)  }
0x8de: {  	[tilespmem:$0x5080] =	vst v4;
	v4 =	vadd.s32 v28, v59;
	v7 =	vsub.s32 s0, v7;
	s0 =	sadd.s32 s0, s26;
	s28 =	spop (v2sf)  }
0x8df: {  	[tilespmem:$0x5090] =	vst v4;
	v4 =	vadd.s32 v30, v7;
	v60 =	vsub.s32 s0, v8;
	s0 =	sadd.s32 s0, s28;
	s29 =	spop (v2sf)  }
0x8e0: {  	[tilespmem:$0x50A0] =	vst v4;
	v4 =	vadd.s32 v61, v60;
	v6 =	vsub.s32 s0, v6;
	s0 =	sadd.s32 s0, s29;
	s30 =	spop (v2sf)  }
0x8e1: {  	[tilespmem:$0x50B0] =	vst v4;
	v4 =	vadd.s32 v63, v6;
	v61 =	vsub.s32 s0, v9;
	s0 =	sadd.s32 s0, s30;
	s31 =	spop (v2sf)  }
0x8e2: {  	[tilespmem:$0x50C0] =	vst v4;
	v4 =	vadd.s32 v42, v61;
	v62 =	vsub.s32 s0, v18;
	s0 =	sadd.s32 s0, s31  }
0x8e3: {  	v63, _, _ =	vpop (xrf0);
	[tilespmem:$0x50D0] =	vst v4;
	v4 =	vadd.s32 v44, v62;
	v5 =	vsub.s32 s0, v5  }
0x8e4: {  	[tilespmem:$0x50E0] =	vst v4;
	v4 =	vadd.s32 v63, v5  }
0x8e5: {  	s19 =	simm.s32 $0x0;
	[tilespmem:$0x50F0] =	vst v4  }
.LBB2_77:
0x8e6: {  	s0 =	sshll.u32 s19, $0x4  }
0x8e7: {  	v6 =	vld [tilespmem:s0+$0xAC00];
	_ =	sdelay $0x4  }
0x8e8: {  	v4 =	vshrl.u32 v6, $0x18  }
0x8e9: {  	s31 =	simm.s32 $0xB411;
	v5 =	vld [tilespmem:s0+$0xB000];
	[tilespmem:$0xB410] =	vst v4  }
0x8ea: {  	s1 =	simm.s32 $0xF;
	v8 =	vld [tilespmem:s31+$0x0]  }
0x8eb: {  	v10 =	vld [tilespmem:s1+$0xB400];
	_ =	sdelay $0x3  }
0x8ec: {  	v7 =	vimm.s32 $0x0;
	s20 =	simm.s32 $0xB412;
	v9 =	vimm.s32 $0x0;
	s0 =	simm.s32 $0x38  }
.LBB2_78:
0x8ed: {  	s1 =	sshra.s32 s0, $0x2;
	p0 =	sne.s32 s0, $0x4;
	s0 =	sadd.s32 $0xFFFFFFFC, s0;
	vm0 =	veq.s32 v10, v4;
	vm1 =	veq.s32 v8, v4;
	v8 =	vld [tilespmem:s20+$0x0]  }
.Ltmp38:
0x8ee: {  	v10 =	vld [tilespmem:s1+$0xB400];
	v11 =	vsel vm0, $0x1, v1;
	v12 =	vsel vm1, $0x1, v1;
	(pc) =	sbr.rel @p0 .LBB2_78-.Ltmp38, $2  }
0x8ef: {  	v7 =	vadd.s32 v11, v7;
	v9 =	vadd.s32 v12, v9;
	_ =	sdelay $0x2  }
0x8f0: {  	s20 =	sadd.s32 $0x1, s20  }
0x8f1: {  	_ =	sdelay $0x3  }
0x8f2: {  	v11 =	vld.idx.msk [tilespmem:v4+s12+$0x0], $0xffff;
	_ =	sdelay $0x1  }
0x8f3: {  	vm0 =	veq.s32 v10, v4  }
0x8f4: {  	vm1 =	veq.s32 v8, v4;
	v60 =	vsel vm0, $0x1, v1  }
0x8f5: {  	v61 =	vsel vm1, $0x1, v1;
	v7 =	vadd.s32 v60, v7  }
0x8f6: {  	v62 =	vadd.s32 v61, v9;
	v63 =	vadd.s32 v7, v11  }
0x8f7: {  	s19 =	sadd.s32 $0x1, s19;
	vm15 =	veq.s32 v62, $0x0  }
0x8f8: {  	p0 =	sne.s32 s19, $0x40  }
.Ltmp39:
0x8f9: {  	_ = 	snop;
	(pc) =	sbr.rel @p0 .LBB2_77-.Ltmp39, $4  }
0x8fa: {  	_ = 	snop  }
0x8fb: {  	[tilespmem:v63+s15+$0x0] =	vst.idx.msk $0xffff, v6  }
0x8fc: {  	[tilespmem:v63+s16+$0x0] =	vst.idx.msk $0xffff, v5;
	v5 =	vadd.s32 $0x1, v7  }
0x8fd: {  	[tilespmem:v4+s12+$0x0] =	vst.idx.add.s32.msk vm15, v5  }
0x8fe: {  	s19 =	simm.s32 $0xA380;
	s0 =	rddreg [dreg:$0x5]  }
0x8ff: {  	[hbm4b:s0+s8] =	stream.strided.scatter [tilespmem:s19], [sflag:$0x1], $0x400, s9, s8, $0x38;
	[tilespmem:$0x18080] =	vst v63  }
0x900: {  	_ =	swait.ge [sflag:s10], $0x400  }
0x901: {  	[sflag:s10] =	ssyncset.done $0x0  }
0x902: {  	s30 =	rddreg [dreg:$0x6];
	[sflag:s10] =	ssyncadd.s32 $0xFFFFFC00  }
0x903: {  	[tilespmem:s17], [sflag:$0x1] =	stream.strided.gather [hbm4b:s30+s8], $0xC000, s9, s8, $0x38;
	[tilespmem:$0x18080] =	vst v63  }
0x904: {  	_ =	swait.ge [sflag:s10], $0xC000  }
0x905: {  	[sflag:s10] =	ssyncset.done $0x0  }
0x906: {  	[sflag:s10] =	ssyncadd.s32 $0xFFFF4000  }
0x907: {  	v4 =	vld [tilespmem:s19+$0x0];
	_ =	sdelay $0x4  }
0x908: {  	v6 =	vmul.u32 $0x3, v4;
	_ =	sdelay $0x3  }
0x909: {  	v4 =	vmul.u32 $0x3, v0  }
0x90a: {  	s31 =	simm.s32 $0x0  }
0x90b: {  	v8 =	vadd.s32 s31, v4;
	v7 =	vld.idx.msk [tilespmem:v6+s17+$0x0], $0xffff  }
0x90c: {  	v9 =	vadd.s32 $0x1, v6;
	_ =	sdelay $0x3  }
0x90d: {  	v5 =	vadd.s32 $0x1, v4;
	[tilespmem:v8+s18+$0x0] =	vst.idx.msk $0xffff, v7  }
0x90e: {  	v8 =	vadd.s32 s31, v5;
	v7 =	vld.idx.msk [tilespmem:v9+s17+$0x0], $0xffff  }
0x90f: {  	v9 =	vadd.s32 $0x2, v6;
	_ =	sdelay $0x3  }
0x910: {  	v6 =	vadd.s32 $0x2, v4;
	[tilespmem:v8+s18+$0x0] =	vst.idx.msk $0xffff, v7  }
0x911: {  	s20 =	simm.s32 $0x30;
	v8 =	vadd.s32 s31, v6;
	v7 =	vld.idx.msk [tilespmem:v9+s17+$0x0], $0xffff  }
.LBB2_81:
0x912: {  	_ =	sdelay $0x2  }
0x913: {  	p0 =	sne.s32 s20, $0xBD0  }
0x914: {  	s19 =	sadd.s32 $0x10, s19;
	s0 =	smov.u32 s20;
	s20 =	sadd.s32 $0x30, s20;
	[tilespmem:v8+s18+$0x0] =	vst.idx.msk $0xffff, v7  }
0x915: {  	v7 =	vld [tilespmem:s19+$0x0];
	_ =	sdelay $0x4  }
0x916: {  	v7 =	vmul.u32 $0x3, v7;
	_ =	sdelay $0x5  }
0x917: {  	v8 =	vld.idx.msk [tilespmem:v7+s17+$0x0], $0xffff  }
0x918: {  	v9 =	vadd.s32 s0, v4  }
0x919: {  	v10 =	vadd.s32 $0x1, v7;
	_ =	sdelay $0x3  }
0x91a: {  	[tilespmem:v9+s18+$0x0] =	vst.idx.msk $0xffff, v8  }
0x91b: {  	v8 =	vld.idx.msk [tilespmem:v10+s17+$0x0], $0xffff  }
0x91c: {  	v9 =	vadd.s32 s0, v5  }
0x91d: {  	v7 =	vadd.s32 $0x2, v7;
	_ =	sdelay $0x1  }
.Ltmp40:
0x91e: {  	(pc) =	sbr.rel @p0 .LBB2_81-.Ltmp40, $4  }
0x91f: {  	_ = 	snop  }
0x920: {  	[tilespmem:v9+s18+$0x0] =	vst.idx.msk $0xffff, v8  }
0x921: {  	v7 =	vld.idx.msk [tilespmem:v7+s17+$0x0], $0xffff  }
0x922: {  	v8 =	vadd.s32 s0, v6  }
0x923: {  	_ =	sdelay $0x2  }
0x924: {  	s2 =	sadd.s32 $0x1, s2  }
0x925: {  	p0 =	sne.s32 s2, s7;
	[tilespmem:v8+s18+$0x0] =	vst.idx.msk $0xffff, v7  }
0x926: {  	[hbm4b:s5+s8] =	stream.strided.scatter [tilespmem:s18], [sflag:$0x1], $0xC00, s9, s8, $0x38;
	[tilespmem:$0x18080] =	vst v63  }
.Ltmp41:
0x927: {  	_ = 	snop;
	(pc) =	sbr.rel @p0 .LBB2_2-.Ltmp41, $4  }
.Ltmp42:
0x928: {  	_ = 	snop;
	(pc) =	sbr.rel @!p0 .LBB2_83-.Ltmp42, $4  }
0x929: {  	_ =	swait.ge [sflag:s10], $0xC00  }
0x92a: {  	[sflag:s10] =	ssyncset.done $0x0  }
0x92b: {  	[sflag:s10] =	ssyncadd.s32 $0xFFFFF400  }
0x92c: {  	_ = 	snop  }
.LBB2_9:
.Ltmp43:
0x92d: {  	(pc) =	sbr.rel .LBB2_18-.Ltmp43, $3  }
0x92e: {  	_ =	sdelay $0x1  }
0x92f: {  	p3 =	por $0x0, $0x0;
	p5 =	por $0x0, $0x0;
	s20 =	simm.s32 $0xFF  }
0x930: {  	s26 =	simm.s32 $0x0;
	s28 =	simm.s32 $0x0;
	s29 =	simm.s32 $0x0  }
.LBB2_11:
.Ltmp44:
0x931: {  	(pc) =	sbr.rel .LBB2_18-.Ltmp44, $4  }
0x932: {  	_ = 	snop  }
0x933: {  	p3 =	por $0x0, $0x0  }
0x934: {  	p5 =	por $0x0, $0x0;
	s20 =	simm.s32 $0xFE;
	s26 =	simm.s32 $0x0  }
0x935: {  	s28 =	simm.s32 $0x0;
	s29 =	simm.s32 $0x0;
	s22 =	simm.s32 $0xFF  }
.LBB2_13:
.Ltmp45:
0x936: {  	(pc) =	sbr.rel .LBB2_18-.Ltmp45, $4  }
0x937: {  	_ = 	snop  }
0x938: {  	p3 =	por $0x0, $0x0  }
0x939: {  	p5 =	por $0x0, $0x0;
	s20 =	simm.s32 $0xFD;
	s26 =	simm.s32 $0x0  }
0x93a: {  	s28 =	simm.s32 $0x0;
	s0 =	simm.s32 $0xFF;
	s29 =	simm.s32 $0x0  }
.LBB2_15:
.Ltmp46:
0x93b: {  	(pc) =	sbr.rel .LBB2_18-.Ltmp46, $4  }
0x93c: {  	_ = 	snop  }
0x93d: {  	p5 =	por $0x0, $0x0  }
0x93e: {  	s26 =	simm.s32 $0x0;
	s23 =	simm.s32 $0xFF;
	s28 =	simm.s32 $0x0  }
0x93f: {  	s0 =	simm.s32 $0xFE;
	s29 =	simm.s32 $0x0;
	s22 =	simm.s32 $0xFD  }
.LBB2_83:
0x940: {  	_ =	sfence.sel $0x180000  }
0x941: {  	[bflag:$0x0] =	sbarrier.arrive $0xFFFF  }
0x942: {  	_ =	strace $0x90000047  }
0x943: {  	s0 =	stileid.u32;
	[bflag:$0x2] =	sbarrier.arrive $0xFFFF  }
0x944: {  	p0 =	sne.s32 s0, $0x0;
	s0 =	rddreg [dreg:$0x4]  }
0x945: {  	s0 =	sadd.s32 @!p0 $0x100000, s0  }
0x946: {  	[sflag:s0] =	ssyncadd.tile.s32 @!p0 $0x1;
	_ =	shalt  }
.Lfunc_end2:
_tile_overlayer_lowered:
.L_overlay_start_2:
0x947: {  	(tag) =	ssettag $0x2  }
0x948: {  	s0 =	rddreg [dreg:$0x0];
	s2 =	stileid.u32  }
0x949: {  	s1 =	rddreg [dreg:$0x1];
	p0 =	sne.s32 s2, $0x0  }
0x94a: {  	s3 =	rddreg [dreg:$0x2];
	[bflag:$0x3] =	sbarrier.arrive $0xFFFF;
	s2 =	simm.s32 @!p0 $0x1C01  }
0x94b: {  	[timem:s3], [sflag:s2] =	dma.local @!p0 [hbm:s0], s1  }
0x94c: {  	s0 =	simm.s32 @!p0 $0x1  }
0x94d: {  	_ =	swait.ge @!p0 [sflag:s0], s1  }
0x94e: {  	s1 =	ssub.s32 @!p0 $0x0, s1;
	[sflag:s0] =	ssyncset.done @!p0 $0x0  }
0x94f: {  	[sflag:s0] =	ssyncadd.s32 @!p0 s1  }
0x950: {  	[bflag:$0x3] =	sbarrier.arrive $0xFFFF  }
0x951: {  	_ =	shalt  }

// kernel: kernel.9.cloned.1.call-start
scs
__scs_entry_jumppad:
0x0: {  	(pc) =	sbr.rel $0x88, $3  }
0x1: {  	(tag) =	ssettag $0x0;
	lr =	simm.s32 $0x1  }
0x2: {  	[smem:$0x3F95] =	sst lr;
	_ =	strace $0xD0000000  }
0x3: {  	_ = 	snop  }
0x4: {  	_ = 	snop  }
0x5: {  	_ = 	snop  }
0x6: {  	_ = 	snop  }
0x7: {  	_ = 	snop  }
__scs_overlays_trampoline_lowered:
0x8: {  	[smem:$0x3FA4] =	sst s0  }
0x9: {  	[smem:$0x3FA5] =	sst s1  }
0xa: {  	[smem:$0x3FA6] =	sst s2  }
0xb: {  	[smem:$0x3FA7] =	sst s3  }
0xc: {  	[smem:$0x3FA8] =	sst s4  }
0xd: {  	[smem:$0x3FA9] =	sst s5  }
0xe: {  	[smem:$0x3FAA] =	sst s6  }
0xf: {  	[smem:$0x3FAB] =	sst s7  }
0x10: {  	[smem:$0x3FAC] =	sst s8  }
0x11: {  	[smem:$0x3FAD] =	sst s9;
	s0 =	simm.s32 @!p0 $0x0  }
0x12: {  	s1 =	sld [smem:$0x3F93];
	s0 =	simm.s32 @p0 $0x1  }
0x13: {  	[smem:$0x3FAE] =	sst s0;
	s0 =	simm.s32 @!p1 $0x0  }
0x14: {  	s2 =	sld [smem:$0x3F92];
	s0 =	simm.s32 @p1 $0x1  }
0x15: {  	[smem:$0x3FAF] =	sst s0;
	s0 =	simm.s32 @!p2 $0x0  }
0x16: {  	s3 =	sld [smem:$0x3FDB];
	s0 =	simm.s32 @p2 $0x1  }
0x17: {  	s4 =	simm.s32 $0x1BF5;
	[smem:$0x3FB1] =	sst s0  }
0x18: {  	s0 =	sld [smem:$0x3F94];
	_ =	swait.ge [sflag:s4], $0x0  }
0x19: {  	s7 =	sld [smem:$0x3F95]  }
0x1a: {  	s8 =	sadd.s32 $0xFFFFE003, lr  }
0x1b: {  	s9 =	sadd.s32 $0xFFFFFEF7, lr;
	s5 =	simm.s32 $0xFFFFFFFF;
	p2 =	slt.u32 s8, $0xFFFFF086  }
0x1c: {  	p1 =	slt.u32 s9, $0xF7A;
	s5 =	simm.s32 @!p2 $0x0  }
0x1d: {  	s5 =	simm.s32 @p1 $0x1;
	p0 =	seq.s32 s7, s2  }
0x1e: {  	s7 =	smul.u32 @!p0 $0xF7A, s2;
	p2 =	seq.s32 @!p0 s5, $0x0  }
0x1f: {  	s9 =	smul.u32 $0xF7A, s1;
	s8 =	simm.s32 @!p0 $0x1BF5;
	p2 =	por !p2, p0  }
0x20: {  	[sflag:s8] =	ssyncset.s32 @!p0 $0xFFFFF086;
	s6 =	sadd.s32 @!p0 s3, s7;
	s7 =	simm.s32 @!p0 $0x108  }
0x21: {  	s3 =	sadd.s32 s3, s9;
	s6 =	sadd.s32 @!p0 $0x88, s6;
	s7 =	simm.s32 @p2 $0x1082  }
0x22: {  	[simem:s7], [sflag:s8] =	dma.local @!p0 [hbm:s6], $0xF7A  }
0x23: {  	s9 =	sor.u32 $0xD0000000, s2;
	s6 =	simm.s32 $0x108;
	_ =	swait.ge @!p0 [sflag:s8], $0x0  }
0x24: {  	s3 =	sadd.s32 $0x88, s3;
	s6 =	simm.s32 @!p1 $0x1082;
	[sflag:s4] =	ssyncset.s32 $0xFFFFF086  }
0x25: {  	[simem:s6], [sflag:s4] =	dma.local [hbm:s3], $0xF7A  }
0x26: {  	[smem:$0x3F95] =	sst s1;
	(tag) =	ssettag s2;
	_ =	strace s9  }
0x27: {  	s1 =	sld [smem:$0x3FA5]  }
0x28: {  	s2 =	sld [smem:$0x3FA6]  }
0x29: {  	s4 =	sld [smem:$0x3FA8]  }
0x2a: {  	p0 =	seq.s32 s5, $0x0;
	s5 =	sld [smem:$0x3FA9]  }
0x2b: {  	s6 =	sld [smem:$0x3FAA]  }
0x2c: {  	s7 =	sld [smem:$0x3FAB]  }
0x2d: {  	s3 =	simm.s32 $0x108;
	s8 =	sld [smem:$0x3FAC]  }
0x2e: {  	s3 =	simm.s32 @!p0 $0x1082;
	s9 =	sld [smem:$0x3FAD]  }
0x2f: {  	lr =	sadd.s32 s0, s3;
	s0 =	sld [smem:$0x3FA4]  }
0x30: {  	s3 =	sld [smem:$0x3FA7]  }
0x31: {  	[smem:$0x3FB0] =	sst s10  }
0x32: {  	s10 =	sld [smem:$0x3FAE];
	_ =	sdelay $0x3  }
0x33: {  	p0 =	seq.s32 s10, $0x1;
	s10 =	sld [smem:$0x3FB0];
	_ =	sdelay $0x3  }
0x34: {  	[smem:$0x3FB0] =	sst s10  }
0x35: {  	s10 =	sld [smem:$0x3FAF];
	_ =	sdelay $0x3  }
0x36: {  	p1 =	seq.s32 s10, $0x1;
	s10 =	sld [smem:$0x3FB0];
	_ =	sdelay $0x3  }
0x37: {  	[smem:$0x3FB0] =	sst s10  }
0x38: {  	s10 =	sld [smem:$0x3FB1]  }
0x39: {  	_ = 	snop;
	(pc) =	sbr.ind lr, $3  }
0x3a: {  	_ = 	snop  }
0x3b: {  	_ = 	snop  }
0x3c: {  	p2 =	seq.s32 s10, $0x1;
	s10 =	sld [smem:$0x3FB0]  }
0x3d: {  	_ =	shalt  }
0x3e: {  	_ =	shalt  }
0x3f: {  	_ =	shalt  }
0x40: {  	_ =	shalt  }
0x41: {  	_ =	shalt  }
0x42: {  	_ =	shalt  }
0x43: {  	_ =	shalt  }
0x44: {  	_ =	shalt  }
0x45: {  	_ =	shalt  }
0x46: {  	_ =	shalt  }
0x47: {  	_ =	shalt  }
0x48: {  	_ =	shalt  }
0x49: {  	_ =	shalt  }
0x4a: {  	_ =	shalt  }
0x4b: {  	_ =	shalt  }
0x4c: {  	_ =	shalt  }
0x4d: {  	_ =	shalt  }
0x4e: {  	_ =	shalt  }
0x4f: {  	_ =	shalt  }
0x50: {  	_ =	shalt  }
0x51: {  	_ =	shalt  }
0x52: {  	_ =	shalt  }
0x53: {  	_ =	shalt  }
0x54: {  	_ =	shalt  }
0x55: {  	_ =	shalt  }
0x56: {  	_ =	shalt  }
0x57: {  	_ =	shalt  }
0x58: {  	_ =	shalt  }
0x59: {  	_ =	shalt  }
0x5a: {  	_ =	shalt  }
0x5b: {  	_ =	shalt  }
0x5c: {  	_ =	shalt  }
0x5d: {  	_ =	shalt  }
0x5e: {  	_ =	shalt  }
0x5f: {  	_ =	shalt  }
0x60: {  	_ =	shalt  }
0x61: {  	_ =	shalt  }
0x62: {  	_ =	shalt  }
0x63: {  	_ =	shalt  }
0x64: {  	_ =	shalt  }
0x65: {  	_ =	shalt  }
0x66: {  	_ =	shalt  }
0x67: {  	_ =	shalt  }
0x68: {  	_ =	shalt  }
0x69: {  	_ =	shalt  }
0x6a: {  	_ =	shalt  }
0x6b: {  	_ =	shalt  }
0x6c: {  	_ =	shalt  }
0x6d: {  	_ =	shalt  }
0x6e: {  	_ =	shalt  }
0x6f: {  	_ =	shalt  }
0x70: {  	_ =	shalt  }
0x71: {  	_ =	shalt  }
0x72: {  	_ =	shalt  }
0x73: {  	_ =	shalt  }
0x74: {  	_ =	shalt  }
0x75: {  	_ =	shalt  }
0x76: {  	_ =	shalt  }
0x77: {  	_ =	shalt  }
0x78: {  	_ =	shalt  }
0x79: {  	_ =	shalt  }
0x7a: {  	_ =	shalt  }
0x7b: {  	_ =	shalt  }
0x7c: {  	_ =	shalt  }
0x7d: {  	_ =	shalt  }
0x7e: {  	_ =	shalt  }
0x7f: {  	_ =	shalt  }
0x80: {  	_ =	shalt  }
0x81: {  	_ =	shalt  }
0x82: {  	_ =	shalt  }
0x83: {  	_ =	shalt  }
0x84: {  	_ =	shalt  }
0x85: {  	_ =	shalt  }
0x86: {  	_ =	shalt  }
0x87: {  	_ =	shalt  }
.Lfunc_end0:
.L_simem_size_0:
called_computation.1_lowered:
.L_overlay_start_0:
0x88: {  	s2 =	sld [smem:$0x3FD9]  }
0x89: {  	s3 =	sld [smem:$0x3FFE];
	_ =	sdelay $0x1  }
0x8a: {  	s1 =	srdreg.scid  }
0x8b: {  	s0 =	sand.u32 $0x1, s1  }
0x8c: {  	s15 =	sshll.u32 s0, $0xA;
	s2 =	sadd.s32 s3, s2  }
0x8d: {  	s2 =	sadd.s32 s2, s15  }
0x8e: {  	[smem:$0x3FBC] =	sst s2  }
0x8f: {  	_ = 	snop  }
0x90: {  	s2 =	sld [smem:$0x3FD0];
	_ =	sdelay $0x2  }
0x91: {  	s4 =	simm.s32 $0xA;
	s5 =	simm.s32 $0x10;
	s16 =	sld [smem:$0x3FC8]  }
0x92: {  	[smem:s5], [sflag:s4] =	dma.local [hbm:s2], $0x1  }
0x93: {  	_ =	swait.eq [sflag:s4], $0x1  }
0x94: {  	[sflag:s4] =	ssyncset.done $0x0  }
0x95: {  	s17 =	sld [smem:$0x11];
	[sflag:s4] =	ssyncadd.s32 $0xFFFFFFFF  }
0x96: {  	s18 =	sld [smem:$0x12];
	(tm) =	ssettm $0x1  }
0x97: {  	s19 =	sld [smem:$0x3FFB];
	_ =	sdelay $0x3  }
0x98: {  	_ =	strace s19  }
0x99: {  	s5 =	sld [smem:$0x3FFC];
	_ =	sdelay $0x3  }
0x9a: {  	_ =	strace s5  }
0x9b: {  	s5 =	sld [smem:$0x3FFD];
	_ =	sdelay $0x3  }
0x9c: {  	_ =	strace s5  }
0x9d: {  	_ =	strace $0x8FFFFFFF  }
0x9e: {  	s20 =	sld [smem:$0x3FDB];
	_ =	sdelay $0x1  }
0x9f: {  	s6 =	simm.s32 $_scs_section_size  }
0xa0: {  	s7 =	simm.s32 $_size__tile_overlayer_lowered;
	s8 =	simm.s32 $_tile_overlayer_lowered  }
0xa1: {  	s23 =	simm.s32 $0x1BFF;
	s22 =	sshll.u32 s8, $0x1;
	s5 =	sadd.s32 s6, s20  }
0xa2: {  	s9 =	simm.s32 $0x0;
	s21 =	sshll.u32 s7, $0x1;
	s7 =	sadd.s32 s22, s5  }
0xa3: {  	[timem:s9], [sflag:s23] =	dma.local [hbm:s7], s21  }
0xa4: {  	_ =	swait.ge [sflag:s23], s21  }
0xa5: {  	s6 =	ssub.s32 $0x0, s21;
	[sflag:s23] =	ssyncset.done $0x0  }
0xa6: {  	[sflag:s23] =	ssyncadd.s32 s6;
	_ =	sdelay $0x1  }
0xa7: {  	s24 =	simm.s32 $0x1B8B  }
0xa8: {  	_ =	swait.ge [sflag:s24], $0x1  }
0xa9: {  	[sflag:s24] =	ssyncset.done $0x0  }
0xaa: {  	s25 =	simm.s32 $0x1B8E;
	[sflag:s24] =	ssyncadd.s32 $0xFFFFFFFF  }
0xab: {  	s26 =	simm.s32 $execute0_lowered;
	[smem:$0x3FD2] =	sst s25  }
0xac: {  	s6 =	sshll.u32 s26, $0x1;
	_ =	strace $0x80000049;
	[dreg:$0x1] =	wrdreg $0xFFFFFFFF  }
0xad: {  	s28 =	simm.s32 $_size_execute0_lowered;
	s5 =	sadd.s32 s5, s6;
	[dreg:$0x0] =	wrdreg $0x0  }
0xae: {  	s6 =	sshll.u32 s28, $0x1;
	[dreg:$0x2] =	wrdreg s5  }
0xaf: {  	[dreg:$0x3] =	wrdreg s6  }
0xb0: {  	[dreg:$0x4] =	wrdreg $0xC0  }
0xb1: {  	_ =	task [dreg:s9], $0x5FFFF  }
0xb2: {  	[dreg:$0x1] =	wrdreg $0xFFFFFFFF  }
0xb3: {  	[dreg:$0x0] =	wrdreg $0x60  }
0xb4: {  	[dreg:$0x2] =	wrdreg s16  }
0xb5: {  	[dreg:$0x3] =	wrdreg s18  }
0xb6: {  	[dreg:$0x4] =	wrdreg s17  }
0xb7: {  	[dreg:$0x5] =	wrdreg $0x9  }
0xb8: {  	_ =	task.clear_ibuf [dreg:s9], $0x6FFFF;
	_ =	strace $0x90000049  }
0xb9: {  	s29 =	simm.s32 $0x9;
	_ =	strace $0x8000004B  }
0xba: {  	_ =	swait.ge [sflag:s29], $0x1  }
0xbb: {  	[sflag:s29] =	ssyncadd.s32 $0xFFFFFFFF  }
0xbc: {  	_ =	strace $0x9000004B  }
0xbd: {  	_ =	sfence  }
0xbe: {  	s30 =	sld [smem:$0x0];
	_ =	sdelay $0x2  }
0xbf: {  	s31 =	sshll.u32 s1, $0xD;
	s1 =	sshrl.u32 s1, $0x2  }
0xc0: {  	s3 =	sand.u32 $0x4000, s31;
	s1 =	sadd.s32 s1, s30  }
0xc1: {  	s0 =	sor.u32 s3, s0;
	s1 =	sshll.u32 s1, $0x11  }
0xc2: {  	s0 =	sor.u32 s1, s0  }
0xc3: {  	s0 =	sadd.s32 $0x8F2B, s0  }
0xc4: {  	[sflag:s0] =	ssyncadd.remote.s32 $0x1  }
0xc5: {  	_ =	sfence.sel $0xFFFF  }
0xc6: {  	[dreg:$0x0] =	wrdreg $0xFFFFFFFF;
	(pc) =	sbr.abs _section_cstart, $3  }
0xc7: {  	[dreg:$0x1] =	wrdreg $0xFFFFFFFF  }
0xc8: {  	_ =	task.clear_ibuf [dreg:s9], $0x2FFFF;
	_ =	strace $0x9FFFFFFF  }
0xc9: {  	(tm) =	ssettm $0x7FFFFFFF  }
tec
execute0_lowered:
.L_overlay_start_1:
0x0: {  	(tag) =	ssettag $0x1  }
0x1: {  	s1 =	rddreg [dreg:$0x0]  }
0x2: {  	s5 =	rddreg [dreg:$0x1]  }
0x3: {  	s3 =	rddreg [dreg:$0x2]  }
0x4: {  	s0 =	rddreg [dreg:$0x3];
	s6 =	srdreg.scid  }
0x5: {  	s4 =	simm.s32 $0x0;
	s2 =	stileid.u32;
	s10 =	simm.s32 $0x4000  }
0x6: {  	s11 =	simm.s32 $0x1;
	s12 =	simm.s32 $0x4400;
	s13 =	simm.s32 $0x0  }
0x7: {  	s6 =	sand.u32 $0x1, s6;
	[smem:$0x7FF] =	sst s4;
	s8 =	sshll.u32 s2, $0x1  }
0x8: {  	s30 =	sshrl.u32 s2, $0x1;
	s7 =	ssub.s32 $0x2, s6;
	_ =	strace $0x8000004A  }
0x9: {  	s8 =	sand.u32 $0x2, s8;
	s31 =	sshll.u32 s30, $0x4;
	s9 =	sshrl.u32 s7, $0x1  }
0xa: {  	s6 =	sor.u32 s6, s8;
	s5 =	sadd.s32 s5, s31;
	s8 =	simm.s32 $0x80  }
0xb: {  	s7 =	ssub.s32 s7, s9;
	s9 =	sshll.u32 s30, $0x8;
	s6 =	sshll.u32 s6, $0x6  }
0xc: {  	s6 =	sor.u32 s9, s6;
	s7 =	smax.u32 s7, $0x1;
	s9 =	simm.s32 $0x400  }
.LBB2_1:
0xd: {  	[tilespmem:s10], [sflag:$0x1] =	stream.strided.gather [hbm4b:s5+s8], $0x400, s9, s8, $0x38;
	[tilespmem:$0x4800] =	vst v63  }
0xe: {  	_ =	swait.ge [sflag:s11], $0x400  }
0xf: {  	[sflag:s11] =	ssyncset.done $0x0  }
0x10: {  	s14 =	simm.s32 $0x0;
	[sflag:s11] =	ssyncadd.s32 $0xFFFFFC00  }
.LBB2_2:
0x11: {  	s15 =	sadd.s32 s6, s14  }
0x12: {  	s16 =	sshll.u32 s14, $0x7;
	s15 =	sshrl.u32 s15, $0x3  }
0x13: {  	s16 =	sand.u32 $0x380, s16;
	s17 =	sshll.u32 s15, $0x11  }
0x14: {  	s17 =	sor.u32 s16, s17  }
0x15: {  	s17 =	sshrl.u32 s17, $0x3  }
0x16: {  	s18 =	simm.s32 $0x0;
	s17 =	sadd.s32 s1, s17  }
0x17: {  	[tilespmem:s18], [sflag:$0x1] =	stream.strided.gather [hbm4b:s17+s8], $0x4000, s9, s8, $0x38;
	[tilespmem:$0x4800] =	vst v63  }
0x18: {  	_ =	swait.ge [sflag:s11], $0x4000  }
0x19: {  	[sflag:s11] =	ssyncset.done $0x0  }
0x1a: {  	s17 =	simm.s32 $0x0;
	[sflag:s11] =	ssyncadd.s32 $0xFFFFC000  }
0x1b: {  	v0 =	vld [tilespmem:s17+$0x4000];
	_ =	sdelay $0x7  }
0x1c: {  	s19 =	simm.s32 $0x80;
	s18 =	simm.s32 $0x10;
	v0 =	vld.idx.msk [tilespmem:v0+s4+$0x0], $0xffff  }
.LBB2_3:
0x1d: {  	p0 =	sne.s32 s19, $0xFC0;
	v1 =	vld [tilespmem:s18+$0x4000];
	_ =	sdelay $0x3  }
.Ltmp0:
0x1e: {  	(pc) =	sbr.rel @p0 .LBB2_3-.Ltmp0, $2  }
0x1f: {  	[tilespmem:s17+$0x4400] =	vst v0;
	s17 =	smov.u32 s18;
	_ =	sdelay $0x2  }
0x20: {  	s18 =	sshra.s32 s19, $0x2;
	s19 =	sadd.s32 $0x40, s19;
	v0 =	vld.idx.msk [tilespmem:v1+s4+$0x0], $0xffff  }
0x21: {  	v1 =	vld [tilespmem:s18+$0x4000];
	_ =	sdelay $0x6  }
0x22: {  	[tilespmem:s17+$0x4400] =	vst v0  }
0x23: {  	v0 =	vld.idx.msk [tilespmem:v1+s4+$0x0], $0xffff;
	_ =	sdelay $0x1  }
0x24: {  	s15 =	sshll.u32 s15, $0xD  }
0x25: {  	s14 =	sadd.s32 $0x1, s14;
	s15 =	sor.u32 s16, s15  }
0x26: {  	p0 =	sne.s32 s14, $0x40;
	s15 =	sshrl.u32 s15, $0x3  }
.Ltmp1:
0x27: {  	s15 =	sadd.s32 s3, s15;
	[tilespmem:s18+$0x4400] =	vst v0;
	(pc) =	sbr.rel @p0 .LBB2_2-.Ltmp1, $4  }
0x28: {  	[hbm4b:s15+s8] =	stream.strided.scatter [tilespmem:s12], [sflag:$0x1], $0x400, s9, s8, $0x38;
	[tilespmem:$0x4800] =	vst v63  }
0x29: {  	_ =	swait.ge [sflag:s11], $0x400  }
0x2a: {  	[sflag:s11] =	ssyncset.done $0x0  }
0x2b: {  	[sflag:s11] =	ssyncadd.s32 $0xFFFFFC00  }
0x2c: {  	s13 =	sadd.s32 $0x1, s13  }
0x2d: {  	p0 =	sne.s32 s13, s7  }
.Ltmp2:
0x2e: {  	_ = 	snop;
	(pc) =	sbr.rel @p0 .LBB2_1-.Ltmp2, $1  }
0x2f: {  	_ =	sdelay $0x3  }
0x30: {  	_ =	sfence.sel $0x180000  }
0x31: {  	[bflag:$0x0] =	sbarrier.arrive $0xFFFF  }
0x32: {  	p0 =	sne.s32 s2, $0x0;
	_ =	strace $0x9000004A  }
0x33: {  	s0 =	sadd.s32 @!p0 $0x100000, s0;
	[bflag:$0x2] =	sbarrier.arrive $0xFFFF  }
0x34: {  	[sflag:s0] =	ssyncadd.tile.s32 @!p0 $0x1;
	_ =	shalt  }
.Lfunc_end2:
_tile_overlayer_lowered:
.L_overlay_start_2:
0x35: {  	(tag) =	ssettag $0x2  }
0x36: {  	s0 =	rddreg [dreg:$0x0];
	s2 =	stileid.u32  }
0x37: {  	s1 =	rddreg [dreg:$0x1];
	p0 =	sne.s32 s2, $0x0  }
0x38: {  	s3 =	rddreg [dreg:$0x2];
	[bflag:$0x3] =	sbarrier.arrive $0xFFFF;
	s2 =	simm.s32 @!p0 $0x1C01  }
0x39: {  	[timem:s3], [sflag:s2] =	dma.local @!p0 [hbm:s0], s1  }
0x3a: {  	s0 =	simm.s32 @!p0 $0x1  }
0x3b: {  	_ =	swait.ge @!p0 [sflag:s0], s1  }
0x3c: {  	s1 =	ssub.s32 @!p0 $0x0, s1;
	[sflag:s0] =	ssyncset.done @!p0 $0x0  }
0x3d: {  	[sflag:s0] =	ssyncadd.s32 @!p0 s1  }
0x3e: {  	[bflag:$0x3] =	sbarrier.arrive $0xFFFF  }
0x3f: {  	_ =	shalt  }

</sc_bundles>
